<compile_context>
chip_gen: v7x
topology: tpu7x:2x2x1
jax: 0.10.2.dev20260603
libtpu: 0.0.44.dev20260713+nightly
codegen_flags: <defaults>
</compile_context>

<pallas_src>
import jax
import jax.numpy as jnp
from jax import lax
from jax.experimental import pallas as pl
from jax.experimental.pallas import tpu as pltpu
from jax.experimental.pallas import tpu_sc as plsc

B, L, V, D, K = 1024, 50, 100000, 64, 100
CH = 512
NCH = (V + CH - 1) // CH
VP = NCH * CH
NEG = -1e30
GRAN = 24.0 * 30.0 * 6.0

NCS = 2
NSS = 16
NW = NCS * NSS
RPW = B // NW
LP = 64
CMP = 256
CAP = 1024
GNE = 128
BIGI = 1 << 30


def _gumbel_const():
    u = jax.random.uniform(jax.random.key(1), (B, V), minval=1e-9, maxval=1.0)
    g = -jnp.log(-jnp.log(u))
    return jnp.pad(g, ((0, 0), (0, VP - V)))


def _lanes():
    return lax.iota(jnp.int32, 16)


def _bcast_i32(x):
    return jnp.full((16,), x, jnp.int32)


def _scatter1(ref, pos, val):
    plsc.store_scatter(ref, [_bcast_i32(pos)],
                       jnp.full((16,), val, ref.dtype), mask=_lanes() == 0)


def _gather1(ref, pos):
    return jnp.max(plsc.load_gather(ref, [_bcast_i32(pos)]))



def _encode_sc_body(iseq_hbm, ts_hbm, ti_hbm, len_hbm,
                    qemb_hbm, pemb_hbm,
                    pq_hbm, pp_hbm, sm_hbm,
                    isv, tsv, tiv, lenv, eq, ep, hqb, hpb, smb, sem1, sem2):
    wid = lax.axis_index("s") * NCS + lax.axis_index("c")
    b0 = wid * RPW
    zvec = jnp.zeros((16,), jnp.float32)

    pltpu.sync_copy(iseq_hbm.at[pl.ds(b0 * LP, RPW * LP)], isv)
    pltpu.sync_copy(ts_hbm.at[pl.ds(b0 * LP, RPW * LP)], tsv)
    pltpu.sync_copy(ti_hbm.at[pl.ds(b0 * LP, RPW * LP)], tiv)
    pltpu.sync_copy(len_hbm.at[pl.ds(b0, RPW)], lenv.at[pl.ds(0, RPW)])
    for k in range(RPW * 8 // 16):
        smb[pl.ds(k * 16, 16)] = zvec

    def row(r, _):
        o = r * LP
        h1 = pltpu.async_copy(qemb_hbm.at[isv.at[pl.ds(o, LP)]], eq, sem1)
        h2 = pltpu.async_copy(pemb_hbm.at[isv.at[pl.ds(o, LP)]], ep, sem2)

        lenb = _gather1(lenv, r)
        invv = jnp.ones((16,), jnp.float32) / jnp.full((16,), lenb, jnp.int32).astype(jnp.float32)
        tmean = sum(jnp.sum(tsv[pl.ds(o + k * 16, 16)]) for k in range(4)) * (1.0 / L)
        imean = sum(jnp.sum(tiv[pl.ds(o + k * 16, 16)]) for k in range(4)) * (1.0 / L)
        lt_s = _gather1(tsv, o + lenb - 1)

        def pool(rows_ref, out_ref):
            def al(l, accs):
                return tuple(accs[k] + rows_ref[l, pl.ds(k * 16, 16)]
                             for k in range(4))
            accs = lax.fori_loop(0, lenb, al, (zvec, zvec, zvec, zvec))
            for k in range(4):
                out_ref[pl.ds(o + k * 16, 16)] = accs[k] * invv

        h1.wait()
        pool(eq, hqb)
        h2.wait()
        pool(ep, hpb)

        _scatter1(smb, r * 8 + 0, tmean)
        _scatter1(smb, r * 8 + 1, imean)
        _scatter1(smb, r * 8 + 2, lt_s)
        return 0

    lax.fori_loop(0, RPW, row, 0)
    pltpu.sync_copy(hqb, pq_hbm.at[pl.ds(b0 * D, RPW * D)])
    pltpu.sync_copy(hpb, pp_hbm.at[pl.ds(b0 * D, RPW * D)])
    pltpu.sync_copy(smb, sm_hbm.at[pl.ds(b0 * 8, RPW * 8)])


def _encode_sc_call(iseq_flat, ts_flat, ti_flat, lens, q_emb, p_emb):
    mesh = plsc.VectorSubcoreMesh(core_axis_name="c", subcore_axis_name="s")
    fn = pl.kernel(
        _encode_sc_body,
        mesh=mesh,
        compiler_params=pltpu.CompilerParams(needs_layout_passes=False),
        out_type=[
            jax.ShapeDtypeStruct((B * D,), jnp.float32),
            jax.ShapeDtypeStruct((B * D,), jnp.float32),
            jax.ShapeDtypeStruct((B * 8,), jnp.float32),
        ],
        scratch_types=[
            pltpu.VMEM((RPW * LP,), jnp.int32),
            pltpu.VMEM((RPW * LP,), jnp.float32),
            pltpu.VMEM((RPW * LP,), jnp.float32),
            pltpu.VMEM((128,), jnp.int32),
            pltpu.VMEM((LP, 128), jnp.float32),
            pltpu.VMEM((LP, 128), jnp.float32),
            pltpu.VMEM((RPW * D,), jnp.float32),
            pltpu.VMEM((RPW * D,), jnp.float32),
            pltpu.VMEM((RPW * 8,), jnp.float32),
            pltpu.SemaphoreType.DMA,
            pltpu.SemaphoreType.DMA,
        ],
    )
    return fn(iseq_flat, ts_flat, ti_flat, lens, q_emb, p_emb)



def _scores_body(pq_ref, pp_ref, tm_ref, im_ref, tt_ref, qtw_ref, ptw_ref,
                 qe_ref, pe_ref, g_ref, tgt_ref,
                 sc_ref, cm_ref, tl_ref, ap0_ref, hp_ref):
    j = pl.program_id(0)
    h_q = (pq_ref[...] + tm_ref[...] * qtw_ref[0:1, :]
           + im_ref[...] * qtw_ref[1:2, :] + tt_ref[...] * qtw_ref[2:3, :])
    h_p = (pp_ref[...] + tm_ref[...] * ptw_ref[0:1, :]
           + im_ref[...] * ptw_ref[1:2, :] + tt_ref[...] * ptw_ref[2:3, :])
    logits = lax.dot_general(h_q, qe_ref[...], (((1,), (1,)), ((), ())),
                             preferred_element_type=jnp.float32)
    plog = lax.dot_general(h_p, pe_ref[...], (((1,), (1,)), ((), ())),
                           preferred_element_type=jnp.float32)
    col = j * CH + lax.broadcasted_iota(jnp.int32, (B, CH), 1)
    is_t = col == tgt_ref[...]
    valid = (col < V) & jnp.logical_not(is_t)
    score = jnp.where(valid, logits + g_ref[...], NEG)
    sc_ref[...] = score
    cm_ref[...] = jnp.max(score, axis=1, keepdims=True)[None]
    tpart = jnp.sum(jnp.where(is_t, logits, 0.0), axis=1, keepdims=True)
    apart = jnp.sum(jnp.where(is_t, plog, 0.0), axis=1, keepdims=True)

    @pl.when(j == 0)
    def _():
        tl_ref[...] = tpart
        ap0_ref[...] = apart
        hp_ref[...] = h_p

    @pl.when(j != 0)
    def _():
        tl_ref[...] += tpart
        ap0_ref[...] += apart


def _scores_call(pooled_q, pooled_p, tm, im, tt, qtw, ptw,
                 q_emb_pad, p_emb_pad, gumbel, target_id):
    return pl.pallas_call(
        _scores_body,
        grid=(NCH,),
        in_specs=[
            pl.BlockSpec((B, D), lambda j: (0, 0)),
            pl.BlockSpec((B, D), lambda j: (0, 0)),
            pl.BlockSpec((B, 1), lambda j: (0, 0)),
            pl.BlockSpec((B, 1), lambda j: (0, 0)),
            pl.BlockSpec((B, 1), lambda j: (0, 0)),
            pl.BlockSpec((3, D), lambda j: (0, 0)),
            pl.BlockSpec((3, D), lambda j: (0, 0)),
            pl.BlockSpec((CH, D), lambda j: (j, 0)),
            pl.BlockSpec((CH, D), lambda j: (j, 0)),
            pl.BlockSpec((B, CH), lambda j: (0, j)),
            pl.BlockSpec((B, 1), lambda j: (0, 0)),
        ],
        out_specs=[
            pl.BlockSpec((B, CH), lambda j: (0, j)),
            pl.BlockSpec((1, B, 1), lambda j: (j, 0, 0)),
            pl.BlockSpec((B, 1), lambda j: (0, 0)),
            pl.BlockSpec((B, 1), lambda j: (0, 0)),
            pl.BlockSpec((B, D), lambda j: (0, 0)),
        ],
        out_shape=[
            jax.ShapeDtypeStruct((B, VP), jnp.float32),
            jax.ShapeDtypeStruct((NCH, B, 1), jnp.float32),
            jax.ShapeDtypeStruct((B, 1), jnp.float32),
            jax.ShapeDtypeStruct((B, 1), jnp.float32),
            jax.ShapeDtypeStruct((B, D), jnp.float32),
        ],
    )(pooled_q, pooled_p, tm, im, tt, qtw, ptw,
      q_emb_pad, p_emb_pad, gumbel, target_id)



def _extract_top(n_out, keys_ref, nv, record):
    lanes = _lanes()

    def one(i, _):
        def mx(k, m):
            return jnp.maximum(m, keys_ref[pl.ds(k * 16, 16)])
        mv = lax.fori_loop(0, nv, mx, jnp.full((16,), NEG, jnp.float32))
        m = jnp.max(mv)

        def fp(k, p):
            v = keys_ref[pl.ds(k * 16, 16)]
            cand = jnp.where(v == m, lanes + k * 16, BIGI)
            return jnp.minimum(p, jnp.min(cand))
        p = lax.fori_loop(0, nv, fp, jnp.int32(BIGI))
        record(i, m, p)
        plsc.store_scatter(keys_ref, [_bcast_i32(p)],
                           jnp.full((16,), NEG, jnp.float32), mask=lanes == 0)
        return m

    return lax.fori_loop(0, n_out, one, jnp.float32(0.0))


def _select_body(cm_hbm, sc_hbm, gum_hbm, hp_hbm, pemb_hbm,
                 nl_hbm, ap_hbm,
                 cmv, gidx, actb, ck, cix, topv, topi, gidx2, gv,
                 prow, hpv, nlb, apb, sem1, sem2):
    wid = lax.axis_index("s") * NCS + lax.axis_index("c")
    b0 = wid * RPW
    lanes = _lanes()
    zvec_i = jnp.zeros((16,), jnp.int32)
    nvec_f = jnp.full((16,), NEG, jnp.float32)

    pltpu.sync_copy(hp_hbm.at[pl.ds(b0 * D, RPW * D)], hpv)

    def row(r, _):
        b = b0 + r
        pltpu.sync_copy(cm_hbm.at[pl.ds(b * CMP, CMP)], cmv)

        for k in range(GNE // 16):
            gidx[pl.ds(k * 16, 16)] = b * NCH + lanes + k * 16

        def rec_chunk(i, m, p):
            _scatter1(gidx, i, b * NCH + p)
        tau = _extract_top(K, cmv, CMP // 16, rec_chunk)

        pltpu.async_copy(sc_hbm.at[gidx], actb, sem1).wait()

        for k in range(CAP // 16):
            ck[pl.ds(k * 16, 16)] = nvec_f
            cix[pl.ds(k * 16, 16)] = zvec_i

        def chunk(c, off):
            cidv = plsc.load_gather(gidx, [_bcast_i32(c)]) - b * NCH
            colbase = cidv * CH
            for j in range(CH // 16):
                v = actb[c, pl.ds(j * 16, 16)]
                msk = v >= tau
                n = jnp.max(plsc.all_reduce_population_count(msk))

                @pl.when(n > 0)
                def _():
                    plsc.store_compressed(ck.at[pl.ds(off, 16)], v, mask=msk)
                    plsc.store_compressed(cix.at[pl.ds(off, 16)],
                                          colbase + j * 16 + lanes, mask=msk)
                off = jnp.minimum(off + n, CAP - 16)
            return off
        ncand = lax.fori_loop(0, K, chunk, jnp.int32(0))
        nv = (ncand + 15) >> 4

        for k in range(GNE // 16):
            topi[pl.ds(k * 16, 16)] = zvec_i
            topv[pl.ds(k * 16, 16)] = nvec_f

        def rec_cand(i, m, p):
            _scatter1(topv, i, m)
            _scatter1(topi, i, _gather1(cix, p))
        _extract_top(K, ck, nv, rec_cand)

        for k in range(GNE // 16):
            gidx2[pl.ds(k * 16, 16)] = topi[pl.ds(k * 16, 16)] + b * VP
        pltpu.async_copy(gum_hbm.at[gidx2], gv, sem1).wait()
        for k in range(GNE // 16):
            nlb[pl.ds(r * GNE + k * 16, 16)] = (topv[pl.ds(k * 16, 16)]
                                                - gv[pl.ds(k * 16, 16)])

        pltpu.async_copy(pemb_hbm.at[topi], prow, sem2).wait()
        hpk = tuple(hpv[pl.ds(r * D + k * 16, 16)] for k in range(4))

        def pdot(k2, _):
            dot = sum(jnp.sum(prow[k2, pl.ds(k * 16, 16)] * hpk[k])
                      for k in range(4))
            _scatter1(apb, r * GNE + k2, dot)
            return 0
        lax.fori_loop(0, K, pdot, 0)
        return 0

    lax.fori_loop(0, RPW, row, 0)
    pltpu.sync_copy(nlb, nl_hbm.at[pl.ds(b0 * GNE, RPW * GNE)])
    pltpu.sync_copy(apb, ap_hbm.at[pl.ds(b0 * GNE, RPW * GNE)])


def _select_call(cm_flat, sc2d, gum_flat, hp_flat, p_emb):
    mesh = plsc.VectorSubcoreMesh(core_axis_name="c", subcore_axis_name="s")
    fn = pl.kernel(
        _select_body,
        mesh=mesh,
        compiler_params=pltpu.CompilerParams(needs_layout_passes=False),
        out_type=[
            jax.ShapeDtypeStruct((B * GNE,), jnp.float32),
            jax.ShapeDtypeStruct((B * GNE,), jnp.float32),
        ],
        scratch_types=[
            pltpu.VMEM((CMP,), jnp.float32),
            pltpu.VMEM((GNE,), jnp.int32),
            pltpu.VMEM((GNE, CH), jnp.float32),
            pltpu.VMEM((CAP,), jnp.float32),
            pltpu.VMEM((CAP,), jnp.int32),
            pltpu.VMEM((GNE,), jnp.float32),
            pltpu.VMEM((GNE,), jnp.int32),
            pltpu.VMEM((GNE,), jnp.int32),
            pltpu.VMEM((GNE,), jnp.float32),
            pltpu.VMEM((GNE, 128), jnp.float32),
            pltpu.VMEM((RPW * D,), jnp.float32),
            pltpu.VMEM((RPW * GNE,), jnp.float32),
            pltpu.VMEM((RPW * GNE,), jnp.float32),
            pltpu.SemaphoreType.DMA,
            pltpu.SemaphoreType.DMA,
        ],
    )
    return fn(cm_flat, sc2d, gum_flat, hp_flat, p_emb)



_BD = 256


def _epi_body(nl_ref, ap_ref, hp_ref, wt_ref, lt_ref, tt_ref,
              out_ref, acc_ref):
    i = pl.program_id(0)

    @pl.when(i == 0)
    def _():
        acc_ref[0] = 0.0
        acc_ref[1] = 0.0

    nl = nl_ref[...]
    m = jnp.max(nl, axis=1, keepdims=True)
    e = jnp.exp(nl - m)
    noise_p = e / jnp.sum(e, axis=1, keepdims=True)

    ap = ap_ref[...]
    m2 = jnp.max(ap, axis=1, keepdims=True)
    e2 = jnp.exp(ap - m2)
    act_p = e2 / jnp.sum(e2, axis=1, keepdims=True)

    deno = K * noise_p + act_p + 1e-6
    lane = lax.broadcasted_iota(jnp.int32, nl.shape, 1)
    likeli = jnp.where(lane == 0, act_p / deno, noise_p / deno)
    slog = jnp.sum(jnp.log(likeli))

    pred = lax.dot_general(hp_ref[...], wt_ref[...], (((1,), (0,)), ((), ())),
                           preferred_element_type=jnp.float32)
    dt = pred / GRAN - (tt_ref[...] - lt_ref[...]) / GRAN
    ssq = jnp.sum(dt * dt)

    acc_ref[0] += slog
    acc_ref[1] += ssq

    @pl.when(i == pl.num_programs(0) - 1)
    def _():
        val = -acc_ref[0] / (B * (K + 1)) + acc_ref[1] / (B * 5.0)
        out_ref[...] = jnp.reshape(val, (1, 1))


def _epi_call(noise_logits, ap_raw, h_p, w_time, last_time, target_time):
    return pl.pallas_call(
        _epi_body,
        grid=(B // _BD,),
        in_specs=[
            pl.BlockSpec((_BD, K + 1), lambda i: (i, 0)),
            pl.BlockSpec((_BD, K + 1), lambda i: (i, 0)),
            pl.BlockSpec((_BD, D), lambda i: (i, 0)),
            pl.BlockSpec((D, 1), lambda i: (0, 0)),
            pl.BlockSpec((_BD, 1), lambda i: (i, 0)),
            pl.BlockSpec((_BD, 1), lambda i: (i, 0)),
        ],
        out_specs=pl.BlockSpec((1, 1), lambda i: (0, 0)),
        out_shape=jax.ShapeDtypeStruct((1, 1), jnp.float32),
        scratch_shapes=[pltpu.SMEM((2,), jnp.float32)],
    )(noise_logits, ap_raw, h_p, w_time, last_time, target_time)



def kernel(item_seq, item_seq_len, target_id, time_seq, time_interval_seq,
           target_time, q_emb, p_emb, q_time_w, p_time_w, w_time):
    gumbel = _gumbel_const()
    q_emb_pad = jnp.pad(q_emb, ((0, VP - V), (0, 0)))
    p_emb_pad = jnp.pad(p_emb, ((0, VP - V), (0, 0)))

    pad_ids = jnp.broadcast_to(jnp.arange(L, LP, dtype=jnp.int32)[None],
                               (B, LP - L))
    iseq_flat = jnp.concatenate([item_seq.astype(jnp.int32), pad_ids],
                                axis=1).reshape(-1)
    ts_flat = jnp.pad(time_seq, ((0, 0), (0, LP - L))).reshape(-1)
    ti_flat = jnp.pad(time_interval_seq, ((0, 0), (0, LP - L))).reshape(-1)

    q_emb_sc = jnp.pad(q_emb, ((0, 0), (0, 128 - D)))
    p_emb_sc = jnp.pad(p_emb, ((0, 0), (0, 128 - D)))
    pq_flat, pp_flat, smalls = _encode_sc_call(
        iseq_flat, ts_flat, ti_flat, item_seq_len.astype(jnp.int32),
        q_emb_sc, p_emb_sc)
    sm = smalls.reshape(B, 8)
    tm, im, last_time = sm[:, 0:1], sm[:, 1:2], sm[:, 2:3]
    tt = target_time.reshape(B, 1)

    scores, cm3, target_logit, ap0, h_p = _scores_call(
        pq_flat.reshape(B, D), pp_flat.reshape(B, D), tm, im, tt,
        q_time_w, p_time_w, q_emb_pad, p_emb_pad, gumbel,
        target_id.reshape(B, 1).astype(jnp.int32))

    cm_flat = jnp.pad(cm3.reshape(NCH, B).T, ((0, 0), (0, CMP - NCH)),
                      constant_values=NEG).reshape(-1)
    nl_flat, ap_flat = _select_call(cm_flat, scores.reshape(B * NCH, CH),
                                    gumbel.reshape(-1), h_p.reshape(-1),
                                    p_emb_sc)
    noise_logits = jnp.concatenate(
        [target_logit, nl_flat.reshape(B, GNE)[:, :K]], axis=1)
    ap_raw = jnp.concatenate([ap0, ap_flat.reshape(B, GNE)[:, :K]], axis=1)

    out = _epi_call(noise_logits, ap_raw, h_p, w_time, last_time, tt)
    return out.reshape(())

# --- scband reference (transcript-rebuilt; emitter-appended) ---
"""Pipeline reference for scband-adver-ncetime-39994735460892 (READ-ONLY COPY).

The authoritative reference and input builder live on the scoring server;
editing this copy changes nothing except your own understanding.
"""

import jax, jax.numpy as jnp
import numpy as np

B, L, V, D, K = 1024, 50, 100000, 64, 100


def setup_inputs(seed: int = 0) -> dict:
    key = jax.random.key(seed)
    ks = jax.random.split(key, 11)
    return {
        "item_seq": jax.random.randint(ks[0], (B, L), 0, V),
        "item_seq_len": jax.random.randint(ks[1], (B,), 1, L + 1),
        "target_id": jax.random.randint(ks[2], (B,), 0, V),
        "time_seq": jax.random.uniform(ks[3], (B, L), dtype=jnp.float32) * 1000.0,
        "time_interval_seq": jax.random.uniform(ks[4], (B, L), dtype=jnp.float32) * 10.0,
        "target_time": jax.random.uniform(ks[5], (B,), dtype=jnp.float32) * 100.0 + 1000.0,
        "q_emb": jax.random.normal(ks[6], (V, D), dtype=jnp.float32) * 0.02,
        "p_emb": jax.random.normal(ks[7], (V, D), dtype=jnp.float32) * 0.02,
        "q_time_w": jax.random.normal(ks[8], (3, D), dtype=jnp.float32) * 0.02,
        "p_time_w": jax.random.normal(ks[9], (3, D), dtype=jnp.float32) * 0.02,
        "w_time": jax.random.normal(ks[10], (D, 1), dtype=jnp.float32) * 0.02,
    }


def _encode(emb, time_w, item_seq, item_seq_len, time_seq, time_interval_seq, target_time):
    # stand-in sequence encoder (masked mean pooling of item embeddings + time features)
    mask = (jnp.arange(L)[None, :] < item_seq_len[:, None]).astype(jnp.float32)
    pooled = (jnp.take(emb, item_seq, axis=0) * mask[:, :, None]).sum(1) / item_seq_len[:, None].astype(jnp.float32)
    t_feat = jnp.stack([time_seq.mean(-1), time_interval_seq.mean(-1), target_time], axis=-1)
    return pooled + t_feat @ time_w


def reference(item_seq, item_seq_len, target_id, time_seq, time_interval_seq, target_time,
              q_emb, p_emb, q_time_w, p_time_w, w_time):
    # q_model.calculate_logits -> full-vocab logits [B, V]
    h_q = _encode(q_emb, q_time_w, item_seq, item_seq_len, time_seq, time_interval_seq, target_time)
    noise_logits = h_q @ q_emb.T
    # ones.scatter_(1, target_id, 0)
    one_hot = jnp.ones((B, V), dtype=jnp.float32).at[jnp.arange(B), target_id].set(0.0)
    one_hot_noise_prob = jax.nn.softmax(noise_logits, axis=-1) * one_hot
    # torch.multinomial(probs, K, replacement=False) via Gumbel top-k (indices are non-differentiable)
    p_s = jax.lax.stop_gradient(one_hot_noise_prob)
    logp = jnp.where(p_s > 0, jnp.log(jnp.maximum(p_s, 1e-30)), -jnp.inf)
    u = jax.random.uniform(jax.random.key(1), (B, V), minval=1e-9, maxval=1.0)
    gumbel = -jnp.log(-jnp.log(u))
    _, neg_items = jax.lax.top_k(logp + gumbel, K)
    pos_neg_items = jnp.concatenate([target_id[:, None], neg_items], axis=1)
    # Scoring
    noise_prob = jnp.take_along_axis(noise_logits, pos_neg_items, axis=1)
    # p_model.calculate_logits_time_given_items -> (logits over given items, predicted intervals)
    h_p = _encode(p_emb, p_time_w, item_seq, item_seq_len, time_seq, time_interval_seq, target_time)
    cand = jnp.take(p_emb, pos_neg_items, axis=0)  # [B, K+1, D]
    actual_prob = jnp.einsum('bd,bkd->bk', h_p, cand)
    predict_intervals = h_p @ w_time  # [B, 1]
    noise_prob = jax.nn.softmax(noise_prob, axis=-1)
    actual_prob = jax.nn.softmax(actual_prob, axis=-1)
    deno = K * noise_prob + actual_prob + 1e-6
    tmp1 = actual_prob / deno
    tmp2 = noise_prob / deno
    likeli = jnp.concatenate([tmp1[:, :1], tmp2[:, 1:]], axis=1)
    type_loss = -jnp.mean(jnp.log(likeli))
    last_time = jnp.take_along_axis(time_seq, (item_seq_len - 1)[:, None], axis=1)
    target_interval = target_time[:, None] - last_time
    gran = 24.0 * 30.0 * 6.0
    time_loss = jnp.mean(jnp.square(predict_intervals / gran - target_interval / gran)) / 5.0
    return type_loss + time_loss

if __name__ == "__main__":
    import jax
    _d = setup_inputs()
    print(jax.jit(kernel)(*tuple(_d.values())))

</pallas_src>

<mosaic_0001>
#map = affine_map<(d0, d1) -> (0)>
#map1 = affine_map<(d0, d1) -> (0, 0)>
module attributes {stable_mosaic.version = 14 : i64} {
  func.func @_select_body(%arg0: i32, %arg1: i32, %arg2: memref<262144xf32, #tpu.memory_space<hbm>>, %arg3: memref<200704x512xf32, #tpu.memory_space<hbm>>, %arg4: memref<102760448xf32, #tpu.memory_space<hbm>>, %arg5: memref<65536xf32, #tpu.memory_space<hbm>>, %arg6: memref<100000x128xf32, #tpu.memory_space<hbm>>, %arg7: memref<131072xf32, #tpu.memory_space<hbm>>, %arg8: memref<131072xf32, #tpu.memory_space<hbm>>, %arg9: memref<256xf32, #tpu.memory_space<vmem>>, %arg10: memref<128xi32, #tpu.memory_space<vmem>>, %arg11: memref<128x512xf32, #tpu.memory_space<vmem>>, %arg12: memref<1024xf32, #tpu.memory_space<vmem>>, %arg13: memref<1024xi32, #tpu.memory_space<vmem>>, %arg14: memref<128xf32, #tpu.memory_space<vmem>>, %arg15: memref<128xi32, #tpu.memory_space<vmem>>, %arg16: memref<128xi32, #tpu.memory_space<vmem>>, %arg17: memref<128xf32, #tpu.memory_space<vmem>>, %arg18: memref<128x128xf32, #tpu.memory_space<vmem>>, %arg19: memref<2048xf32, #tpu.memory_space<vmem>>, %arg20: memref<4096xf32, #tpu.memory_space<vmem>>, %arg21: memref<4096xf32, #tpu.memory_space<vmem>>, %arg22: memref<!tpu.dma_semaphore, #tpu.memory_space<semaphore_mem>>, %arg23: memref<!tpu.dma_semaphore, #tpu.memory_space<semaphore_mem>>) attributes {dimension_semantics = [#tpu.dimension_semantics<core_parallel>, #tpu.dimension_semantics<subcore_parallel>], iteration_bounds = array<i64: 2, 16>, scalar_prefetch = 0 : i64, scratch_operands = 15 : i64, tpu.core_type = #tpu.core_type<sc_vector_subcore>, window_params = [{transform_indices = #map}, {transform_indices = #map1}, {transform_indices = #map}, {transform_indices = #map}, {transform_indices = #map1}, {transform_indices = #map}, {transform_indices = #map}]} {
    %mul3A = arith.constant 2 : i32
    %mul3A_0 = arith.muli %arg1, %mul3A : i32
    %add3A = arith.addi %mul3A_0, %arg0 : i32
    %mul3A_1 = arith.constant 32 : i32
    %mul3A_2 = arith.muli %add3A, %mul3A_1 : i32
    %iota3A = tpu.iota {dimensions = array<i32: 0>} : vector<16xi32>
    %broadcast_in_dim3A = arith.constant 0 : i32
    %broadcast_in_dim3A_3 = vector.broadcast %broadcast_in_dim3A : i32 to vector<16xi32>
    %broadcast_in_dim3A_4 = arith.constant -1.000000e+30 : f32
    %broadcast_in_dim3A_5 = vector.broadcast %broadcast_in_dim3A_4 : f32 to vector<16xf32>
    %mul3A_6 = arith.constant 64 : i32
    %mul3A_7 = arith.muli %mul3A_2, %mul3A_6 : i32
    "tpu.region"() ({
      %run_scoped3A = tpu.sem_alloc : memref<!tpu.dma_semaphore, #tpu.memory_space<semaphore_mem>>
      %dma_start3A = tpu.memref_slice %arg5[%mul3A_7] : memref<65536xf32, #tpu.memory_space<hbm>> -> memref<2048xf32, #tpu.memory_space<hbm>>
      %dma_start3A_18 = tpu.memref_slice %arg5[%mul3A_7] : memref<65536xf32, #tpu.memory_space<hbm>> -> memref<2048xf32, #tpu.memory_space<hbm>>
      tpu.enqueue_dma source(%dma_start3A_18 : memref<2048xf32, #tpu.memory_space<hbm>>) target(%arg19 : memref<2048xf32, #tpu.memory_space<vmem>>) target_semaphore(%run_scoped3A : memref<!tpu.dma_semaphore, #tpu.memory_space<semaphore_mem>>)
      %dma_wait3A = tpu.memref_slice %arg5[%mul3A_7] : memref<65536xf32, #tpu.memory_space<hbm>> -> memref<2048xf32, #tpu.memory_space<hbm>>
      %dma_wait3A_19 = tpu.memref_slice %arg5[%mul3A_7] : memref<65536xf32, #tpu.memory_space<hbm>> -> memref<2048xf32, #tpu.memory_space<hbm>>
      tpu.wait_dma2 semaphore(%run_scoped3A : memref<!tpu.dma_semaphore, #tpu.memory_space<semaphore_mem>>) src(%dma_wait3A_19 : memref<2048xf32, #tpu.memory_space<hbm>>) dst(%arg19 : memref<2048xf32, #tpu.memory_space<vmem>>)
      tpu.yield
    }) : () -> ()
    %scan3A = arith.constant 0 : i32
    %scan3A_8 = arith.constant 0 : i32
    %scan3A_9 = arith.constant 32 : i32
    %scan3A_10 = arith.addi %scan3A_8, %scan3A_9 : i32
    %scan3A_11 = arith.constant 1 : i32
    %scan3A_12 = scf.for %scan3A_18 = %scan3A_8 to %scan3A_10 step %scan3A_11 iter_args(%scan3A_19 = %scan3A) -> (i32)  : i32 {
      %add3A_20 = arith.addi %mul3A_2, %scan3A_18 : i32
      %mul3A_21 = arith.constant 256 : i32
      %mul3A_22 = arith.muli %add3A_20, %mul3A_21 : i32
      "tpu.region"() ({
        %run_scoped3A = tpu.sem_alloc : memref<!tpu.dma_semaphore, #tpu.memory_space<semaphore_mem>>
        %dma_start3A_604 = tpu.memref_slice %arg2[%mul3A_22] : memref<262144xf32, #tpu.memory_space<hbm>> -> memref<256xf32, #tpu.memory_space<hbm>>
        %dma_start3A_605 = tpu.memref_slice %arg2[%mul3A_22] : memref<262144xf32, #tpu.memory_space<hbm>> -> memref<256xf32, #tpu.memory_space<hbm>>
        tpu.enqueue_dma source(%dma_start3A_605 : memref<256xf32, #tpu.memory_space<hbm>>) target(%arg9 : memref<256xf32, #tpu.memory_space<vmem>>) target_semaphore(%run_scoped3A : memref<!tpu.dma_semaphore, #tpu.memory_space<semaphore_mem>>)
        %dma_wait3A_606 = tpu.memref_slice %arg2[%mul3A_22] : memref<262144xf32, #tpu.memory_space<hbm>> -> memref<256xf32, #tpu.memory_space<hbm>>
        %dma_wait3A_607 = tpu.memref_slice %arg2[%mul3A_22] : memref<262144xf32, #tpu.memory_space<hbm>> -> memref<256xf32, #tpu.memory_space<hbm>>
        tpu.wait_dma2 semaphore(%run_scoped3A : memref<!tpu.dma_semaphore, #tpu.memory_space<semaphore_mem>>) src(%dma_wait3A_607 : memref<256xf32, #tpu.memory_space<hbm>>) dst(%arg9 : memref<256xf32, #tpu.memory_space<vmem>>)
        tpu.yield
      }) : () -> ()
      %mul3A_23 = arith.constant 196 : i32
      %mul3A_24 = arith.muli %add3A_20, %mul3A_23 : i32
      %add3A_25 = vector.broadcast %mul3A_24 : i32 to vector<16xi32>
      %add3A_26 = arith.addi %add3A_25, %iota3A : vector<16xi32>
      %add3A_27 = arith.constant 0 : i32
      %add3A_28 = vector.broadcast %add3A_27 : i32 to vector<16xi32>
      %add3A_29 = arith.addi %add3A_26, %add3A_28 : vector<16xi32>
      %swap3A = arith.constant 0 : index
      %swap3A_30 = tpu.vector_load %arg10[%swap3A] {strides = array<i32>} : memref<128xi32, #tpu.memory_space<vmem>>, vector<16xi32>,
      tpu.vector_store %arg10[%swap3A], %add3A_29 {strides = array<i32>} : memref<128xi32, #tpu.memory_space<vmem>>, vector<16xi32>,
      %mul3A_31 = arith.constant 196 : i32
      %mul3A_32 = arith.muli %add3A_20, %mul3A_31 : i32
      %add3A_33 = vector.broadcast %mul3A_32 : i32 to vector<16xi32>
      %add3A_34 = arith.addi %add3A_33, %iota3A : vector<16xi32>
      %add3A_35 = arith.constant 16 : i32
      %add3A_36 = vector.broadcast %add3A_35 : i32 to vector<16xi32>
      %add3A_37 = arith.addi %add3A_34, %add3A_36 : vector<16xi32>
      %swap3A_38 = arith.constant 16 : index
      %swap3A_39 = tpu.vector_load %arg10[%swap3A_38] {strides = array<i32>} : memref<128xi32, #tpu.memory_space<vmem>>, vector<16xi32>,
      tpu.vector_store %arg10[%swap3A_38], %add3A_37 {strides = array<i32>} : memref<128xi32, #tpu.memory_space<vmem>>, vector<16xi32>,
      %mul3A_40 = arith.constant 196 : i32
      %mul3A_41 = arith.muli %add3A_20, %mul3A_40 : i32
      %add3A_42 = vector.broadcast %mul3A_41 : i32 to vector<16xi32>
      %add3A_43 = arith.addi %add3A_42, %iota3A : vector<16xi32>
      %add3A_44 = arith.constant 32 : i32
      %add3A_45 = vector.broadcast %add3A_44 : i32 to vector<16xi32>
      %add3A_46 = arith.addi %add3A_43, %add3A_45 : vector<16xi32>
      %swap3A_47 = arith.constant 32 : index
      %swap3A_48 = tpu.vector_load %arg10[%swap3A_47] {strides = array<i32>} : memref<128xi32, #tpu.memory_space<vmem>>, vector<16xi32>,
      tpu.vector_store %arg10[%swap3A_47], %add3A_46 {strides = array<i32>} : memref<128xi32, #tpu.memory_space<vmem>>, vector<16xi32>,
      %mul3A_49 = arith.constant 196 : i32
      %mul3A_50 = arith.muli %add3A_20, %mul3A_49 : i32
      %add3A_51 = vector.broadcast %mul3A_50 : i32 to vector<16xi32>
      %add3A_52 = arith.addi %add3A_51, %iota3A : vector<16xi32>
      %add3A_53 = arith.constant 48 : i32
      %add3A_54 = vector.broadcast %add3A_53 : i32 to vector<16xi32>
      %add3A_55 = arith.addi %add3A_52, %add3A_54 : vector<16xi32>
      %swap3A_56 = arith.constant 48 : index
      %swap3A_57 = tpu.vector_load %arg10[%swap3A_56] {strides = array<i32>} : memref<128xi32, #tpu.memory_space<vmem>>, vector<16xi32>,
      tpu.vector_store %arg10[%swap3A_56], %add3A_55 {strides = array<i32>} : memref<128xi32, #tpu.memory_space<vmem>>, vector<16xi32>,
      %mul3A_58 = arith.constant 196 : i32
      %mul3A_59 = arith.muli %add3A_20, %mul3A_58 : i32
      %add3A_60 = vector.broadcast %mul3A_59 : i32 to vector<16xi32>
      %add3A_61 = arith.addi %add3A_60, %iota3A : vector<16xi32>
      %add3A_62 = arith.constant 64 : i32
      %add3A_63 = vector.broadcast %add3A_62 : i32 to vector<16xi32>
      %add3A_64 = arith.addi %add3A_61, %add3A_63 : vector<16xi32>
      %swap3A_65 = arith.constant 64 : index
      %swap3A_66 = tpu.vector_load %arg10[%swap3A_65] {strides = array<i32>} : memref<128xi32, #tpu.memory_space<vmem>>, vector<16xi32>,
      tpu.vector_store %arg10[%swap3A_65], %add3A_64 {strides = array<i32>} : memref<128xi32, #tpu.memory_space<vmem>>, vector<16xi32>,
      %mul3A_67 = arith.constant 196 : i32
      %mul3A_68 = arith.muli %add3A_20, %mul3A_67 : i32
      %add3A_69 = vector.broadcast %mul3A_68 : i32 to vector<16xi32>
      %add3A_70 = arith.addi %add3A_69, %iota3A : vector<16xi32>
      %add3A_71 = arith.constant 80 : i32
      %add3A_72 = vector.broadcast %add3A_71 : i32 to vector<16xi32>
      %add3A_73 = arith.addi %add3A_70, %add3A_72 : vector<16xi32>
      %swap3A_74 = arith.constant 80 : index
      %swap3A_75 = tpu.vector_load %arg10[%swap3A_74] {strides = array<i32>} : memref<128xi32, #tpu.memory_space<vmem>>, vector<16xi32>,
      tpu.vector_store %arg10[%swap3A_74], %add3A_73 {strides = array<i32>} : memref<128xi32, #tpu.memory_space<vmem>>, vector<16xi32>,
      %mul3A_76 = arith.constant 196 : i32
      %mul3A_77 = arith.muli %add3A_20, %mul3A_76 : i32
      %add3A_78 = vector.broadcast %mul3A_77 : i32 to vector<16xi32>
      %add3A_79 = arith.addi %add3A_78, %iota3A : vector<16xi32>
      %add3A_80 = arith.constant 96 : i32
      %add3A_81 = vector.broadcast %add3A_80 : i32 to vector<16xi32>
      %add3A_82 = arith.addi %add3A_79, %add3A_81 : vector<16xi32>
      %swap3A_83 = arith.constant 96 : index
      %swap3A_84 = tpu.vector_load %arg10[%swap3A_83] {strides = array<i32>} : memref<128xi32, #tpu.memory_space<vmem>>, vector<16xi32>,
      tpu.vector_store %arg10[%swap3A_83], %add3A_82 {strides = array<i32>} : memref<128xi32, #tpu.memory_space<vmem>>, vector<16xi32>,
      %mul3A_85 = arith.constant 196 : i32
      %mul3A_86 = arith.muli %add3A_20, %mul3A_85 : i32
      %add3A_87 = vector.broadcast %mul3A_86 : i32 to vector<16xi32>
      %add3A_88 = arith.addi %add3A_87, %iota3A : vector<16xi32>
      %add3A_89 = arith.constant 112 : i32
      %add3A_90 = vector.broadcast %add3A_89 : i32 to vector<16xi32>
      %add3A_91 = arith.addi %add3A_88, %add3A_90 : vector<16xi32>
      %swap3A_92 = arith.constant 112 : index
      %swap3A_93 = tpu.vector_load %arg10[%swap3A_92] {strides = array<i32>} : memref<128xi32, #tpu.memory_space<vmem>>, vector<16xi32>,
      tpu.vector_store %arg10[%swap3A_92], %add3A_91 {strides = array<i32>} : memref<128xi32, #tpu.memory_space<vmem>>, vector<16xi32>,
      %iota3A_94 = tpu.iota {dimensions = array<i32: 0>} : vector<16xi32>
      %scan3A_95 = arith.constant 0.000000e+00 : f32
      %scan3A_96 = arith.constant 0 : i32
      %scan3A_97 = arith.constant 100 : i32
      %scan3A_98 = arith.addi %scan3A_96, %scan3A_97 : i32
      %scan3A_99 = arith.constant 1 : i32
      %scan3A_100 = scf.for %scan3A_604 = %scan3A_96 to %scan3A_98 step %scan3A_99 iter_args(%scan3A_605 = %scan3A_95) -> (f32)  : i32 {
        %broadcast_in_dim3A_606 = arith.constant -1.000000e+30 : f32
        %broadcast_in_dim3A_607 = vector.broadcast %broadcast_in_dim3A_606 : f32 to vector<16xf32>
        %scan3A_608 = arith.constant 0 : i32
        %scan3A_609 = arith.constant 16 : i32
        %scan3A_610 = arith.addi %scan3A_608, %scan3A_609 : i32
        %scan3A_611 = arith.constant 1 : i32
        %scan3A_612 = scf.for %scan3A_638 = %scan3A_608 to %scan3A_610 step %scan3A_611 iter_args(%scan3A_639 = %broadcast_in_dim3A_607) -> (vector<16xf32>)  : i32 {
          %mul3A_640 = arith.constant 16 : i32
          %mul3A_641 = arith.muli %scan3A_638, %mul3A_640 : i32
          %get3A_642 = arith.index_cast %mul3A_641 : i32 to index
          %get3A_643 = tpu.vector_load %arg9[%get3A_642] {strides = array<i32>} : memref<256xf32, #tpu.memory_space<vmem>>, vector<16xf32>,
          %max3A = arith.maximumf %scan3A_639, %get3A_643 : vector<16xf32>
          scf.yield %max3A : vector<16xf32>
        }
        %scan3A_613 = arith.constant 16 : i32
        %reduce_max3A = arith.constant true
        %reduce_max3A_614 = vector.broadcast %reduce_max3A : i1 to vector<16xi1>
        %reduce_max3A_615 = tpu.scan <max>, %scan3A_612 masked %reduce_max3A_614 : vector<16xf32>, vector<16xi1> -> vector<16xf32>
        %reduce_max3A_616 = vector.extract %reduce_max3A_615[15] : f32 from vector<16xf32>
        %scan3A_617 = arith.constant 1073741824 : i32
        %scan3A_618 = arith.constant 0 : i32
        %scan3A_619 = arith.constant 16 : i32
        %scan3A_620 = arith.addi %scan3A_618, %scan3A_619 : i32
        %scan3A_621 = arith.constant 1 : i32
        %scan3A_622 = scf.for %scan3A_638 = %scan3A_618 to %scan3A_620 step %scan3A_621 iter_args(%scan3A_639 = %scan3A_617) -> (i32)  : i32 {
          %mul3A_640 = arith.constant 16 : i32
          %mul3A_641 = arith.muli %scan3A_638, %mul3A_640 : i32
          %get3A_642 = arith.index_cast %mul3A_641 : i32 to index
          %get3A_643 = tpu.vector_load %arg9[%get3A_642] {strides = array<i32>} : memref<256xf32, #tpu.memory_space<vmem>>, vector<16xf32>,
          %eq3A_644 = vector.broadcast %reduce_max3A_616 : f32 to vector<16xf32>
          %eq3A_645 = arith.cmpf oeq, %get3A_643, %eq3A_644 : vector<16xf32>
          %mul3A_646 = arith.constant 16 : i32
          %mul3A_647 = arith.muli %scan3A_638, %mul3A_646 : i32
          %add3A_648 = vector.broadcast %mul3A_647 : i32 to vector<16xi32>
          %add3A_649 = arith.addi %iota3A_94, %add3A_648 : vector<16xi32>
          %jit3A = arith.constant 1073741824 : i32
          %broadcast_in_dim3A_650 = vector.broadcast %jit3A : i32 to vector<16xi32>
          %select_n3A = arith.select %eq3A_645, %add3A_649, %broadcast_in_dim3A_650 : vector<16xi1>, vector<16xi32>
          %reduce_min3A = arith.constant true
          %reduce_min3A_651 = vector.broadcast %reduce_min3A : i1 to vector<16xi1>
          %reduce_min3A_652 = arith.constant -2147483648 : i32
          %reduce_min3A_653 = vector.broadcast %reduce_min3A_652 : i32 to vector<16xi32>
          %reduce_min3A_654 = arith.xori %select_n3A, %reduce_min3A_653 : vector<16xi32>
          %reduce_min3A_655 = tpu.scan <min>, %reduce_min3A_654 masked %reduce_min3A_651 : vector<16xi32>, vector<16xi1> -> vector<16xi32>
          %reduce_min3A_656 = arith.xori %reduce_min3A_655, %reduce_min3A_653 : vector<16xi32>
          %reduce_min3A_657 = vector.extract %reduce_min3A_656[15] : i32 from vector<16xi32>
          %min3A = arith.minsi %scan3A_639, %reduce_min3A_657 : i32
          scf.yield %min3A : i32
        }
        %scan3A_623 = arith.constant 16 : i32
        %mul3A_624 = arith.constant 196 : i32
        %mul3A_625 = arith.muli %add3A_20, %mul3A_624 : i32
        %add3A_626 = arith.addi %mul3A_625, %scan3A_622 : i32
        %broadcast_in_dim3A_627 = vector.broadcast %scan3A_604 : i32 to vector<16xi32>
        %broadcast_in_dim3A_628 = vector.broadcast %add3A_626 : i32 to vector<16xi32>
        %iota3A_629 = tpu.iota {dimensions = array<i32: 0>} : vector<16xi32>
        %eq3A = arith.constant 0 : i32
        %eq3A_630 = vector.broadcast %eq3A : i32 to vector<16xi32>
        %eq3A_631 = arith.cmpi eq, %iota3A_629, %eq3A_630 : vector<16xi32>
        tpu.vector_store_idx %arg10[%broadcast_in_dim3A_627], %broadcast_in_dim3A_628 masked %eq3A_631 : memref<128xi32, #tpu.memory_space<vmem>>[vector<16xi32>], vector<16xi32>, vector<16xi1>
        %broadcast_in_dim3A_632 = vector.broadcast %scan3A_622 : i32 to vector<16xi32>
        %broadcast_in_dim3A_633 = arith.constant -1.000000e+30 : f32
        %broadcast_in_dim3A_634 = vector.broadcast %broadcast_in_dim3A_633 : f32 to vector<16xf32>
        %eq3A_635 = arith.constant 0 : i32
        %eq3A_636 = vector.broadcast %eq3A_635 : i32 to vector<16xi32>
        %eq3A_637 = arith.cmpi eq, %iota3A_94, %eq3A_636 : vector<16xi32>
        tpu.vector_store_idx %arg9[%broadcast_in_dim3A_632], %broadcast_in_dim3A_634 masked %eq3A_637 : memref<256xf32, #tpu.memory_space<vmem>>[vector<16xi32>], vector<16xf32>, vector<16xi1>
        scf.yield %reduce_max3A_616 : f32
      }
      %scan3A_101 = arith.constant 100 : i32
      %dma_start3A = arith.constant 0 : i32
      %dma_start3A_102 = arith.constant 0 : i32
      %dma_start3A_103 = tpu.memref_slice %arg3[%dma_start3A, %dma_start3A_102] : memref<200704x512xf32, #tpu.memory_space<hbm>> -> memref<200704x512xf32, #tpu.memory_space<hbm>>
      tpu.enqueue_indirect_dma source(%dma_start3A_103 : memref<200704x512xf32, #tpu.memory_space<hbm>>) target(%arg11 : memref<128x512xf32, #tpu.memory_space<vmem>>) offsets(%arg10 : memref<128xi32, #tpu.memory_space<vmem>>) semaphore(%arg22 : memref<!tpu.dma_semaphore, #tpu.memory_space<semaphore_mem>>)
      %dma_wait3A = arith.constant 0 : i32
      %dma_wait3A_104 = arith.constant 0 : i32
      %dma_wait3A_105 = tpu.memref_slice %arg3[%dma_wait3A, %dma_wait3A_104] : memref<200704x512xf32, #tpu.memory_space<hbm>> -> memref<200704x512xf32, #tpu.memory_space<hbm>>
      tpu.wait_indirect_dma semaphore(%arg22 : memref<!tpu.dma_semaphore, #tpu.memory_space<semaphore_mem>>) src(%dma_wait3A_105 : memref<200704x512xf32, #tpu.memory_space<hbm>>) dst(%arg11 : memref<128x512xf32, #tpu.memory_space<vmem>>)
      %swap3A_106 = arith.constant 0 : index
      %swap3A_107 = tpu.vector_load %arg12[%swap3A_106] {strides = array<i32>} : memref<1024xf32, #tpu.memory_space<vmem>>, vector<16xf32>,
      tpu.vector_store %arg12[%swap3A_106], %broadcast_in_dim3A_5 {strides = array<i32>} : memref<1024xf32, #tpu.memory_space<vmem>>, vector<16xf32>,
      %swap3A_108 = arith.constant 0 : index
      %swap3A_109 = tpu.vector_load %arg13[%swap3A_108] {strides = array<i32>} : memref<1024xi32, #tpu.memory_space<vmem>>, vector<16xi32>,
      tpu.vector_store %arg13[%swap3A_108], %broadcast_in_dim3A_3 {strides = array<i32>} : memref<1024xi32, #tpu.memory_space<vmem>>, vector<16xi32>,
      %swap3A_110 = arith.constant 16 : index
      %swap3A_111 = tpu.vector_load %arg12[%swap3A_110] {strides = array<i32>} : memref<1024xf32, #tpu.memory_space<vmem>>, vector<16xf32>,
      tpu.vector_store %arg12[%swap3A_110], %broadcast_in_dim3A_5 {strides = array<i32>} : memref<1024xf32, #tpu.memory_space<vmem>>, vector<16xf32>,
      %swap3A_112 = arith.constant 16 : index
      %swap3A_113 = tpu.vector_load %arg13[%swap3A_112] {strides = array<i32>} : memref<1024xi32, #tpu.memory_space<vmem>>, vector<16xi32>,
      tpu.vector_store %arg13[%swap3A_112], %broadcast_in_dim3A_3 {strides = array<i32>} : memref<1024xi32, #tpu.memory_space<vmem>>, vector<16xi32>,
      %swap3A_114 = arith.constant 32 : index
      %swap3A_115 = tpu.vector_load %arg12[%swap3A_114] {strides = array<i32>} : memref<1024xf32, #tpu.memory_space<vmem>>, vector<16xf32>,
      tpu.vector_store %arg12[%swap3A_114], %broadcast_in_dim3A_5 {strides = array<i32>} : memref<1024xf32, #tpu.memory_space<vmem>>, vector<16xf32>,
      %swap3A_116 = arith.constant 32 : index
      %swap3A_117 = tpu.vector_load %arg13[%swap3A_116] {strides = array<i32>} : memref<1024xi32, #tpu.memory_space<vmem>>, vector<16xi32>,
      tpu.vector_store %arg13[%swap3A_116], %broadcast_in_dim3A_3 {strides = array<i32>} : memref<1024xi32, #tpu.memory_space<vmem>>, vector<16xi32>,
      %swap3A_118 = arith.constant 48 : index
      %swap3A_119 = tpu.vector_load %arg12[%swap3A_118] {strides = array<i32>} : memref<1024xf32, #tpu.memory_space<vmem>>, vector<16xf32>,
      tpu.vector_store %arg12[%swap3A_118], %broadcast_in_dim3A_5 {strides = array<i32>} : memref<1024xf32, #tpu.memory_space<vmem>>, vector<16xf32>,
      %swap3A_120 = arith.constant 48 : index
      %swap3A_121 = tpu.vector_load %arg13[%swap3A_120] {strides = array<i32>} : memref<1024xi32, #tpu.memory_space<vmem>>, vector<16xi32>,
      tpu.vector_store %arg13[%swap3A_120], %broadcast_in_dim3A_3 {strides = array<i32>} : memref<1024xi32, #tpu.memory_space<vmem>>, vector<16xi32>,
      %swap3A_122 = arith.constant 64 : index
      %swap3A_123 = tpu.vector_load %arg12[%swap3A_122] {strides = array<i32>} : memref<1024xf32, #tpu.memory_space<vmem>>, vector<16xf32>,
      tpu.vector_store %arg12[%swap3A_122], %broadcast_in_dim3A_5 {strides = array<i32>} : memref<1024xf32, #tpu.memory_space<vmem>>, vector<16xf32>,
      %swap3A_124 = arith.constant 64 : index
      %swap3A_125 = tpu.vector_load %arg13[%swap3A_124] {strides = array<i32>} : memref<1024xi32, #tpu.memory_space<vmem>>, vector<16xi32>,
      tpu.vector_store %arg13[%swap3A_124], %broadcast_in_dim3A_3 {strides = array<i32>} : memref<1024xi32, #tpu.memory_space<vmem>>, vector<16xi32>,
      %swap3A_126 = arith.constant 80 : index
      %swap3A_127 = tpu.vector_load %arg12[%swap3A_126] {strides = array<i32>} : memref<1024xf32, #tpu.memory_space<vmem>>, vector<16xf32>,
      tpu.vector_store %arg12[%swap3A_126], %broadcast_in_dim3A_5 {strides = array<i32>} : memref<1024xf32, #tpu.memory_space<vmem>>, vector<16xf32>,
      %swap3A_128 = arith.constant 80 : index
      %swap3A_129 = tpu.vector_load %arg13[%swap3A_128] {strides = array<i32>} : memref<1024xi32, #tpu.memory_space<vmem>>, vector<16xi32>,
      tpu.vector_store %arg13[%swap3A_128], %broadcast_in_dim3A_3 {strides = array<i32>} : memref<1024xi32, #tpu.memory_space<vmem>>, vector<16xi32>,
      %swap3A_130 = arith.constant 96 : index
      %swap3A_131 = tpu.vector_load %arg12[%swap3A_130] {strides = array<i32>} : memref<1024xf32, #tpu.memory_space<vmem>>, vector<16xf32>,
      tpu.vector_store %arg12[%swap3A_130], %broadcast_in_dim3A_5 {strides = array<i32>} : memref<1024xf32, #tpu.memory_space<vmem>>, vector<16xf32>,
      %swap3A_132 = arith.constant 96 : index
      %swap3A_133 = tpu.vector_load %arg13[%swap3A_132] {strides = array<i32>} : memref<1024xi32, #tpu.memory_space<vmem>>, vector<16xi32>,
      tpu.vector_store %arg13[%swap3A_132], %broadcast_in_dim3A_3 {strides = array<i32>} : memref<1024xi32, #tpu.memory_space<vmem>>, vector<16xi32>,
      %swap3A_134 = arith.constant 112 : index
      %swap3A_135 = tpu.vector_load %arg12[%swap3A_134] {strides = array<i32>} : memref<1024xf32, #tpu.memory_space<vmem>>, vector<16xf32>,
      tpu.vector_store %arg12[%swap3A_134], %broadcast_in_dim3A_5 {strides = array<i32>} : memref<1024xf32, #tpu.memory_space<vmem>>, vector<16xf32>,
      %swap3A_136 = arith.constant 112 : index
      %swap3A_137 = tpu.vector_load %arg13[%swap3A_136] {strides = array<i32>} : memref<1024xi32, #tpu.memory_space<vmem>>, vector<16xi32>,
      tpu.vector_store %arg13[%swap3A_136], %broadcast_in_dim3A_3 {strides = array<i32>} : memref<1024xi32, #tpu.memory_space<vmem>>, vector<16xi32>,
      %swap3A_138 = arith.constant 128 : index
      %swap3A_139 = tpu.vector_load %arg12[%swap3A_138] {strides = array<i32>} : memref<1024xf32, #tpu.memory_space<vmem>>, vector<16xf32>,
      tpu.vector_store %arg12[%swap3A_138], %broadcast_in_dim3A_5 {strides = array<i32>} : memref<1024xf32, #tpu.memory_space<vmem>>, vector<16xf32>,
      %swap3A_140 = arith.constant 128 : index
      %swap3A_141 = tpu.vector_load %arg13[%swap3A_140] {strides = array<i32>} : memref<1024xi32, #tpu.memory_space<vmem>>, vector<16xi32>,
      tpu.vector_store %arg13[%swap3A_140], %broadcast_in_dim3A_3 {strides = array<i32>} : memref<1024xi32, #tpu.memory_space<vmem>>, vector<16xi32>,
      %swap3A_142 = arith.constant 144 : index
      %swap3A_143 = tpu.vector_load %arg12[%swap3A_142] {strides = array<i32>} : memref<1024xf32, #tpu.memory_space<vmem>>, vector<16xf32>,
      tpu.vector_store %arg12[%swap3A_142], %broadcast_in_dim3A_5 {strides = array<i32>} : memref<1024xf32, #tpu.memory_space<vmem>>, vector<16xf32>,
      %swap3A_144 = arith.constant 144 : index
      %swap3A_145 = tpu.vector_load %arg13[%swap3A_144] {strides = array<i32>} : memref<1024xi32, #tpu.memory_space<vmem>>, vector<16xi32>,
      tpu.vector_store %arg13[%swap3A_144], %broadcast_in_dim3A_3 {strides = array<i32>} : memref<1024xi32, #tpu.memory_space<vmem>>, vector<16xi32>,
      %swap3A_146 = arith.constant 160 : index
      %swap3A_147 = tpu.vector_load %arg12[%swap3A_146] {strides = array<i32>} : memref<1024xf32, #tpu.memory_space<vmem>>, vector<16xf32>,
      tpu.vector_store %arg12[%swap3A_146], %broadcast_in_dim3A_5 {strides = array<i32>} : memref<1024xf32, #tpu.memory_space<vmem>>, vector<16xf32>,
      %swap3A_148 = arith.constant 160 : index
      %swap3A_149 = tpu.vector_load %arg13[%swap3A_148] {strides = array<i32>} : memref<1024xi32, #tpu.memory_space<vmem>>, vector<16xi32>,
      tpu.vector_store %arg13[%swap3A_148], %broadcast_in_dim3A_3 {strides = array<i32>} : memref<1024xi32, #tpu.memory_space<vmem>>, vector<16xi32>,
      %swap3A_150 = arith.constant 176 : index
      %swap3A_151 = tpu.vector_load %arg12[%swap3A_150] {strides = array<i32>} : memref<1024xf32, #tpu.memory_space<vmem>>, vector<16xf32>,
      tpu.vector_store %arg12[%swap3A_150], %broadcast_in_dim3A_5 {strides = array<i32>} : memref<1024xf32, #tpu.memory_space<vmem>>, vector<16xf32>,
      %swap3A_152 = arith.constant 176 : index
      %swap3A_153 = tpu.vector_load %arg13[%swap3A_152] {strides = array<i32>} : memref<1024xi32, #tpu.memory_space<vmem>>, vector<16xi32>,
      tpu.vector_store %arg13[%swap3A_152], %broadcast_in_dim3A_3 {strides = array<i32>} : memref<1024xi32, #tpu.memory_space<vmem>>, vector<16xi32>,
      %swap3A_154 = arith.constant 192 : index
      %swap3A_155 = tpu.vector_load %arg12[%swap3A_154] {strides = array<i32>} : memref<1024xf32, #tpu.memory_space<vmem>>, vector<16xf32>,
      tpu.vector_store %arg12[%swap3A_154], %broadcast_in_dim3A_5 {strides = array<i32>} : memref<1024xf32, #tpu.memory_space<vmem>>, vector<16xf32>,
      %swap3A_156 = arith.constant 192 : index
      %swap3A_157 = tpu.vector_load %arg13[%swap3A_156] {strides = array<i32>} : memref<1024xi32, #tpu.memory_space<vmem>>, vector<16xi32>,
      tpu.vector_store %arg13[%swap3A_156], %broadcast_in_dim3A_3 {strides = array<i32>} : memref<1024xi32, #tpu.memory_space<vmem>>, vector<16xi32>,
      %swap3A_158 = arith.constant 208 : index
      %swap3A_159 = tpu.vector_load %arg12[%swap3A_158] {strides = array<i32>} : memref<1024xf32, #tpu.memory_space<vmem>>, vector<16xf32>,
      tpu.vector_store %arg12[%swap3A_158], %broadcast_in_dim3A_5 {strides = array<i32>} : memref<1024xf32, #tpu.memory_space<vmem>>, vector<16xf32>,
      %swap3A_160 = arith.constant 208 : index
      %swap3A_161 = tpu.vector_load %arg13[%swap3A_160] {strides = array<i32>} : memref<1024xi32, #tpu.memory_space<vmem>>, vector<16xi32>,
      tpu.vector_store %arg13[%swap3A_160], %broadcast_in_dim3A_3 {strides = array<i32>} : memref<1024xi32, #tpu.memory_space<vmem>>, vector<16xi32>,
      %swap3A_162 = arith.constant 224 : index
      %swap3A_163 = tpu.vector_load %arg12[%swap3A_162] {strides = array<i32>} : memref<1024xf32, #tpu.memory_space<vmem>>, vector<16xf32>,
      tpu.vector_store %arg12[%swap3A_162], %broadcast_in_dim3A_5 {strides = array<i32>} : memref<1024xf32, #tpu.memory_space<vmem>>, vector<16xf32>,
      %swap3A_164 = arith.constant 224 : index
      %swap3A_165 = tpu.vector_load %arg13[%swap3A_164] {strides = array<i32>} : memref<1024xi32, #tpu.memory_space<vmem>>, vector<16xi32>,
      tpu.vector_store %arg13[%swap3A_164], %broadcast_in_dim3A_3 {strides = array<i32>} : memref<1024xi32, #tpu.memory_space<vmem>>, vector<16xi32>,
      %swap3A_166 = arith.constant 240 : index
      %swap3A_167 = tpu.vector_load %arg12[%swap3A_166] {strides = array<i32>} : memref<1024xf32, #tpu.memory_space<vmem>>, vector<16xf32>,
      tpu.vector_store %arg12[%swap3A_166], %broadcast_in_dim3A_5 {strides = array<i32>} : memref<1024xf32, #tpu.memory_space<vmem>>, vector<16xf32>,
      %swap3A_168 = arith.constant 240 : index
      %swap3A_169 = tpu.vector_load %arg13[%swap3A_168] {strides = array<i32>} : memref<1024xi32, #tpu.memory_space<vmem>>, vector<16xi32>,
      tpu.vector_store %arg13[%swap3A_168], %broadcast_in_dim3A_3 {strides = array<i32>} : memref<1024xi32, #tpu.memory_space<vmem>>, vector<16xi32>,
      %swap3A_170 = arith.constant 256 : index
      %swap3A_171 = tpu.vector_load %arg12[%swap3A_170] {strides = array<i32>} : memref<1024xf32, #tpu.memory_space<vmem>>, vector<16xf32>,
      tpu.vector_store %arg12[%swap3A_170], %broadcast_in_dim3A_5 {strides = array<i32>} : memref<1024xf32, #tpu.memory_space<vmem>>, vector<16xf32>,
      %swap3A_172 = arith.constant 256 : index
      %swap3A_173 = tpu.vector_load %arg13[%swap3A_172] {strides = array<i32>} : memref<1024xi32, #tpu.memory_space<vmem>>, vector<16xi32>,
      tpu.vector_store %arg13[%swap3A_172], %broadcast_in_dim3A_3 {strides = array<i32>} : memref<1024xi32, #tpu.memory_space<vmem>>, vector<16xi32>,
      %swap3A_174 = arith.constant 272 : index
      %swap3A_175 = tpu.vector_load %arg12[%swap3A_174] {strides = array<i32>} : memref<1024xf32, #tpu.memory_space<vmem>>, vector<16xf32>,
      tpu.vector_store %arg12[%swap3A_174], %broadcast_in_dim3A_5 {strides = array<i32>} : memref<1024xf32, #tpu.memory_space<vmem>>, vector<16xf32>,
      %swap3A_176 = arith.constant 272 : index
      %swap3A_177 = tpu.vector_load %arg13[%swap3A_176] {strides = array<i32>} : memref<1024xi32, #tpu.memory_space<vmem>>, vector<16xi32>,
      tpu.vector_store %arg13[%swap3A_176], %broadcast_in_dim3A_3 {strides = array<i32>} : memref<1024xi32, #tpu.memory_space<vmem>>, vector<16xi32>,
      %swap3A_178 = arith.constant 288 : index
      %swap3A_179 = tpu.vector_load %arg12[%swap3A_178] {strides = array<i32>} : memref<1024xf32, #tpu.memory_space<vmem>>, vector<16xf32>,
      tpu.vector_store %arg12[%swap3A_178], %broadcast_in_dim3A_5 {strides = array<i32>} : memref<1024xf32, #tpu.memory_space<vmem>>, vector<16xf32>,
      %swap3A_180 = arith.constant 288 : index
      %swap3A_181 = tpu.vector_load %arg13[%swap3A_180] {strides = array<i32>} : memref<1024xi32, #tpu.memory_space<vmem>>, vector<16xi32>,
      tpu.vector_store %arg13[%swap3A_180], %broadcast_in_dim3A_3 {strides = array<i32>} : memref<1024xi32, #tpu.memory_space<vmem>>, vector<16xi32>,
      %swap3A_182 = arith.constant 304 : index
      %swap3A_183 = tpu.vector_load %arg12[%swap3A_182] {strides = array<i32>} : memref<1024xf32, #tpu.memory_space<vmem>>, vector<16xf32>,
      tpu.vector_store %arg12[%swap3A_182], %broadcast_in_dim3A_5 {strides = array<i32>} : memref<1024xf32, #tpu.memory_space<vmem>>, vector<16xf32>,
      %swap3A_184 = arith.constant 304 : index
      %swap3A_185 = tpu.vector_load %arg13[%swap3A_184] {strides = array<i32>} : memref<1024xi32, #tpu.memory_space<vmem>>, vector<16xi32>,
      tpu.vector_store %arg13[%swap3A_184], %broadcast_in_dim3A_3 {strides = array<i32>} : memref<1024xi32, #tpu.memory_space<vmem>>, vector<16xi32>,
      %swap3A_186 = arith.constant 320 : index
      %swap3A_187 = tpu.vector_load %arg12[%swap3A_186] {strides = array<i32>} : memref<1024xf32, #tpu.memory_space<vmem>>, vector<16xf32>,
      tpu.vector_store %arg12[%swap3A_186], %broadcast_in_dim3A_5 {strides = array<i32>} : memref<1024xf32, #tpu.memory_space<vmem>>, vector<16xf32>,
      %swap3A_188 = arith.constant 320 : index
      %swap3A_189 = tpu.vector_load %arg13[%swap3A_188] {strides = array<i32>} : memref<1024xi32, #tpu.memory_space<vmem>>, vector<16xi32>,
      tpu.vector_store %arg13[%swap3A_188], %broadcast_in_dim3A_3 {strides = array<i32>} : memref<1024xi32, #tpu.memory_space<vmem>>, vector<16xi32>,
      %swap3A_190 = arith.constant 336 : index
      %swap3A_191 = tpu.vector_load %arg12[%swap3A_190] {strides = array<i32>} : memref<1024xf32, #tpu.memory_space<vmem>>, vector<16xf32>,
      tpu.vector_store %arg12[%swap3A_190], %broadcast_in_dim3A_5 {strides = array<i32>} : memref<1024xf32, #tpu.memory_space<vmem>>, vector<16xf32>,
      %swap3A_192 = arith.constant 336 : index
      %swap3A_193 = tpu.vector_load %arg13[%swap3A_192] {strides = array<i32>} : memref<1024xi32, #tpu.memory_space<vmem>>, vector<16xi32>,
      tpu.vector_store %arg13[%swap3A_192], %broadcast_in_dim3A_3 {strides = array<i32>} : memref<1024xi32, #tpu.memory_space<vmem>>, vector<16xi32>,
      %swap3A_194 = arith.constant 352 : index
      %swap3A_195 = tpu.vector_load %arg12[%swap3A_194] {strides = array<i32>} : memref<1024xf32, #tpu.memory_space<vmem>>, vector<16xf32>,
      tpu.vector_store %arg12[%swap3A_194], %broadcast_in_dim3A_5 {strides = array<i32>} : memref<1024xf32, #tpu.memory_space<vmem>>, vector<16xf32>,
      %swap3A_196 = arith.constant 352 : index
      %swap3A_197 = tpu.vector_load %arg13[%swap3A_196] {strides = array<i32>} : memref<1024xi32, #tpu.memory_space<vmem>>, vector<16xi32>,
      tpu.vector_store %arg13[%swap3A_196], %broadcast_in_dim3A_3 {strides = array<i32>} : memref<1024xi32, #tpu.memory_space<vmem>>, vector<16xi32>,
      %swap3A_198 = arith.constant 368 : index
      %swap3A_199 = tpu.vector_load %arg12[%swap3A_198] {strides = array<i32>} : memref<1024xf32, #tpu.memory_space<vmem>>, vector<16xf32>,
      tpu.vector_store %arg12[%swap3A_198], %broadcast_in_dim3A_5 {strides = array<i32>} : memref<1024xf32, #tpu.memory_space<vmem>>, vector<16xf32>,
      %swap3A_200 = arith.constant 368 : index
      %swap3A_201 = tpu.vector_load %arg13[%swap3A_200] {strides = array<i32>} : memref<1024xi32, #tpu.memory_space<vmem>>, vector<16xi32>,
      tpu.vector_store %arg13[%swap3A_200], %broadcast_in_dim3A_3 {strides = array<i32>} : memref<1024xi32, #tpu.memory_space<vmem>>, vector<16xi32>,
      %swap3A_202 = arith.constant 384 : index
      %swap3A_203 = tpu.vector_load %arg12[%swap3A_202] {strides = array<i32>} : memref<1024xf32, #tpu.memory_space<vmem>>, vector<16xf32>,
      tpu.vector_store %arg12[%swap3A_202], %broadcast_in_dim3A_5 {strides = array<i32>} : memref<1024xf32, #tpu.memory_space<vmem>>, vector<16xf32>,
      %swap3A_204 = arith.constant 384 : index
      %swap3A_205 = tpu.vector_load %arg13[%swap3A_204] {strides = array<i32>} : memref<1024xi32, #tpu.memory_space<vmem>>, vector<16xi32>,
      tpu.vector_store %arg13[%swap3A_204], %broadcast_in_dim3A_3 {strides = array<i32>} : memref<1024xi32, #tpu.memory_space<vmem>>, vector<16xi32>,
      %swap3A_206 = arith.constant 400 : index
      %swap3A_207 = tpu.vector_load %arg12[%swap3A_206] {strides = array<i32>} : memref<1024xf32, #tpu.memory_space<vmem>>, vector<16xf32>,
      tpu.vector_store %arg12[%swap3A_206], %broadcast_in_dim3A_5 {strides = array<i32>} : memref<1024xf32, #tpu.memory_space<vmem>>, vector<16xf32>,
      %swap3A_208 = arith.constant 400 : index
      %swap3A_209 = tpu.vector_load %arg13[%swap3A_208] {strides = array<i32>} : memref<1024xi32, #tpu.memory_space<vmem>>, vector<16xi32>,
      tpu.vector_store %arg13[%swap3A_208], %broadcast_in_dim3A_3 {strides = array<i32>} : memref<1024xi32, #tpu.memory_space<vmem>>, vector<16xi32>,
      %swap3A_210 = arith.constant 416 : index
      %swap3A_211 = tpu.vector_load %arg12[%swap3A_210] {strides = array<i32>} : memref<1024xf32, #tpu.memory_space<vmem>>, vector<16xf32>,
      tpu.vector_store %arg12[%swap3A_210], %broadcast_in_dim3A_5 {strides = array<i32>} : memref<1024xf32, #tpu.memory_space<vmem>>, vector<16xf32>,
      %swap3A_212 = arith.constant 416 : index
      %swap3A_213 = tpu.vector_load %arg13[%swap3A_212] {strides = array<i32>} : memref<1024xi32, #tpu.memory_space<vmem>>, vector<16xi32>,
      tpu.vector_store %arg13[%swap3A_212], %broadcast_in_dim3A_3 {strides = array<i32>} : memref<1024xi32, #tpu.memory_space<vmem>>, vector<16xi32>,
      %swap3A_214 = arith.constant 432 : index
      %swap3A_215 = tpu.vector_load %arg12[%swap3A_214] {strides = array<i32>} : memref<1024xf32, #tpu.memory_space<vmem>>, vector<16xf32>,
      tpu.vector_store %arg12[%swap3A_214], %broadcast_in_dim3A_5 {strides = array<i32>} : memref<1024xf32, #tpu.memory_space<vmem>>, vector<16xf32>,
      %swap3A_216 = arith.constant 432 : index
      %swap3A_217 = tpu.vector_load %arg13[%swap3A_216] {strides = array<i32>} : memref<1024xi32, #tpu.memory_space<vmem>>, vector<16xi32>,
      tpu.vector_store %arg13[%swap3A_216], %broadcast_in_dim3A_3 {strides = array<i32>} : memref<1024xi32, #tpu.memory_space<vmem>>, vector<16xi32>,
      %swap3A_218 = arith.constant 448 : index
      %swap3A_219 = tpu.vector_load %arg12[%swap3A_218] {strides = array<i32>} : memref<1024xf32, #tpu.memory_space<vmem>>, vector<16xf32>,
      tpu.vector_store %arg12[%swap3A_218], %broadcast_in_dim3A_5 {strides = array<i32>} : memref<1024xf32, #tpu.memory_space<vmem>>, vector<16xf32>,
      %swap3A_220 = arith.constant 448 : index
      %swap3A_221 = tpu.vector_load %arg13[%swap3A_220] {strides = array<i32>} : memref<1024xi32, #tpu.memory_space<vmem>>, vector<16xi32>,
      tpu.vector_store %arg13[%swap3A_220], %broadcast_in_dim3A_3 {strides = array<i32>} : memref<1024xi32, #tpu.memory_space<vmem>>, vector<16xi32>,
      %swap3A_222 = arith.constant 464 : index
      %swap3A_223 = tpu.vector_load %arg12[%swap3A_222] {strides = array<i32>} : memref<1024xf32, #tpu.memory_space<vmem>>, vector<16xf32>,
      tpu.vector_store %arg12[%swap3A_222], %broadcast_in_dim3A_5 {strides = array<i32>} : memref<1024xf32, #tpu.memory_space<vmem>>, vector<16xf32>,
      %swap3A_224 = arith.constant 464 : index
      %swap3A_225 = tpu.vector_load %arg13[%swap3A_224] {strides = array<i32>} : memref<1024xi32, #tpu.memory_space<vmem>>, vector<16xi32>,
      tpu.vector_store %arg13[%swap3A_224], %broadcast_in_dim3A_3 {strides = array<i32>} : memref<1024xi32, #tpu.memory_space<vmem>>, vector<16xi32>,
      %swap3A_226 = arith.constant 480 : index
      %swap3A_227 = tpu.vector_load %arg12[%swap3A_226] {strides = array<i32>} : memref<1024xf32, #tpu.memory_space<vmem>>, vector<16xf32>,
      tpu.vector_store %arg12[%swap3A_226], %broadcast_in_dim3A_5 {strides = array<i32>} : memref<1024xf32, #tpu.memory_space<vmem>>, vector<16xf32>,
      %swap3A_228 = arith.constant 480 : index
      %swap3A_229 = tpu.vector_load %arg13[%swap3A_228] {strides = array<i32>} : memref<1024xi32, #tpu.memory_space<vmem>>, vector<16xi32>,
      tpu.vector_store %arg13[%swap3A_228], %broadcast_in_dim3A_3 {strides = array<i32>} : memref<1024xi32, #tpu.memory_space<vmem>>, vector<16xi32>,
      %swap3A_230 = arith.constant 496 : index
      %swap3A_231 = tpu.vector_load %arg12[%swap3A_230] {strides = array<i32>} : memref<1024xf32, #tpu.memory_space<vmem>>, vector<16xf32>,
      tpu.vector_store %arg12[%swap3A_230], %broadcast_in_dim3A_5 {strides = array<i32>} : memref<1024xf32, #tpu.memory_space<vmem>>, vector<16xf32>,
      %swap3A_232 = arith.constant 496 : index
      %swap3A_233 = tpu.vector_load %arg13[%swap3A_232] {strides = array<i32>} : memref<1024xi32, #tpu.memory_space<vmem>>, vector<16xi32>,
      tpu.vector_store %arg13[%swap3A_232], %broadcast_in_dim3A_3 {strides = array<i32>} : memref<1024xi32, #tpu.memory_space<vmem>>, vector<16xi32>,
      %swap3A_234 = arith.constant 512 : index
      %swap3A_235 = tpu.vector_load %arg12[%swap3A_234] {strides = array<i32>} : memref<1024xf32, #tpu.memory_space<vmem>>, vector<16xf32>,
      tpu.vector_store %arg12[%swap3A_234], %broadcast_in_dim3A_5 {strides = array<i32>} : memref<1024xf32, #tpu.memory_space<vmem>>, vector<16xf32>,
      %swap3A_236 = arith.constant 512 : index
      %swap3A_237 = tpu.vector_load %arg13[%swap3A_236] {strides = array<i32>} : memref<1024xi32, #tpu.memory_space<vmem>>, vector<16xi32>,
      tpu.vector_store %arg13[%swap3A_236], %broadcast_in_dim3A_3 {strides = array<i32>} : memref<1024xi32, #tpu.memory_space<vmem>>, vector<16xi32>,
      %swap3A_238 = arith.constant 528 : index
      %swap3A_239 = tpu.vector_load %arg12[%swap3A_238] {strides = array<i32>} : memref<1024xf32, #tpu.memory_space<vmem>>, vector<16xf32>,
      tpu.vector_store %arg12[%swap3A_238], %broadcast_in_dim3A_5 {strides = array<i32>} : memref<1024xf32, #tpu.memory_space<vmem>>, vector<16xf32>,
      %swap3A_240 = arith.constant 528 : index
      %swap3A_241 = tpu.vector_load %arg13[%swap3A_240] {strides = array<i32>} : memref<1024xi32, #tpu.memory_space<vmem>>, vector<16xi32>,
      tpu.vector_store %arg13[%swap3A_240], %broadcast_in_dim3A_3 {strides = array<i32>} : memref<1024xi32, #tpu.memory_space<vmem>>, vector<16xi32>,
      %swap3A_242 = arith.constant 544 : index
      %swap3A_243 = tpu.vector_load %arg12[%swap3A_242] {strides = array<i32>} : memref<1024xf32, #tpu.memory_space<vmem>>, vector<16xf32>,
      tpu.vector_store %arg12[%swap3A_242], %broadcast_in_dim3A_5 {strides = array<i32>} : memref<1024xf32, #tpu.memory_space<vmem>>, vector<16xf32>,
      %swap3A_244 = arith.constant 544 : index
      %swap3A_245 = tpu.vector_load %arg13[%swap3A_244] {strides = array<i32>} : memref<1024xi32, #tpu.memory_space<vmem>>, vector<16xi32>,
      tpu.vector_store %arg13[%swap3A_244], %broadcast_in_dim3A_3 {strides = array<i32>} : memref<1024xi32, #tpu.memory_space<vmem>>, vector<16xi32>,
      %swap3A_246 = arith.constant 560 : index
      %swap3A_247 = tpu.vector_load %arg12[%swap3A_246] {strides = array<i32>} : memref<1024xf32, #tpu.memory_space<vmem>>, vector<16xf32>,
      tpu.vector_store %arg12[%swap3A_246], %broadcast_in_dim3A_5 {strides = array<i32>} : memref<1024xf32, #tpu.memory_space<vmem>>, vector<16xf32>,
      %swap3A_248 = arith.constant 560 : index
      %swap3A_249 = tpu.vector_load %arg13[%swap3A_248] {strides = array<i32>} : memref<1024xi32, #tpu.memory_space<vmem>>, vector<16xi32>,
      tpu.vector_store %arg13[%swap3A_248], %broadcast_in_dim3A_3 {strides = array<i32>} : memref<1024xi32, #tpu.memory_space<vmem>>, vector<16xi32>,
      %swap3A_250 = arith.constant 576 : index
      %swap3A_251 = tpu.vector_load %arg12[%swap3A_250] {strides = array<i32>} : memref<1024xf32, #tpu.memory_space<vmem>>, vector<16xf32>,
      tpu.vector_store %arg12[%swap3A_250], %broadcast_in_dim3A_5 {strides = array<i32>} : memref<1024xf32, #tpu.memory_space<vmem>>, vector<16xf32>,
      %swap3A_252 = arith.constant 576 : index
      %swap3A_253 = tpu.vector_load %arg13[%swap3A_252] {strides = array<i32>} : memref<1024xi32, #tpu.memory_space<vmem>>, vector<16xi32>,
      tpu.vector_store %arg13[%swap3A_252], %broadcast_in_dim3A_3 {strides = array<i32>} : memref<1024xi32, #tpu.memory_space<vmem>>, vector<16xi32>,
      %swap3A_254 = arith.constant 592 : index
      %swap3A_255 = tpu.vector_load %arg12[%swap3A_254] {strides = array<i32>} : memref<1024xf32, #tpu.memory_space<vmem>>, vector<16xf32>,
      tpu.vector_store %arg12[%swap3A_254], %broadcast_in_dim3A_5 {strides = array<i32>} : memref<1024xf32, #tpu.memory_space<vmem>>, vector<16xf32>,
      %swap3A_256 = arith.constant 592 : index
      %swap3A_257 = tpu.vector_load %arg13[%swap3A_256] {strides = array<i32>} : memref<1024xi32, #tpu.memory_space<vmem>>, vector<16xi32>,
      tpu.vector_store %arg13[%swap3A_256], %broadcast_in_dim3A_3 {strides = array<i32>} : memref<1024xi32, #tpu.memory_space<vmem>>, vector<16xi32>,
      %swap3A_258 = arith.constant 608 : index
      %swap3A_259 = tpu.vector_load %arg12[%swap3A_258] {strides = array<i32>} : memref<1024xf32, #tpu.memory_space<vmem>>, vector<16xf32>,
      tpu.vector_store %arg12[%swap3A_258], %broadcast_in_dim3A_5 {strides = array<i32>} : memref<1024xf32, #tpu.memory_space<vmem>>, vector<16xf32>,
      %swap3A_260 = arith.constant 608 : index
      %swap3A_261 = tpu.vector_load %arg13[%swap3A_260] {strides = array<i32>} : memref<1024xi32, #tpu.memory_space<vmem>>, vector<16xi32>,
      tpu.vector_store %arg13[%swap3A_260], %broadcast_in_dim3A_3 {strides = array<i32>} : memref<1024xi32, #tpu.memory_space<vmem>>, vector<16xi32>,
      %swap3A_262 = arith.constant 624 : index
      %swap3A_263 = tpu.vector_load %arg12[%swap3A_262] {strides = array<i32>} : memref<1024xf32, #tpu.memory_space<vmem>>, vector<16xf32>,
      tpu.vector_store %arg12[%swap3A_262], %broadcast_in_dim3A_5 {strides = array<i32>} : memref<1024xf32, #tpu.memory_space<vmem>>, vector<16xf32>,
      %swap3A_264 = arith.constant 624 : index
      %swap3A_265 = tpu.vector_load %arg13[%swap3A_264] {strides = array<i32>} : memref<1024xi32, #tpu.memory_space<vmem>>, vector<16xi32>,
      tpu.vector_store %arg13[%swap3A_264], %broadcast_in_dim3A_3 {strides = array<i32>} : memref<1024xi32, #tpu.memory_space<vmem>>, vector<16xi32>,
      %swap3A_266 = arith.constant 640 : index
      %swap3A_267 = tpu.vector_load %arg12[%swap3A_266] {strides = array<i32>} : memref<1024xf32, #tpu.memory_space<vmem>>, vector<16xf32>,
      tpu.vector_store %arg12[%swap3A_266], %broadcast_in_dim3A_5 {strides = array<i32>} : memref<1024xf32, #tpu.memory_space<vmem>>, vector<16xf32>,
      %swap3A_268 = arith.constant 640 : index
      %swap3A_269 = tpu.vector_load %arg13[%swap3A_268] {strides = array<i32>} : memref<1024xi32, #tpu.memory_space<vmem>>, vector<16xi32>,
      tpu.vector_store %arg13[%swap3A_268], %broadcast_in_dim3A_3 {strides = array<i32>} : memref<1024xi32, #tpu.memory_space<vmem>>, vector<16xi32>,
      %swap3A_270 = arith.constant 656 : index
      %swap3A_271 = tpu.vector_load %arg12[%swap3A_270] {strides = array<i32>} : memref<1024xf32, #tpu.memory_space<vmem>>, vector<16xf32>,
      tpu.vector_store %arg12[%swap3A_270], %broadcast_in_dim3A_5 {strides = array<i32>} : memref<1024xf32, #tpu.memory_space<vmem>>, vector<16xf32>,
      %swap3A_272 = arith.constant 656 : index
      %swap3A_273 = tpu.vector_load %arg13[%swap3A_272] {strides = array<i32>} : memref<1024xi32, #tpu.memory_space<vmem>>, vector<16xi32>,
      tpu.vector_store %arg13[%swap3A_272], %broadcast_in_dim3A_3 {strides = array<i32>} : memref<1024xi32, #tpu.memory_space<vmem>>, vector<16xi32>,
      %swap3A_274 = arith.constant 672 : index
      %swap3A_275 = tpu.vector_load %arg12[%swap3A_274] {strides = array<i32>} : memref<1024xf32, #tpu.memory_space<vmem>>, vector<16xf32>,
      tpu.vector_store %arg12[%swap3A_274], %broadcast_in_dim3A_5 {strides = array<i32>} : memref<1024xf32, #tpu.memory_space<vmem>>, vector<16xf32>,
      %swap3A_276 = arith.constant 672 : index
      %swap3A_277 = tpu.vector_load %arg13[%swap3A_276] {strides = array<i32>} : memref<1024xi32, #tpu.memory_space<vmem>>, vector<16xi32>,
      tpu.vector_store %arg13[%swap3A_276], %broadcast_in_dim3A_3 {strides = array<i32>} : memref<1024xi32, #tpu.memory_space<vmem>>, vector<16xi32>,
      %swap3A_278 = arith.constant 688 : index
      %swap3A_279 = tpu.vector_load %arg12[%swap3A_278] {strides = array<i32>} : memref<1024xf32, #tpu.memory_space<vmem>>, vector<16xf32>,
      tpu.vector_store %arg12[%swap3A_278], %broadcast_in_dim3A_5 {strides = array<i32>} : memref<1024xf32, #tpu.memory_space<vmem>>, vector<16xf32>,
      %swap3A_280 = arith.constant 688 : index
      %swap3A_281 = tpu.vector_load %arg13[%swap3A_280] {strides = array<i32>} : memref<1024xi32, #tpu.memory_space<vmem>>, vector<16xi32>,
      tpu.vector_store %arg13[%swap3A_280], %broadcast_in_dim3A_3 {strides = array<i32>} : memref<1024xi32, #tpu.memory_space<vmem>>, vector<16xi32>,
      %swap3A_282 = arith.constant 704 : index
      %swap3A_283 = tpu.vector_load %arg12[%swap3A_282] {strides = array<i32>} : memref<1024xf32, #tpu.memory_space<vmem>>, vector<16xf32>,
      tpu.vector_store %arg12[%swap3A_282], %broadcast_in_dim3A_5 {strides = array<i32>} : memref<1024xf32, #tpu.memory_space<vmem>>, vector<16xf32>,
      %swap3A_284 = arith.constant 704 : index
      %swap3A_285 = tpu.vector_load %arg13[%swap3A_284] {strides = array<i32>} : memref<1024xi32, #tpu.memory_space<vmem>>, vector<16xi32>,
      tpu.vector_store %arg13[%swap3A_284], %broadcast_in_dim3A_3 {strides = array<i32>} : memref<1024xi32, #tpu.memory_space<vmem>>, vector<16xi32>,
      %swap3A_286 = arith.constant 720 : index
      %swap3A_287 = tpu.vector_load %arg12[%swap3A_286] {strides = array<i32>} : memref<1024xf32, #tpu.memory_space<vmem>>, vector<16xf32>,
      tpu.vector_store %arg12[%swap3A_286], %broadcast_in_dim3A_5 {strides = array<i32>} : memref<1024xf32, #tpu.memory_space<vmem>>, vector<16xf32>,
      %swap3A_288 = arith.constant 720 : index
      %swap3A_289 = tpu.vector_load %arg13[%swap3A_288] {strides = array<i32>} : memref<1024xi32, #tpu.memory_space<vmem>>, vector<16xi32>,
      tpu.vector_store %arg13[%swap3A_288], %broadcast_in_dim3A_3 {strides = array<i32>} : memref<1024xi32, #tpu.memory_space<vmem>>, vector<16xi32>,
      %swap3A_290 = arith.constant 736 : index
      %swap3A_291 = tpu.vector_load %arg12[%swap3A_290] {strides = array<i32>} : memref<1024xf32, #tpu.memory_space<vmem>>, vector<16xf32>,
      tpu.vector_store %arg12[%swap3A_290], %broadcast_in_dim3A_5 {strides = array<i32>} : memref<1024xf32, #tpu.memory_space<vmem>>, vector<16xf32>,
      %swap3A_292 = arith.constant 736 : index
      %swap3A_293 = tpu.vector_load %arg13[%swap3A_292] {strides = array<i32>} : memref<1024xi32, #tpu.memory_space<vmem>>, vector<16xi32>,
      tpu.vector_store %arg13[%swap3A_292], %broadcast_in_dim3A_3 {strides = array<i32>} : memref<1024xi32, #tpu.memory_space<vmem>>, vector<16xi32>,
      %swap3A_294 = arith.constant 752 : index
      %swap3A_295 = tpu.vector_load %arg12[%swap3A_294] {strides = array<i32>} : memref<1024xf32, #tpu.memory_space<vmem>>, vector<16xf32>,
      tpu.vector_store %arg12[%swap3A_294], %broadcast_in_dim3A_5 {strides = array<i32>} : memref<1024xf32, #tpu.memory_space<vmem>>, vector<16xf32>,
      %swap3A_296 = arith.constant 752 : index
      %swap3A_297 = tpu.vector_load %arg13[%swap3A_296] {strides = array<i32>} : memref<1024xi32, #tpu.memory_space<vmem>>, vector<16xi32>,
      tpu.vector_store %arg13[%swap3A_296], %broadcast_in_dim3A_3 {strides = array<i32>} : memref<1024xi32, #tpu.memory_space<vmem>>, vector<16xi32>,
      %swap3A_298 = arith.constant 768 : index
      %swap3A_299 = tpu.vector_load %arg12[%swap3A_298] {strides = array<i32>} : memref<1024xf32, #tpu.memory_space<vmem>>, vector<16xf32>,
      tpu.vector_store %arg12[%swap3A_298], %broadcast_in_dim3A_5 {strides = array<i32>} : memref<1024xf32, #tpu.memory_space<vmem>>, vector<16xf32>,
      %swap3A_300 = arith.constant 768 : index
      %swap3A_301 = tpu.vector_load %arg13[%swap3A_300] {strides = array<i32>} : memref<1024xi32, #tpu.memory_space<vmem>>, vector<16xi32>,
      tpu.vector_store %arg13[%swap3A_300], %broadcast_in_dim3A_3 {strides = array<i32>} : memref<1024xi32, #tpu.memory_space<vmem>>, vector<16xi32>,
      %swap3A_302 = arith.constant 784 : index
      %swap3A_303 = tpu.vector_load %arg12[%swap3A_302] {strides = array<i32>} : memref<1024xf32, #tpu.memory_space<vmem>>, vector<16xf32>,
      tpu.vector_store %arg12[%swap3A_302], %broadcast_in_dim3A_5 {strides = array<i32>} : memref<1024xf32, #tpu.memory_space<vmem>>, vector<16xf32>,
      %swap3A_304 = arith.constant 784 : index
      %swap3A_305 = tpu.vector_load %arg13[%swap3A_304] {strides = array<i32>} : memref<1024xi32, #tpu.memory_space<vmem>>, vector<16xi32>,
      tpu.vector_store %arg13[%swap3A_304], %broadcast_in_dim3A_3 {strides = array<i32>} : memref<1024xi32, #tpu.memory_space<vmem>>, vector<16xi32>,
      %swap3A_306 = arith.constant 800 : index
      %swap3A_307 = tpu.vector_load %arg12[%swap3A_306] {strides = array<i32>} : memref<1024xf32, #tpu.memory_space<vmem>>, vector<16xf32>,
      tpu.vector_store %arg12[%swap3A_306], %broadcast_in_dim3A_5 {strides = array<i32>} : memref<1024xf32, #tpu.memory_space<vmem>>, vector<16xf32>,
      %swap3A_308 = arith.constant 800 : index
      %swap3A_309 = tpu.vector_load %arg13[%swap3A_308] {strides = array<i32>} : memref<1024xi32, #tpu.memory_space<vmem>>, vector<16xi32>,
      tpu.vector_store %arg13[%swap3A_308], %broadcast_in_dim3A_3 {strides = array<i32>} : memref<1024xi32, #tpu.memory_space<vmem>>, vector<16xi32>,
      %swap3A_310 = arith.constant 816 : index
      %swap3A_311 = tpu.vector_load %arg12[%swap3A_310] {strides = array<i32>} : memref<1024xf32, #tpu.memory_space<vmem>>, vector<16xf32>,
      tpu.vector_store %arg12[%swap3A_310], %broadcast_in_dim3A_5 {strides = array<i32>} : memref<1024xf32, #tpu.memory_space<vmem>>, vector<16xf32>,
      %swap3A_312 = arith.constant 816 : index
      %swap3A_313 = tpu.vector_load %arg13[%swap3A_312] {strides = array<i32>} : memref<1024xi32, #tpu.memory_space<vmem>>, vector<16xi32>,
      tpu.vector_store %arg13[%swap3A_312], %broadcast_in_dim3A_3 {strides = array<i32>} : memref<1024xi32, #tpu.memory_space<vmem>>, vector<16xi32>,
      %swap3A_314 = arith.constant 832 : index
      %swap3A_315 = tpu.vector_load %arg12[%swap3A_314] {strides = array<i32>} : memref<1024xf32, #tpu.memory_space<vmem>>, vector<16xf32>,
      tpu.vector_store %arg12[%swap3A_314], %broadcast_in_dim3A_5 {strides = array<i32>} : memref<1024xf32, #tpu.memory_space<vmem>>, vector<16xf32>,
      %swap3A_316 = arith.constant 832 : index
      %swap3A_317 = tpu.vector_load %arg13[%swap3A_316] {strides = array<i32>} : memref<1024xi32, #tpu.memory_space<vmem>>, vector<16xi32>,
      tpu.vector_store %arg13[%swap3A_316], %broadcast_in_dim3A_3 {strides = array<i32>} : memref<1024xi32, #tpu.memory_space<vmem>>, vector<16xi32>,
      %swap3A_318 = arith.constant 848 : index
      %swap3A_319 = tpu.vector_load %arg12[%swap3A_318] {strides = array<i32>} : memref<1024xf32, #tpu.memory_space<vmem>>, vector<16xf32>,
      tpu.vector_store %arg12[%swap3A_318], %broadcast_in_dim3A_5 {strides = array<i32>} : memref<1024xf32, #tpu.memory_space<vmem>>, vector<16xf32>,
      %swap3A_320 = arith.constant 848 : index
      %swap3A_321 = tpu.vector_load %arg13[%swap3A_320] {strides = array<i32>} : memref<1024xi32, #tpu.memory_space<vmem>>, vector<16xi32>,
      tpu.vector_store %arg13[%swap3A_320], %broadcast_in_dim3A_3 {strides = array<i32>} : memref<1024xi32, #tpu.memory_space<vmem>>, vector<16xi32>,
      %swap3A_322 = arith.constant 864 : index
      %swap3A_323 = tpu.vector_load %arg12[%swap3A_322] {strides = array<i32>} : memref<1024xf32, #tpu.memory_space<vmem>>, vector<16xf32>,
      tpu.vector_store %arg12[%swap3A_322], %broadcast_in_dim3A_5 {strides = array<i32>} : memref<1024xf32, #tpu.memory_space<vmem>>, vector<16xf32>,
      %swap3A_324 = arith.constant 864 : index
      %swap3A_325 = tpu.vector_load %arg13[%swap3A_324] {strides = array<i32>} : memref<1024xi32, #tpu.memory_space<vmem>>, vector<16xi32>,
      tpu.vector_store %arg13[%swap3A_324], %broadcast_in_dim3A_3 {strides = array<i32>} : memref<1024xi32, #tpu.memory_space<vmem>>, vector<16xi32>,
      %swap3A_326 = arith.constant 880 : index
      %swap3A_327 = tpu.vector_load %arg12[%swap3A_326] {strides = array<i32>} : memref<1024xf32, #tpu.memory_space<vmem>>, vector<16xf32>,
      tpu.vector_store %arg12[%swap3A_326], %broadcast_in_dim3A_5 {strides = array<i32>} : memref<1024xf32, #tpu.memory_space<vmem>>, vector<16xf32>,
      %swap3A_328 = arith.constant 880 : index
      %swap3A_329 = tpu.vector_load %arg13[%swap3A_328] {strides = array<i32>} : memref<1024xi32, #tpu.memory_space<vmem>>, vector<16xi32>,
      tpu.vector_store %arg13[%swap3A_328], %broadcast_in_dim3A_3 {strides = array<i32>} : memref<1024xi32, #tpu.memory_space<vmem>>, vector<16xi32>,
      %swap3A_330 = arith.constant 896 : index
      %swap3A_331 = tpu.vector_load %arg12[%swap3A_330] {strides = array<i32>} : memref<1024xf32, #tpu.memory_space<vmem>>, vector<16xf32>,
      tpu.vector_store %arg12[%swap3A_330], %broadcast_in_dim3A_5 {strides = array<i32>} : memref<1024xf32, #tpu.memory_space<vmem>>, vector<16xf32>,
      %swap3A_332 = arith.constant 896 : index
      %swap3A_333 = tpu.vector_load %arg13[%swap3A_332] {strides = array<i32>} : memref<1024xi32, #tpu.memory_space<vmem>>, vector<16xi32>,
      tpu.vector_store %arg13[%swap3A_332], %broadcast_in_dim3A_3 {strides = array<i32>} : memref<1024xi32, #tpu.memory_space<vmem>>, vector<16xi32>,
      %swap3A_334 = arith.constant 912 : index
      %swap3A_335 = tpu.vector_load %arg12[%swap3A_334] {strides = array<i32>} : memref<1024xf32, #tpu.memory_space<vmem>>, vector<16xf32>,
      tpu.vector_store %arg12[%swap3A_334], %broadcast_in_dim3A_5 {strides = array<i32>} : memref<1024xf32, #tpu.memory_space<vmem>>, vector<16xf32>,
      %swap3A_336 = arith.constant 912 : index
      %swap3A_337 = tpu.vector_load %arg13[%swap3A_336] {strides = array<i32>} : memref<1024xi32, #tpu.memory_space<vmem>>, vector<16xi32>,
      tpu.vector_store %arg13[%swap3A_336], %broadcast_in_dim3A_3 {strides = array<i32>} : memref<1024xi32, #tpu.memory_space<vmem>>, vector<16xi32>,
      %swap3A_338 = arith.constant 928 : index
      %swap3A_339 = tpu.vector_load %arg12[%swap3A_338] {strides = array<i32>} : memref<1024xf32, #tpu.memory_space<vmem>>, vector<16xf32>,
      tpu.vector_store %arg12[%swap3A_338], %broadcast_in_dim3A_5 {strides = array<i32>} : memref<1024xf32, #tpu.memory_space<vmem>>, vector<16xf32>,
      %swap3A_340 = arith.constant 928 : index
      %swap3A_341 = tpu.vector_load %arg13[%swap3A_340] {strides = array<i32>} : memref<1024xi32, #tpu.memory_space<vmem>>, vector<16xi32>,
      tpu.vector_store %arg13[%swap3A_340], %broadcast_in_dim3A_3 {strides = array<i32>} : memref<1024xi32, #tpu.memory_space<vmem>>, vector<16xi32>,
      %swap3A_342 = arith.constant 944 : index
      %swap3A_343 = tpu.vector_load %arg12[%swap3A_342] {strides = array<i32>} : memref<1024xf32, #tpu.memory_space<vmem>>, vector<16xf32>,
      tpu.vector_store %arg12[%swap3A_342], %broadcast_in_dim3A_5 {strides = array<i32>} : memref<1024xf32, #tpu.memory_space<vmem>>, vector<16xf32>,
      %swap3A_344 = arith.constant 944 : index
      %swap3A_345 = tpu.vector_load %arg13[%swap3A_344] {strides = array<i32>} : memref<1024xi32, #tpu.memory_space<vmem>>, vector<16xi32>,
      tpu.vector_store %arg13[%swap3A_344], %broadcast_in_dim3A_3 {strides = array<i32>} : memref<1024xi32, #tpu.memory_space<vmem>>, vector<16xi32>,
      %swap3A_346 = arith.constant 960 : index
      %swap3A_347 = tpu.vector_load %arg12[%swap3A_346] {strides = array<i32>} : memref<1024xf32, #tpu.memory_space<vmem>>, vector<16xf32>,
      tpu.vector_store %arg12[%swap3A_346], %broadcast_in_dim3A_5 {strides = array<i32>} : memref<1024xf32, #tpu.memory_space<vmem>>, vector<16xf32>,
      %swap3A_348 = arith.constant 960 : index
      %swap3A_349 = tpu.vector_load %arg13[%swap3A_348] {strides = array<i32>} : memref<1024xi32, #tpu.memory_space<vmem>>, vector<16xi32>,
      tpu.vector_store %arg13[%swap3A_348], %broadcast_in_dim3A_3 {strides = array<i32>} : memref<1024xi32, #tpu.memory_space<vmem>>, vector<16xi32>,
      %swap3A_350 = arith.constant 976 : index
      %swap3A_351 = tpu.vector_load %arg12[%swap3A_350] {strides = array<i32>} : memref<1024xf32, #tpu.memory_space<vmem>>, vector<16xf32>,
      tpu.vector_store %arg12[%swap3A_350], %broadcast_in_dim3A_5 {strides = array<i32>} : memref<1024xf32, #tpu.memory_space<vmem>>, vector<16xf32>,
      %swap3A_352 = arith.constant 976 : index
      %swap3A_353 = tpu.vector_load %arg13[%swap3A_352] {strides = array<i32>} : memref<1024xi32, #tpu.memory_space<vmem>>, vector<16xi32>,
      tpu.vector_store %arg13[%swap3A_352], %broadcast_in_dim3A_3 {strides = array<i32>} : memref<1024xi32, #tpu.memory_space<vmem>>, vector<16xi32>,
      %swap3A_354 = arith.constant 992 : index
      %swap3A_355 = tpu.vector_load %arg12[%swap3A_354] {strides = array<i32>} : memref<1024xf32, #tpu.memory_space<vmem>>, vector<16xf32>,
      tpu.vector_store %arg12[%swap3A_354], %broadcast_in_dim3A_5 {strides = array<i32>} : memref<1024xf32, #tpu.memory_space<vmem>>, vector<16xf32>,
      %swap3A_356 = arith.constant 992 : index
      %swap3A_357 = tpu.vector_load %arg13[%swap3A_356] {strides = array<i32>} : memref<1024xi32, #tpu.memory_space<vmem>>, vector<16xi32>,
      tpu.vector_store %arg13[%swap3A_356], %broadcast_in_dim3A_3 {strides = array<i32>} : memref<1024xi32, #tpu.memory_space<vmem>>, vector<16xi32>,
      %swap3A_358 = arith.constant 1008 : index
      %swap3A_359 = tpu.vector_load %arg12[%swap3A_358] {strides = array<i32>} : memref<1024xf32, #tpu.memory_space<vmem>>, vector<16xf32>,
      tpu.vector_store %arg12[%swap3A_358], %broadcast_in_dim3A_5 {strides = array<i32>} : memref<1024xf32, #tpu.memory_space<vmem>>, vector<16xf32>,
      %swap3A_360 = arith.constant 1008 : index
      %swap3A_361 = tpu.vector_load %arg13[%swap3A_360] {strides = array<i32>} : memref<1024xi32, #tpu.memory_space<vmem>>, vector<16xi32>,
      tpu.vector_store %arg13[%swap3A_360], %broadcast_in_dim3A_3 {strides = array<i32>} : memref<1024xi32, #tpu.memory_space<vmem>>, vector<16xi32>,
      %scan3A_362 = arith.constant 0 : i32
      %scan3A_363 = arith.constant 0 : i32
      %scan3A_364 = arith.constant 100 : i32
      %scan3A_365 = arith.addi %scan3A_363, %scan3A_364 : i32
      %scan3A_366 = arith.constant 1 : i32
      %scan3A_367 = scf.for %scan3A_604 = %scan3A_363 to %scan3A_365 step %scan3A_366 iter_args(%scan3A_605 = %scan3A_362) -> (i32)  : i32 {
        %broadcast_in_dim3A_606 = vector.broadcast %scan3A_604 : i32 to vector<16xi32>
        %gather3A = tpu.vector_load_idx %arg10[%broadcast_in_dim3A_606] : memref<128xi32, #tpu.memory_space<vmem>>[vector<16xi32>], vector<16xi32>,
        %mul3A_607 = arith.constant 196 : i32
        %mul3A_608 = arith.muli %add3A_20, %mul3A_607 : i32
        %sub3A_609 = vector.broadcast %mul3A_608 : i32 to vector<16xi32>
        %sub3A_610 = arith.subi %gather3A, %sub3A_609 : vector<16xi32>
        %mul3A_611 = arith.constant 512 : i32
        %mul3A_612 = vector.broadcast %mul3A_611 : i32 to vector<16xi32>
        %mul3A_613 = arith.muli %sub3A_610, %mul3A_612 : vector<16xi32>
        %get3A_614 = arith.index_cast %scan3A_604 : i32 to index
        %get3A_615 = arith.constant 0 : index
        %get3A_616 = tpu.vector_load %arg11[%get3A_614, %get3A_615] {strides = array<i32>} : memref<128x512xf32, #tpu.memory_space<vmem>>, vector<16xf32>,
        %ge3A = vector.broadcast %scan3A_100 : f32 to vector<16xf32>
        %ge3A_617 = arith.cmpf oge, %get3A_616, %ge3A : vector<16xf32>
        %all_reduce_population_count3A = tpu.all_reduce %ge3A_617 {dim = 0 : i64, kind = #tpu.reduction_kind<sum>} : vector<16xi1> -> vector<16xi32>
        %reduce_max3A = arith.constant true
        %reduce_max3A_618 = vector.broadcast %reduce_max3A : i1 to vector<16xi1>
        %reduce_max3A_619 = arith.constant -2147483648 : i32
        %reduce_max3A_620 = vector.broadcast %reduce_max3A_619 : i32 to vector<16xi32>
        %reduce_max3A_621 = arith.xori %all_reduce_population_count3A, %reduce_max3A_620 : vector<16xi32>
        %reduce_max3A_622 = tpu.scan <max>, %reduce_max3A_621 masked %reduce_max3A_618 : vector<16xi32>, vector<16xi1> -> vector<16xi32>
        %reduce_max3A_623 = arith.xori %reduce_max3A_622, %reduce_max3A_620 : vector<16xi32>
        %reduce_max3A_624 = vector.extract %reduce_max3A_623[15] : i32 from vector<16xi32>
        %gt3A = arith.constant 0 : i32
        %gt3A_625 = arith.cmpi sgt, %reduce_max3A_624, %gt3A : i32
        %convert_element_type3A = arith.extui %gt3A_625 : i1 to i32
        %cond3A = arith.constant 0 : i32
        %cond3A_626 = arith.cmpi ne, %convert_element_type3A, %cond3A : i32
        scf.if %cond3A_626 {
          %swap3A_1311 = arith.index_cast %scan3A_605 : i32 to index
          %swap3A_1312 = tpu.vector_load %arg12[%swap3A_1311] masked %ge3A_617 {strides = array<i32>} : memref<1024xf32, #tpu.memory_space<vmem>>, vector<16xf32>, vector<16xi1>
          tpu.vector_store %arg12[%swap3A_1311], %get3A_616 masked %ge3A_617 {strides = array<i32>} : memref<1024xf32, #tpu.memory_space<vmem>>, vector<16xf32>, vector<16xi1>
          %add3A_1313 = arith.constant 0 : i32
          %add3A_1314 = vector.broadcast %add3A_1313 : i32 to vector<16xi32>
          %add3A_1315 = arith.addi %mul3A_613, %add3A_1314 : vector<16xi32>
          %add3A_1316 = arith.addi %add3A_1315, %iota3A : vector<16xi32>
          %swap3A_1317 = arith.index_cast %scan3A_605 : i32 to index
          %swap3A_1318 = tpu.vector_load %arg13[%swap3A_1317] masked %ge3A_617 {strides = array<i32>} : memref<1024xi32, #tpu.memory_space<vmem>>, vector<16xi32>, vector<16xi1>
          tpu.vector_store %arg13[%swap3A_1317], %add3A_1316 masked %ge3A_617 {strides = array<i32>} : memref<1024xi32, #tpu.memory_space<vmem>>, vector<16xi32>, vector<16xi1>
        } else {
        }
        %add3A_627 = arith.addi %scan3A_605, %reduce_max3A_624 : i32
        %min3A = arith.constant 1008 : i32
        %min3A_628 = arith.minsi %add3A_627, %min3A : i32
        %get3A_629 = arith.index_cast %scan3A_604 : i32 to index
        %get3A_630 = arith.constant 16 : index
        %get3A_631 = tpu.vector_load %arg11[%get3A_629, %get3A_630] {strides = array<i32>} : memref<128x512xf32, #tpu.memory_space<vmem>>, vector<16xf32>,
        %ge3A_632 = vector.broadcast %scan3A_100 : f32 to vector<16xf32>
        %ge3A_633 = arith.cmpf oge, %get3A_631, %ge3A_632 : vector<16xf32>
        %all_reduce_population_count3A_634 = tpu.all_reduce %ge3A_633 {dim = 0 : i64, kind = #tpu.reduction_kind<sum>} : vector<16xi1> -> vector<16xi32>
        %reduce_max3A_635 = arith.constant true
        %reduce_max3A_636 = vector.broadcast %reduce_max3A_635 : i1 to vector<16xi1>
        %reduce_max3A_637 = arith.constant -2147483648 : i32
        %reduce_max3A_638 = vector.broadcast %reduce_max3A_637 : i32 to vector<16xi32>
        %reduce_max3A_639 = arith.xori %all_reduce_population_count3A_634, %reduce_max3A_638 : vector<16xi32>
        %reduce_max3A_640 = tpu.scan <max>, %reduce_max3A_639 masked %reduce_max3A_636 : vector<16xi32>, vector<16xi1> -> vector<16xi32>
        %reduce_max3A_641 = arith.xori %reduce_max3A_640, %reduce_max3A_638 : vector<16xi32>
        %reduce_max3A_642 = vector.extract %reduce_max3A_641[15] : i32 from vector<16xi32>
        %gt3A_643 = arith.constant 0 : i32
        %gt3A_644 = arith.cmpi sgt, %reduce_max3A_642, %gt3A_643 : i32
        %convert_element_type3A_645 = arith.extui %gt3A_644 : i1 to i32
        %cond3A_646 = arith.constant 0 : i32
        %cond3A_647 = arith.cmpi ne, %convert_element_type3A_645, %cond3A_646 : i32
        scf.if %cond3A_647 {
          %swap3A_1311 = arith.index_cast %min3A_628 : i32 to index
          %swap3A_1312 = tpu.vector_load %arg12[%swap3A_1311] masked %ge3A_633 {strides = array<i32>} : memref<1024xf32, #tpu.memory_space<vmem>>, vector<16xf32>, vector<16xi1>
          tpu.vector_store %arg12[%swap3A_1311], %get3A_631 masked %ge3A_633 {strides = array<i32>} : memref<1024xf32, #tpu.memory_space<vmem>>, vector<16xf32>, vector<16xi1>
          %add3A_1313 = arith.constant 16 : i32
          %add3A_1314 = vector.broadcast %add3A_1313 : i32 to vector<16xi32>
          %add3A_1315 = arith.addi %mul3A_613, %add3A_1314 : vector<16xi32>
          %add3A_1316 = arith.addi %add3A_1315, %iota3A : vector<16xi32>
          %swap3A_1317 = arith.index_cast %min3A_628 : i32 to index
          %swap3A_1318 = tpu.vector_load %arg13[%swap3A_1317] masked %ge3A_633 {strides = array<i32>} : memref<1024xi32, #tpu.memory_space<vmem>>, vector<16xi32>, vector<16xi1>
          tpu.vector_store %arg13[%swap3A_1317], %add3A_1316 masked %ge3A_633 {strides = array<i32>} : memref<1024xi32, #tpu.memory_space<vmem>>, vector<16xi32>, vector<16xi1>
        } else {
        }
        %add3A_648 = arith.addi %min3A_628, %reduce_max3A_642 : i32
        %min3A_649 = arith.constant 1008 : i32
        %min3A_650 = arith.minsi %add3A_648, %min3A_649 : i32
        %get3A_651 = arith.index_cast %scan3A_604 : i32 to index
        %get3A_652 = arith.constant 32 : index
        %get3A_653 = tpu.vector_load %arg11[%get3A_651, %get3A_652] {strides = array<i32>} : memref<128x512xf32, #tpu.memory_space<vmem>>, vector<16xf32>,
        %ge3A_654 = vector.broadcast %scan3A_100 : f32 to vector<16xf32>
        %ge3A_655 = arith.cmpf oge, %get3A_653, %ge3A_654 : vector<16xf32>
        %all_reduce_population_count3A_656 = tpu.all_reduce %ge3A_655 {dim = 0 : i64, kind = #tpu.reduction_kind<sum>} : vector<16xi1> -> vector<16xi32>
        %reduce_max3A_657 = arith.constant true
        %reduce_max3A_658 = vector.broadcast %reduce_max3A_657 : i1 to vector<16xi1>
        %reduce_max3A_659 = arith.constant -2147483648 : i32
        %reduce_max3A_660 = vector.broadcast %reduce_max3A_659 : i32 to vector<16xi32>
        %reduce_max3A_661 = arith.xori %all_reduce_population_count3A_656, %reduce_max3A_660 : vector<16xi32>
        %reduce_max3A_662 = tpu.scan <max>, %reduce_max3A_661 masked %reduce_max3A_658 : vector<16xi32>, vector<16xi1> -> vector<16xi32>
        %reduce_max3A_663 = arith.xori %reduce_max3A_662, %reduce_max3A_660 : vector<16xi32>
        %reduce_max3A_664 = vector.extract %reduce_max3A_663[15] : i32 from vector<16xi32>
        %gt3A_665 = arith.constant 0 : i32
        %gt3A_666 = arith.cmpi sgt, %reduce_max3A_664, %gt3A_665 : i32
        %convert_element_type3A_667 = arith.extui %gt3A_666 : i1 to i32
        %cond3A_668 = arith.constant 0 : i32
        %cond3A_669 = arith.cmpi ne, %convert_element_type3A_667, %cond3A_668 : i32
        scf.if %cond3A_669 {
          %swap3A_1311 = arith.index_cast %min3A_650 : i32 to index
          %swap3A_1312 = tpu.vector_load %arg12[%swap3A_1311] masked %ge3A_655 {strides = array<i32>} : memref<1024xf32, #tpu.memory_space<vmem>>, vector<16xf32>, vector<16xi1>
          tpu.vector_store %arg12[%swap3A_1311], %get3A_653 masked %ge3A_655 {strides = array<i32>} : memref<1024xf32, #tpu.memory_space<vmem>>, vector<16xf32>, vector<16xi1>
          %add3A_1313 = arith.constant 32 : i32
          %add3A_1314 = vector.broadcast %add3A_1313 : i32 to vector<16xi32>
          %add3A_1315 = arith.addi %mul3A_613, %add3A_1314 : vector<16xi32>
          %add3A_1316 = arith.addi %add3A_1315, %iota3A : vector<16xi32>
          %swap3A_1317 = arith.index_cast %min3A_650 : i32 to index
          %swap3A_1318 = tpu.vector_load %arg13[%swap3A_1317] masked %ge3A_655 {strides = array<i32>} : memref<1024xi32, #tpu.memory_space<vmem>>, vector<16xi32>, vector<16xi1>
          tpu.vector_store %arg13[%swap3A_1317], %add3A_1316 masked %ge3A_655 {strides = array<i32>} : memref<1024xi32, #tpu.memory_space<vmem>>, vector<16xi32>, vector<16xi1>
        } else {
        }
        %add3A_670 = arith.addi %min3A_650, %reduce_max3A_664 : i32
        %min3A_671 = arith.constant 1008 : i32
        %min3A_672 = arith.minsi %add3A_670, %min3A_671 : i32
        %get3A_673 = arith.index_cast %scan3A_604 : i32 to index
        %get3A_674 = arith.constant 48 : index
        %get3A_675 = tpu.vector_load %arg11[%get3A_673, %get3A_674] {strides = array<i32>} : memref<128x512xf32, #tpu.memory_space<vmem>>, vector<16xf32>,
        %ge3A_676 = vector.broadcast %scan3A_100 : f32 to vector<16xf32>
        %ge3A_677 = arith.cmpf oge, %get3A_675, %ge3A_676 : vector<16xf32>
        %all_reduce_population_count3A_678 = tpu.all_reduce %ge3A_677 {dim = 0 : i64, kind = #tpu.reduction_kind<sum>} : vector<16xi1> -> vector<16xi32>
        %reduce_max3A_679 = arith.constant true
        %reduce_max3A_680 = vector.broadcast %reduce_max3A_679 : i1 to vector<16xi1>
        %reduce_max3A_681 = arith.constant -2147483648 : i32
        %reduce_max3A_682 = vector.broadcast %reduce_max3A_681 : i32 to vector<16xi32>
        %reduce_max3A_683 = arith.xori %all_reduce_population_count3A_678, %reduce_max3A_682 : vector<16xi32>
        %reduce_max3A_684 = tpu.scan <max>, %reduce_max3A_683 masked %reduce_max3A_680 : vector<16xi32>, vector<16xi1> -> vector<16xi32>
        %reduce_max3A_685 = arith.xori %reduce_max3A_684, %reduce_max3A_682 : vector<16xi32>
        %reduce_max3A_686 = vector.extract %reduce_max3A_685[15] : i32 from vector<16xi32>
        %gt3A_687 = arith.constant 0 : i32
        %gt3A_688 = arith.cmpi sgt, %reduce_max3A_686, %gt3A_687 : i32
        %convert_element_type3A_689 = arith.extui %gt3A_688 : i1 to i32
        %cond3A_690 = arith.constant 0 : i32
        %cond3A_691 = arith.cmpi ne, %convert_element_type3A_689, %cond3A_690 : i32
        scf.if %cond3A_691 {
          %swap3A_1311 = arith.index_cast %min3A_672 : i32 to index
          %swap3A_1312 = tpu.vector_load %arg12[%swap3A_1311] masked %ge3A_677 {strides = array<i32>} : memref<1024xf32, #tpu.memory_space<vmem>>, vector<16xf32>, vector<16xi1>
          tpu.vector_store %arg12[%swap3A_1311], %get3A_675 masked %ge3A_677 {strides = array<i32>} : memref<1024xf32, #tpu.memory_space<vmem>>, vector<16xf32>, vector<16xi1>
          %add3A_1313 = arith.constant 48 : i32
          %add3A_1314 = vector.broadcast %add3A_1313 : i32 to vector<16xi32>
          %add3A_1315 = arith.addi %mul3A_613, %add3A_1314 : vector<16xi32>
          %add3A_1316 = arith.addi %add3A_1315, %iota3A : vector<16xi32>
          %swap3A_1317 = arith.index_cast %min3A_672 : i32 to index
          %swap3A_1318 = tpu.vector_load %arg13[%swap3A_1317] masked %ge3A_677 {strides = array<i32>} : memref<1024xi32, #tpu.memory_space<vmem>>, vector<16xi32>, vector<16xi1>
          tpu.vector_store %arg13[%swap3A_1317], %add3A_1316 masked %ge3A_677 {strides = array<i32>} : memref<1024xi32, #tpu.memory_space<vmem>>, vector<16xi32>, vector<16xi1>
        } else {
        }
        %add3A_692 = arith.addi %min3A_672, %reduce_max3A_686 : i32
        %min3A_693 = arith.constant 1008 : i32
        %min3A_694 = arith.minsi %add3A_692, %min3A_693 : i32
        %get3A_695 = arith.index_cast %scan3A_604 : i32 to index
        %get3A_696 = arith.constant 64 : index
        %get3A_697 = tpu.vector_load %arg11[%get3A_695, %get3A_696] {strides = array<i32>} : memref<128x512xf32, #tpu.memory_space<vmem>>, vector<16xf32>,
        %ge3A_698 = vector.broadcast %scan3A_100 : f32 to vector<16xf32>
        %ge3A_699 = arith.cmpf oge, %get3A_697, %ge3A_698 : vector<16xf32>
        %all_reduce_population_count3A_700 = tpu.all_reduce %ge3A_699 {dim = 0 : i64, kind = #tpu.reduction_kind<sum>} : vector<16xi1> -> vector<16xi32>
        %reduce_max3A_701 = arith.constant true
        %reduce_max3A_702 = vector.broadcast %reduce_max3A_701 : i1 to vector<16xi1>
        %reduce_max3A_703 = arith.constant -2147483648 : i32
        %reduce_max3A_704 = vector.broadcast %reduce_max3A_703 : i32 to vector<16xi32>
        %reduce_max3A_705 = arith.xori %all_reduce_population_count3A_700, %reduce_max3A_704 : vector<16xi32>
        %reduce_max3A_706 = tpu.scan <max>, %reduce_max3A_705 masked %reduce_max3A_702 : vector<16xi32>, vector<16xi1> -> vector<16xi32>
        %reduce_max3A_707 = arith.xori %reduce_max3A_706, %reduce_max3A_704 : vector<16xi32>
        %reduce_max3A_708 = vector.extract %reduce_max3A_707[15] : i32 from vector<16xi32>
        %gt3A_709 = arith.constant 0 : i32
        %gt3A_710 = arith.cmpi sgt, %reduce_max3A_708, %gt3A_709 : i32
        %convert_element_type3A_711 = arith.extui %gt3A_710 : i1 to i32
        %cond3A_712 = arith.constant 0 : i32
        %cond3A_713 = arith.cmpi ne, %convert_element_type3A_711, %cond3A_712 : i32
        scf.if %cond3A_713 {
          %swap3A_1311 = arith.index_cast %min3A_694 : i32 to index
          %swap3A_1312 = tpu.vector_load %arg12[%swap3A_1311] masked %ge3A_699 {strides = array<i32>} : memref<1024xf32, #tpu.memory_space<vmem>>, vector<16xf32>, vector<16xi1>
          tpu.vector_store %arg12[%swap3A_1311], %get3A_697 masked %ge3A_699 {strides = array<i32>} : memref<1024xf32, #tpu.memory_space<vmem>>, vector<16xf32>, vector<16xi1>
          %add3A_1313 = arith.constant 64 : i32
          %add3A_1314 = vector.broadcast %add3A_1313 : i32 to vector<16xi32>
          %add3A_1315 = arith.addi %mul3A_613, %add3A_1314 : vector<16xi32>
          %add3A_1316 = arith.addi %add3A_1315, %iota3A : vector<16xi32>
          %swap3A_1317 = arith.index_cast %min3A_694 : i32 to index
          %swap3A_1318 = tpu.vector_load %arg13[%swap3A_1317] masked %ge3A_699 {strides = array<i32>} : memref<1024xi32, #tpu.memory_space<vmem>>, vector<16xi32>, vector<16xi1>
          tpu.vector_store %arg13[%swap3A_1317], %add3A_1316 masked %ge3A_699 {strides = array<i32>} : memref<1024xi32, #tpu.memory_space<vmem>>, vector<16xi32>, vector<16xi1>
        } else {
        }
        %add3A_714 = arith.addi %min3A_694, %reduce_max3A_708 : i32
        %min3A_715 = arith.constant 1008 : i32
        %min3A_716 = arith.minsi %add3A_714, %min3A_715 : i32
        %get3A_717 = arith.index_cast %scan3A_604 : i32 to index
        %get3A_718 = arith.constant 80 : index
        %get3A_719 = tpu.vector_load %arg11[%get3A_717, %get3A_718] {strides = array<i32>} : memref<128x512xf32, #tpu.memory_space<vmem>>, vector<16xf32>,
        %ge3A_720 = vector.broadcast %scan3A_100 : f32 to vector<16xf32>
        %ge3A_721 = arith.cmpf oge, %get3A_719, %ge3A_720 : vector<16xf32>
        %all_reduce_population_count3A_722 = tpu.all_reduce %ge3A_721 {dim = 0 : i64, kind = #tpu.reduction_kind<sum>} : vector<16xi1> -> vector<16xi32>
        %reduce_max3A_723 = arith.constant true
        %reduce_max3A_724 = vector.broadcast %reduce_max3A_723 : i1 to vector<16xi1>
        %reduce_max3A_725 = arith.constant -2147483648 : i32
        %reduce_max3A_726 = vector.broadcast %reduce_max3A_725 : i32 to vector<16xi32>
        %reduce_max3A_727 = arith.xori %all_reduce_population_count3A_722, %reduce_max3A_726 : vector<16xi32>
        %reduce_max3A_728 = tpu.scan <max>, %reduce_max3A_727 masked %reduce_max3A_724 : vector<16xi32>, vector<16xi1> -> vector<16xi32>
        %reduce_max3A_729 = arith.xori %reduce_max3A_728, %reduce_max3A_726 : vector<16xi32>
        %reduce_max3A_730 = vector.extract %reduce_max3A_729[15] : i32 from vector<16xi32>
        %gt3A_731 = arith.constant 0 : i32
        %gt3A_732 = arith.cmpi sgt, %reduce_max3A_730, %gt3A_731 : i32
        %convert_element_type3A_733 = arith.extui %gt3A_732 : i1 to i32
        %cond3A_734 = arith.constant 0 : i32
        %cond3A_735 = arith.cmpi ne, %convert_element_type3A_733, %cond3A_734 : i32
        scf.if %cond3A_735 {
          %swap3A_1311 = arith.index_cast %min3A_716 : i32 to index
          %swap3A_1312 = tpu.vector_load %arg12[%swap3A_1311] masked %ge3A_721 {strides = array<i32>} : memref<1024xf32, #tpu.memory_space<vmem>>, vector<16xf32>, vector<16xi1>
          tpu.vector_store %arg12[%swap3A_1311], %get3A_719 masked %ge3A_721 {strides = array<i32>} : memref<1024xf32, #tpu.memory_space<vmem>>, vector<16xf32>, vector<16xi1>
          %add3A_1313 = arith.constant 80 : i32
          %add3A_1314 = vector.broadcast %add3A_1313 : i32 to vector<16xi32>
          %add3A_1315 = arith.addi %mul3A_613, %add3A_1314 : vector<16xi32>
          %add3A_1316 = arith.addi %add3A_1315, %iota3A : vector<16xi32>
          %swap3A_1317 = arith.index_cast %min3A_716 : i32 to index
          %swap3A_1318 = tpu.vector_load %arg13[%swap3A_1317] masked %ge3A_721 {strides = array<i32>} : memref<1024xi32, #tpu.memory_space<vmem>>, vector<16xi32>, vector<16xi1>
          tpu.vector_store %arg13[%swap3A_1317], %add3A_1316 masked %ge3A_721 {strides = array<i32>} : memref<1024xi32, #tpu.memory_space<vmem>>, vector<16xi32>, vector<16xi1>
        } else {
        }
        %add3A_736 = arith.addi %min3A_716, %reduce_max3A_730 : i32
        %min3A_737 = arith.constant 1008 : i32
        %min3A_738 = arith.minsi %add3A_736, %min3A_737 : i32
        %get3A_739 = arith.index_cast %scan3A_604 : i32 to index
        %get3A_740 = arith.constant 96 : index
        %get3A_741 = tpu.vector_load %arg11[%get3A_739, %get3A_740] {strides = array<i32>} : memref<128x512xf32, #tpu.memory_space<vmem>>, vector<16xf32>,
        %ge3A_742 = vector.broadcast %scan3A_100 : f32 to vector<16xf32>
        %ge3A_743 = arith.cmpf oge, %get3A_741, %ge3A_742 : vector<16xf32>
        %all_reduce_population_count3A_744 = tpu.all_reduce %ge3A_743 {dim = 0 : i64, kind = #tpu.reduction_kind<sum>} : vector<16xi1> -> vector<16xi32>
        %reduce_max3A_745 = arith.constant true
        %reduce_max3A_746 = vector.broadcast %reduce_max3A_745 : i1 to vector<16xi1>
        %reduce_max3A_747 = arith.constant -2147483648 : i32
        %reduce_max3A_748 = vector.broadcast %reduce_max3A_747 : i32 to vector<16xi32>
        %reduce_max3A_749 = arith.xori %all_reduce_population_count3A_744, %reduce_max3A_748 : vector<16xi32>
        %reduce_max3A_750 = tpu.scan <max>, %reduce_max3A_749 masked %reduce_max3A_746 : vector<16xi32>, vector<16xi1> -> vector<16xi32>
        %reduce_max3A_751 = arith.xori %reduce_max3A_750, %reduce_max3A_748 : vector<16xi32>
        %reduce_max3A_752 = vector.extract %reduce_max3A_751[15] : i32 from vector<16xi32>
        %gt3A_753 = arith.constant 0 : i32
        %gt3A_754 = arith.cmpi sgt, %reduce_max3A_752, %gt3A_753 : i32
        %convert_element_type3A_755 = arith.extui %gt3A_754 : i1 to i32
        %cond3A_756 = arith.constant 0 : i32
        %cond3A_757 = arith.cmpi ne, %convert_element_type3A_755, %cond3A_756 : i32
        scf.if %cond3A_757 {
          %swap3A_1311 = arith.index_cast %min3A_738 : i32 to index
          %swap3A_1312 = tpu.vector_load %arg12[%swap3A_1311] masked %ge3A_743 {strides = array<i32>} : memref<1024xf32, #tpu.memory_space<vmem>>, vector<16xf32>, vector<16xi1>
          tpu.vector_store %arg12[%swap3A_1311], %get3A_741 masked %ge3A_743 {strides = array<i32>} : memref<1024xf32, #tpu.memory_space<vmem>>, vector<16xf32>, vector<16xi1>
          %add3A_1313 = arith.constant 96 : i32
          %add3A_1314 = vector.broadcast %add3A_1313 : i32 to vector<16xi32>
          %add3A_1315 = arith.addi %mul3A_613, %add3A_1314 : vector<16xi32>
          %add3A_1316 = arith.addi %add3A_1315, %iota3A : vector<16xi32>
          %swap3A_1317 = arith.index_cast %min3A_738 : i32 to index
          %swap3A_1318 = tpu.vector_load %arg13[%swap3A_1317] masked %ge3A_743 {strides = array<i32>} : memref<1024xi32, #tpu.memory_space<vmem>>, vector<16xi32>, vector<16xi1>
          tpu.vector_store %arg13[%swap3A_1317], %add3A_1316 masked %ge3A_743 {strides = array<i32>} : memref<1024xi32, #tpu.memory_space<vmem>>, vector<16xi32>, vector<16xi1>
        } else {
        }
        %add3A_758 = arith.addi %min3A_738, %reduce_max3A_752 : i32
        %min3A_759 = arith.constant 1008 : i32
        %min3A_760 = arith.minsi %add3A_758, %min3A_759 : i32
        %get3A_761 = arith.index_cast %scan3A_604 : i32 to index
        %get3A_762 = arith.constant 112 : index
        %get3A_763 = tpu.vector_load %arg11[%get3A_761, %get3A_762] {strides = array<i32>} : memref<128x512xf32, #tpu.memory_space<vmem>>, vector<16xf32>,
        %ge3A_764 = vector.broadcast %scan3A_100 : f32 to vector<16xf32>
        %ge3A_765 = arith.cmpf oge, %get3A_763, %ge3A_764 : vector<16xf32>
        %all_reduce_population_count3A_766 = tpu.all_reduce %ge3A_765 {dim = 0 : i64, kind = #tpu.reduction_kind<sum>} : vector<16xi1> -> vector<16xi32>
        %reduce_max3A_767 = arith.constant true
        %reduce_max3A_768 = vector.broadcast %reduce_max3A_767 : i1 to vector<16xi1>
        %reduce_max3A_769 = arith.constant -2147483648 : i32
        %reduce_max3A_770 = vector.broadcast %reduce_max3A_769 : i32 to vector<16xi32>
        %reduce_max3A_771 = arith.xori %all_reduce_population_count3A_766, %reduce_max3A_770 : vector<16xi32>
        %reduce_max3A_772 = tpu.scan <max>, %reduce_max3A_771 masked %reduce_max3A_768 : vector<16xi32>, vector<16xi1> -> vector<16xi32>
        %reduce_max3A_773 = arith.xori %reduce_max3A_772, %reduce_max3A_770 : vector<16xi32>
        %reduce_max3A_774 = vector.extract %reduce_max3A_773[15] : i32 from vector<16xi32>
        %gt3A_775 = arith.constant 0 : i32
        %gt3A_776 = arith.cmpi sgt, %reduce_max3A_774, %gt3A_775 : i32
        %convert_element_type3A_777 = arith.extui %gt3A_776 : i1 to i32
        %cond3A_778 = arith.constant 0 : i32
        %cond3A_779 = arith.cmpi ne, %convert_element_type3A_777, %cond3A_778 : i32
        scf.if %cond3A_779 {
          %swap3A_1311 = arith.index_cast %min3A_760 : i32 to index
          %swap3A_1312 = tpu.vector_load %arg12[%swap3A_1311] masked %ge3A_765 {strides = array<i32>} : memref<1024xf32, #tpu.memory_space<vmem>>, vector<16xf32>, vector<16xi1>
          tpu.vector_store %arg12[%swap3A_1311], %get3A_763 masked %ge3A_765 {strides = array<i32>} : memref<1024xf32, #tpu.memory_space<vmem>>, vector<16xf32>, vector<16xi1>
          %add3A_1313 = arith.constant 112 : i32
          %add3A_1314 = vector.broadcast %add3A_1313 : i32 to vector<16xi32>
          %add3A_1315 = arith.addi %mul3A_613, %add3A_1314 : vector<16xi32>
          %add3A_1316 = arith.addi %add3A_1315, %iota3A : vector<16xi32>
          %swap3A_1317 = arith.index_cast %min3A_760 : i32 to index
          %swap3A_1318 = tpu.vector_load %arg13[%swap3A_1317] masked %ge3A_765 {strides = array<i32>} : memref<1024xi32, #tpu.memory_space<vmem>>, vector<16xi32>, vector<16xi1>
          tpu.vector_store %arg13[%swap3A_1317], %add3A_1316 masked %ge3A_765 {strides = array<i32>} : memref<1024xi32, #tpu.memory_space<vmem>>, vector<16xi32>, vector<16xi1>
        } else {
        }
        %add3A_780 = arith.addi %min3A_760, %reduce_max3A_774 : i32
        %min3A_781 = arith.constant 1008 : i32
        %min3A_782 = arith.minsi %add3A_780, %min3A_781 : i32
        %get3A_783 = arith.index_cast %scan3A_604 : i32 to index
        %get3A_784 = arith.constant 128 : index
        %get3A_785 = tpu.vector_load %arg11[%get3A_783, %get3A_784] {strides = array<i32>} : memref<128x512xf32, #tpu.memory_space<vmem>>, vector<16xf32>,
        %ge3A_786 = vector.broadcast %scan3A_100 : f32 to vector<16xf32>
        %ge3A_787 = arith.cmpf oge, %get3A_785, %ge3A_786 : vector<16xf32>
        %all_reduce_population_count3A_788 = tpu.all_reduce %ge3A_787 {dim = 0 : i64, kind = #tpu.reduction_kind<sum>} : vector<16xi1> -> vector<16xi32>
        %reduce_max3A_789 = arith.constant true
        %reduce_max3A_790 = vector.broadcast %reduce_max3A_789 : i1 to vector<16xi1>
        %reduce_max3A_791 = arith.constant -2147483648 : i32
        %reduce_max3A_792 = vector.broadcast %reduce_max3A_791 : i32 to vector<16xi32>
        %reduce_max3A_793 = arith.xori %all_reduce_population_count3A_788, %reduce_max3A_792 : vector<16xi32>
        %reduce_max3A_794 = tpu.scan <max>, %reduce_max3A_793 masked %reduce_max3A_790 : vector<16xi32>, vector<16xi1> -> vector<16xi32>
        %reduce_max3A_795 = arith.xori %reduce_max3A_794, %reduce_max3A_792 : vector<16xi32>
        %reduce_max3A_796 = vector.extract %reduce_max3A_795[15] : i32 from vector<16xi32>
        %gt3A_797 = arith.constant 0 : i32
        %gt3A_798 = arith.cmpi sgt, %reduce_max3A_796, %gt3A_797 : i32
        %convert_element_type3A_799 = arith.extui %gt3A_798 : i1 to i32
        %cond3A_800 = arith.constant 0 : i32
        %cond3A_801 = arith.cmpi ne, %convert_element_type3A_799, %cond3A_800 : i32
        scf.if %cond3A_801 {
          %swap3A_1311 = arith.index_cast %min3A_782 : i32 to index
          %swap3A_1312 = tpu.vector_load %arg12[%swap3A_1311] masked %ge3A_787 {strides = array<i32>} : memref<1024xf32, #tpu.memory_space<vmem>>, vector<16xf32>, vector<16xi1>
          tpu.vector_store %arg12[%swap3A_1311], %get3A_785 masked %ge3A_787 {strides = array<i32>} : memref<1024xf32, #tpu.memory_space<vmem>>, vector<16xf32>, vector<16xi1>
          %add3A_1313 = arith.constant 128 : i32
          %add3A_1314 = vector.broadcast %add3A_1313 : i32 to vector<16xi32>
          %add3A_1315 = arith.addi %mul3A_613, %add3A_1314 : vector<16xi32>
          %add3A_1316 = arith.addi %add3A_1315, %iota3A : vector<16xi32>
          %swap3A_1317 = arith.index_cast %min3A_782 : i32 to index
          %swap3A_1318 = tpu.vector_load %arg13[%swap3A_1317] masked %ge3A_787 {strides = array<i32>} : memref<1024xi32, #tpu.memory_space<vmem>>, vector<16xi32>, vector<16xi1>
          tpu.vector_store %arg13[%swap3A_1317], %add3A_1316 masked %ge3A_787 {strides = array<i32>} : memref<1024xi32, #tpu.memory_space<vmem>>, vector<16xi32>, vector<16xi1>
        } else {
        }
        %add3A_802 = arith.addi %min3A_782, %reduce_max3A_796 : i32
        %min3A_803 = arith.constant 1008 : i32
        %min3A_804 = arith.minsi %add3A_802, %min3A_803 : i32
        %get3A_805 = arith.index_cast %scan3A_604 : i32 to index
        %get3A_806 = arith.constant 144 : index
        %get3A_807 = tpu.vector_load %arg11[%get3A_805, %get3A_806] {strides = array<i32>} : memref<128x512xf32, #tpu.memory_space<vmem>>, vector<16xf32>,
        %ge3A_808 = vector.broadcast %scan3A_100 : f32 to vector<16xf32>
        %ge3A_809 = arith.cmpf oge, %get3A_807, %ge3A_808 : vector<16xf32>
        %all_reduce_population_count3A_810 = tpu.all_reduce %ge3A_809 {dim = 0 : i64, kind = #tpu.reduction_kind<sum>} : vector<16xi1> -> vector<16xi32>
        %reduce_max3A_811 = arith.constant true
        %reduce_max3A_812 = vector.broadcast %reduce_max3A_811 : i1 to vector<16xi1>
        %reduce_max3A_813 = arith.constant -2147483648 : i32
        %reduce_max3A_814 = vector.broadcast %reduce_max3A_813 : i32 to vector<16xi32>
        %reduce_max3A_815 = arith.xori %all_reduce_population_count3A_810, %reduce_max3A_814 : vector<16xi32>
        %reduce_max3A_816 = tpu.scan <max>, %reduce_max3A_815 masked %reduce_max3A_812 : vector<16xi32>, vector<16xi1> -> vector<16xi32>
        %reduce_max3A_817 = arith.xori %reduce_max3A_816, %reduce_max3A_814 : vector<16xi32>
        %reduce_max3A_818 = vector.extract %reduce_max3A_817[15] : i32 from vector<16xi32>
        %gt3A_819 = arith.constant 0 : i32
        %gt3A_820 = arith.cmpi sgt, %reduce_max3A_818, %gt3A_819 : i32
        %convert_element_type3A_821 = arith.extui %gt3A_820 : i1 to i32
        %cond3A_822 = arith.constant 0 : i32
        %cond3A_823 = arith.cmpi ne, %convert_element_type3A_821, %cond3A_822 : i32
        scf.if %cond3A_823 {
          %swap3A_1311 = arith.index_cast %min3A_804 : i32 to index
          %swap3A_1312 = tpu.vector_load %arg12[%swap3A_1311] masked %ge3A_809 {strides = array<i32>} : memref<1024xf32, #tpu.memory_space<vmem>>, vector<16xf32>, vector<16xi1>
          tpu.vector_store %arg12[%swap3A_1311], %get3A_807 masked %ge3A_809 {strides = array<i32>} : memref<1024xf32, #tpu.memory_space<vmem>>, vector<16xf32>, vector<16xi1>
          %add3A_1313 = arith.constant 144 : i32
          %add3A_1314 = vector.broadcast %add3A_1313 : i32 to vector<16xi32>
          %add3A_1315 = arith.addi %mul3A_613, %add3A_1314 : vector<16xi32>
          %add3A_1316 = arith.addi %add3A_1315, %iota3A : vector<16xi32>
          %swap3A_1317 = arith.index_cast %min3A_804 : i32 to index
          %swap3A_1318 = tpu.vector_load %arg13[%swap3A_1317] masked %ge3A_809 {strides = array<i32>} : memref<1024xi32, #tpu.memory_space<vmem>>, vector<16xi32>, vector<16xi1>
          tpu.vector_store %arg13[%swap3A_1317], %add3A_1316 masked %ge3A_809 {strides = array<i32>} : memref<1024xi32, #tpu.memory_space<vmem>>, vector<16xi32>, vector<16xi1>
        } else {
        }
        %add3A_824 = arith.addi %min3A_804, %reduce_max3A_818 : i32
        %min3A_825 = arith.constant 1008 : i32
        %min3A_826 = arith.minsi %add3A_824, %min3A_825 : i32
        %get3A_827 = arith.index_cast %scan3A_604 : i32 to index
        %get3A_828 = arith.constant 160 : index
        %get3A_829 = tpu.vector_load %arg11[%get3A_827, %get3A_828] {strides = array<i32>} : memref<128x512xf32, #tpu.memory_space<vmem>>, vector<16xf32>,
        %ge3A_830 = vector.broadcast %scan3A_100 : f32 to vector<16xf32>
        %ge3A_831 = arith.cmpf oge, %get3A_829, %ge3A_830 : vector<16xf32>
        %all_reduce_population_count3A_832 = tpu.all_reduce %ge3A_831 {dim = 0 : i64, kind = #tpu.reduction_kind<sum>} : vector<16xi1> -> vector<16xi32>
        %reduce_max3A_833 = arith.constant true
        %reduce_max3A_834 = vector.broadcast %reduce_max3A_833 : i1 to vector<16xi1>
        %reduce_max3A_835 = arith.constant -2147483648 : i32
        %reduce_max3A_836 = vector.broadcast %reduce_max3A_835 : i32 to vector<16xi32>
        %reduce_max3A_837 = arith.xori %all_reduce_population_count3A_832, %reduce_max3A_836 : vector<16xi32>
        %reduce_max3A_838 = tpu.scan <max>, %reduce_max3A_837 masked %reduce_max3A_834 : vector<16xi32>, vector<16xi1> -> vector<16xi32>
        %reduce_max3A_839 = arith.xori %reduce_max3A_838, %reduce_max3A_836 : vector<16xi32>
        %reduce_max3A_840 = vector.extract %reduce_max3A_839[15] : i32 from vector<16xi32>
        %gt3A_841 = arith.constant 0 : i32
        %gt3A_842 = arith.cmpi sgt, %reduce_max3A_840, %gt3A_841 : i32
        %convert_element_type3A_843 = arith.extui %gt3A_842 : i1 to i32
        %cond3A_844 = arith.constant 0 : i32
        %cond3A_845 = arith.cmpi ne, %convert_element_type3A_843, %cond3A_844 : i32
        scf.if %cond3A_845 {
          %swap3A_1311 = arith.index_cast %min3A_826 : i32 to index
          %swap3A_1312 = tpu.vector_load %arg12[%swap3A_1311] masked %ge3A_831 {strides = array<i32>} : memref<1024xf32, #tpu.memory_space<vmem>>, vector<16xf32>, vector<16xi1>
          tpu.vector_store %arg12[%swap3A_1311], %get3A_829 masked %ge3A_831 {strides = array<i32>} : memref<1024xf32, #tpu.memory_space<vmem>>, vector<16xf32>, vector<16xi1>
          %add3A_1313 = arith.constant 160 : i32
          %add3A_1314 = vector.broadcast %add3A_1313 : i32 to vector<16xi32>
          %add3A_1315 = arith.addi %mul3A_613, %add3A_1314 : vector<16xi32>
          %add3A_1316 = arith.addi %add3A_1315, %iota3A : vector<16xi32>
          %swap3A_1317 = arith.index_cast %min3A_826 : i32 to index
          %swap3A_1318 = tpu.vector_load %arg13[%swap3A_1317] masked %ge3A_831 {strides = array<i32>} : memref<1024xi32, #tpu.memory_space<vmem>>, vector<16xi32>, vector<16xi1>
          tpu.vector_store %arg13[%swap3A_1317], %add3A_1316 masked %ge3A_831 {strides = array<i32>} : memref<1024xi32, #tpu.memory_space<vmem>>, vector<16xi32>, vector<16xi1>
        } else {
        }
        %add3A_846 = arith.addi %min3A_826, %reduce_max3A_840 : i32
        %min3A_847 = arith.constant 1008 : i32
        %min3A_848 = arith.minsi %add3A_846, %min3A_847 : i32
        %get3A_849 = arith.index_cast %scan3A_604 : i32 to index
        %get3A_850 = arith.constant 176 : index
        %get3A_851 = tpu.vector_load %arg11[%get3A_849, %get3A_850] {strides = array<i32>} : memref<128x512xf32, #tpu.memory_space<vmem>>, vector<16xf32>,
        %ge3A_852 = vector.broadcast %scan3A_100 : f32 to vector<16xf32>
        %ge3A_853 = arith.cmpf oge, %get3A_851, %ge3A_852 : vector<16xf32>
        %all_reduce_population_count3A_854 = tpu.all_reduce %ge3A_853 {dim = 0 : i64, kind = #tpu.reduction_kind<sum>} : vector<16xi1> -> vector<16xi32>
        %reduce_max3A_855 = arith.constant true
        %reduce_max3A_856 = vector.broadcast %reduce_max3A_855 : i1 to vector<16xi1>
        %reduce_max3A_857 = arith.constant -2147483648 : i32
        %reduce_max3A_858 = vector.broadcast %reduce_max3A_857 : i32 to vector<16xi32>
        %reduce_max3A_859 = arith.xori %all_reduce_population_count3A_854, %reduce_max3A_858 : vector<16xi32>
        %reduce_max3A_860 = tpu.scan <max>, %reduce_max3A_859 masked %reduce_max3A_856 : vector<16xi32>, vector<16xi1> -> vector<16xi32>
        %reduce_max3A_861 = arith.xori %reduce_max3A_860, %reduce_max3A_858 : vector<16xi32>
        %reduce_max3A_862 = vector.extract %reduce_max3A_861[15] : i32 from vector<16xi32>
        %gt3A_863 = arith.constant 0 : i32
        %gt3A_864 = arith.cmpi sgt, %reduce_max3A_862, %gt3A_863 : i32
        %convert_element_type3A_865 = arith.extui %gt3A_864 : i1 to i32
        %cond3A_866 = arith.constant 0 : i32
        %cond3A_867 = arith.cmpi ne, %convert_element_type3A_865, %cond3A_866 : i32
        scf.if %cond3A_867 {
          %swap3A_1311 = arith.index_cast %min3A_848 : i32 to index
          %swap3A_1312 = tpu.vector_load %arg12[%swap3A_1311] masked %ge3A_853 {strides = array<i32>} : memref<1024xf32, #tpu.memory_space<vmem>>, vector<16xf32>, vector<16xi1>
          tpu.vector_store %arg12[%swap3A_1311], %get3A_851 masked %ge3A_853 {strides = array<i32>} : memref<1024xf32, #tpu.memory_space<vmem>>, vector<16xf32>, vector<16xi1>
          %add3A_1313 = arith.constant 176 : i32
          %add3A_1314 = vector.broadcast %add3A_1313 : i32 to vector<16xi32>
          %add3A_1315 = arith.addi %mul3A_613, %add3A_1314 : vector<16xi32>
          %add3A_1316 = arith.addi %add3A_1315, %iota3A : vector<16xi32>
          %swap3A_1317 = arith.index_cast %min3A_848 : i32 to index
          %swap3A_1318 = tpu.vector_load %arg13[%swap3A_1317] masked %ge3A_853 {strides = array<i32>} : memref<1024xi32, #tpu.memory_space<vmem>>, vector<16xi32>, vector<16xi1>
          tpu.vector_store %arg13[%swap3A_1317], %add3A_1316 masked %ge3A_853 {strides = array<i32>} : memref<1024xi32, #tpu.memory_space<vmem>>, vector<16xi32>, vector<16xi1>
        } else {
        }
        %add3A_868 = arith.addi %min3A_848, %reduce_max3A_862 : i32
        %min3A_869 = arith.constant 1008 : i32
        %min3A_870 = arith.minsi %add3A_868, %min3A_869 : i32
        %get3A_871 = arith.index_cast %scan3A_604 : i32 to index
        %get3A_872 = arith.constant 192 : index
        %get3A_873 = tpu.vector_load %arg11[%get3A_871, %get3A_872] {strides = array<i32>} : memref<128x512xf32, #tpu.memory_space<vmem>>, vector<16xf32>,
        %ge3A_874 = vector.broadcast %scan3A_100 : f32 to vector<16xf32>
        %ge3A_875 = arith.cmpf oge, %get3A_873, %ge3A_874 : vector<16xf32>
        %all_reduce_population_count3A_876 = tpu.all_reduce %ge3A_875 {dim = 0 : i64, kind = #tpu.reduction_kind<sum>} : vector<16xi1> -> vector<16xi32>
        %reduce_max3A_877 = arith.constant true
        %reduce_max3A_878 = vector.broadcast %reduce_max3A_877 : i1 to vector<16xi1>
        %reduce_max3A_879 = arith.constant -2147483648 : i32
        %reduce_max3A_880 = vector.broadcast %reduce_max3A_879 : i32 to vector<16xi32>
        %reduce_max3A_881 = arith.xori %all_reduce_population_count3A_876, %reduce_max3A_880 : vector<16xi32>
        %reduce_max3A_882 = tpu.scan <max>, %reduce_max3A_881 masked %reduce_max3A_878 : vector<16xi32>, vector<16xi1> -> vector<16xi32>
        %reduce_max3A_883 = arith.xori %reduce_max3A_882, %reduce_max3A_880 : vector<16xi32>
        %reduce_max3A_884 = vector.extract %reduce_max3A_883[15] : i32 from vector<16xi32>
        %gt3A_885 = arith.constant 0 : i32
        %gt3A_886 = arith.cmpi sgt, %reduce_max3A_884, %gt3A_885 : i32
        %convert_element_type3A_887 = arith.extui %gt3A_886 : i1 to i32
        %cond3A_888 = arith.constant 0 : i32
        %cond3A_889 = arith.cmpi ne, %convert_element_type3A_887, %cond3A_888 : i32
        scf.if %cond3A_889 {
          %swap3A_1311 = arith.index_cast %min3A_870 : i32 to index
          %swap3A_1312 = tpu.vector_load %arg12[%swap3A_1311] masked %ge3A_875 {strides = array<i32>} : memref<1024xf32, #tpu.memory_space<vmem>>, vector<16xf32>, vector<16xi1>
          tpu.vector_store %arg12[%swap3A_1311], %get3A_873 masked %ge3A_875 {strides = array<i32>} : memref<1024xf32, #tpu.memory_space<vmem>>, vector<16xf32>, vector<16xi1>
          %add3A_1313 = arith.constant 192 : i32
          %add3A_1314 = vector.broadcast %add3A_1313 : i32 to vector<16xi32>
          %add3A_1315 = arith.addi %mul3A_613, %add3A_1314 : vector<16xi32>
          %add3A_1316 = arith.addi %add3A_1315, %iota3A : vector<16xi32>
          %swap3A_1317 = arith.index_cast %min3A_870 : i32 to index
          %swap3A_1318 = tpu.vector_load %arg13[%swap3A_1317] masked %ge3A_875 {strides = array<i32>} : memref<1024xi32, #tpu.memory_space<vmem>>, vector<16xi32>, vector<16xi1>
          tpu.vector_store %arg13[%swap3A_1317], %add3A_1316 masked %ge3A_875 {strides = array<i32>} : memref<1024xi32, #tpu.memory_space<vmem>>, vector<16xi32>, vector<16xi1>
        } else {
        }
        %add3A_890 = arith.addi %min3A_870, %reduce_max3A_884 : i32
        %min3A_891 = arith.constant 1008 : i32
        %min3A_892 = arith.minsi %add3A_890, %min3A_891 : i32
        %get3A_893 = arith.index_cast %scan3A_604 : i32 to index
        %get3A_894 = arith.constant 208 : index
        %get3A_895 = tpu.vector_load %arg11[%get3A_893, %get3A_894] {strides = array<i32>} : memref<128x512xf32, #tpu.memory_space<vmem>>, vector<16xf32>,
        %ge3A_896 = vector.broadcast %scan3A_100 : f32 to vector<16xf32>
        %ge3A_897 = arith.cmpf oge, %get3A_895, %ge3A_896 : vector<16xf32>
        %all_reduce_population_count3A_898 = tpu.all_reduce %ge3A_897 {dim = 0 : i64, kind = #tpu.reduction_kind<sum>} : vector<16xi1> -> vector<16xi32>
        %reduce_max3A_899 = arith.constant true
        %reduce_max3A_900 = vector.broadcast %reduce_max3A_899 : i1 to vector<16xi1>
        %reduce_max3A_901 = arith.constant -2147483648 : i32
        %reduce_max3A_902 = vector.broadcast %reduce_max3A_901 : i32 to vector<16xi32>
        %reduce_max3A_903 = arith.xori %all_reduce_population_count3A_898, %reduce_max3A_902 : vector<16xi32>
        %reduce_max3A_904 = tpu.scan <max>, %reduce_max3A_903 masked %reduce_max3A_900 : vector<16xi32>, vector<16xi1> -> vector<16xi32>
        %reduce_max3A_905 = arith.xori %reduce_max3A_904, %reduce_max3A_902 : vector<16xi32>
        %reduce_max3A_906 = vector.extract %reduce_max3A_905[15] : i32 from vector<16xi32>
        %gt3A_907 = arith.constant 0 : i32
        %gt3A_908 = arith.cmpi sgt, %reduce_max3A_906, %gt3A_907 : i32
        %convert_element_type3A_909 = arith.extui %gt3A_908 : i1 to i32
        %cond3A_910 = arith.constant 0 : i32
        %cond3A_911 = arith.cmpi ne, %convert_element_type3A_909, %cond3A_910 : i32
        scf.if %cond3A_911 {
          %swap3A_1311 = arith.index_cast %min3A_892 : i32 to index
          %swap3A_1312 = tpu.vector_load %arg12[%swap3A_1311] masked %ge3A_897 {strides = array<i32>} : memref<1024xf32, #tpu.memory_space<vmem>>, vector<16xf32>, vector<16xi1>
          tpu.vector_store %arg12[%swap3A_1311], %get3A_895 masked %ge3A_897 {strides = array<i32>} : memref<1024xf32, #tpu.memory_space<vmem>>, vector<16xf32>, vector<16xi1>
          %add3A_1313 = arith.constant 208 : i32
          %add3A_1314 = vector.broadcast %add3A_1313 : i32 to vector<16xi32>
          %add3A_1315 = arith.addi %mul3A_613, %add3A_1314 : vector<16xi32>
          %add3A_1316 = arith.addi %add3A_1315, %iota3A : vector<16xi32>
          %swap3A_1317 = arith.index_cast %min3A_892 : i32 to index
          %swap3A_1318 = tpu.vector_load %arg13[%swap3A_1317] masked %ge3A_897 {strides = array<i32>} : memref<1024xi32, #tpu.memory_space<vmem>>, vector<16xi32>, vector<16xi1>
          tpu.vector_store %arg13[%swap3A_1317], %add3A_1316 masked %ge3A_897 {strides = array<i32>} : memref<1024xi32, #tpu.memory_space<vmem>>, vector<16xi32>, vector<16xi1>
        } else {
        }
        %add3A_912 = arith.addi %min3A_892, %reduce_max3A_906 : i32
        %min3A_913 = arith.constant 1008 : i32
        %min3A_914 = arith.minsi %add3A_912, %min3A_913 : i32
        %get3A_915 = arith.index_cast %scan3A_604 : i32 to index
        %get3A_916 = arith.constant 224 : index
        %get3A_917 = tpu.vector_load %arg11[%get3A_915, %get3A_916] {strides = array<i32>} : memref<128x512xf32, #tpu.memory_space<vmem>>, vector<16xf32>,
        %ge3A_918 = vector.broadcast %scan3A_100 : f32 to vector<16xf32>
        %ge3A_919 = arith.cmpf oge, %get3A_917, %ge3A_918 : vector<16xf32>
        %all_reduce_population_count3A_920 = tpu.all_reduce %ge3A_919 {dim = 0 : i64, kind = #tpu.reduction_kind<sum>} : vector<16xi1> -> vector<16xi32>
        %reduce_max3A_921 = arith.constant true
        %reduce_max3A_922 = vector.broadcast %reduce_max3A_921 : i1 to vector<16xi1>
        %reduce_max3A_923 = arith.constant -2147483648 : i32
        %reduce_max3A_924 = vector.broadcast %reduce_max3A_923 : i32 to vector<16xi32>
        %reduce_max3A_925 = arith.xori %all_reduce_population_count3A_920, %reduce_max3A_924 : vector<16xi32>
        %reduce_max3A_926 = tpu.scan <max>, %reduce_max3A_925 masked %reduce_max3A_922 : vector<16xi32>, vector<16xi1> -> vector<16xi32>
        %reduce_max3A_927 = arith.xori %reduce_max3A_926, %reduce_max3A_924 : vector<16xi32>
        %reduce_max3A_928 = vector.extract %reduce_max3A_927[15] : i32 from vector<16xi32>
        %gt3A_929 = arith.constant 0 : i32
        %gt3A_930 = arith.cmpi sgt, %reduce_max3A_928, %gt3A_929 : i32
        %convert_element_type3A_931 = arith.extui %gt3A_930 : i1 to i32
        %cond3A_932 = arith.constant 0 : i32
        %cond3A_933 = arith.cmpi ne, %convert_element_type3A_931, %cond3A_932 : i32
        scf.if %cond3A_933 {
          %swap3A_1311 = arith.index_cast %min3A_914 : i32 to index
          %swap3A_1312 = tpu.vector_load %arg12[%swap3A_1311] masked %ge3A_919 {strides = array<i32>} : memref<1024xf32, #tpu.memory_space<vmem>>, vector<16xf32>, vector<16xi1>
          tpu.vector_store %arg12[%swap3A_1311], %get3A_917 masked %ge3A_919 {strides = array<i32>} : memref<1024xf32, #tpu.memory_space<vmem>>, vector<16xf32>, vector<16xi1>
          %add3A_1313 = arith.constant 224 : i32
          %add3A_1314 = vector.broadcast %add3A_1313 : i32 to vector<16xi32>
          %add3A_1315 = arith.addi %mul3A_613, %add3A_1314 : vector<16xi32>
          %add3A_1316 = arith.addi %add3A_1315, %iota3A : vector<16xi32>
          %swap3A_1317 = arith.index_cast %min3A_914 : i32 to index
          %swap3A_1318 = tpu.vector_load %arg13[%swap3A_1317] masked %ge3A_919 {strides = array<i32>} : memref<1024xi32, #tpu.memory_space<vmem>>, vector<16xi32>, vector<16xi1>
          tpu.vector_store %arg13[%swap3A_1317], %add3A_1316 masked %ge3A_919 {strides = array<i32>} : memref<1024xi32, #tpu.memory_space<vmem>>, vector<16xi32>, vector<16xi1>
        } else {
        }
        %add3A_934 = arith.addi %min3A_914, %reduce_max3A_928 : i32
        %min3A_935 = arith.constant 1008 : i32
        %min3A_936 = arith.minsi %add3A_934, %min3A_935 : i32
        %get3A_937 = arith.index_cast %scan3A_604 : i32 to index
        %get3A_938 = arith.constant 240 : index
        %get3A_939 = tpu.vector_load %arg11[%get3A_937, %get3A_938] {strides = array<i32>} : memref<128x512xf32, #tpu.memory_space<vmem>>, vector<16xf32>,
        %ge3A_940 = vector.broadcast %scan3A_100 : f32 to vector<16xf32>
        %ge3A_941 = arith.cmpf oge, %get3A_939, %ge3A_940 : vector<16xf32>
        %all_reduce_population_count3A_942 = tpu.all_reduce %ge3A_941 {dim = 0 : i64, kind = #tpu.reduction_kind<sum>} : vector<16xi1> -> vector<16xi32>
        %reduce_max3A_943 = arith.constant true
        %reduce_max3A_944 = vector.broadcast %reduce_max3A_943 : i1 to vector<16xi1>
        %reduce_max3A_945 = arith.constant -2147483648 : i32
        %reduce_max3A_946 = vector.broadcast %reduce_max3A_945 : i32 to vector<16xi32>
        %reduce_max3A_947 = arith.xori %all_reduce_population_count3A_942, %reduce_max3A_946 : vector<16xi32>
        %reduce_max3A_948 = tpu.scan <max>, %reduce_max3A_947 masked %reduce_max3A_944 : vector<16xi32>, vector<16xi1> -> vector<16xi32>
        %reduce_max3A_949 = arith.xori %reduce_max3A_948, %reduce_max3A_946 : vector<16xi32>
        %reduce_max3A_950 = vector.extract %reduce_max3A_949[15] : i32 from vector<16xi32>
        %gt3A_951 = arith.constant 0 : i32
        %gt3A_952 = arith.cmpi sgt, %reduce_max3A_950, %gt3A_951 : i32
        %convert_element_type3A_953 = arith.extui %gt3A_952 : i1 to i32
        %cond3A_954 = arith.constant 0 : i32
        %cond3A_955 = arith.cmpi ne, %convert_element_type3A_953, %cond3A_954 : i32
        scf.if %cond3A_955 {
          %swap3A_1311 = arith.index_cast %min3A_936 : i32 to index
          %swap3A_1312 = tpu.vector_load %arg12[%swap3A_1311] masked %ge3A_941 {strides = array<i32>} : memref<1024xf32, #tpu.memory_space<vmem>>, vector<16xf32>, vector<16xi1>
          tpu.vector_store %arg12[%swap3A_1311], %get3A_939 masked %ge3A_941 {strides = array<i32>} : memref<1024xf32, #tpu.memory_space<vmem>>, vector<16xf32>, vector<16xi1>
          %add3A_1313 = arith.constant 240 : i32
          %add3A_1314 = vector.broadcast %add3A_1313 : i32 to vector<16xi32>
          %add3A_1315 = arith.addi %mul3A_613, %add3A_1314 : vector<16xi32>
          %add3A_1316 = arith.addi %add3A_1315, %iota3A : vector<16xi32>
          %swap3A_1317 = arith.index_cast %min3A_936 : i32 to index
          %swap3A_1318 = tpu.vector_load %arg13[%swap3A_1317] masked %ge3A_941 {strides = array<i32>} : memref<1024xi32, #tpu.memory_space<vmem>>, vector<16xi32>, vector<16xi1>
          tpu.vector_store %arg13[%swap3A_1317], %add3A_1316 masked %ge3A_941 {strides = array<i32>} : memref<1024xi32, #tpu.memory_space<vmem>>, vector<16xi32>, vector<16xi1>
        } else {
        }
        %add3A_956 = arith.addi %min3A_936, %reduce_max3A_950 : i32
        %min3A_957 = arith.constant 1008 : i32
        %min3A_958 = arith.minsi %add3A_956, %min3A_957 : i32
        %get3A_959 = arith.index_cast %scan3A_604 : i32 to index
        %get3A_960 = arith.constant 256 : index
        %get3A_961 = tpu.vector_load %arg11[%get3A_959, %get3A_960] {strides = array<i32>} : memref<128x512xf32, #tpu.memory_space<vmem>>, vector<16xf32>,
        %ge3A_962 = vector.broadcast %scan3A_100 : f32 to vector<16xf32>
        %ge3A_963 = arith.cmpf oge, %get3A_961, %ge3A_962 : vector<16xf32>
        %all_reduce_population_count3A_964 = tpu.all_reduce %ge3A_963 {dim = 0 : i64, kind = #tpu.reduction_kind<sum>} : vector<16xi1> -> vector<16xi32>
        %reduce_max3A_965 = arith.constant true
        %reduce_max3A_966 = vector.broadcast %reduce_max3A_965 : i1 to vector<16xi1>
        %reduce_max3A_967 = arith.constant -2147483648 : i32
        %reduce_max3A_968 = vector.broadcast %reduce_max3A_967 : i32 to vector<16xi32>
        %reduce_max3A_969 = arith.xori %all_reduce_population_count3A_964, %reduce_max3A_968 : vector<16xi32>
        %reduce_max3A_970 = tpu.scan <max>, %reduce_max3A_969 masked %reduce_max3A_966 : vector<16xi32>, vector<16xi1> -> vector<16xi32>
        %reduce_max3A_971 = arith.xori %reduce_max3A_970, %reduce_max3A_968 : vector<16xi32>
        %reduce_max3A_972 = vector.extract %reduce_max3A_971[15] : i32 from vector<16xi32>
        %gt3A_973 = arith.constant 0 : i32
        %gt3A_974 = arith.cmpi sgt, %reduce_max3A_972, %gt3A_973 : i32
        %convert_element_type3A_975 = arith.extui %gt3A_974 : i1 to i32
        %cond3A_976 = arith.constant 0 : i32
        %cond3A_977 = arith.cmpi ne, %convert_element_type3A_975, %cond3A_976 : i32
        scf.if %cond3A_977 {
          %swap3A_1311 = arith.index_cast %min3A_958 : i32 to index
          %swap3A_1312 = tpu.vector_load %arg12[%swap3A_1311] masked %ge3A_963 {strides = array<i32>} : memref<1024xf32, #tpu.memory_space<vmem>>, vector<16xf32>, vector<16xi1>
          tpu.vector_store %arg12[%swap3A_1311], %get3A_961 masked %ge3A_963 {strides = array<i32>} : memref<1024xf32, #tpu.memory_space<vmem>>, vector<16xf32>, vector<16xi1>
          %add3A_1313 = arith.constant 256 : i32
          %add3A_1314 = vector.broadcast %add3A_1313 : i32 to vector<16xi32>
          %add3A_1315 = arith.addi %mul3A_613, %add3A_1314 : vector<16xi32>
          %add3A_1316 = arith.addi %add3A_1315, %iota3A : vector<16xi32>
          %swap3A_1317 = arith.index_cast %min3A_958 : i32 to index
          %swap3A_1318 = tpu.vector_load %arg13[%swap3A_1317] masked %ge3A_963 {strides = array<i32>} : memref<1024xi32, #tpu.memory_space<vmem>>, vector<16xi32>, vector<16xi1>
          tpu.vector_store %arg13[%swap3A_1317], %add3A_1316 masked %ge3A_963 {strides = array<i32>} : memref<1024xi32, #tpu.memory_space<vmem>>, vector<16xi32>, vector<16xi1>
        } else {
        }
        %add3A_978 = arith.addi %min3A_958, %reduce_max3A_972 : i32
        %min3A_979 = arith.constant 1008 : i32
        %min3A_980 = arith.minsi %add3A_978, %min3A_979 : i32
        %get3A_981 = arith.index_cast %scan3A_604 : i32 to index
        %get3A_982 = arith.constant 272 : index
        %get3A_983 = tpu.vector_load %arg11[%get3A_981, %get3A_982] {strides = array<i32>} : memref<128x512xf32, #tpu.memory_space<vmem>>, vector<16xf32>,
        %ge3A_984 = vector.broadcast %scan3A_100 : f32 to vector<16xf32>
        %ge3A_985 = arith.cmpf oge, %get3A_983, %ge3A_984 : vector<16xf32>
        %all_reduce_population_count3A_986 = tpu.all_reduce %ge3A_985 {dim = 0 : i64, kind = #tpu.reduction_kind<sum>} : vector<16xi1> -> vector<16xi32>
        %reduce_max3A_987 = arith.constant true
        %reduce_max3A_988 = vector.broadcast %reduce_max3A_987 : i1 to vector<16xi1>
        %reduce_max3A_989 = arith.constant -2147483648 : i32
        %reduce_max3A_990 = vector.broadcast %reduce_max3A_989 : i32 to vector<16xi32>
        %reduce_max3A_991 = arith.xori %all_reduce_population_count3A_986, %reduce_max3A_990 : vector<16xi32>
        %reduce_max3A_992 = tpu.scan <max>, %reduce_max3A_991 masked %reduce_max3A_988 : vector<16xi32>, vector<16xi1> -> vector<16xi32>
        %reduce_max3A_993 = arith.xori %reduce_max3A_992, %reduce_max3A_990 : vector<16xi32>
        %reduce_max3A_994 = vector.extract %reduce_max3A_993[15] : i32 from vector<16xi32>
        %gt3A_995 = arith.constant 0 : i32
        %gt3A_996 = arith.cmpi sgt, %reduce_max3A_994, %gt3A_995 : i32
        %convert_element_type3A_997 = arith.extui %gt3A_996 : i1 to i32
        %cond3A_998 = arith.constant 0 : i32
        %cond3A_999 = arith.cmpi ne, %convert_element_type3A_997, %cond3A_998 : i32
        scf.if %cond3A_999 {
          %swap3A_1311 = arith.index_cast %min3A_980 : i32 to index
          %swap3A_1312 = tpu.vector_load %arg12[%swap3A_1311] masked %ge3A_985 {strides = array<i32>} : memref<1024xf32, #tpu.memory_space<vmem>>, vector<16xf32>, vector<16xi1>
          tpu.vector_store %arg12[%swap3A_1311], %get3A_983 masked %ge3A_985 {strides = array<i32>} : memref<1024xf32, #tpu.memory_space<vmem>>, vector<16xf32>, vector<16xi1>
          %add3A_1313 = arith.constant 272 : i32
          %add3A_1314 = vector.broadcast %add3A_1313 : i32 to vector<16xi32>
          %add3A_1315 = arith.addi %mul3A_613, %add3A_1314 : vector<16xi32>
          %add3A_1316 = arith.addi %add3A_1315, %iota3A : vector<16xi32>
          %swap3A_1317 = arith.index_cast %min3A_980 : i32 to index
          %swap3A_1318 = tpu.vector_load %arg13[%swap3A_1317] masked %ge3A_985 {strides = array<i32>} : memref<1024xi32, #tpu.memory_space<vmem>>, vector<16xi32>, vector<16xi1>
          tpu.vector_store %arg13[%swap3A_1317], %add3A_1316 masked %ge3A_985 {strides = array<i32>} : memref<1024xi32, #tpu.memory_space<vmem>>, vector<16xi32>, vector<16xi1>
        } else {
        }
        %add3A_1000 = arith.addi %min3A_980, %reduce_max3A_994 : i32
        %min3A_1001 = arith.constant 1008 : i32
        %min3A_1002 = arith.minsi %add3A_1000, %min3A_1001 : i32
        %get3A_1003 = arith.index_cast %scan3A_604 : i32 to index
        %get3A_1004 = arith.constant 288 : index
        %get3A_1005 = tpu.vector_load %arg11[%get3A_1003, %get3A_1004] {strides = array<i32>} : memref<128x512xf32, #tpu.memory_space<vmem>>, vector<16xf32>,
        %ge3A_1006 = vector.broadcast %scan3A_100 : f32 to vector<16xf32>
        %ge3A_1007 = arith.cmpf oge, %get3A_1005, %ge3A_1006 : vector<16xf32>
        %all_reduce_population_count3A_1008 = tpu.all_reduce %ge3A_1007 {dim = 0 : i64, kind = #tpu.reduction_kind<sum>} : vector<16xi1> -> vector<16xi32>
        %reduce_max3A_1009 = arith.constant true
        %reduce_max3A_1010 = vector.broadcast %reduce_max3A_1009 : i1 to vector<16xi1>
        %reduce_max3A_1011 = arith.constant -2147483648 : i32
        %reduce_max3A_1012 = vector.broadcast %reduce_max3A_1011 : i32 to vector<16xi32>
        %reduce_max3A_1013 = arith.xori %all_reduce_population_count3A_1008, %reduce_max3A_1012 : vector<16xi32>
        %reduce_max3A_1014 = tpu.scan <max>, %reduce_max3A_1013 masked %reduce_max3A_1010 : vector<16xi32>, vector<16xi1> -> vector<16xi32>
        %reduce_max3A_1015 = arith.xori %reduce_max3A_1014, %reduce_max3A_1012 : vector<16xi32>
        %reduce_max3A_1016 = vector.extract %reduce_max3A_1015[15] : i32 from vector<16xi32>
        %gt3A_1017 = arith.constant 0 : i32
        %gt3A_1018 = arith.cmpi sgt, %reduce_max3A_1016, %gt3A_1017 : i32
        %convert_element_type3A_1019 = arith.extui %gt3A_1018 : i1 to i32
        %cond3A_1020 = arith.constant 0 : i32
        %cond3A_1021 = arith.cmpi ne, %convert_element_type3A_1019, %cond3A_1020 : i32
        scf.if %cond3A_1021 {
          %swap3A_1311 = arith.index_cast %min3A_1002 : i32 to index
          %swap3A_1312 = tpu.vector_load %arg12[%swap3A_1311] masked %ge3A_1007 {strides = array<i32>} : memref<1024xf32, #tpu.memory_space<vmem>>, vector<16xf32>, vector<16xi1>
          tpu.vector_store %arg12[%swap3A_1311], %get3A_1005 masked %ge3A_1007 {strides = array<i32>} : memref<1024xf32, #tpu.memory_space<vmem>>, vector<16xf32>, vector<16xi1>
          %add3A_1313 = arith.constant 288 : i32
          %add3A_1314 = vector.broadcast %add3A_1313 : i32 to vector<16xi32>
          %add3A_1315 = arith.addi %mul3A_613, %add3A_1314 : vector<16xi32>
          %add3A_1316 = arith.addi %add3A_1315, %iota3A : vector<16xi32>
          %swap3A_1317 = arith.index_cast %min3A_1002 : i32 to index
          %swap3A_1318 = tpu.vector_load %arg13[%swap3A_1317] masked %ge3A_1007 {strides = array<i32>} : memref<1024xi32, #tpu.memory_space<vmem>>, vector<16xi32>, vector<16xi1>
          tpu.vector_store %arg13[%swap3A_1317], %add3A_1316 masked %ge3A_1007 {strides = array<i32>} : memref<1024xi32, #tpu.memory_space<vmem>>, vector<16xi32>, vector<16xi1>
        } else {
        }
        %add3A_1022 = arith.addi %min3A_1002, %reduce_max3A_1016 : i32
        %min3A_1023 = arith.constant 1008 : i32
        %min3A_1024 = arith.minsi %add3A_1022, %min3A_1023 : i32
        %get3A_1025 = arith.index_cast %scan3A_604 : i32 to index
        %get3A_1026 = arith.constant 304 : index
        %get3A_1027 = tpu.vector_load %arg11[%get3A_1025, %get3A_1026] {strides = array<i32>} : memref<128x512xf32, #tpu.memory_space<vmem>>, vector<16xf32>,
        %ge3A_1028 = vector.broadcast %scan3A_100 : f32 to vector<16xf32>
        %ge3A_1029 = arith.cmpf oge, %get3A_1027, %ge3A_1028 : vector<16xf32>
        %all_reduce_population_count3A_1030 = tpu.all_reduce %ge3A_1029 {dim = 0 : i64, kind = #tpu.reduction_kind<sum>} : vector<16xi1> -> vector<16xi32>
        %reduce_max3A_1031 = arith.constant true
        %reduce_max3A_1032 = vector.broadcast %reduce_max3A_1031 : i1 to vector<16xi1>
        %reduce_max3A_1033 = arith.constant -2147483648 : i32
        %reduce_max3A_1034 = vector.broadcast %reduce_max3A_1033 : i32 to vector<16xi32>
        %reduce_max3A_1035 = arith.xori %all_reduce_population_count3A_1030, %reduce_max3A_1034 : vector<16xi32>
        %reduce_max3A_1036 = tpu.scan <max>, %reduce_max3A_1035 masked %reduce_max3A_1032 : vector<16xi32>, vector<16xi1> -> vector<16xi32>
        %reduce_max3A_1037 = arith.xori %reduce_max3A_1036, %reduce_max3A_1034 : vector<16xi32>
        %reduce_max3A_1038 = vector.extract %reduce_max3A_1037[15] : i32 from vector<16xi32>
        %gt3A_1039 = arith.constant 0 : i32
        %gt3A_1040 = arith.cmpi sgt, %reduce_max3A_1038, %gt3A_1039 : i32
        %convert_element_type3A_1041 = arith.extui %gt3A_1040 : i1 to i32
        %cond3A_1042 = arith.constant 0 : i32
        %cond3A_1043 = arith.cmpi ne, %convert_element_type3A_1041, %cond3A_1042 : i32
        scf.if %cond3A_1043 {
          %swap3A_1311 = arith.index_cast %min3A_1024 : i32 to index
          %swap3A_1312 = tpu.vector_load %arg12[%swap3A_1311] masked %ge3A_1029 {strides = array<i32>} : memref<1024xf32, #tpu.memory_space<vmem>>, vector<16xf32>, vector<16xi1>
          tpu.vector_store %arg12[%swap3A_1311], %get3A_1027 masked %ge3A_1029 {strides = array<i32>} : memref<1024xf32, #tpu.memory_space<vmem>>, vector<16xf32>, vector<16xi1>
          %add3A_1313 = arith.constant 304 : i32
          %add3A_1314 = vector.broadcast %add3A_1313 : i32 to vector<16xi32>
          %add3A_1315 = arith.addi %mul3A_613, %add3A_1314 : vector<16xi32>
          %add3A_1316 = arith.addi %add3A_1315, %iota3A : vector<16xi32>
          %swap3A_1317 = arith.index_cast %min3A_1024 : i32 to index
          %swap3A_1318 = tpu.vector_load %arg13[%swap3A_1317] masked %ge3A_1029 {strides = array<i32>} : memref<1024xi32, #tpu.memory_space<vmem>>, vector<16xi32>, vector<16xi1>
          tpu.vector_store %arg13[%swap3A_1317], %add3A_1316 masked %ge3A_1029 {strides = array<i32>} : memref<1024xi32, #tpu.memory_space<vmem>>, vector<16xi32>, vector<16xi1>
        } else {
        }
        %add3A_1044 = arith.addi %min3A_1024, %reduce_max3A_1038 : i32
        %min3A_1045 = arith.constant 1008 : i32
        %min3A_1046 = arith.minsi %add3A_1044, %min3A_1045 : i32
        %get3A_1047 = arith.index_cast %scan3A_604 : i32 to index
        %get3A_1048 = arith.constant 320 : index
        %get3A_1049 = tpu.vector_load %arg11[%get3A_1047, %get3A_1048] {strides = array<i32>} : memref<128x512xf32, #tpu.memory_space<vmem>>, vector<16xf32>,
        %ge3A_1050 = vector.broadcast %scan3A_100 : f32 to vector<16xf32>
        %ge3A_1051 = arith.cmpf oge, %get3A_1049, %ge3A_1050 : vector<16xf32>
        %all_reduce_population_count3A_1052 = tpu.all_reduce %ge3A_1051 {dim = 0 : i64, kind = #tpu.reduction_kind<sum>} : vector<16xi1> -> vector<16xi32>
        %reduce_max3A_1053 = arith.constant true
        %reduce_max3A_1054 = vector.broadcast %reduce_max3A_1053 : i1 to vector<16xi1>
        %reduce_max3A_1055 = arith.constant -2147483648 : i32
        %reduce_max3A_1056 = vector.broadcast %reduce_max3A_1055 : i32 to vector<16xi32>
        %reduce_max3A_1057 = arith.xori %all_reduce_population_count3A_1052, %reduce_max3A_1056 : vector<16xi32>
        %reduce_max3A_1058 = tpu.scan <max>, %reduce_max3A_1057 masked %reduce_max3A_1054 : vector<16xi32>, vector<16xi1> -> vector<16xi32>
        %reduce_max3A_1059 = arith.xori %reduce_max3A_1058, %reduce_max3A_1056 : vector<16xi32>
        %reduce_max3A_1060 = vector.extract %reduce_max3A_1059[15] : i32 from vector<16xi32>
        %gt3A_1061 = arith.constant 0 : i32
        %gt3A_1062 = arith.cmpi sgt, %reduce_max3A_1060, %gt3A_1061 : i32
        %convert_element_type3A_1063 = arith.extui %gt3A_1062 : i1 to i32
        %cond3A_1064 = arith.constant 0 : i32
        %cond3A_1065 = arith.cmpi ne, %convert_element_type3A_1063, %cond3A_1064 : i32
        scf.if %cond3A_1065 {
          %swap3A_1311 = arith.index_cast %min3A_1046 : i32 to index
          %swap3A_1312 = tpu.vector_load %arg12[%swap3A_1311] masked %ge3A_1051 {strides = array<i32>} : memref<1024xf32, #tpu.memory_space<vmem>>, vector<16xf32>, vector<16xi1>
          tpu.vector_store %arg12[%swap3A_1311], %get3A_1049 masked %ge3A_1051 {strides = array<i32>} : memref<1024xf32, #tpu.memory_space<vmem>>, vector<16xf32>, vector<16xi1>
          %add3A_1313 = arith.constant 320 : i32
          %add3A_1314 = vector.broadcast %add3A_1313 : i32 to vector<16xi32>
          %add3A_1315 = arith.addi %mul3A_613, %add3A_1314 : vector<16xi32>
          %add3A_1316 = arith.addi %add3A_1315, %iota3A : vector<16xi32>
          %swap3A_1317 = arith.index_cast %min3A_1046 : i32 to index
          %swap3A_1318 = tpu.vector_load %arg13[%swap3A_1317] masked %ge3A_1051 {strides = array<i32>} : memref<1024xi32, #tpu.memory_space<vmem>>, vector<16xi32>, vector<16xi1>
          tpu.vector_store %arg13[%swap3A_1317], %add3A_1316 masked %ge3A_1051 {strides = array<i32>} : memref<1024xi32, #tpu.memory_space<vmem>>, vector<16xi32>, vector<16xi1>
        } else {
        }
        %add3A_1066 = arith.addi %min3A_1046, %reduce_max3A_1060 : i32
        %min3A_1067 = arith.constant 1008 : i32
        %min3A_1068 = arith.minsi %add3A_1066, %min3A_1067 : i32
        %get3A_1069 = arith.index_cast %scan3A_604 : i32 to index
        %get3A_1070 = arith.constant 336 : index
        %get3A_1071 = tpu.vector_load %arg11[%get3A_1069, %get3A_1070] {strides = array<i32>} : memref<128x512xf32, #tpu.memory_space<vmem>>, vector<16xf32>,
        %ge3A_1072 = vector.broadcast %scan3A_100 : f32 to vector<16xf32>
        %ge3A_1073 = arith.cmpf oge, %get3A_1071, %ge3A_1072 : vector<16xf32>
        %all_reduce_population_count3A_1074 = tpu.all_reduce %ge3A_1073 {dim = 0 : i64, kind = #tpu.reduction_kind<sum>} : vector<16xi1> -> vector<16xi32>
        %reduce_max3A_1075 = arith.constant true
        %reduce_max3A_1076 = vector.broadcast %reduce_max3A_1075 : i1 to vector<16xi1>
        %reduce_max3A_1077 = arith.constant -2147483648 : i32
        %reduce_max3A_1078 = vector.broadcast %reduce_max3A_1077 : i32 to vector<16xi32>
        %reduce_max3A_1079 = arith.xori %all_reduce_population_count3A_1074, %reduce_max3A_1078 : vector<16xi32>
        %reduce_max3A_1080 = tpu.scan <max>, %reduce_max3A_1079 masked %reduce_max3A_1076 : vector<16xi32>, vector<16xi1> -> vector<16xi32>
        %reduce_max3A_1081 = arith.xori %reduce_max3A_1080, %reduce_max3A_1078 : vector<16xi32>
        %reduce_max3A_1082 = vector.extract %reduce_max3A_1081[15] : i32 from vector<16xi32>
        %gt3A_1083 = arith.constant 0 : i32
        %gt3A_1084 = arith.cmpi sgt, %reduce_max3A_1082, %gt3A_1083 : i32
        %convert_element_type3A_1085 = arith.extui %gt3A_1084 : i1 to i32
        %cond3A_1086 = arith.constant 0 : i32
        %cond3A_1087 = arith.cmpi ne, %convert_element_type3A_1085, %cond3A_1086 : i32
        scf.if %cond3A_1087 {
          %swap3A_1311 = arith.index_cast %min3A_1068 : i32 to index
          %swap3A_1312 = tpu.vector_load %arg12[%swap3A_1311] masked %ge3A_1073 {strides = array<i32>} : memref<1024xf32, #tpu.memory_space<vmem>>, vector<16xf32>, vector<16xi1>
          tpu.vector_store %arg12[%swap3A_1311], %get3A_1071 masked %ge3A_1073 {strides = array<i32>} : memref<1024xf32, #tpu.memory_space<vmem>>, vector<16xf32>, vector<16xi1>
          %add3A_1313 = arith.constant 336 : i32
          %add3A_1314 = vector.broadcast %add3A_1313 : i32 to vector<16xi32>
          %add3A_1315 = arith.addi %mul3A_613, %add3A_1314 : vector<16xi32>
          %add3A_1316 = arith.addi %add3A_1315, %iota3A : vector<16xi32>
          %swap3A_1317 = arith.index_cast %min3A_1068 : i32 to index
          %swap3A_1318 = tpu.vector_load %arg13[%swap3A_1317] masked %ge3A_1073 {strides = array<i32>} : memref<1024xi32, #tpu.memory_space<vmem>>, vector<16xi32>, vector<16xi1>
          tpu.vector_store %arg13[%swap3A_1317], %add3A_1316 masked %ge3A_1073 {strides = array<i32>} : memref<1024xi32, #tpu.memory_space<vmem>>, vector<16xi32>, vector<16xi1>
        } else {
        }
        %add3A_1088 = arith.addi %min3A_1068, %reduce_max3A_1082 : i32
        %min3A_1089 = arith.constant 1008 : i32
        %min3A_1090 = arith.minsi %add3A_1088, %min3A_1089 : i32
        %get3A_1091 = arith.index_cast %scan3A_604 : i32 to index
        %get3A_1092 = arith.constant 352 : index
        %get3A_1093 = tpu.vector_load %arg11[%get3A_1091, %get3A_1092] {strides = array<i32>} : memref<128x512xf32, #tpu.memory_space<vmem>>, vector<16xf32>,
        %ge3A_1094 = vector.broadcast %scan3A_100 : f32 to vector<16xf32>
        %ge3A_1095 = arith.cmpf oge, %get3A_1093, %ge3A_1094 : vector<16xf32>
        %all_reduce_population_count3A_1096 = tpu.all_reduce %ge3A_1095 {dim = 0 : i64, kind = #tpu.reduction_kind<sum>} : vector<16xi1> -> vector<16xi32>
        %reduce_max3A_1097 = arith.constant true
        %reduce_max3A_1098 = vector.broadcast %reduce_max3A_1097 : i1 to vector<16xi1>
        %reduce_max3A_1099 = arith.constant -2147483648 : i32
        %reduce_max3A_1100 = vector.broadcast %reduce_max3A_1099 : i32 to vector<16xi32>
        %reduce_max3A_1101 = arith.xori %all_reduce_population_count3A_1096, %reduce_max3A_1100 : vector<16xi32>
        %reduce_max3A_1102 = tpu.scan <max>, %reduce_max3A_1101 masked %reduce_max3A_1098 : vector<16xi32>, vector<16xi1> -> vector<16xi32>
        %reduce_max3A_1103 = arith.xori %reduce_max3A_1102, %reduce_max3A_1100 : vector<16xi32>
        %reduce_max3A_1104 = vector.extract %reduce_max3A_1103[15] : i32 from vector<16xi32>
        %gt3A_1105 = arith.constant 0 : i32
        %gt3A_1106 = arith.cmpi sgt, %reduce_max3A_1104, %gt3A_1105 : i32
        %convert_element_type3A_1107 = arith.extui %gt3A_1106 : i1 to i32
        %cond3A_1108 = arith.constant 0 : i32
        %cond3A_1109 = arith.cmpi ne, %convert_element_type3A_1107, %cond3A_1108 : i32
        scf.if %cond3A_1109 {
          %swap3A_1311 = arith.index_cast %min3A_1090 : i32 to index
          %swap3A_1312 = tpu.vector_load %arg12[%swap3A_1311] masked %ge3A_1095 {strides = array<i32>} : memref<1024xf32, #tpu.memory_space<vmem>>, vector<16xf32>, vector<16xi1>
          tpu.vector_store %arg12[%swap3A_1311], %get3A_1093 masked %ge3A_1095 {strides = array<i32>} : memref<1024xf32, #tpu.memory_space<vmem>>, vector<16xf32>, vector<16xi1>
          %add3A_1313 = arith.constant 352 : i32
          %add3A_1314 = vector.broadcast %add3A_1313 : i32 to vector<16xi32>
          %add3A_1315 = arith.addi %mul3A_613, %add3A_1314 : vector<16xi32>
          %add3A_1316 = arith.addi %add3A_1315, %iota3A : vector<16xi32>
          %swap3A_1317 = arith.index_cast %min3A_1090 : i32 to index
          %swap3A_1318 = tpu.vector_load %arg13[%swap3A_1317] masked %ge3A_1095 {strides = array<i32>} : memref<1024xi32, #tpu.memory_space<vmem>>, vector<16xi32>, vector<16xi1>
          tpu.vector_store %arg13[%swap3A_1317], %add3A_1316 masked %ge3A_1095 {strides = array<i32>} : memref<1024xi32, #tpu.memory_space<vmem>>, vector<16xi32>, vector<16xi1>
        } else {
        }
        %add3A_1110 = arith.addi %min3A_1090, %reduce_max3A_1104 : i32
        %min3A_1111 = arith.constant 1008 : i32
        %min3A_1112 = arith.minsi %add3A_1110, %min3A_1111 : i32
        %get3A_1113 = arith.index_cast %scan3A_604 : i32 to index
        %get3A_1114 = arith.constant 368 : index
        %get3A_1115 = tpu.vector_load %arg11[%get3A_1113, %get3A_1114] {strides = array<i32>} : memref<128x512xf32, #tpu.memory_space<vmem>>, vector<16xf32>,
        %ge3A_1116 = vector.broadcast %scan3A_100 : f32 to vector<16xf32>
        %ge3A_1117 = arith.cmpf oge, %get3A_1115, %ge3A_1116 : vector<16xf32>
        %all_reduce_population_count3A_1118 = tpu.all_reduce %ge3A_1117 {dim = 0 : i64, kind = #tpu.reduction_kind<sum>} : vector<16xi1> -> vector<16xi32>
        %reduce_max3A_1119 = arith.constant true
        %reduce_max3A_1120 = vector.broadcast %reduce_max3A_1119 : i1 to vector<16xi1>
        %reduce_max3A_1121 = arith.constant -2147483648 : i32
        %reduce_max3A_1122 = vector.broadcast %reduce_max3A_1121 : i32 to vector<16xi32>
        %reduce_max3A_1123 = arith.xori %all_reduce_population_count3A_1118, %reduce_max3A_1122 : vector<16xi32>
        %reduce_max3A_1124 = tpu.scan <max>, %reduce_max3A_1123 masked %reduce_max3A_1120 : vector<16xi32>, vector<16xi1> -> vector<16xi32>
        %reduce_max3A_1125 = arith.xori %reduce_max3A_1124, %reduce_max3A_1122 : vector<16xi32>
        %reduce_max3A_1126 = vector.extract %reduce_max3A_1125[15] : i32 from vector<16xi32>
        %gt3A_1127 = arith.constant 0 : i32
        %gt3A_1128 = arith.cmpi sgt, %reduce_max3A_1126, %gt3A_1127 : i32
        %convert_element_type3A_1129 = arith.extui %gt3A_1128 : i1 to i32
        %cond3A_1130 = arith.constant 0 : i32
        %cond3A_1131 = arith.cmpi ne, %convert_element_type3A_1129, %cond3A_1130 : i32
        scf.if %cond3A_1131 {
          %swap3A_1311 = arith.index_cast %min3A_1112 : i32 to index
          %swap3A_1312 = tpu.vector_load %arg12[%swap3A_1311] masked %ge3A_1117 {strides = array<i32>} : memref<1024xf32, #tpu.memory_space<vmem>>, vector<16xf32>, vector<16xi1>
          tpu.vector_store %arg12[%swap3A_1311], %get3A_1115 masked %ge3A_1117 {strides = array<i32>} : memref<1024xf32, #tpu.memory_space<vmem>>, vector<16xf32>, vector<16xi1>
          %add3A_1313 = arith.constant 368 : i32
          %add3A_1314 = vector.broadcast %add3A_1313 : i32 to vector<16xi32>
          %add3A_1315 = arith.addi %mul3A_613, %add3A_1314 : vector<16xi32>
          %add3A_1316 = arith.addi %add3A_1315, %iota3A : vector<16xi32>
          %swap3A_1317 = arith.index_cast %min3A_1112 : i32 to index
          %swap3A_1318 = tpu.vector_load %arg13[%swap3A_1317] masked %ge3A_1117 {strides = array<i32>} : memref<1024xi32, #tpu.memory_space<vmem>>, vector<16xi32>, vector<16xi1>
          tpu.vector_store %arg13[%swap3A_1317], %add3A_1316 masked %ge3A_1117 {strides = array<i32>} : memref<1024xi32, #tpu.memory_space<vmem>>, vector<16xi32>, vector<16xi1>
        } else {
        }
        %add3A_1132 = arith.addi %min3A_1112, %reduce_max3A_1126 : i32
        %min3A_1133 = arith.constant 1008 : i32
        %min3A_1134 = arith.minsi %add3A_1132, %min3A_1133 : i32
        %get3A_1135 = arith.index_cast %scan3A_604 : i32 to index
        %get3A_1136 = arith.constant 384 : index
        %get3A_1137 = tpu.vector_load %arg11[%get3A_1135, %get3A_1136] {strides = array<i32>} : memref<128x512xf32, #tpu.memory_space<vmem>>, vector<16xf32>,
        %ge3A_1138 = vector.broadcast %scan3A_100 : f32 to vector<16xf32>
        %ge3A_1139 = arith.cmpf oge, %get3A_1137, %ge3A_1138 : vector<16xf32>
        %all_reduce_population_count3A_1140 = tpu.all_reduce %ge3A_1139 {dim = 0 : i64, kind = #tpu.reduction_kind<sum>} : vector<16xi1> -> vector<16xi32>
        %reduce_max3A_1141 = arith.constant true
        %reduce_max3A_1142 = vector.broadcast %reduce_max3A_1141 : i1 to vector<16xi1>
        %reduce_max3A_1143 = arith.constant -2147483648 : i32
        %reduce_max3A_1144 = vector.broadcast %reduce_max3A_1143 : i32 to vector<16xi32>
        %reduce_max3A_1145 = arith.xori %all_reduce_population_count3A_1140, %reduce_max3A_1144 : vector<16xi32>
        %reduce_max3A_1146 = tpu.scan <max>, %reduce_max3A_1145 masked %reduce_max3A_1142 : vector<16xi32>, vector<16xi1> -> vector<16xi32>
        %reduce_max3A_1147 = arith.xori %reduce_max3A_1146, %reduce_max3A_1144 : vector<16xi32>
        %reduce_max3A_1148 = vector.extract %reduce_max3A_1147[15] : i32 from vector<16xi32>
        %gt3A_1149 = arith.constant 0 : i32
        %gt3A_1150 = arith.cmpi sgt, %reduce_max3A_1148, %gt3A_1149 : i32
        %convert_element_type3A_1151 = arith.extui %gt3A_1150 : i1 to i32
        %cond3A_1152 = arith.constant 0 : i32
        %cond3A_1153 = arith.cmpi ne, %convert_element_type3A_1151, %cond3A_1152 : i32
        scf.if %cond3A_1153 {
          %swap3A_1311 = arith.index_cast %min3A_1134 : i32 to index
          %swap3A_1312 = tpu.vector_load %arg12[%swap3A_1311] masked %ge3A_1139 {strides = array<i32>} : memref<1024xf32, #tpu.memory_space<vmem>>, vector<16xf32>, vector<16xi1>
          tpu.vector_store %arg12[%swap3A_1311], %get3A_1137 masked %ge3A_1139 {strides = array<i32>} : memref<1024xf32, #tpu.memory_space<vmem>>, vector<16xf32>, vector<16xi1>
          %add3A_1313 = arith.constant 384 : i32
          %add3A_1314 = vector.broadcast %add3A_1313 : i32 to vector<16xi32>
          %add3A_1315 = arith.addi %mul3A_613, %add3A_1314 : vector<16xi32>
          %add3A_1316 = arith.addi %add3A_1315, %iota3A : vector<16xi32>
          %swap3A_1317 = arith.index_cast %min3A_1134 : i32 to index
          %swap3A_1318 = tpu.vector_load %arg13[%swap3A_1317] masked %ge3A_1139 {strides = array<i32>} : memref<1024xi32, #tpu.memory_space<vmem>>, vector<16xi32>, vector<16xi1>
          tpu.vector_store %arg13[%swap3A_1317], %add3A_1316 masked %ge3A_1139 {strides = array<i32>} : memref<1024xi32, #tpu.memory_space<vmem>>, vector<16xi32>, vector<16xi1>
        } else {
        }
        %add3A_1154 = arith.addi %min3A_1134, %reduce_max3A_1148 : i32
        %min3A_1155 = arith.constant 1008 : i32
        %min3A_1156 = arith.minsi %add3A_1154, %min3A_1155 : i32
        %get3A_1157 = arith.index_cast %scan3A_604 : i32 to index
        %get3A_1158 = arith.constant 400 : index
        %get3A_1159 = tpu.vector_load %arg11[%get3A_1157, %get3A_1158] {strides = array<i32>} : memref<128x512xf32, #tpu.memory_space<vmem>>, vector<16xf32>,
        %ge3A_1160 = vector.broadcast %scan3A_100 : f32 to vector<16xf32>
        %ge3A_1161 = arith.cmpf oge, %get3A_1159, %ge3A_1160 : vector<16xf32>
        %all_reduce_population_count3A_1162 = tpu.all_reduce %ge3A_1161 {dim = 0 : i64, kind = #tpu.reduction_kind<sum>} : vector<16xi1> -> vector<16xi32>
        %reduce_max3A_1163 = arith.constant true
        %reduce_max3A_1164 = vector.broadcast %reduce_max3A_1163 : i1 to vector<16xi1>
        %reduce_max3A_1165 = arith.constant -2147483648 : i32
        %reduce_max3A_1166 = vector.broadcast %reduce_max3A_1165 : i32 to vector<16xi32>
        %reduce_max3A_1167 = arith.xori %all_reduce_population_count3A_1162, %reduce_max3A_1166 : vector<16xi32>
        %reduce_max3A_1168 = tpu.scan <max>, %reduce_max3A_1167 masked %reduce_max3A_1164 : vector<16xi32>, vector<16xi1> -> vector<16xi32>
        %reduce_max3A_1169 = arith.xori %reduce_max3A_1168, %reduce_max3A_1166 : vector<16xi32>
        %reduce_max3A_1170 = vector.extract %reduce_max3A_1169[15] : i32 from vector<16xi32>
        %gt3A_1171 = arith.constant 0 : i32
        %gt3A_1172 = arith.cmpi sgt, %reduce_max3A_1170, %gt3A_1171 : i32
        %convert_element_type3A_1173 = arith.extui %gt3A_1172 : i1 to i32
        %cond3A_1174 = arith.constant 0 : i32
        %cond3A_1175 = arith.cmpi ne, %convert_element_type3A_1173, %cond3A_1174 : i32
        scf.if %cond3A_1175 {
          %swap3A_1311 = arith.index_cast %min3A_1156 : i32 to index
          %swap3A_1312 = tpu.vector_load %arg12[%swap3A_1311] masked %ge3A_1161 {strides = array<i32>} : memref<1024xf32, #tpu.memory_space<vmem>>, vector<16xf32>, vector<16xi1>
          tpu.vector_store %arg12[%swap3A_1311], %get3A_1159 masked %ge3A_1161 {strides = array<i32>} : memref<1024xf32, #tpu.memory_space<vmem>>, vector<16xf32>, vector<16xi1>
          %add3A_1313 = arith.constant 400 : i32
          %add3A_1314 = vector.broadcast %add3A_1313 : i32 to vector<16xi32>
          %add3A_1315 = arith.addi %mul3A_613, %add3A_1314 : vector<16xi32>
          %add3A_1316 = arith.addi %add3A_1315, %iota3A : vector<16xi32>
          %swap3A_1317 = arith.index_cast %min3A_1156 : i32 to index
          %swap3A_1318 = tpu.vector_load %arg13[%swap3A_1317] masked %ge3A_1161 {strides = array<i32>} : memref<1024xi32, #tpu.memory_space<vmem>>, vector<16xi32>, vector<16xi1>
          tpu.vector_store %arg13[%swap3A_1317], %add3A_1316 masked %ge3A_1161 {strides = array<i32>} : memref<1024xi32, #tpu.memory_space<vmem>>, vector<16xi32>, vector<16xi1>
        } else {
        }
        %add3A_1176 = arith.addi %min3A_1156, %reduce_max3A_1170 : i32
        %min3A_1177 = arith.constant 1008 : i32
        %min3A_1178 = arith.minsi %add3A_1176, %min3A_1177 : i32
        %get3A_1179 = arith.index_cast %scan3A_604 : i32 to index
        %get3A_1180 = arith.constant 416 : index
        %get3A_1181 = tpu.vector_load %arg11[%get3A_1179, %get3A_1180] {strides = array<i32>} : memref<128x512xf32, #tpu.memory_space<vmem>>, vector<16xf32>,
        %ge3A_1182 = vector.broadcast %scan3A_100 : f32 to vector<16xf32>
        %ge3A_1183 = arith.cmpf oge, %get3A_1181, %ge3A_1182 : vector<16xf32>
        %all_reduce_population_count3A_1184 = tpu.all_reduce %ge3A_1183 {dim = 0 : i64, kind = #tpu.reduction_kind<sum>} : vector<16xi1> -> vector<16xi32>
        %reduce_max3A_1185 = arith.constant true
        %reduce_max3A_1186 = vector.broadcast %reduce_max3A_1185 : i1 to vector<16xi1>
        %reduce_max3A_1187 = arith.constant -2147483648 : i32
        %reduce_max3A_1188 = vector.broadcast %reduce_max3A_1187 : i32 to vector<16xi32>
        %reduce_max3A_1189 = arith.xori %all_reduce_population_count3A_1184, %reduce_max3A_1188 : vector<16xi32>
        %reduce_max3A_1190 = tpu.scan <max>, %reduce_max3A_1189 masked %reduce_max3A_1186 : vector<16xi32>, vector<16xi1> -> vector<16xi32>
        %reduce_max3A_1191 = arith.xori %reduce_max3A_1190, %reduce_max3A_1188 : vector<16xi32>
        %reduce_max3A_1192 = vector.extract %reduce_max3A_1191[15] : i32 from vector<16xi32>
        %gt3A_1193 = arith.constant 0 : i32
        %gt3A_1194 = arith.cmpi sgt, %reduce_max3A_1192, %gt3A_1193 : i32
        %convert_element_type3A_1195 = arith.extui %gt3A_1194 : i1 to i32
        %cond3A_1196 = arith.constant 0 : i32
        %cond3A_1197 = arith.cmpi ne, %convert_element_type3A_1195, %cond3A_1196 : i32
        scf.if %cond3A_1197 {
          %swap3A_1311 = arith.index_cast %min3A_1178 : i32 to index
          %swap3A_1312 = tpu.vector_load %arg12[%swap3A_1311] masked %ge3A_1183 {strides = array<i32>} : memref<1024xf32, #tpu.memory_space<vmem>>, vector<16xf32>, vector<16xi1>
          tpu.vector_store %arg12[%swap3A_1311], %get3A_1181 masked %ge3A_1183 {strides = array<i32>} : memref<1024xf32, #tpu.memory_space<vmem>>, vector<16xf32>, vector<16xi1>
          %add3A_1313 = arith.constant 416 : i32
          %add3A_1314 = vector.broadcast %add3A_1313 : i32 to vector<16xi32>
          %add3A_1315 = arith.addi %mul3A_613, %add3A_1314 : vector<16xi32>
          %add3A_1316 = arith.addi %add3A_1315, %iota3A : vector<16xi32>
          %swap3A_1317 = arith.index_cast %min3A_1178 : i32 to index
          %swap3A_1318 = tpu.vector_load %arg13[%swap3A_1317] masked %ge3A_1183 {strides = array<i32>} : memref<1024xi32, #tpu.memory_space<vmem>>, vector<16xi32>, vector<16xi1>
          tpu.vector_store %arg13[%swap3A_1317], %add3A_1316 masked %ge3A_1183 {strides = array<i32>} : memref<1024xi32, #tpu.memory_space<vmem>>, vector<16xi32>, vector<16xi1>
        } else {
        }
        %add3A_1198 = arith.addi %min3A_1178, %reduce_max3A_1192 : i32
        %min3A_1199 = arith.constant 1008 : i32
        %min3A_1200 = arith.minsi %add3A_1198, %min3A_1199 : i32
        %get3A_1201 = arith.index_cast %scan3A_604 : i32 to index
        %get3A_1202 = arith.constant 432 : index
        %get3A_1203 = tpu.vector_load %arg11[%get3A_1201, %get3A_1202] {strides = array<i32>} : memref<128x512xf32, #tpu.memory_space<vmem>>, vector<16xf32>,
        %ge3A_1204 = vector.broadcast %scan3A_100 : f32 to vector<16xf32>
        %ge3A_1205 = arith.cmpf oge, %get3A_1203, %ge3A_1204 : vector<16xf32>
        %all_reduce_population_count3A_1206 = tpu.all_reduce %ge3A_1205 {dim = 0 : i64, kind = #tpu.reduction_kind<sum>} : vector<16xi1> -> vector<16xi32>
        %reduce_max3A_1207 = arith.constant true
        %reduce_max3A_1208 = vector.broadcast %reduce_max3A_1207 : i1 to vector<16xi1>
        %reduce_max3A_1209 = arith.constant -2147483648 : i32
        %reduce_max3A_1210 = vector.broadcast %reduce_max3A_1209 : i32 to vector<16xi32>
        %reduce_max3A_1211 = arith.xori %all_reduce_population_count3A_1206, %reduce_max3A_1210 : vector<16xi32>
        %reduce_max3A_1212 = tpu.scan <max>, %reduce_max3A_1211 masked %reduce_max3A_1208 : vector<16xi32>, vector<16xi1> -> vector<16xi32>
        %reduce_max3A_1213 = arith.xori %reduce_max3A_1212, %reduce_max3A_1210 : vector<16xi32>
        %reduce_max3A_1214 = vector.extract %reduce_max3A_1213[15] : i32 from vector<16xi32>
        %gt3A_1215 = arith.constant 0 : i32
        %gt3A_1216 = arith.cmpi sgt, %reduce_max3A_1214, %gt3A_1215 : i32
        %convert_element_type3A_1217 = arith.extui %gt3A_1216 : i1 to i32
        %cond3A_1218 = arith.constant 0 : i32
        %cond3A_1219 = arith.cmpi ne, %convert_element_type3A_1217, %cond3A_1218 : i32
        scf.if %cond3A_1219 {
          %swap3A_1311 = arith.index_cast %min3A_1200 : i32 to index
          %swap3A_1312 = tpu.vector_load %arg12[%swap3A_1311] masked %ge3A_1205 {strides = array<i32>} : memref<1024xf32, #tpu.memory_space<vmem>>, vector<16xf32>, vector<16xi1>
          tpu.vector_store %arg12[%swap3A_1311], %get3A_1203 masked %ge3A_1205 {strides = array<i32>} : memref<1024xf32, #tpu.memory_space<vmem>>, vector<16xf32>, vector<16xi1>
          %add3A_1313 = arith.constant 432 : i32
          %add3A_1314 = vector.broadcast %add3A_1313 : i32 to vector<16xi32>
          %add3A_1315 = arith.addi %mul3A_613, %add3A_1314 : vector<16xi32>
          %add3A_1316 = arith.addi %add3A_1315, %iota3A : vector<16xi32>
          %swap3A_1317 = arith.index_cast %min3A_1200 : i32 to index
          %swap3A_1318 = tpu.vector_load %arg13[%swap3A_1317] masked %ge3A_1205 {strides = array<i32>} : memref<1024xi32, #tpu.memory_space<vmem>>, vector<16xi32>, vector<16xi1>
          tpu.vector_store %arg13[%swap3A_1317], %add3A_1316 masked %ge3A_1205 {strides = array<i32>} : memref<1024xi32, #tpu.memory_space<vmem>>, vector<16xi32>, vector<16xi1>
        } else {
        }
        %add3A_1220 = arith.addi %min3A_1200, %reduce_max3A_1214 : i32
        %min3A_1221 = arith.constant 1008 : i32
        %min3A_1222 = arith.minsi %add3A_1220, %min3A_1221 : i32
        %get3A_1223 = arith.index_cast %scan3A_604 : i32 to index
        %get3A_1224 = arith.constant 448 : index
        %get3A_1225 = tpu.vector_load %arg11[%get3A_1223, %get3A_1224] {strides = array<i32>} : memref<128x512xf32, #tpu.memory_space<vmem>>, vector<16xf32>,
        %ge3A_1226 = vector.broadcast %scan3A_100 : f32 to vector<16xf32>
        %ge3A_1227 = arith.cmpf oge, %get3A_1225, %ge3A_1226 : vector<16xf32>
        %all_reduce_population_count3A_1228 = tpu.all_reduce %ge3A_1227 {dim = 0 : i64, kind = #tpu.reduction_kind<sum>} : vector<16xi1> -> vector<16xi32>
        %reduce_max3A_1229 = arith.constant true
        %reduce_max3A_1230 = vector.broadcast %reduce_max3A_1229 : i1 to vector<16xi1>
        %reduce_max3A_1231 = arith.constant -2147483648 : i32
        %reduce_max3A_1232 = vector.broadcast %reduce_max3A_1231 : i32 to vector<16xi32>
        %reduce_max3A_1233 = arith.xori %all_reduce_population_count3A_1228, %reduce_max3A_1232 : vector<16xi32>
        %reduce_max3A_1234 = tpu.scan <max>, %reduce_max3A_1233 masked %reduce_max3A_1230 : vector<16xi32>, vector<16xi1> -> vector<16xi32>
        %reduce_max3A_1235 = arith.xori %reduce_max3A_1234, %reduce_max3A_1232 : vector<16xi32>
        %reduce_max3A_1236 = vector.extract %reduce_max3A_1235[15] : i32 from vector<16xi32>
        %gt3A_1237 = arith.constant 0 : i32
        %gt3A_1238 = arith.cmpi sgt, %reduce_max3A_1236, %gt3A_1237 : i32
        %convert_element_type3A_1239 = arith.extui %gt3A_1238 : i1 to i32
        %cond3A_1240 = arith.constant 0 : i32
        %cond3A_1241 = arith.cmpi ne, %convert_element_type3A_1239, %cond3A_1240 : i32
        scf.if %cond3A_1241 {
          %swap3A_1311 = arith.index_cast %min3A_1222 : i32 to index
          %swap3A_1312 = tpu.vector_load %arg12[%swap3A_1311] masked %ge3A_1227 {strides = array<i32>} : memref<1024xf32, #tpu.memory_space<vmem>>, vector<16xf32>, vector<16xi1>
          tpu.vector_store %arg12[%swap3A_1311], %get3A_1225 masked %ge3A_1227 {strides = array<i32>} : memref<1024xf32, #tpu.memory_space<vmem>>, vector<16xf32>, vector<16xi1>
          %add3A_1313 = arith.constant 448 : i32
          %add3A_1314 = vector.broadcast %add3A_1313 : i32 to vector<16xi32>
          %add3A_1315 = arith.addi %mul3A_613, %add3A_1314 : vector<16xi32>
          %add3A_1316 = arith.addi %add3A_1315, %iota3A : vector<16xi32>
          %swap3A_1317 = arith.index_cast %min3A_1222 : i32 to index
          %swap3A_1318 = tpu.vector_load %arg13[%swap3A_1317] masked %ge3A_1227 {strides = array<i32>} : memref<1024xi32, #tpu.memory_space<vmem>>, vector<16xi32>, vector<16xi1>
          tpu.vector_store %arg13[%swap3A_1317], %add3A_1316 masked %ge3A_1227 {strides = array<i32>} : memref<1024xi32, #tpu.memory_space<vmem>>, vector<16xi32>, vector<16xi1>
        } else {
        }
        %add3A_1242 = arith.addi %min3A_1222, %reduce_max3A_1236 : i32
        %min3A_1243 = arith.constant 1008 : i32
        %min3A_1244 = arith.minsi %add3A_1242, %min3A_1243 : i32
        %get3A_1245 = arith.index_cast %scan3A_604 : i32 to index
        %get3A_1246 = arith.constant 464 : index
        %get3A_1247 = tpu.vector_load %arg11[%get3A_1245, %get3A_1246] {strides = array<i32>} : memref<128x512xf32, #tpu.memory_space<vmem>>, vector<16xf32>,
        %ge3A_1248 = vector.broadcast %scan3A_100 : f32 to vector<16xf32>
        %ge3A_1249 = arith.cmpf oge, %get3A_1247, %ge3A_1248 : vector<16xf32>
        %all_reduce_population_count3A_1250 = tpu.all_reduce %ge3A_1249 {dim = 0 : i64, kind = #tpu.reduction_kind<sum>} : vector<16xi1> -> vector<16xi32>
        %reduce_max3A_1251 = arith.constant true
        %reduce_max3A_1252 = vector.broadcast %reduce_max3A_1251 : i1 to vector<16xi1>
        %reduce_max3A_1253 = arith.constant -2147483648 : i32
        %reduce_max3A_1254 = vector.broadcast %reduce_max3A_1253 : i32 to vector<16xi32>
        %reduce_max3A_1255 = arith.xori %all_reduce_population_count3A_1250, %reduce_max3A_1254 : vector<16xi32>
        %reduce_max3A_1256 = tpu.scan <max>, %reduce_max3A_1255 masked %reduce_max3A_1252 : vector<16xi32>, vector<16xi1> -> vector<16xi32>
        %reduce_max3A_1257 = arith.xori %reduce_max3A_1256, %reduce_max3A_1254 : vector<16xi32>
        %reduce_max3A_1258 = vector.extract %reduce_max3A_1257[15] : i32 from vector<16xi32>
        %gt3A_1259 = arith.constant 0 : i32
        %gt3A_1260 = arith.cmpi sgt, %reduce_max3A_1258, %gt3A_1259 : i32
        %convert_element_type3A_1261 = arith.extui %gt3A_1260 : i1 to i32
        %cond3A_1262 = arith.constant 0 : i32
        %cond3A_1263 = arith.cmpi ne, %convert_element_type3A_1261, %cond3A_1262 : i32
        scf.if %cond3A_1263 {
          %swap3A_1311 = arith.index_cast %min3A_1244 : i32 to index
          %swap3A_1312 = tpu.vector_load %arg12[%swap3A_1311] masked %ge3A_1249 {strides = array<i32>} : memref<1024xf32, #tpu.memory_space<vmem>>, vector<16xf32>, vector<16xi1>
          tpu.vector_store %arg12[%swap3A_1311], %get3A_1247 masked %ge3A_1249 {strides = array<i32>} : memref<1024xf32, #tpu.memory_space<vmem>>, vector<16xf32>, vector<16xi1>
          %add3A_1313 = arith.constant 464 : i32
          %add3A_1314 = vector.broadcast %add3A_1313 : i32 to vector<16xi32>
          %add3A_1315 = arith.addi %mul3A_613, %add3A_1314 : vector<16xi32>
          %add3A_1316 = arith.addi %add3A_1315, %iota3A : vector<16xi32>
          %swap3A_1317 = arith.index_cast %min3A_1244 : i32 to index
          %swap3A_1318 = tpu.vector_load %arg13[%swap3A_1317] masked %ge3A_1249 {strides = array<i32>} : memref<1024xi32, #tpu.memory_space<vmem>>, vector<16xi32>, vector<16xi1>
          tpu.vector_store %arg13[%swap3A_1317], %add3A_1316 masked %ge3A_1249 {strides = array<i32>} : memref<1024xi32, #tpu.memory_space<vmem>>, vector<16xi32>, vector<16xi1>
        } else {
        }
        %add3A_1264 = arith.addi %min3A_1244, %reduce_max3A_1258 : i32
        %min3A_1265 = arith.constant 1008 : i32
        %min3A_1266 = arith.minsi %add3A_1264, %min3A_1265 : i32
        %get3A_1267 = arith.index_cast %scan3A_604 : i32 to index
        %get3A_1268 = arith.constant 480 : index
        %get3A_1269 = tpu.vector_load %arg11[%get3A_1267, %get3A_1268] {strides = array<i32>} : memref<128x512xf32, #tpu.memory_space<vmem>>, vector<16xf32>,
        %ge3A_1270 = vector.broadcast %scan3A_100 : f32 to vector<16xf32>
        %ge3A_1271 = arith.cmpf oge, %get3A_1269, %ge3A_1270 : vector<16xf32>
        %all_reduce_population_count3A_1272 = tpu.all_reduce %ge3A_1271 {dim = 0 : i64, kind = #tpu.reduction_kind<sum>} : vector<16xi1> -> vector<16xi32>
        %reduce_max3A_1273 = arith.constant true
        %reduce_max3A_1274 = vector.broadcast %reduce_max3A_1273 : i1 to vector<16xi1>
        %reduce_max3A_1275 = arith.constant -2147483648 : i32
        %reduce_max3A_1276 = vector.broadcast %reduce_max3A_1275 : i32 to vector<16xi32>
        %reduce_max3A_1277 = arith.xori %all_reduce_population_count3A_1272, %reduce_max3A_1276 : vector<16xi32>
        %reduce_max3A_1278 = tpu.scan <max>, %reduce_max3A_1277 masked %reduce_max3A_1274 : vector<16xi32>, vector<16xi1> -> vector<16xi32>
        %reduce_max3A_1279 = arith.xori %reduce_max3A_1278, %reduce_max3A_1276 : vector<16xi32>
        %reduce_max3A_1280 = vector.extract %reduce_max3A_1279[15] : i32 from vector<16xi32>
        %gt3A_1281 = arith.constant 0 : i32
        %gt3A_1282 = arith.cmpi sgt, %reduce_max3A_1280, %gt3A_1281 : i32
        %convert_element_type3A_1283 = arith.extui %gt3A_1282 : i1 to i32
        %cond3A_1284 = arith.constant 0 : i32
        %cond3A_1285 = arith.cmpi ne, %convert_element_type3A_1283, %cond3A_1284 : i32
        scf.if %cond3A_1285 {
          %swap3A_1311 = arith.index_cast %min3A_1266 : i32 to index
          %swap3A_1312 = tpu.vector_load %arg12[%swap3A_1311] masked %ge3A_1271 {strides = array<i32>} : memref<1024xf32, #tpu.memory_space<vmem>>, vector<16xf32>, vector<16xi1>
          tpu.vector_store %arg12[%swap3A_1311], %get3A_1269 masked %ge3A_1271 {strides = array<i32>} : memref<1024xf32, #tpu.memory_space<vmem>>, vector<16xf32>, vector<16xi1>
          %add3A_1313 = arith.constant 480 : i32
          %add3A_1314 = vector.broadcast %add3A_1313 : i32 to vector<16xi32>
          %add3A_1315 = arith.addi %mul3A_613, %add3A_1314 : vector<16xi32>
          %add3A_1316 = arith.addi %add3A_1315, %iota3A : vector<16xi32>
          %swap3A_1317 = arith.index_cast %min3A_1266 : i32 to index
          %swap3A_1318 = tpu.vector_load %arg13[%swap3A_1317] masked %ge3A_1271 {strides = array<i32>} : memref<1024xi32, #tpu.memory_space<vmem>>, vector<16xi32>, vector<16xi1>
          tpu.vector_store %arg13[%swap3A_1317], %add3A_1316 masked %ge3A_1271 {strides = array<i32>} : memref<1024xi32, #tpu.memory_space<vmem>>, vector<16xi32>, vector<16xi1>
        } else {
        }
        %add3A_1286 = arith.addi %min3A_1266, %reduce_max3A_1280 : i32
        %min3A_1287 = arith.constant 1008 : i32
        %min3A_1288 = arith.minsi %add3A_1286, %min3A_1287 : i32
        %get3A_1289 = arith.index_cast %scan3A_604 : i32 to index
        %get3A_1290 = arith.constant 496 : index
        %get3A_1291 = tpu.vector_load %arg11[%get3A_1289, %get3A_1290] {strides = array<i32>} : memref<128x512xf32, #tpu.memory_space<vmem>>, vector<16xf32>,
        %ge3A_1292 = vector.broadcast %scan3A_100 : f32 to vector<16xf32>
        %ge3A_1293 = arith.cmpf oge, %get3A_1291, %ge3A_1292 : vector<16xf32>
        %all_reduce_population_count3A_1294 = tpu.all_reduce %ge3A_1293 {dim = 0 : i64, kind = #tpu.reduction_kind<sum>} : vector<16xi1> -> vector<16xi32>
        %reduce_max3A_1295 = arith.constant true
        %reduce_max3A_1296 = vector.broadcast %reduce_max3A_1295 : i1 to vector<16xi1>
        %reduce_max3A_1297 = arith.constant -2147483648 : i32
        %reduce_max3A_1298 = vector.broadcast %reduce_max3A_1297 : i32 to vector<16xi32>
        %reduce_max3A_1299 = arith.xori %all_reduce_population_count3A_1294, %reduce_max3A_1298 : vector<16xi32>
        %reduce_max3A_1300 = tpu.scan <max>, %reduce_max3A_1299 masked %reduce_max3A_1296 : vector<16xi32>, vector<16xi1> -> vector<16xi32>
        %reduce_max3A_1301 = arith.xori %reduce_max3A_1300, %reduce_max3A_1298 : vector<16xi32>
        %reduce_max3A_1302 = vector.extract %reduce_max3A_1301[15] : i32 from vector<16xi32>
        %gt3A_1303 = arith.constant 0 : i32
        %gt3A_1304 = arith.cmpi sgt, %reduce_max3A_1302, %gt3A_1303 : i32
        %convert_element_type3A_1305 = arith.extui %gt3A_1304 : i1 to i32
        %cond3A_1306 = arith.constant 0 : i32
        %cond3A_1307 = arith.cmpi ne, %convert_element_type3A_1305, %cond3A_1306 : i32
        scf.if %cond3A_1307 {
          %swap3A_1311 = arith.index_cast %min3A_1288 : i32 to index
          %swap3A_1312 = tpu.vector_load %arg12[%swap3A_1311] masked %ge3A_1293 {strides = array<i32>} : memref<1024xf32, #tpu.memory_space<vmem>>, vector<16xf32>, vector<16xi1>
          tpu.vector_store %arg12[%swap3A_1311], %get3A_1291 masked %ge3A_1293 {strides = array<i32>} : memref<1024xf32, #tpu.memory_space<vmem>>, vector<16xf32>, vector<16xi1>
          %add3A_1313 = arith.constant 496 : i32
          %add3A_1314 = vector.broadcast %add3A_1313 : i32 to vector<16xi32>
          %add3A_1315 = arith.addi %mul3A_613, %add3A_1314 : vector<16xi32>
          %add3A_1316 = arith.addi %add3A_1315, %iota3A : vector<16xi32>
          %swap3A_1317 = arith.index_cast %min3A_1288 : i32 to index
          %swap3A_1318 = tpu.vector_load %arg13[%swap3A_1317] masked %ge3A_1293 {strides = array<i32>} : memref<1024xi32, #tpu.memory_space<vmem>>, vector<16xi32>, vector<16xi1>
          tpu.vector_store %arg13[%swap3A_1317], %add3A_1316 masked %ge3A_1293 {strides = array<i32>} : memref<1024xi32, #tpu.memory_space<vmem>>, vector<16xi32>, vector<16xi1>
        } else {
        }
        %add3A_1308 = arith.addi %min3A_1288, %reduce_max3A_1302 : i32
        %min3A_1309 = arith.constant 1008 : i32
        %min3A_1310 = arith.minsi %add3A_1308, %min3A_1309 : i32
        scf.yield %min3A_1310 : i32
      }
      %scan3A_368 = arith.constant 100 : i32
      %add3A_369 = arith.constant 15 : i32
      %add3A_370 = arith.addi %scan3A_367, %add3A_369 : i32
      %shift_right_arithmetic3A = arith.constant 4 : i32
      %shift_right_arithmetic3A_371 = arith.shrsi %add3A_370, %shift_right_arithmetic3A : i32
      %swap3A_372 = arith.constant 0 : index
      %swap3A_373 = tpu.vector_load %arg15[%swap3A_372] {strides = array<i32>} : memref<128xi32, #tpu.memory_space<vmem>>, vector<16xi32>,
      tpu.vector_store %arg15[%swap3A_372], %broadcast_in_dim3A_3 {strides = array<i32>} : memref<128xi32, #tpu.memory_space<vmem>>, vector<16xi32>,
      %swap3A_374 = arith.constant 0 : index
      %swap3A_375 = tpu.vector_load %arg14[%swap3A_374] {strides = array<i32>} : memref<128xf32, #tpu.memory_space<vmem>>, vector<16xf32>,
      tpu.vector_store %arg14[%swap3A_374], %broadcast_in_dim3A_5 {strides = array<i32>} : memref<128xf32, #tpu.memory_space<vmem>>, vector<16xf32>,
      %swap3A_376 = arith.constant 16 : index
      %swap3A_377 = tpu.vector_load %arg15[%swap3A_376] {strides = array<i32>} : memref<128xi32, #tpu.memory_space<vmem>>, vector<16xi32>,
      tpu.vector_store %arg15[%swap3A_376], %broadcast_in_dim3A_3 {strides = array<i32>} : memref<128xi32, #tpu.memory_space<vmem>>, vector<16xi32>,
      %swap3A_378 = arith.constant 16 : index
      %swap3A_379 = tpu.vector_load %arg14[%swap3A_378] {strides = array<i32>} : memref<128xf32, #tpu.memory_space<vmem>>, vector<16xf32>,
      tpu.vector_store %arg14[%swap3A_378], %broadcast_in_dim3A_5 {strides = array<i32>} : memref<128xf32, #tpu.memory_space<vmem>>, vector<16xf32>,
      %swap3A_380 = arith.constant 32 : index
      %swap3A_381 = tpu.vector_load %arg15[%swap3A_380] {strides = array<i32>} : memref<128xi32, #tpu.memory_space<vmem>>, vector<16xi32>,
      tpu.vector_store %arg15[%swap3A_380], %broadcast_in_dim3A_3 {strides = array<i32>} : memref<128xi32, #tpu.memory_space<vmem>>, vector<16xi32>,
      %swap3A_382 = arith.constant 32 : index
      %swap3A_383 = tpu.vector_load %arg14[%swap3A_382] {strides = array<i32>} : memref<128xf32, #tpu.memory_space<vmem>>, vector<16xf32>,
      tpu.vector_store %arg14[%swap3A_382], %broadcast_in_dim3A_5 {strides = array<i32>} : memref<128xf32, #tpu.memory_space<vmem>>, vector<16xf32>,
      %swap3A_384 = arith.constant 48 : index
      %swap3A_385 = tpu.vector_load %arg15[%swap3A_384] {strides = array<i32>} : memref<128xi32, #tpu.memory_space<vmem>>, vector<16xi32>,
      tpu.vector_store %arg15[%swap3A_384], %broadcast_in_dim3A_3 {strides = array<i32>} : memref<128xi32, #tpu.memory_space<vmem>>, vector<16xi32>,
      %swap3A_386 = arith.constant 48 : index
      %swap3A_387 = tpu.vector_load %arg14[%swap3A_386] {strides = array<i32>} : memref<128xf32, #tpu.memory_space<vmem>>, vector<16xf32>,
      tpu.vector_store %arg14[%swap3A_386], %broadcast_in_dim3A_5 {strides = array<i32>} : memref<128xf32, #tpu.memory_space<vmem>>, vector<16xf32>,
      %swap3A_388 = arith.constant 64 : index
      %swap3A_389 = tpu.vector_load %arg15[%swap3A_388] {strides = array<i32>} : memref<128xi32, #tpu.memory_space<vmem>>, vector<16xi32>,
      tpu.vector_store %arg15[%swap3A_388], %broadcast_in_dim3A_3 {strides = array<i32>} : memref<128xi32, #tpu.memory_space<vmem>>, vector<16xi32>,
      %swap3A_390 = arith.constant 64 : index
      %swap3A_391 = tpu.vector_load %arg14[%swap3A_390] {strides = array<i32>} : memref<128xf32, #tpu.memory_space<vmem>>, vector<16xf32>,
      tpu.vector_store %arg14[%swap3A_390], %broadcast_in_dim3A_5 {strides = array<i32>} : memref<128xf32, #tpu.memory_space<vmem>>, vector<16xf32>,
      %swap3A_392 = arith.constant 80 : index
      %swap3A_393 = tpu.vector_load %arg15[%swap3A_392] {strides = array<i32>} : memref<128xi32, #tpu.memory_space<vmem>>, vector<16xi32>,
      tpu.vector_store %arg15[%swap3A_392], %broadcast_in_dim3A_3 {strides = array<i32>} : memref<128xi32, #tpu.memory_space<vmem>>, vector<16xi32>,
      %swap3A_394 = arith.constant 80 : index
      %swap3A_395 = tpu.vector_load %arg14[%swap3A_394] {strides = array<i32>} : memref<128xf32, #tpu.memory_space<vmem>>, vector<16xf32>,
      tpu.vector_store %arg14[%swap3A_394], %broadcast_in_dim3A_5 {strides = array<i32>} : memref<128xf32, #tpu.memory_space<vmem>>, vector<16xf32>,
      %swap3A_396 = arith.constant 96 : index
      %swap3A_397 = tpu.vector_load %arg15[%swap3A_396] {strides = array<i32>} : memref<128xi32, #tpu.memory_space<vmem>>, vector<16xi32>,
      tpu.vector_store %arg15[%swap3A_396], %broadcast_in_dim3A_3 {strides = array<i32>} : memref<128xi32, #tpu.memory_space<vmem>>, vector<16xi32>,
      %swap3A_398 = arith.constant 96 : index
      %swap3A_399 = tpu.vector_load %arg14[%swap3A_398] {strides = array<i32>} : memref<128xf32, #tpu.memory_space<vmem>>, vector<16xf32>,
      tpu.vector_store %arg14[%swap3A_398], %broadcast_in_dim3A_5 {strides = array<i32>} : memref<128xf32, #tpu.memory_space<vmem>>, vector<16xf32>,
      %swap3A_400 = arith.constant 112 : index
      %swap3A_401 = tpu.vector_load %arg15[%swap3A_400] {strides = array<i32>} : memref<128xi32, #tpu.memory_space<vmem>>, vector<16xi32>,
      tpu.vector_store %arg15[%swap3A_400], %broadcast_in_dim3A_3 {strides = array<i32>} : memref<128xi32, #tpu.memory_space<vmem>>, vector<16xi32>,
      %swap3A_402 = arith.constant 112 : index
      %swap3A_403 = tpu.vector_load %arg14[%swap3A_402] {strides = array<i32>} : memref<128xf32, #tpu.memory_space<vmem>>, vector<16xf32>,
      tpu.vector_store %arg14[%swap3A_402], %broadcast_in_dim3A_5 {strides = array<i32>} : memref<128xf32, #tpu.memory_space<vmem>>, vector<16xf32>,
      %iota3A_404 = tpu.iota {dimensions = array<i32: 0>} : vector<16xi32>
      %scan3A_405 = arith.constant 0.000000e+00 : f32
      %scan3A_406 = arith.constant 0 : i32
      %scan3A_407 = arith.constant 100 : i32
      %scan3A_408 = arith.addi %scan3A_406, %scan3A_407 : i32
      %scan3A_409 = arith.constant 1 : i32
      %scan3A_410 = scf.for %scan3A_604 = %scan3A_406 to %scan3A_408 step %scan3A_409 iter_args(%scan3A_605 = %scan3A_405) -> (f32)  : i32 {
        %broadcast_in_dim3A_606 = arith.constant -1.000000e+30 : f32
        %broadcast_in_dim3A_607 = vector.broadcast %broadcast_in_dim3A_606 : f32 to vector<16xf32>
        %while3A = arith.constant 0 : i32
        %while3A_608 = arith.subi %shift_right_arithmetic3A_371, %while3A : i32
        %while3A_609 = arith.addi %while3A, %while3A_608 : i32
        %while3A_610 = arith.constant 1 : i32
        %while3A_611 = arith.divsi %while3A_608, %while3A_610 : i32
        %while3A_612 = arith.muli %while3A_611, %while3A_610 : i32
        %while3A_613 = arith.addi %while3A, %while3A_612 : i32
        %while3A_614 = arith.constant 1 : i32
        %while3A_615 = scf.for %while3A_659 = %while3A to %while3A_613 step %while3A_614 iter_args(%while3A_660 = %broadcast_in_dim3A_607) -> (vector<16xf32>)  : i32 {
          %mul3A_661 = arith.constant 16 : i32
          %mul3A_662 = arith.muli %while3A_659, %mul3A_661 : i32
          %get3A_663 = arith.index_cast %mul3A_662 : i32 to index
          %get3A_664 = tpu.vector_load %arg12[%get3A_663] {strides = array<i32>} : memref<1024xf32, #tpu.memory_space<vmem>>, vector<16xf32>,
          %max3A = arith.maximumf %while3A_660, %get3A_664 : vector<16xf32>
          scf.yield %max3A : vector<16xf32>
        }
        %while3A_616 = arith.constant 1 : i32
        %while3A_617 = scf.for %while3A_659 = %while3A_613 to %while3A_609 step %while3A_616 iter_args(%while3A_660 = %while3A_615) -> (vector<16xf32>)  : i32 {
          %mul3A_661 = arith.constant 16 : i32
          %mul3A_662 = arith.muli %while3A_659, %mul3A_661 : i32
          %get3A_663 = arith.index_cast %mul3A_662 : i32 to index
          %get3A_664 = tpu.vector_load %arg12[%get3A_663] {strides = array<i32>} : memref<1024xf32, #tpu.memory_space<vmem>>, vector<16xf32>,
          %max3A = arith.maximumf %while3A_660, %get3A_664 : vector<16xf32>
          scf.yield %max3A : vector<16xf32>
        }
        %reduce_max3A = arith.constant true
        %reduce_max3A_618 = vector.broadcast %reduce_max3A : i1 to vector<16xi1>
        %reduce_max3A_619 = tpu.scan <max>, %while3A_617 masked %reduce_max3A_618 : vector<16xf32>, vector<16xi1> -> vector<16xf32>
        %reduce_max3A_620 = vector.extract %reduce_max3A_619[15] : f32 from vector<16xf32>
        %while3A_621 = arith.constant 0 : i32
        %while3A_622 = arith.constant 1073741824 : i32
        %while3A_623 = arith.subi %shift_right_arithmetic3A_371, %while3A_621 : i32
        %while3A_624 = arith.addi %while3A_621, %while3A_623 : i32
        %while3A_625 = arith.constant 1 : i32
        %while3A_626 = arith.divsi %while3A_623, %while3A_625 : i32
        %while3A_627 = arith.muli %while3A_626, %while3A_625 : i32
        %while3A_628 = arith.addi %while3A_621, %while3A_627 : i32
        %while3A_629 = arith.constant 1 : i32
        %while3A_630 = scf.for %while3A_659 = %while3A_621 to %while3A_628 step %while3A_629 iter_args(%while3A_660 = %while3A_622) -> (i32)  : i32 {
          %mul3A_661 = arith.constant 16 : i32
          %mul3A_662 = arith.muli %while3A_659, %mul3A_661 : i32
          %get3A_663 = arith.index_cast %mul3A_662 : i32 to index
          %get3A_664 = tpu.vector_load %arg12[%get3A_663] {strides = array<i32>} : memref<1024xf32, #tpu.memory_space<vmem>>, vector<16xf32>,
          %eq3A_665 = vector.broadcast %reduce_max3A_620 : f32 to vector<16xf32>
          %eq3A_666 = arith.cmpf oeq, %get3A_664, %eq3A_665 : vector<16xf32>
          %mul3A_667 = arith.constant 16 : i32
          %mul3A_668 = arith.muli %while3A_659, %mul3A_667 : i32
          %add3A_669 = vector.broadcast %mul3A_668 : i32 to vector<16xi32>
          %add3A_670 = arith.addi %iota3A_404, %add3A_669 : vector<16xi32>
          %jit3A = arith.constant 1073741824 : i32
          %broadcast_in_dim3A_671 = vector.broadcast %jit3A : i32 to vector<16xi32>
          %select_n3A = arith.select %eq3A_666, %add3A_670, %broadcast_in_dim3A_671 : vector<16xi1>, vector<16xi32>
          %reduce_min3A = arith.constant true
          %reduce_min3A_672 = vector.broadcast %reduce_min3A : i1 to vector<16xi1>
          %reduce_min3A_673 = arith.constant -2147483648 : i32
          %reduce_min3A_674 = vector.broadcast %reduce_min3A_673 : i32 to vector<16xi32>
          %reduce_min3A_675 = arith.xori %select_n3A, %reduce_min3A_674 : vector<16xi32>
          %reduce_min3A_676 = tpu.scan <min>, %reduce_min3A_675 masked %reduce_min3A_672 : vector<16xi32>, vector<16xi1> -> vector<16xi32>
          %reduce_min3A_677 = arith.xori %reduce_min3A_676, %reduce_min3A_674 : vector<16xi32>
          %reduce_min3A_678 = vector.extract %reduce_min3A_677[15] : i32 from vector<16xi32>
          %min3A = arith.minsi %while3A_660, %reduce_min3A_678 : i32
          scf.yield %min3A : i32
        }
        %while3A_631 = arith.constant 1 : i32
        %while3A_632 = scf.for %while3A_659 = %while3A_628 to %while3A_624 step %while3A_631 iter_args(%while3A_660 = %while3A_630) -> (i32)  : i32 {
          %mul3A_661 = arith.constant 16 : i32
          %mul3A_662 = arith.muli %while3A_659, %mul3A_661 : i32
          %get3A_663 = arith.index_cast %mul3A_662 : i32 to index
          %get3A_664 = tpu.vector_load %arg12[%get3A_663] {strides = array<i32>} : memref<1024xf32, #tpu.memory_space<vmem>>, vector<16xf32>,
          %eq3A_665 = vector.broadcast %reduce_max3A_620 : f32 to vector<16xf32>
          %eq3A_666 = arith.cmpf oeq, %get3A_664, %eq3A_665 : vector<16xf32>
          %mul3A_667 = arith.constant 16 : i32
          %mul3A_668 = arith.muli %while3A_659, %mul3A_667 : i32
          %add3A_669 = vector.broadcast %mul3A_668 : i32 to vector<16xi32>
          %add3A_670 = arith.addi %iota3A_404, %add3A_669 : vector<16xi32>
          %jit3A = arith.constant 1073741824 : i32
          %broadcast_in_dim3A_671 = vector.broadcast %jit3A : i32 to vector<16xi32>
          %select_n3A = arith.select %eq3A_666, %add3A_670, %broadcast_in_dim3A_671 : vector<16xi1>, vector<16xi32>
          %reduce_min3A = arith.constant true
          %reduce_min3A_672 = vector.broadcast %reduce_min3A : i1 to vector<16xi1>
          %reduce_min3A_673 = arith.constant -2147483648 : i32
          %reduce_min3A_674 = vector.broadcast %reduce_min3A_673 : i32 to vector<16xi32>
          %reduce_min3A_675 = arith.xori %select_n3A, %reduce_min3A_674 : vector<16xi32>
          %reduce_min3A_676 = tpu.scan <min>, %reduce_min3A_675 masked %reduce_min3A_672 : vector<16xi32>, vector<16xi1> -> vector<16xi32>
          %reduce_min3A_677 = arith.xori %reduce_min3A_676, %reduce_min3A_674 : vector<16xi32>
          %reduce_min3A_678 = vector.extract %reduce_min3A_677[15] : i32 from vector<16xi32>
          %min3A = arith.minsi %while3A_660, %reduce_min3A_678 : i32
          scf.yield %min3A : i32
        }
        %broadcast_in_dim3A_633 = vector.broadcast %scan3A_604 : i32 to vector<16xi32>
        %broadcast_in_dim3A_634 = vector.broadcast %reduce_max3A_620 : f32 to vector<16xf32>
        %iota3A_635 = tpu.iota {dimensions = array<i32: 0>} : vector<16xi32>
        %eq3A = arith.constant 0 : i32
        %eq3A_636 = vector.broadcast %eq3A : i32 to vector<16xi32>
        %eq3A_637 = arith.cmpi eq, %iota3A_635, %eq3A_636 : vector<16xi32>
        tpu.vector_store_idx %arg14[%broadcast_in_dim3A_633], %broadcast_in_dim3A_634 masked %eq3A_637 : memref<128xf32, #tpu.memory_space<vmem>>[vector<16xi32>], vector<16xf32>, vector<16xi1>
        %broadcast_in_dim3A_638 = vector.broadcast %while3A_632 : i32 to vector<16xi32>
        %gather3A = tpu.vector_load_idx %arg13[%broadcast_in_dim3A_638] : memref<1024xi32, #tpu.memory_space<vmem>>[vector<16xi32>], vector<16xi32>,
        %reduce_max3A_639 = arith.constant true
        %reduce_max3A_640 = vector.broadcast %reduce_max3A_639 : i1 to vector<16xi1>
        %reduce_max3A_641 = arith.constant -2147483648 : i32
        %reduce_max3A_642 = vector.broadcast %reduce_max3A_641 : i32 to vector<16xi32>
        %reduce_max3A_643 = arith.xori %gather3A, %reduce_max3A_642 : vector<16xi32>
        %reduce_max3A_644 = tpu.scan <max>, %reduce_max3A_643 masked %reduce_max3A_640 : vector<16xi32>, vector<16xi1> -> vector<16xi32>
        %reduce_max3A_645 = arith.xori %reduce_max3A_644, %reduce_max3A_642 : vector<16xi32>
        %reduce_max3A_646 = vector.extract %reduce_max3A_645[15] : i32 from vector<16xi32>
        %broadcast_in_dim3A_647 = vector.broadcast %scan3A_604 : i32 to vector<16xi32>
        %broadcast_in_dim3A_648 = vector.broadcast %reduce_max3A_646 : i32 to vector<16xi32>
        %iota3A_649 = tpu.iota {dimensions = array<i32: 0>} : vector<16xi32>
        %eq3A_650 = arith.constant 0 : i32
        %eq3A_651 = vector.broadcast %eq3A_650 : i32 to vector<16xi32>
        %eq3A_652 = arith.cmpi eq, %iota3A_649, %eq3A_651 : vector<16xi32>
        tpu.vector_store_idx %arg15[%broadcast_in_dim3A_647], %broadcast_in_dim3A_648 masked %eq3A_652 : memref<128xi32, #tpu.memory_space<vmem>>[vector<16xi32>], vector<16xi32>, vector<16xi1>
        %broadcast_in_dim3A_653 = vector.broadcast %while3A_632 : i32 to vector<16xi32>
        %broadcast_in_dim3A_654 = arith.constant -1.000000e+30 : f32
        %broadcast_in_dim3A_655 = vector.broadcast %broadcast_in_dim3A_654 : f32 to vector<16xf32>
        %eq3A_656 = arith.constant 0 : i32
        %eq3A_657 = vector.broadcast %eq3A_656 : i32 to vector<16xi32>
        %eq3A_658 = arith.cmpi eq, %iota3A_404, %eq3A_657 : vector<16xi32>
        tpu.vector_store_idx %arg12[%broadcast_in_dim3A_653], %broadcast_in_dim3A_655 masked %eq3A_658 : memref<1024xf32, #tpu.memory_space<vmem>>[vector<16xi32>], vector<16xf32>, vector<16xi1>
        scf.yield %reduce_max3A_620 : f32
      }
      %scan3A_411 = arith.constant 100 : i32
      %get3A = arith.constant 0 : index
      %get3A_412 = tpu.vector_load %arg15[%get3A] {strides = array<i32>} : memref<128xi32, #tpu.memory_space<vmem>>, vector<16xi32>,
      %mul3A_413 = arith.constant 100352 : i32
      %mul3A_414 = arith.muli %add3A_20, %mul3A_413 : i32
      %add3A_415 = vector.broadcast %mul3A_414 : i32 to vector<16xi32>
      %add3A_416 = arith.addi %get3A_412, %add3A_415 : vector<16xi32>
      %swap3A_417 = arith.constant 0 : index
      %swap3A_418 = tpu.vector_load %arg16[%swap3A_417] {strides = array<i32>} : memref<128xi32, #tpu.memory_space<vmem>>, vector<16xi32>,
      tpu.vector_store %arg16[%swap3A_417], %add3A_416 {strides = array<i32>} : memref<128xi32, #tpu.memory_space<vmem>>, vector<16xi32>,
      %get3A_419 = arith.constant 16 : index
      %get3A_420 = tpu.vector_load %arg15[%get3A_419] {strides = array<i32>} : memref<128xi32, #tpu.memory_space<vmem>>, vector<16xi32>,
      %mul3A_421 = arith.constant 100352 : i32
      %mul3A_422 = arith.muli %add3A_20, %mul3A_421 : i32
      %add3A_423 = vector.broadcast %mul3A_422 : i32 to vector<16xi32>
      %add3A_424 = arith.addi %get3A_420, %add3A_423 : vector<16xi32>
      %swap3A_425 = arith.constant 16 : index
      %swap3A_426 = tpu.vector_load %arg16[%swap3A_425] {strides = array<i32>} : memref<128xi32, #tpu.memory_space<vmem>>, vector<16xi32>,
      tpu.vector_store %arg16[%swap3A_425], %add3A_424 {strides = array<i32>} : memref<128xi32, #tpu.memory_space<vmem>>, vector<16xi32>,
      %get3A_427 = arith.constant 32 : index
      %get3A_428 = tpu.vector_load %arg15[%get3A_427] {strides = array<i32>} : memref<128xi32, #tpu.memory_space<vmem>>, vector<16xi32>,
      %mul3A_429 = arith.constant 100352 : i32
      %mul3A_430 = arith.muli %add3A_20, %mul3A_429 : i32
      %add3A_431 = vector.broadcast %mul3A_430 : i32 to vector<16xi32>
      %add3A_432 = arith.addi %get3A_428, %add3A_431 : vector<16xi32>
      %swap3A_433 = arith.constant 32 : index
      %swap3A_434 = tpu.vector_load %arg16[%swap3A_433] {strides = array<i32>} : memref<128xi32, #tpu.memory_space<vmem>>, vector<16xi32>,
      tpu.vector_store %arg16[%swap3A_433], %add3A_432 {strides = array<i32>} : memref<128xi32, #tpu.memory_space<vmem>>, vector<16xi32>,
      %get3A_435 = arith.constant 48 : index
      %get3A_436 = tpu.vector_load %arg15[%get3A_435] {strides = array<i32>} : memref<128xi32, #tpu.memory_space<vmem>>, vector<16xi32>,
      %mul3A_437 = arith.constant 100352 : i32
      %mul3A_438 = arith.muli %add3A_20, %mul3A_437 : i32
      %add3A_439 = vector.broadcast %mul3A_438 : i32 to vector<16xi32>
      %add3A_440 = arith.addi %get3A_436, %add3A_439 : vector<16xi32>
      %swap3A_441 = arith.constant 48 : index
      %swap3A_442 = tpu.vector_load %arg16[%swap3A_441] {strides = array<i32>} : memref<128xi32, #tpu.memory_space<vmem>>, vector<16xi32>,
      tpu.vector_store %arg16[%swap3A_441], %add3A_440 {strides = array<i32>} : memref<128xi32, #tpu.memory_space<vmem>>, vector<16xi32>,
      %get3A_443 = arith.constant 64 : index
      %get3A_444 = tpu.vector_load %arg15[%get3A_443] {strides = array<i32>} : memref<128xi32, #tpu.memory_space<vmem>>, vector<16xi32>,
      %mul3A_445 = arith.constant 100352 : i32
      %mul3A_446 = arith.muli %add3A_20, %mul3A_445 : i32
      %add3A_447 = vector.broadcast %mul3A_446 : i32 to vector<16xi32>
      %add3A_448 = arith.addi %get3A_444, %add3A_447 : vector<16xi32>
      %swap3A_449 = arith.constant 64 : index
      %swap3A_450 = tpu.vector_load %arg16[%swap3A_449] {strides = array<i32>} : memref<128xi32, #tpu.memory_space<vmem>>, vector<16xi32>,
      tpu.vector_store %arg16[%swap3A_449], %add3A_448 {strides = array<i32>} : memref<128xi32, #tpu.memory_space<vmem>>, vector<16xi32>,
      %get3A_451 = arith.constant 80 : index
      %get3A_452 = tpu.vector_load %arg15[%get3A_451] {strides = array<i32>} : memref<128xi32, #tpu.memory_space<vmem>>, vector<16xi32>,
      %mul3A_453 = arith.constant 100352 : i32
      %mul3A_454 = arith.muli %add3A_20, %mul3A_453 : i32
      %add3A_455 = vector.broadcast %mul3A_454 : i32 to vector<16xi32>
      %add3A_456 = arith.addi %get3A_452, %add3A_455 : vector<16xi32>
      %swap3A_457 = arith.constant 80 : index
      %swap3A_458 = tpu.vector_load %arg16[%swap3A_457] {strides = array<i32>} : memref<128xi32, #tpu.memory_space<vmem>>, vector<16xi32>,
      tpu.vector_store %arg16[%swap3A_457], %add3A_456 {strides = array<i32>} : memref<128xi32, #tpu.memory_space<vmem>>, vector<16xi32>,
      %get3A_459 = arith.constant 96 : index
      %get3A_460 = tpu.vector_load %arg15[%get3A_459] {strides = array<i32>} : memref<128xi32, #tpu.memory_space<vmem>>, vector<16xi32>,
      %mul3A_461 = arith.constant 100352 : i32
      %mul3A_462 = arith.muli %add3A_20, %mul3A_461 : i32
      %add3A_463 = vector.broadcast %mul3A_462 : i32 to vector<16xi32>
      %add3A_464 = arith.addi %get3A_460, %add3A_463 : vector<16xi32>
      %swap3A_465 = arith.constant 96 : index
      %swap3A_466 = tpu.vector_load %arg16[%swap3A_465] {strides = array<i32>} : memref<128xi32, #tpu.memory_space<vmem>>, vector<16xi32>,
      tpu.vector_store %arg16[%swap3A_465], %add3A_464 {strides = array<i32>} : memref<128xi32, #tpu.memory_space<vmem>>, vector<16xi32>,
      %get3A_467 = arith.constant 112 : index
      %get3A_468 = tpu.vector_load %arg15[%get3A_467] {strides = array<i32>} : memref<128xi32, #tpu.memory_space<vmem>>, vector<16xi32>,
      %mul3A_469 = arith.constant 100352 : i32
      %mul3A_470 = arith.muli %add3A_20, %mul3A_469 : i32
      %add3A_471 = vector.broadcast %mul3A_470 : i32 to vector<16xi32>
      %add3A_472 = arith.addi %get3A_468, %add3A_471 : vector<16xi32>
      %swap3A_473 = arith.constant 112 : index
      %swap3A_474 = tpu.vector_load %arg16[%swap3A_473] {strides = array<i32>} : memref<128xi32, #tpu.memory_space<vmem>>, vector<16xi32>,
      tpu.vector_store %arg16[%swap3A_473], %add3A_472 {strides = array<i32>} : memref<128xi32, #tpu.memory_space<vmem>>, vector<16xi32>,
      %dma_start3A_475 = arith.constant 0 : i32
      %dma_start3A_476 = tpu.memref_slice %arg4[%dma_start3A_475] : memref<102760448xf32, #tpu.memory_space<hbm>> -> memref<102760448xf32, #tpu.memory_space<hbm>>
      tpu.enqueue_indirect_dma source(%dma_start3A_476 : memref<102760448xf32, #tpu.memory_space<hbm>>) target(%arg17 : memref<128xf32, #tpu.memory_space<vmem>>) offsets(%arg16 : memref<128xi32, #tpu.memory_space<vmem>>) semaphore(%arg22 : memref<!tpu.dma_semaphore, #tpu.memory_space<semaphore_mem>>)
      %dma_wait3A_477 = arith.constant 0 : i32
      %dma_wait3A_478 = tpu.memref_slice %arg4[%dma_wait3A_477] : memref<102760448xf32, #tpu.memory_space<hbm>> -> memref<102760448xf32, #tpu.memory_space<hbm>>
      tpu.wait_indirect_dma semaphore(%arg22 : memref<!tpu.dma_semaphore, #tpu.memory_space<semaphore_mem>>) src(%dma_wait3A_478 : memref<102760448xf32, #tpu.memory_space<hbm>>) dst(%arg17 : memref<128xf32, #tpu.memory_space<vmem>>)
      %get3A_479 = arith.constant 0 : index
      %get3A_480 = tpu.vector_load %arg14[%get3A_479] {strides = array<i32>} : memref<128xf32, #tpu.memory_space<vmem>>, vector<16xf32>,
      %get3A_481 = arith.constant 0 : index
      %get3A_482 = tpu.vector_load %arg17[%get3A_481] {strides = array<i32>} : memref<128xf32, #tpu.memory_space<vmem>>, vector<16xf32>,
      %sub3A = arith.subf %get3A_480, %get3A_482 : vector<16xf32>
      %mul3A_483 = arith.constant 128 : i32
      %mul3A_484 = arith.muli %scan3A_18, %mul3A_483 : i32
      %add3A_485 = arith.constant 0 : i32
      %add3A_486 = arith.addi %mul3A_484, %add3A_485 : i32
      %swap3A_487 = arith.index_cast %add3A_486 : i32 to index
      %swap3A_488 = tpu.vector_load %arg20[%swap3A_487] {strides = array<i32>} : memref<4096xf32, #tpu.memory_space<vmem>>, vector<16xf32>,
      tpu.vector_store %arg20[%swap3A_487], %sub3A {strides = array<i32>} : memref<4096xf32, #tpu.memory_space<vmem>>, vector<16xf32>,
      %get3A_489 = arith.constant 16 : index
      %get3A_490 = tpu.vector_load %arg14[%get3A_489] {strides = array<i32>} : memref<128xf32, #tpu.memory_space<vmem>>, vector<16xf32>,
      %get3A_491 = arith.constant 16 : index
      %get3A_492 = tpu.vector_load %arg17[%get3A_491] {strides = array<i32>} : memref<128xf32, #tpu.memory_space<vmem>>, vector<16xf32>,
      %sub3A_493 = arith.subf %get3A_490, %get3A_492 : vector<16xf32>
      %mul3A_494 = arith.constant 128 : i32
      %mul3A_495 = arith.muli %scan3A_18, %mul3A_494 : i32
      %add3A_496 = arith.constant 16 : i32
      %add3A_497 = arith.addi %mul3A_495, %add3A_496 : i32
      %swap3A_498 = arith.index_cast %add3A_497 : i32 to index
      %swap3A_499 = tpu.vector_load %arg20[%swap3A_498] {strides = array<i32>} : memref<4096xf32, #tpu.memory_space<vmem>>, vector<16xf32>,
      tpu.vector_store %arg20[%swap3A_498], %sub3A_493 {strides = array<i32>} : memref<4096xf32, #tpu.memory_space<vmem>>, vector<16xf32>,
      %get3A_500 = arith.constant 32 : index
      %get3A_501 = tpu.vector_load %arg14[%get3A_500] {strides = array<i32>} : memref<128xf32, #tpu.memory_space<vmem>>, vector<16xf32>,
      %get3A_502 = arith.constant 32 : index
      %get3A_503 = tpu.vector_load %arg17[%get3A_502] {strides = array<i32>} : memref<128xf32, #tpu.memory_space<vmem>>, vector<16xf32>,
      %sub3A_504 = arith.subf %get3A_501, %get3A_503 : vector<16xf32>
      %mul3A_505 = arith.constant 128 : i32
      %mul3A_506 = arith.muli %scan3A_18, %mul3A_505 : i32
      %add3A_507 = arith.constant 32 : i32
      %add3A_508 = arith.addi %mul3A_506, %add3A_507 : i32
      %swap3A_509 = arith.index_cast %add3A_508 : i32 to index
      %swap3A_510 = tpu.vector_load %arg20[%swap3A_509] {strides = array<i32>} : memref<4096xf32, #tpu.memory_space<vmem>>, vector<16xf32>,
      tpu.vector_store %arg20[%swap3A_509], %sub3A_504 {strides = array<i32>} : memref<4096xf32, #tpu.memory_space<vmem>>, vector<16xf32>,
      %get3A_511 = arith.constant 48 : index
      %get3A_512 = tpu.vector_load %arg14[%get3A_511] {strides = array<i32>} : memref<128xf32, #tpu.memory_space<vmem>>, vector<16xf32>,
      %get3A_513 = arith.constant 48 : index
      %get3A_514 = tpu.vector_load %arg17[%get3A_513] {strides = array<i32>} : memref<128xf32, #tpu.memory_space<vmem>>, vector<16xf32>,
      %sub3A_515 = arith.subf %get3A_512, %get3A_514 : vector<16xf32>
      %mul3A_516 = arith.constant 128 : i32
      %mul3A_517 = arith.muli %scan3A_18, %mul3A_516 : i32
      %add3A_518 = arith.constant 48 : i32
      %add3A_519 = arith.addi %mul3A_517, %add3A_518 : i32
      %swap3A_520 = arith.index_cast %add3A_519 : i32 to index
      %swap3A_521 = tpu.vector_load %arg20[%swap3A_520] {strides = array<i32>} : memref<4096xf32, #tpu.memory_space<vmem>>, vector<16xf32>,
      tpu.vector_store %arg20[%swap3A_520], %sub3A_515 {strides = array<i32>} : memref<4096xf32, #tpu.memory_space<vmem>>, vector<16xf32>,
      %get3A_522 = arith.constant 64 : index
      %get3A_523 = tpu.vector_load %arg14[%get3A_522] {strides = array<i32>} : memref<128xf32, #tpu.memory_space<vmem>>, vector<16xf32>,
      %get3A_524 = arith.constant 64 : index
      %get3A_525 = tpu.vector_load %arg17[%get3A_524] {strides = array<i32>} : memref<128xf32, #tpu.memory_space<vmem>>, vector<16xf32>,
      %sub3A_526 = arith.subf %get3A_523, %get3A_525 : vector<16xf32>
      %mul3A_527 = arith.constant 128 : i32
      %mul3A_528 = arith.muli %scan3A_18, %mul3A_527 : i32
      %add3A_529 = arith.constant 64 : i32
      %add3A_530 = arith.addi %mul3A_528, %add3A_529 : i32
      %swap3A_531 = arith.index_cast %add3A_530 : i32 to index
      %swap3A_532 = tpu.vector_load %arg20[%swap3A_531] {strides = array<i32>} : memref<4096xf32, #tpu.memory_space<vmem>>, vector<16xf32>,
      tpu.vector_store %arg20[%swap3A_531], %sub3A_526 {strides = array<i32>} : memref<4096xf32, #tpu.memory_space<vmem>>, vector<16xf32>,
      %get3A_533 = arith.constant 80 : index
      %get3A_534 = tpu.vector_load %arg14[%get3A_533] {strides = array<i32>} : memref<128xf32, #tpu.memory_space<vmem>>, vector<16xf32>,
      %get3A_535 = arith.constant 80 : index
      %get3A_536 = tpu.vector_load %arg17[%get3A_535] {strides = array<i32>} : memref<128xf32, #tpu.memory_space<vmem>>, vector<16xf32>,
      %sub3A_537 = arith.subf %get3A_534, %get3A_536 : vector<16xf32>
      %mul3A_538 = arith.constant 128 : i32
      %mul3A_539 = arith.muli %scan3A_18, %mul3A_538 : i32
      %add3A_540 = arith.constant 80 : i32
      %add3A_541 = arith.addi %mul3A_539, %add3A_540 : i32
      %swap3A_542 = arith.index_cast %add3A_541 : i32 to index
      %swap3A_543 = tpu.vector_load %arg20[%swap3A_542] {strides = array<i32>} : memref<4096xf32, #tpu.memory_space<vmem>>, vector<16xf32>,
      tpu.vector_store %arg20[%swap3A_542], %sub3A_537 {strides = array<i32>} : memref<4096xf32, #tpu.memory_space<vmem>>, vector<16xf32>,
      %get3A_544 = arith.constant 96 : index
      %get3A_545 = tpu.vector_load %arg14[%get3A_544] {strides = array<i32>} : memref<128xf32, #tpu.memory_space<vmem>>, vector<16xf32>,
      %get3A_546 = arith.constant 96 : index
      %get3A_547 = tpu.vector_load %arg17[%get3A_546] {strides = array<i32>} : memref<128xf32, #tpu.memory_space<vmem>>, vector<16xf32>,
      %sub3A_548 = arith.subf %get3A_545, %get3A_547 : vector<16xf32>
      %mul3A_549 = arith.constant 128 : i32
      %mul3A_550 = arith.muli %scan3A_18, %mul3A_549 : i32
      %add3A_551 = arith.constant 96 : i32
      %add3A_552 = arith.addi %mul3A_550, %add3A_551 : i32
      %swap3A_553 = arith.index_cast %add3A_552 : i32 to index
      %swap3A_554 = tpu.vector_load %arg20[%swap3A_553] {strides = array<i32>} : memref<4096xf32, #tpu.memory_space<vmem>>, vector<16xf32>,
      tpu.vector_store %arg20[%swap3A_553], %sub3A_548 {strides = array<i32>} : memref<4096xf32, #tpu.memory_space<vmem>>, vector<16xf32>,
      %get3A_555 = arith.constant 112 : index
      %get3A_556 = tpu.vector_load %arg14[%get3A_555] {strides = array<i32>} : memref<128xf32, #tpu.memory_space<vmem>>, vector<16xf32>,
      %get3A_557 = arith.constant 112 : index
      %get3A_558 = tpu.vector_load %arg17[%get3A_557] {strides = array<i32>} : memref<128xf32, #tpu.memory_space<vmem>>, vector<16xf32>,
      %sub3A_559 = arith.subf %get3A_556, %get3A_558 : vector<16xf32>
      %mul3A_560 = arith.constant 128 : i32
      %mul3A_561 = arith.muli %scan3A_18, %mul3A_560 : i32
      %add3A_562 = arith.constant 112 : i32
      %add3A_563 = arith.addi %mul3A_561, %add3A_562 : i32
      %swap3A_564 = arith.index_cast %add3A_563 : i32 to index
      %swap3A_565 = tpu.vector_load %arg20[%swap3A_564] {strides = array<i32>} : memref<4096xf32, #tpu.memory_space<vmem>>, vector<16xf32>,
      tpu.vector_store %arg20[%swap3A_564], %sub3A_559 {strides = array<i32>} : memref<4096xf32, #tpu.memory_space<vmem>>, vector<16xf32>,
      %dma_start3A_566 = arith.constant 0 : i32
      %dma_start3A_567 = arith.constant 0 : i32
      %dma_start3A_568 = tpu.memref_slice %arg6[%dma_start3A_566, %dma_start3A_567] : memref<100000x128xf32, #tpu.memory_space<hbm>> -> memref<100000x128xf32, #tpu.memory_space<hbm>>
      tpu.enqueue_indirect_dma source(%dma_start3A_568 : memref<100000x128xf32, #tpu.memory_space<hbm>>) target(%arg18 : memref<128x128xf32, #tpu.memory_space<vmem>>) offsets(%arg15 : memref<128xi32, #tpu.memory_space<vmem>>) semaphore(%arg23 : memref<!tpu.dma_semaphore, #tpu.memory_space<semaphore_mem>>)
      %dma_wait3A_569 = arith.constant 0 : i32
      %dma_wait3A_570 = arith.constant 0 : i32
      %dma_wait3A_571 = tpu.memref_slice %arg6[%dma_wait3A_569, %dma_wait3A_570] : memref<100000x128xf32, #tpu.memory_space<hbm>> -> memref<100000x128xf32, #tpu.memory_space<hbm>>
      tpu.wait_indirect_dma semaphore(%arg23 : memref<!tpu.dma_semaphore, #tpu.memory_space<semaphore_mem>>) src(%dma_wait3A_571 : memref<100000x128xf32, #tpu.memory_space<hbm>>) dst(%arg18 : memref<128x128xf32, #tpu.memory_space<vmem>>)
      %mul3A_572 = arith.constant 64 : i32
      %mul3A_573 = arith.muli %scan3A_18, %mul3A_572 : i32
      %add3A_574 = arith.constant 0 : i32
      %add3A_575 = arith.addi %mul3A_573, %add3A_574 : i32
      %get3A_576 = arith.index_cast %add3A_575 : i32 to index
      %get3A_577 = tpu.vector_load %arg19[%get3A_576] {strides = array<i32>} : memref<2048xf32, #tpu.memory_space<vmem>>, vector<16xf32>,
      %mul3A_578 = arith.constant 64 : i32
      %mul3A_579 = arith.muli %scan3A_18, %mul3A_578 : i32
      %add3A_580 = arith.constant 16 : i32
      %add3A_581 = arith.addi %mul3A_579, %add3A_580 : i32
      %get3A_582 = arith.index_cast %add3A_581 : i32 to index
      %get3A_583 = tpu.vector_load %arg19[%get3A_582] {strides = array<i32>} : memref<2048xf32, #tpu.memory_space<vmem>>, vector<16xf32>,
      %mul3A_584 = arith.constant 64 : i32
      %mul3A_585 = arith.muli %scan3A_18, %mul3A_584 : i32
      %add3A_586 = arith.constant 32 : i32
      %add3A_587 = arith.addi %mul3A_585, %add3A_586 : i32
      %get3A_588 = arith.index_cast %add3A_587 : i32 to index
      %get3A_589 = tpu.vector_load %arg19[%get3A_588] {strides = array<i32>} : memref<2048xf32, #tpu.memory_space<vmem>>, vector<16xf32>,
      %mul3A_590 = arith.constant 64 : i32
      %mul3A_591 = arith.muli %scan3A_18, %mul3A_590 : i32
      %add3A_592 = arith.constant 48 : i32
      %add3A_593 = arith.addi %mul3A_591, %add3A_592 : i32
      %get3A_594 = arith.index_cast %add3A_593 : i32 to index
      %get3A_595 = tpu.vector_load %arg19[%get3A_594] {strides = array<i32>} : memref<2048xf32, #tpu.memory_space<vmem>>, vector<16xf32>,
      %scan3A_596 = arith.constant 0 : i32
      %scan3A_597 = arith.constant 0 : i32
      %scan3A_598 = arith.constant 100 : i32
      %scan3A_599 = arith.addi %scan3A_597, %scan3A_598 : i32
      %scan3A_600 = arith.constant 1 : i32
      %scan3A_601 = scf.for %scan3A_604 = %scan3A_597 to %scan3A_599 step %scan3A_600 iter_args(%scan3A_605 = %scan3A_596) -> (i32)  : i32 {
        %get3A_606 = arith.index_cast %scan3A_604 : i32 to index
        %get3A_607 = arith.constant 0 : index
        %get3A_608 = tpu.vector_load %arg18[%get3A_606, %get3A_607] {strides = array<i32>} : memref<128x128xf32, #tpu.memory_space<vmem>>, vector<16xf32>,
        %mul3A_609 = arith.mulf %get3A_608, %get3A_577 : vector<16xf32>
        %reduce_sum3A = arith.constant true
        %reduce_sum3A_610 = vector.broadcast %reduce_sum3A : i1 to vector<16xi1>
        %reduce_sum3A_611 = tpu.scan <sum>, %mul3A_609 masked %reduce_sum3A_610 : vector<16xf32>, vector<16xi1> -> vector<16xf32>
        %reduce_sum3A_612 = vector.extract %reduce_sum3A_611[15] : f32 from vector<16xf32>
        %add3A_613 = arith.constant 0.000000e+00 : f32
        %add3A_614 = arith.addf %add3A_613, %reduce_sum3A_612 : f32
        %get3A_615 = arith.index_cast %scan3A_604 : i32 to index
        %get3A_616 = arith.constant 16 : index
        %get3A_617 = tpu.vector_load %arg18[%get3A_615, %get3A_616] {strides = array<i32>} : memref<128x128xf32, #tpu.memory_space<vmem>>, vector<16xf32>,
        %mul3A_618 = arith.mulf %get3A_617, %get3A_583 : vector<16xf32>
        %reduce_sum3A_619 = arith.constant true
        %reduce_sum3A_620 = vector.broadcast %reduce_sum3A_619 : i1 to vector<16xi1>
        %reduce_sum3A_621 = tpu.scan <sum>, %mul3A_618 masked %reduce_sum3A_620 : vector<16xf32>, vector<16xi1> -> vector<16xf32>
        %reduce_sum3A_622 = vector.extract %reduce_sum3A_621[15] : f32 from vector<16xf32>
        %add3A_623 = arith.addf %add3A_614, %reduce_sum3A_622 : f32
        %get3A_624 = arith.index_cast %scan3A_604 : i32 to index
        %get3A_625 = arith.constant 32 : index
        %get3A_626 = tpu.vector_load %arg18[%get3A_624, %get3A_625] {strides = array<i32>} : memref<128x128xf32, #tpu.memory_space<vmem>>, vector<16xf32>,
        %mul3A_627 = arith.mulf %get3A_626, %get3A_589 : vector<16xf32>
        %reduce_sum3A_628 = arith.constant true
        %reduce_sum3A_629 = vector.broadcast %reduce_sum3A_628 : i1 to vector<16xi1>
        %reduce_sum3A_630 = tpu.scan <sum>, %mul3A_627 masked %reduce_sum3A_629 : vector<16xf32>, vector<16xi1> -> vector<16xf32>
        %reduce_sum3A_631 = vector.extract %reduce_sum3A_630[15] : f32 from vector<16xf32>
        %add3A_632 = arith.addf %add3A_623, %reduce_sum3A_631 : f32
        %get3A_633 = arith.index_cast %scan3A_604 : i32 to index
        %get3A_634 = arith.constant 48 : index
        %get3A_635 = tpu.vector_load %arg18[%get3A_633, %get3A_634] {strides = array<i32>} : memref<128x128xf32, #tpu.memory_space<vmem>>, vector<16xf32>,
        %mul3A_636 = arith.mulf %get3A_635, %get3A_595 : vector<16xf32>
        %reduce_sum3A_637 = arith.constant true
        %reduce_sum3A_638 = vector.broadcast %reduce_sum3A_637 : i1 to vector<16xi1>
        %reduce_sum3A_639 = tpu.scan <sum>, %mul3A_636 masked %reduce_sum3A_638 : vector<16xf32>, vector<16xi1> -> vector<16xf32>
        %reduce_sum3A_640 = vector.extract %reduce_sum3A_639[15] : f32 from vector<16xf32>
        %add3A_641 = arith.addf %add3A_632, %reduce_sum3A_640 : f32
        %mul3A_642 = arith.constant 128 : i32
        %mul3A_643 = arith.muli %scan3A_18, %mul3A_642 : i32
        %add3A_644 = arith.addi %mul3A_643, %scan3A_604 : i32
        %broadcast_in_dim3A_645 = vector.broadcast %add3A_644 : i32 to vector<16xi32>
        %broadcast_in_dim3A_646 = vector.broadcast %add3A_641 : f32 to vector<16xf32>
        %iota3A_647 = tpu.iota {dimensions = array<i32: 0>} : vector<16xi32>
        %eq3A = arith.constant 0 : i32
        %eq3A_648 = vector.broadcast %eq3A : i32 to vector<16xi32>
        %eq3A_649 = arith.cmpi eq, %iota3A_647, %eq3A_648 : vector<16xi32>
        tpu.vector_store_idx %arg21[%broadcast_in_dim3A_645], %broadcast_in_dim3A_646 masked %eq3A_649 : memref<4096xf32, #tpu.memory_space<vmem>>[vector<16xi32>], vector<16xf32>, vector<16xi1>
        %scan3A_650 = arith.constant 0 : i32
        scf.yield %scan3A_650 : i32
      }
      %scan3A_602 = arith.constant 100 : i32
      %scan3A_603 = arith.constant 0 : i32
      scf.yield %scan3A_603 : i32
    }
    %scan3A_13 = arith.constant 32 : i32
    %mul3A_14 = arith.constant 128 : i32
    %mul3A_15 = arith.muli %mul3A_2, %mul3A_14 : i32
    "tpu.region"() ({
      %run_scoped3A = tpu.sem_alloc : memref<!tpu.dma_semaphore, #tpu.memory_space<semaphore_mem>>
      %dma_start3A = tpu.memref_slice %arg7[%mul3A_15] : memref<131072xf32, #tpu.memory_space<hbm>> -> memref<4096xf32, #tpu.memory_space<hbm>>
      %dma_start3A_18 = tpu.memref_slice %arg7[%mul3A_15] : memref<131072xf32, #tpu.memory_space<hbm>> -> memref<4096xf32, #tpu.memory_space<hbm>>
      tpu.enqueue_dma source(%arg20 : memref<4096xf32, #tpu.memory_space<vmem>>) target(%dma_start3A_18 : memref<4096xf32, #tpu.memory_space<hbm>>) target_semaphore(%run_scoped3A : memref<!tpu.dma_semaphore, #tpu.memory_space<semaphore_mem>>)
      %dma_wait3A = tpu.memref_slice %arg7[%mul3A_15] : memref<131072xf32, #tpu.memory_space<hbm>> -> memref<4096xf32, #tpu.memory_space<hbm>>
      %dma_wait3A_19 = tpu.memref_slice %arg7[%mul3A_15] : memref<131072xf32, #tpu.memory_space<hbm>> -> memref<4096xf32, #tpu.memory_space<hbm>>
      tpu.wait_dma2 semaphore(%run_scoped3A : memref<!tpu.dma_semaphore, #tpu.memory_space<semaphore_mem>>) src(%arg20 : memref<4096xf32, #tpu.memory_space<vmem>>) dst(%dma_wait3A_19 : memref<4096xf32, #tpu.memory_space<hbm>>)
      tpu.yield
    }) : () -> ()
    %mul3A_16 = arith.constant 128 : i32
    %mul3A_17 = arith.muli %mul3A_2, %mul3A_16 : i32
    "tpu.region"() ({
      %run_scoped3A = tpu.sem_alloc : memref<!tpu.dma_semaphore, #tpu.memory_space<semaphore_mem>>
      %dma_start3A = tpu.memref_slice %arg8[%mul3A_17] : memref<131072xf32, #tpu.memory_space<hbm>> -> memref<4096xf32, #tpu.memory_space<hbm>>
      %dma_start3A_18 = tpu.memref_slice %arg8[%mul3A_17] : memref<131072xf32, #tpu.memory_space<hbm>> -> memref<4096xf32, #tpu.memory_space<hbm>>
      tpu.enqueue_dma source(%arg21 : memref<4096xf32, #tpu.memory_space<vmem>>) target(%dma_start3A_18 : memref<4096xf32, #tpu.memory_space<hbm>>) target_semaphore(%run_scoped3A : memref<!tpu.dma_semaphore, #tpu.memory_space<semaphore_mem>>)
      %dma_wait3A = tpu.memref_slice %arg8[%mul3A_17] : memref<131072xf32, #tpu.memory_space<hbm>> -> memref<4096xf32, #tpu.memory_space<hbm>>
      %dma_wait3A_19 = tpu.memref_slice %arg8[%mul3A_17] : memref<131072xf32, #tpu.memory_space<hbm>> -> memref<4096xf32, #tpu.memory_space<hbm>>
      tpu.wait_dma2 semaphore(%run_scoped3A : memref<!tpu.dma_semaphore, #tpu.memory_space<semaphore_mem>>) src(%arg21 : memref<4096xf32, #tpu.memory_space<vmem>>) dst(%dma_wait3A_19 : memref<4096xf32, #tpu.memory_space<hbm>>)
      tpu.yield
    }) : () -> ()
    return
  }
}

#map = affine_map<(d0, d1) -> (0)>
#map1 = affine_map<(d0, d1) -> (0, 0)>
module attributes {stable_mosaic.version = 14 : i64} {
  func.func @_encode_sc_body(%arg0: i32, %arg1: i32, %arg2: memref<65536xi32, #tpu.memory_space<hbm>>, %arg3: memref<65536xf32, #tpu.memory_space<hbm>>, %arg4: memref<65536xf32, #tpu.memory_space<hbm>>, %arg5: memref<1024xi32, #tpu.memory_space<hbm>>, %arg6: memref<100000x128xf32, #tpu.memory_space<hbm>>, %arg7: memref<100000x128xf32, #tpu.memory_space<hbm>>, %arg8: memref<65536xf32, #tpu.memory_space<hbm>>, %arg9: memref<65536xf32, #tpu.memory_space<hbm>>, %arg10: memref<8192xf32, #tpu.memory_space<hbm>>, %arg11: memref<2048xi32, #tpu.memory_space<vmem>>, %arg12: memref<2048xf32, #tpu.memory_space<vmem>>, %arg13: memref<2048xf32, #tpu.memory_space<vmem>>, %arg14: memref<128xi32, #tpu.memory_space<vmem>>, %arg15: memref<64x128xf32, #tpu.memory_space<vmem>>, %arg16: memref<64x128xf32, #tpu.memory_space<vmem>>, %arg17: memref<2048xf32, #tpu.memory_space<vmem>>, %arg18: memref<2048xf32, #tpu.memory_space<vmem>>, %arg19: memref<256xf32, #tpu.memory_space<vmem>>, %arg20: memref<!tpu.dma_semaphore, #tpu.memory_space<semaphore_mem>>, %arg21: memref<!tpu.dma_semaphore, #tpu.memory_space<semaphore_mem>>) attributes {dimension_semantics = [#tpu.dimension_semantics<core_parallel>, #tpu.dimension_semantics<subcore_parallel>], iteration_bounds = array<i64: 2, 16>, scalar_prefetch = 0 : i64, scratch_operands = 11 : i64, tpu.core_type = #tpu.core_type<sc_vector_subcore>, window_params = [{transform_indices = #map}, {transform_indices = #map}, {transform_indices = #map}, {transform_indices = #map}, {transform_indices = #map1}, {transform_indices = #map1}, {transform_indices = #map}, {transform_indices = #map}, {transform_indices = #map}]} {
    %mul3A = arith.constant 2 : i32
    %mul3A_0 = arith.muli %arg1, %mul3A : i32
    %add3A = arith.addi %mul3A_0, %arg0 : i32
    %mul3A_1 = arith.constant 32 : i32
    %mul3A_2 = arith.muli %add3A, %mul3A_1 : i32
    %broadcast_in_dim3A = arith.constant 0.000000e+00 : f32
    %broadcast_in_dim3A_3 = vector.broadcast %broadcast_in_dim3A : f32 to vector<16xf32>
    %mul3A_4 = arith.constant 64 : i32
    %mul3A_5 = arith.muli %mul3A_2, %mul3A_4 : i32
    "tpu.region"() ({
      %run_scoped3A = tpu.sem_alloc : memref<!tpu.dma_semaphore, #tpu.memory_space<semaphore_mem>>
      %dma_start3A = tpu.memref_slice %arg2[%mul3A_5] : memref<65536xi32, #tpu.memory_space<hbm>> -> memref<2048xi32, #tpu.memory_space<hbm>>
      %dma_start3A_53 = tpu.memref_slice %arg2[%mul3A_5] : memref<65536xi32, #tpu.memory_space<hbm>> -> memref<2048xi32, #tpu.memory_space<hbm>>
      tpu.enqueue_dma source(%dma_start3A_53 : memref<2048xi32, #tpu.memory_space<hbm>>) target(%arg11 : memref<2048xi32, #tpu.memory_space<vmem>>) target_semaphore(%run_scoped3A : memref<!tpu.dma_semaphore, #tpu.memory_space<semaphore_mem>>)
      %dma_wait3A = tpu.memref_slice %arg2[%mul3A_5] : memref<65536xi32, #tpu.memory_space<hbm>> -> memref<2048xi32, #tpu.memory_space<hbm>>
      %dma_wait3A_54 = tpu.memref_slice %arg2[%mul3A_5] : memref<65536xi32, #tpu.memory_space<hbm>> -> memref<2048xi32, #tpu.memory_space<hbm>>
      tpu.wait_dma2 semaphore(%run_scoped3A : memref<!tpu.dma_semaphore, #tpu.memory_space<semaphore_mem>>) src(%dma_wait3A_54 : memref<2048xi32, #tpu.memory_space<hbm>>) dst(%arg11 : memref<2048xi32, #tpu.memory_space<vmem>>)
      tpu.yield
    }) : () -> ()
    %mul3A_6 = arith.constant 64 : i32
    %mul3A_7 = arith.muli %mul3A_2, %mul3A_6 : i32
    "tpu.region"() ({
      %run_scoped3A = tpu.sem_alloc : memref<!tpu.dma_semaphore, #tpu.memory_space<semaphore_mem>>
      %dma_start3A = tpu.memref_slice %arg3[%mul3A_7] : memref<65536xf32, #tpu.memory_space<hbm>> -> memref<2048xf32, #tpu.memory_space<hbm>>
      %dma_start3A_53 = tpu.memref_slice %arg3[%mul3A_7] : memref<65536xf32, #tpu.memory_space<hbm>> -> memref<2048xf32, #tpu.memory_space<hbm>>
      tpu.enqueue_dma source(%dma_start3A_53 : memref<2048xf32, #tpu.memory_space<hbm>>) target(%arg12 : memref<2048xf32, #tpu.memory_space<vmem>>) target_semaphore(%run_scoped3A : memref<!tpu.dma_semaphore, #tpu.memory_space<semaphore_mem>>)
      %dma_wait3A = tpu.memref_slice %arg3[%mul3A_7] : memref<65536xf32, #tpu.memory_space<hbm>> -> memref<2048xf32, #tpu.memory_space<hbm>>
      %dma_wait3A_54 = tpu.memref_slice %arg3[%mul3A_7] : memref<65536xf32, #tpu.memory_space<hbm>> -> memref<2048xf32, #tpu.memory_space<hbm>>
      tpu.wait_dma2 semaphore(%run_scoped3A : memref<!tpu.dma_semaphore, #tpu.memory_space<semaphore_mem>>) src(%dma_wait3A_54 : memref<2048xf32, #tpu.memory_space<hbm>>) dst(%arg12 : memref<2048xf32, #tpu.memory_space<vmem>>)
      tpu.yield
    }) : () -> ()
    %mul3A_8 = arith.constant 64 : i32
    %mul3A_9 = arith.muli %mul3A_2, %mul3A_8 : i32
    "tpu.region"() ({
      %run_scoped3A = tpu.sem_alloc : memref<!tpu.dma_semaphore, #tpu.memory_space<semaphore_mem>>
      %dma_start3A = tpu.memref_slice %arg4[%mul3A_9] : memref<65536xf32, #tpu.memory_space<hbm>> -> memref<2048xf32, #tpu.memory_space<hbm>>
      %dma_start3A_53 = tpu.memref_slice %arg4[%mul3A_9] : memref<65536xf32, #tpu.memory_space<hbm>> -> memref<2048xf32, #tpu.memory_space<hbm>>
      tpu.enqueue_dma source(%dma_start3A_53 : memref<2048xf32, #tpu.memory_space<hbm>>) target(%arg13 : memref<2048xf32, #tpu.memory_space<vmem>>) target_semaphore(%run_scoped3A : memref<!tpu.dma_semaphore, #tpu.memory_space<semaphore_mem>>)
      %dma_wait3A = tpu.memref_slice %arg4[%mul3A_9] : memref<65536xf32, #tpu.memory_space<hbm>> -> memref<2048xf32, #tpu.memory_space<hbm>>
      %dma_wait3A_54 = tpu.memref_slice %arg4[%mul3A_9] : memref<65536xf32, #tpu.memory_space<hbm>> -> memref<2048xf32, #tpu.memory_space<hbm>>
      tpu.wait_dma2 semaphore(%run_scoped3A : memref<!tpu.dma_semaphore, #tpu.memory_space<semaphore_mem>>) src(%dma_wait3A_54 : memref<2048xf32, #tpu.memory_space<hbm>>) dst(%arg13 : memref<2048xf32, #tpu.memory_space<vmem>>)
      tpu.yield
    }) : () -> ()
    "tpu.region"() ({
      %run_scoped3A = tpu.sem_alloc : memref<!tpu.dma_semaphore, #tpu.memory_space<semaphore_mem>>
      %dma_start3A = arith.constant 0 : i32
      %dma_start3A_53 = tpu.memref_slice %arg14[%dma_start3A] : memref<128xi32, #tpu.memory_space<vmem>> -> memref<32xi32, #tpu.memory_space<vmem>>
      %dma_start3A_54 = tpu.memref_slice %arg5[%mul3A_2] : memref<1024xi32, #tpu.memory_space<hbm>> -> memref<32xi32, #tpu.memory_space<hbm>>
      %dma_start3A_55 = arith.constant 0 : i32
      %dma_start3A_56 = tpu.memref_slice %arg14[%dma_start3A_55] : memref<128xi32, #tpu.memory_space<vmem>> -> memref<32xi32, #tpu.memory_space<vmem>>
      %dma_start3A_57 = tpu.memref_slice %arg5[%mul3A_2] : memref<1024xi32, #tpu.memory_space<hbm>> -> memref<32xi32, #tpu.memory_space<hbm>>
      tpu.enqueue_dma source(%dma_start3A_57 : memref<32xi32, #tpu.memory_space<hbm>>) target(%dma_start3A_56 : memref<32xi32, #tpu.memory_space<vmem>>) target_semaphore(%run_scoped3A : memref<!tpu.dma_semaphore, #tpu.memory_space<semaphore_mem>>)
      %dma_wait3A = arith.constant 0 : i32
      %dma_wait3A_58 = tpu.memref_slice %arg14[%dma_wait3A] : memref<128xi32, #tpu.memory_space<vmem>> -> memref<32xi32, #tpu.memory_space<vmem>>
      %dma_wait3A_59 = tpu.memref_slice %arg5[%mul3A_2] : memref<1024xi32, #tpu.memory_space<hbm>> -> memref<32xi32, #tpu.memory_space<hbm>>
      %dma_wait3A_60 = arith.constant 0 : i32
      %dma_wait3A_61 = tpu.memref_slice %arg14[%dma_wait3A_60] : memref<128xi32, #tpu.memory_space<vmem>> -> memref<32xi32, #tpu.memory_space<vmem>>
      %dma_wait3A_62 = tpu.memref_slice %arg5[%mul3A_2] : memref<1024xi32, #tpu.memory_space<hbm>> -> memref<32xi32, #tpu.memory_space<hbm>>
      tpu.wait_dma2 semaphore(%run_scoped3A : memref<!tpu.dma_semaphore, #tpu.memory_space<semaphore_mem>>) src(%dma_wait3A_62 : memref<32xi32, #tpu.memory_space<hbm>>) dst(%dma_wait3A_61 : memref<32xi32, #tpu.memory_space<vmem>>)
      tpu.yield
    }) : () -> ()
    %swap3A = arith.constant 0 : index
    %swap3A_10 = tpu.vector_load %arg19[%swap3A] {strides = array<i32>} : memref<256xf32, #tpu.memory_space<vmem>>, vector<16xf32>,
    tpu.vector_store %arg19[%swap3A], %broadcast_in_dim3A_3 {strides = array<i32>} : memref<256xf32, #tpu.memory_space<vmem>>, vector<16xf32>,
    %swap3A_11 = arith.constant 16 : index
    %swap3A_12 = tpu.vector_load %arg19[%swap3A_11] {strides = array<i32>} : memref<256xf32, #tpu.memory_space<vmem>>, vector<16xf32>,
    tpu.vector_store %arg19[%swap3A_11], %broadcast_in_dim3A_3 {strides = array<i32>} : memref<256xf32, #tpu.memory_space<vmem>>, vector<16xf32>,
    %swap3A_13 = arith.constant 32 : index
    %swap3A_14 = tpu.vector_load %arg19[%swap3A_13] {strides = array<i32>} : memref<256xf32, #tpu.memory_space<vmem>>, vector<16xf32>,
    tpu.vector_store %arg19[%swap3A_13], %broadcast_in_dim3A_3 {strides = array<i32>} : memref<256xf32, #tpu.memory_space<vmem>>, vector<16xf32>,
    %swap3A_15 = arith.constant 48 : index
    %swap3A_16 = tpu.vector_load %arg19[%swap3A_15] {strides = array<i32>} : memref<256xf32, #tpu.memory_space<vmem>>, vector<16xf32>,
    tpu.vector_store %arg19[%swap3A_15], %broadcast_in_dim3A_3 {strides = array<i32>} : memref<256xf32, #tpu.memory_space<vmem>>, vector<16xf32>,
    %swap3A_17 = arith.constant 64 : index
    %swap3A_18 = tpu.vector_load %arg19[%swap3A_17] {strides = array<i32>} : memref<256xf32, #tpu.memory_space<vmem>>, vector<16xf32>,
    tpu.vector_store %arg19[%swap3A_17], %broadcast_in_dim3A_3 {strides = array<i32>} : memref<256xf32, #tpu.memory_space<vmem>>, vector<16xf32>,
    %swap3A_19 = arith.constant 80 : index
    %swap3A_20 = tpu.vector_load %arg19[%swap3A_19] {strides = array<i32>} : memref<256xf32, #tpu.memory_space<vmem>>, vector<16xf32>,
    tpu.vector_store %arg19[%swap3A_19], %broadcast_in_dim3A_3 {strides = array<i32>} : memref<256xf32, #tpu.memory_space<vmem>>, vector<16xf32>,
    %swap3A_21 = arith.constant 96 : index
    %swap3A_22 = tpu.vector_load %arg19[%swap3A_21] {strides = array<i32>} : memref<256xf32, #tpu.memory_space<vmem>>, vector<16xf32>,
    tpu.vector_store %arg19[%swap3A_21], %broadcast_in_dim3A_3 {strides = array<i32>} : memref<256xf32, #tpu.memory_space<vmem>>, vector<16xf32>,
    %swap3A_23 = arith.constant 112 : index
    %swap3A_24 = tpu.vector_load %arg19[%swap3A_23] {strides = array<i32>} : memref<256xf32, #tpu.memory_space<vmem>>, vector<16xf32>,
    tpu.vector_store %arg19[%swap3A_23], %broadcast_in_dim3A_3 {strides = array<i32>} : memref<256xf32, #tpu.memory_space<vmem>>, vector<16xf32>,
    %swap3A_25 = arith.constant 128 : index
    %swap3A_26 = tpu.vector_load %arg19[%swap3A_25] {strides = array<i32>} : memref<256xf32, #tpu.memory_space<vmem>>, vector<16xf32>,
    tpu.vector_store %arg19[%swap3A_25], %broadcast_in_dim3A_3 {strides = array<i32>} : memref<256xf32, #tpu.memory_space<vmem>>, vector<16xf32>,
    %swap3A_27 = arith.constant 144 : index
    %swap3A_28 = tpu.vector_load %arg19[%swap3A_27] {strides = array<i32>} : memref<256xf32, #tpu.memory_space<vmem>>, vector<16xf32>,
    tpu.vector_store %arg19[%swap3A_27], %broadcast_in_dim3A_3 {strides = array<i32>} : memref<256xf32, #tpu.memory_space<vmem>>, vector<16xf32>,
    %swap3A_29 = arith.constant 160 : index
    %swap3A_30 = tpu.vector_load %arg19[%swap3A_29] {strides = array<i32>} : memref<256xf32, #tpu.memory_space<vmem>>, vector<16xf32>,
    tpu.vector_store %arg19[%swap3A_29], %broadcast_in_dim3A_3 {strides = array<i32>} : memref<256xf32, #tpu.memory_space<vmem>>, vector<16xf32>,
    %swap3A_31 = arith.constant 176 : index
    %swap3A_32 = tpu.vector_load %arg19[%swap3A_31] {strides = array<i32>} : memref<256xf32, #tpu.memory_space<vmem>>, vector<16xf32>,
    tpu.vector_store %arg19[%swap3A_31], %broadcast_in_dim3A_3 {strides = array<i32>} : memref<256xf32, #tpu.memory_space<vmem>>, vector<16xf32>,
    %swap3A_33 = arith.constant 192 : index
    %swap3A_34 = tpu.vector_load %arg19[%swap3A_33] {strides = array<i32>} : memref<256xf32, #tpu.memory_space<vmem>>, vector<16xf32>,
    tpu.vector_store %arg19[%swap3A_33], %broadcast_in_dim3A_3 {strides = array<i32>} : memref<256xf32, #tpu.memory_space<vmem>>, vector<16xf32>,
    %swap3A_35 = arith.constant 208 : index
    %swap3A_36 = tpu.vector_load %arg19[%swap3A_35] {strides = array<i32>} : memref<256xf32, #tpu.memory_space<vmem>>, vector<16xf32>,
    tpu.vector_store %arg19[%swap3A_35], %broadcast_in_dim3A_3 {strides = array<i32>} : memref<256xf32, #tpu.memory_space<vmem>>, vector<16xf32>,
    %swap3A_37 = arith.constant 224 : index
    %swap3A_38 = tpu.vector_load %arg19[%swap3A_37] {strides = array<i32>} : memref<256xf32, #tpu.memory_space<vmem>>, vector<16xf32>,
    tpu.vector_store %arg19[%swap3A_37], %broadcast_in_dim3A_3 {strides = array<i32>} : memref<256xf32, #tpu.memory_space<vmem>>, vector<16xf32>,
    %swap3A_39 = arith.constant 240 : index
    %swap3A_40 = tpu.vector_load %arg19[%swap3A_39] {strides = array<i32>} : memref<256xf32, #tpu.memory_space<vmem>>, vector<16xf32>,
    tpu.vector_store %arg19[%swap3A_39], %broadcast_in_dim3A_3 {strides = array<i32>} : memref<256xf32, #tpu.memory_space<vmem>>, vector<16xf32>,
    %scan3A = arith.constant 0 : i32
    %scan3A_41 = arith.constant 0 : i32
    %scan3A_42 = arith.constant 32 : i32
    %scan3A_43 = arith.addi %scan3A_41, %scan3A_42 : i32
    %scan3A_44 = arith.constant 1 : i32
    %scan3A_45 = scf.for %scan3A_53 = %scan3A_41 to %scan3A_43 step %scan3A_44 iter_args(%scan3A_54 = %scan3A) -> (i32)  : i32 {
      %mul3A_55 = arith.constant 64 : i32
      %mul3A_56 = arith.muli %scan3A_53, %mul3A_55 : i32
      %dma_start3A = tpu.memref_slice %arg11[%mul3A_56] : memref<2048xi32, #tpu.memory_space<vmem>> -> memref<64xi32, #tpu.memory_space<vmem>>
      %dma_start3A_57 = arith.constant 0 : i32
      %dma_start3A_58 = arith.constant 0 : i32
      %dma_start3A_59 = tpu.memref_slice %arg6[%dma_start3A_57, %dma_start3A_58] : memref<100000x128xf32, #tpu.memory_space<hbm>> -> memref<100000x128xf32, #tpu.memory_space<hbm>>
      tpu.enqueue_indirect_dma source(%dma_start3A_59 : memref<100000x128xf32, #tpu.memory_space<hbm>>) target(%arg15 : memref<64x128xf32, #tpu.memory_space<vmem>>) offsets(%dma_start3A : memref<64xi32, #tpu.memory_space<vmem>>) semaphore(%arg20 : memref<!tpu.dma_semaphore, #tpu.memory_space<semaphore_mem>>)
      %dma_start3A_60 = tpu.memref_slice %arg11[%mul3A_56] : memref<2048xi32, #tpu.memory_space<vmem>> -> memref<64xi32, #tpu.memory_space<vmem>>
      %dma_start3A_61 = arith.constant 0 : i32
      %dma_start3A_62 = arith.constant 0 : i32
      %dma_start3A_63 = tpu.memref_slice %arg7[%dma_start3A_61, %dma_start3A_62] : memref<100000x128xf32, #tpu.memory_space<hbm>> -> memref<100000x128xf32, #tpu.memory_space<hbm>>
      tpu.enqueue_indirect_dma source(%dma_start3A_63 : memref<100000x128xf32, #tpu.memory_space<hbm>>) target(%arg16 : memref<64x128xf32, #tpu.memory_space<vmem>>) offsets(%dma_start3A_60 : memref<64xi32, #tpu.memory_space<vmem>>) semaphore(%arg21 : memref<!tpu.dma_semaphore, #tpu.memory_space<semaphore_mem>>)
      %broadcast_in_dim3A_64 = vector.broadcast %scan3A_53 : i32 to vector<16xi32>
      %gather3A = tpu.vector_load_idx %arg14[%broadcast_in_dim3A_64] : memref<128xi32, #tpu.memory_space<vmem>>[vector<16xi32>], vector<16xi32>,
      %reduce_max3A = arith.constant true
      %reduce_max3A_65 = vector.broadcast %reduce_max3A : i1 to vector<16xi1>
      %reduce_max3A_66 = arith.constant -2147483648 : i32
      %reduce_max3A_67 = vector.broadcast %reduce_max3A_66 : i32 to vector<16xi32>
      %reduce_max3A_68 = arith.xori %gather3A, %reduce_max3A_67 : vector<16xi32>
      %reduce_max3A_69 = tpu.scan <max>, %reduce_max3A_68 masked %reduce_max3A_65 : vector<16xi32>, vector<16xi1> -> vector<16xi32>
      %reduce_max3A_70 = arith.xori %reduce_max3A_69, %reduce_max3A_67 : vector<16xi32>
      %reduce_max3A_71 = vector.extract %reduce_max3A_70[15] : i32 from vector<16xi32>
      %broadcast_in_dim3A_72 = arith.constant 1.000000e+00 : f32
      %broadcast_in_dim3A_73 = vector.broadcast %broadcast_in_dim3A_72 : f32 to vector<16xf32>
      %broadcast_in_dim3A_74 = vector.broadcast %reduce_max3A_71 : i32 to vector<16xi32>
      %convert_element_type3A = arith.sitofp %broadcast_in_dim3A_74 : vector<16xi32> to vector<16xf32>
      %div3A = arith.divf %broadcast_in_dim3A_73, %convert_element_type3A : vector<16xf32>
      %add3A_75 = arith.constant 0 : i32
      %add3A_76 = arith.addi %mul3A_56, %add3A_75 : i32
      %get3A = arith.index_cast %add3A_76 : i32 to index
      %get3A_77 = tpu.vector_load %arg12[%get3A] {strides = array<i32>} : memref<2048xf32, #tpu.memory_space<vmem>>, vector<16xf32>,
      %reduce_sum3A = arith.constant true
      %reduce_sum3A_78 = vector.broadcast %reduce_sum3A : i1 to vector<16xi1>
      %reduce_sum3A_79 = tpu.scan <sum>, %get3A_77 masked %reduce_sum3A_78 : vector<16xf32>, vector<16xi1> -> vector<16xf32>
      %reduce_sum3A_80 = vector.extract %reduce_sum3A_79[15] : f32 from vector<16xf32>
      %add3A_81 = arith.constant 0.000000e+00 : f32
      %add3A_82 = arith.addf %add3A_81, %reduce_sum3A_80 : f32
      %add3A_83 = arith.constant 16 : i32
      %add3A_84 = arith.addi %mul3A_56, %add3A_83 : i32
      %get3A_85 = arith.index_cast %add3A_84 : i32 to index
      %get3A_86 = tpu.vector_load %arg12[%get3A_85] {strides = array<i32>} : memref<2048xf32, #tpu.memory_space<vmem>>, vector<16xf32>,
      %reduce_sum3A_87 = arith.constant true
      %reduce_sum3A_88 = vector.broadcast %reduce_sum3A_87 : i1 to vector<16xi1>
      %reduce_sum3A_89 = tpu.scan <sum>, %get3A_86 masked %reduce_sum3A_88 : vector<16xf32>, vector<16xi1> -> vector<16xf32>
      %reduce_sum3A_90 = vector.extract %reduce_sum3A_89[15] : f32 from vector<16xf32>
      %add3A_91 = arith.addf %add3A_82, %reduce_sum3A_90 : f32
      %add3A_92 = arith.constant 32 : i32
      %add3A_93 = arith.addi %mul3A_56, %add3A_92 : i32
      %get3A_94 = arith.index_cast %add3A_93 : i32 to index
      %get3A_95 = tpu.vector_load %arg12[%get3A_94] {strides = array<i32>} : memref<2048xf32, #tpu.memory_space<vmem>>, vector<16xf32>,
      %reduce_sum3A_96 = arith.constant true
      %reduce_sum3A_97 = vector.broadcast %reduce_sum3A_96 : i1 to vector<16xi1>
      %reduce_sum3A_98 = tpu.scan <sum>, %get3A_95 masked %reduce_sum3A_97 : vector<16xf32>, vector<16xi1> -> vector<16xf32>
      %reduce_sum3A_99 = vector.extract %reduce_sum3A_98[15] : f32 from vector<16xf32>
      %add3A_100 = arith.addf %add3A_91, %reduce_sum3A_99 : f32
      %add3A_101 = arith.constant 48 : i32
      %add3A_102 = arith.addi %mul3A_56, %add3A_101 : i32
      %get3A_103 = arith.index_cast %add3A_102 : i32 to index
      %get3A_104 = tpu.vector_load %arg12[%get3A_103] {strides = array<i32>} : memref<2048xf32, #tpu.memory_space<vmem>>, vector<16xf32>,
      %reduce_sum3A_105 = arith.constant true
      %reduce_sum3A_106 = vector.broadcast %reduce_sum3A_105 : i1 to vector<16xi1>
      %reduce_sum3A_107 = tpu.scan <sum>, %get3A_104 masked %reduce_sum3A_106 : vector<16xf32>, vector<16xi1> -> vector<16xf32>
      %reduce_sum3A_108 = vector.extract %reduce_sum3A_107[15] : f32 from vector<16xf32>
      %add3A_109 = arith.addf %add3A_100, %reduce_sum3A_108 : f32
      %mul3A_110 = arith.constant 2.000000e-02 : f32
      %mul3A_111 = arith.mulf %add3A_109, %mul3A_110 : f32
      %add3A_112 = arith.constant 0 : i32
      %add3A_113 = arith.addi %mul3A_56, %add3A_112 : i32
      %get3A_114 = arith.index_cast %add3A_113 : i32 to index
      %get3A_115 = tpu.vector_load %arg13[%get3A_114] {strides = array<i32>} : memref<2048xf32, #tpu.memory_space<vmem>>, vector<16xf32>,
      %reduce_sum3A_116 = arith.constant true
      %reduce_sum3A_117 = vector.broadcast %reduce_sum3A_116 : i1 to vector<16xi1>
      %reduce_sum3A_118 = tpu.scan <sum>, %get3A_115 masked %reduce_sum3A_117 : vector<16xf32>, vector<16xi1> -> vector<16xf32>
      %reduce_sum3A_119 = vector.extract %reduce_sum3A_118[15] : f32 from vector<16xf32>
      %add3A_120 = arith.constant 0.000000e+00 : f32
      %add3A_121 = arith.addf %add3A_120, %reduce_sum3A_119 : f32
      %add3A_122 = arith.constant 16 : i32
      %add3A_123 = arith.addi %mul3A_56, %add3A_122 : i32
      %get3A_124 = arith.index_cast %add3A_123 : i32 to index
      %get3A_125 = tpu.vector_load %arg13[%get3A_124] {strides = array<i32>} : memref<2048xf32, #tpu.memory_space<vmem>>, vector<16xf32>,
      %reduce_sum3A_126 = arith.constant true
      %reduce_sum3A_127 = vector.broadcast %reduce_sum3A_126 : i1 to vector<16xi1>
      %reduce_sum3A_128 = tpu.scan <sum>, %get3A_125 masked %reduce_sum3A_127 : vector<16xf32>, vector<16xi1> -> vector<16xf32>
      %reduce_sum3A_129 = vector.extract %reduce_sum3A_128[15] : f32 from vector<16xf32>
      %add3A_130 = arith.addf %add3A_121, %reduce_sum3A_129 : f32
      %add3A_131 = arith.constant 32 : i32
      %add3A_132 = arith.addi %mul3A_56, %add3A_131 : i32
      %get3A_133 = arith.index_cast %add3A_132 : i32 to index
      %get3A_134 = tpu.vector_load %arg13[%get3A_133] {strides = array<i32>} : memref<2048xf32, #tpu.memory_space<vmem>>, vector<16xf32>,
      %reduce_sum3A_135 = arith.constant true
      %reduce_sum3A_136 = vector.broadcast %reduce_sum3A_135 : i1 to vector<16xi1>
      %reduce_sum3A_137 = tpu.scan <sum>, %get3A_134 masked %reduce_sum3A_136 : vector<16xf32>, vector<16xi1> -> vector<16xf32>
      %reduce_sum3A_138 = vector.extract %reduce_sum3A_137[15] : f32 from vector<16xf32>
      %add3A_139 = arith.addf %add3A_130, %reduce_sum3A_138 : f32
      %add3A_140 = arith.constant 48 : i32
      %add3A_141 = arith.addi %mul3A_56, %add3A_140 : i32
      %get3A_142 = arith.index_cast %add3A_141 : i32 to index
      %get3A_143 = tpu.vector_load %arg13[%get3A_142] {strides = array<i32>} : memref<2048xf32, #tpu.memory_space<vmem>>, vector<16xf32>,
      %reduce_sum3A_144 = arith.constant true
      %reduce_sum3A_145 = vector.broadcast %reduce_sum3A_144 : i1 to vector<16xi1>
      %reduce_sum3A_146 = tpu.scan <sum>, %get3A_143 masked %reduce_sum3A_145 : vector<16xf32>, vector<16xi1> -> vector<16xf32>
      %reduce_sum3A_147 = vector.extract %reduce_sum3A_146[15] : f32 from vector<16xf32>
      %add3A_148 = arith.addf %add3A_139, %reduce_sum3A_147 : f32
      %mul3A_149 = arith.constant 2.000000e-02 : f32
      %mul3A_150 = arith.mulf %add3A_148, %mul3A_149 : f32
      %add3A_151 = arith.addi %mul3A_56, %reduce_max3A_71 : i32
      %sub3A = arith.constant 1 : i32
      %sub3A_152 = arith.subi %add3A_151, %sub3A : i32
      %broadcast_in_dim3A_153 = vector.broadcast %sub3A_152 : i32 to vector<16xi32>
      %gather3A_154 = tpu.vector_load_idx %arg12[%broadcast_in_dim3A_153] : memref<2048xf32, #tpu.memory_space<vmem>>[vector<16xi32>], vector<16xf32>,
      %reduce_max3A_155 = arith.constant true
      %reduce_max3A_156 = vector.broadcast %reduce_max3A_155 : i1 to vector<16xi1>
      %reduce_max3A_157 = tpu.scan <max>, %gather3A_154 masked %reduce_max3A_156 : vector<16xf32>, vector<16xi1> -> vector<16xf32>
      %reduce_max3A_158 = vector.extract %reduce_max3A_157[15] : f32 from vector<16xf32>
      %dma_wait3A = tpu.memref_slice %arg11[%mul3A_56] : memref<2048xi32, #tpu.memory_space<vmem>> -> memref<64xi32, #tpu.memory_space<vmem>>
      %dma_wait3A_159 = arith.constant 0 : i32
      %dma_wait3A_160 = arith.constant 0 : i32
      %dma_wait3A_161 = tpu.memref_slice %arg6[%dma_wait3A_159, %dma_wait3A_160] : memref<100000x128xf32, #tpu.memory_space<hbm>> -> memref<100000x128xf32, #tpu.memory_space<hbm>>
      tpu.wait_indirect_dma semaphore(%arg20 : memref<!tpu.dma_semaphore, #tpu.memory_space<semaphore_mem>>) src(%dma_wait3A_161 : memref<100000x128xf32, #tpu.memory_space<hbm>>) dst(%arg15 : memref<64x128xf32, #tpu.memory_space<vmem>>)
      %while3A = arith.constant 0 : i32
      %while3A_162 = arith.subi %reduce_max3A_71, %while3A : i32
      %while3A_163 = arith.addi %while3A, %while3A_162 : i32
      %while3A_164 = arith.constant 1 : i32
      %while3A_165 = arith.divsi %while3A_162, %while3A_164 : i32
      %while3A_166 = arith.muli %while3A_165, %while3A_164 : i32
      %while3A_167 = arith.addi %while3A, %while3A_166 : i32
      %while3A_168 = arith.constant 1 : i32
      %while3A_169:4 = scf.for %while3A_256 = %while3A to %while3A_167 step %while3A_168 iter_args(%while3A_257 = %broadcast_in_dim3A_3, %while3A_258 = %broadcast_in_dim3A_3, %while3A_259 = %broadcast_in_dim3A_3, %while3A_260 = %broadcast_in_dim3A_3) -> (vector<16xf32>, vector<16xf32>, vector<16xf32>, vector<16xf32>)  : i32 {
        %get3A_261 = arith.index_cast %while3A_256 : i32 to index
        %get3A_262 = arith.constant 0 : index
        %get3A_263 = tpu.vector_load %arg15[%get3A_261, %get3A_262] {strides = array<i32>} : memref<64x128xf32, #tpu.memory_space<vmem>>, vector<16xf32>,
        %add3A_264 = arith.addf %while3A_257, %get3A_263 : vector<16xf32>
        %get3A_265 = arith.index_cast %while3A_256 : i32 to index
        %get3A_266 = arith.constant 16 : index
        %get3A_267 = tpu.vector_load %arg15[%get3A_265, %get3A_266] {strides = array<i32>} : memref<64x128xf32, #tpu.memory_space<vmem>>, vector<16xf32>,
        %add3A_268 = arith.addf %while3A_258, %get3A_267 : vector<16xf32>
        %get3A_269 = arith.index_cast %while3A_256 : i32 to index
        %get3A_270 = arith.constant 32 : index
        %get3A_271 = tpu.vector_load %arg15[%get3A_269, %get3A_270] {strides = array<i32>} : memref<64x128xf32, #tpu.memory_space<vmem>>, vector<16xf32>,
        %add3A_272 = arith.addf %while3A_259, %get3A_271 : vector<16xf32>
        %get3A_273 = arith.index_cast %while3A_256 : i32 to index
        %get3A_274 = arith.constant 48 : index
        %get3A_275 = tpu.vector_load %arg15[%get3A_273, %get3A_274] {strides = array<i32>} : memref<64x128xf32, #tpu.memory_space<vmem>>, vector<16xf32>,
        %add3A_276 = arith.addf %while3A_260, %get3A_275 : vector<16xf32>
        scf.yield %add3A_264, %add3A_268, %add3A_272, %add3A_276 : vector<16xf32>, vector<16xf32>, vector<16xf32>, vector<16xf32>
      }
      %while3A_170 = arith.constant 1 : i32
      %while3A_171:4 = scf.for %while3A_256 = %while3A_167 to %while3A_163 step %while3A_170 iter_args(%while3A_257 = %while3A_169#0, %while3A_258 = %while3A_169#1, %while3A_259 = %while3A_169#2, %while3A_260 = %while3A_169#3) -> (vector<16xf32>, vector<16xf32>, vector<16xf32>, vector<16xf32>)  : i32 {
        %get3A_261 = arith.index_cast %while3A_256 : i32 to index
        %get3A_262 = arith.constant 0 : index
        %get3A_263 = tpu.vector_load %arg15[%get3A_261, %get3A_262] {strides = array<i32>} : memref<64x128xf32, #tpu.memory_space<vmem>>, vector<16xf32>,
        %add3A_264 = arith.addf %while3A_257, %get3A_263 : vector<16xf32>
        %get3A_265 = arith.index_cast %while3A_256 : i32 to index
        %get3A_266 = arith.constant 16 : index
        %get3A_267 = tpu.vector_load %arg15[%get3A_265, %get3A_266] {strides = array<i32>} : memref<64x128xf32, #tpu.memory_space<vmem>>, vector<16xf32>,
        %add3A_268 = arith.addf %while3A_258, %get3A_267 : vector<16xf32>
        %get3A_269 = arith.index_cast %while3A_256 : i32 to index
        %get3A_270 = arith.constant 32 : index
        %get3A_271 = tpu.vector_load %arg15[%get3A_269, %get3A_270] {strides = array<i32>} : memref<64x128xf32, #tpu.memory_space<vmem>>, vector<16xf32>,
        %add3A_272 = arith.addf %while3A_259, %get3A_271 : vector<16xf32>
        %get3A_273 = arith.index_cast %while3A_256 : i32 to index
        %get3A_274 = arith.constant 48 : index
        %get3A_275 = tpu.vector_load %arg15[%get3A_273, %get3A_274] {strides = array<i32>} : memref<64x128xf32, #tpu.memory_space<vmem>>, vector<16xf32>,
        %add3A_276 = arith.addf %while3A_260, %get3A_275 : vector<16xf32>
        scf.yield %add3A_264, %add3A_268, %add3A_272, %add3A_276 : vector<16xf32>, vector<16xf32>, vector<16xf32>, vector<16xf32>
      }
      %mul3A_172 = arith.mulf %while3A_171#0, %div3A : vector<16xf32>
      %add3A_173 = arith.constant 0 : i32
      %add3A_174 = arith.addi %mul3A_56, %add3A_173 : i32
      %swap3A_175 = arith.index_cast %add3A_174 : i32 to index
      %swap3A_176 = tpu.vector_load %arg17[%swap3A_175] {strides = array<i32>} : memref<2048xf32, #tpu.memory_space<vmem>>, vector<16xf32>,
      tpu.vector_store %arg17[%swap3A_175], %mul3A_172 {strides = array<i32>} : memref<2048xf32, #tpu.memory_space<vmem>>, vector<16xf32>,
      %mul3A_177 = arith.mulf %while3A_171#1, %div3A : vector<16xf32>
      %add3A_178 = arith.constant 16 : i32
      %add3A_179 = arith.addi %mul3A_56, %add3A_178 : i32
      %swap3A_180 = arith.index_cast %add3A_179 : i32 to index
      %swap3A_181 = tpu.vector_load %arg17[%swap3A_180] {strides = array<i32>} : memref<2048xf32, #tpu.memory_space<vmem>>, vector<16xf32>,
      tpu.vector_store %arg17[%swap3A_180], %mul3A_177 {strides = array<i32>} : memref<2048xf32, #tpu.memory_space<vmem>>, vector<16xf32>,
      %mul3A_182 = arith.mulf %while3A_171#2, %div3A : vector<16xf32>
      %add3A_183 = arith.constant 32 : i32
      %add3A_184 = arith.addi %mul3A_56, %add3A_183 : i32
      %swap3A_185 = arith.index_cast %add3A_184 : i32 to index
      %swap3A_186 = tpu.vector_load %arg17[%swap3A_185] {strides = array<i32>} : memref<2048xf32, #tpu.memory_space<vmem>>, vector<16xf32>,
      tpu.vector_store %arg17[%swap3A_185], %mul3A_182 {strides = array<i32>} : memref<2048xf32, #tpu.memory_space<vmem>>, vector<16xf32>,
      %mul3A_187 = arith.mulf %while3A_171#3, %div3A : vector<16xf32>
      %add3A_188 = arith.constant 48 : i32
      %add3A_189 = arith.addi %mul3A_56, %add3A_188 : i32
      %swap3A_190 = arith.index_cast %add3A_189 : i32 to index
      %swap3A_191 = tpu.vector_load %arg17[%swap3A_190] {strides = array<i32>} : memref<2048xf32, #tpu.memory_space<vmem>>, vector<16xf32>,
      tpu.vector_store %arg17[%swap3A_190], %mul3A_187 {strides = array<i32>} : memref<2048xf32, #tpu.memory_space<vmem>>, vector<16xf32>,
      %dma_wait3A_192 = tpu.memref_slice %arg11[%mul3A_56] : memref<2048xi32, #tpu.memory_space<vmem>> -> memref<64xi32, #tpu.memory_space<vmem>>
      %dma_wait3A_193 = arith.constant 0 : i32
      %dma_wait3A_194 = arith.constant 0 : i32
      %dma_wait3A_195 = tpu.memref_slice %arg7[%dma_wait3A_193, %dma_wait3A_194] : memref<100000x128xf32, #tpu.memory_space<hbm>> -> memref<100000x128xf32, #tpu.memory_space<hbm>>
      tpu.wait_indirect_dma semaphore(%arg21 : memref<!tpu.dma_semaphore, #tpu.memory_space<semaphore_mem>>) src(%dma_wait3A_195 : memref<100000x128xf32, #tpu.memory_space<hbm>>) dst(%arg16 : memref<64x128xf32, #tpu.memory_space<vmem>>)
      %while3A_196 = arith.constant 0 : i32
      %while3A_197 = arith.subi %reduce_max3A_71, %while3A_196 : i32
      %while3A_198 = arith.addi %while3A_196, %while3A_197 : i32
      %while3A_199 = arith.constant 1 : i32
      %while3A_200 = arith.divsi %while3A_197, %while3A_199 : i32
      %while3A_201 = arith.muli %while3A_200, %while3A_199 : i32
      %while3A_202 = arith.addi %while3A_196, %while3A_201 : i32
      %while3A_203 = arith.constant 1 : i32
      %while3A_204:4 = scf.for %while3A_256 = %while3A_196 to %while3A_202 step %while3A_203 iter_args(%while3A_257 = %broadcast_in_dim3A_3, %while3A_258 = %broadcast_in_dim3A_3, %while3A_259 = %broadcast_in_dim3A_3, %while3A_260 = %broadcast_in_dim3A_3) -> (vector<16xf32>, vector<16xf32>, vector<16xf32>, vector<16xf32>)  : i32 {
        %get3A_261 = arith.index_cast %while3A_256 : i32 to index
        %get3A_262 = arith.constant 0 : index
        %get3A_263 = tpu.vector_load %arg16[%get3A_261, %get3A_262] {strides = array<i32>} : memref<64x128xf32, #tpu.memory_space<vmem>>, vector<16xf32>,
        %add3A_264 = arith.addf %while3A_257, %get3A_263 : vector<16xf32>
        %get3A_265 = arith.index_cast %while3A_256 : i32 to index
        %get3A_266 = arith.constant 16 : index
        %get3A_267 = tpu.vector_load %arg16[%get3A_265, %get3A_266] {strides = array<i32>} : memref<64x128xf32, #tpu.memory_space<vmem>>, vector<16xf32>,
        %add3A_268 = arith.addf %while3A_258, %get3A_267 : vector<16xf32>
        %get3A_269 = arith.index_cast %while3A_256 : i32 to index
        %get3A_270 = arith.constant 32 : index
        %get3A_271 = tpu.vector_load %arg16[%get3A_269, %get3A_270] {strides = array<i32>} : memref<64x128xf32, #tpu.memory_space<vmem>>, vector<16xf32>,
        %add3A_272 = arith.addf %while3A_259, %get3A_271 : vector<16xf32>
        %get3A_273 = arith.index_cast %while3A_256 : i32 to index
        %get3A_274 = arith.constant 48 : index
        %get3A_275 = tpu.vector_load %arg16[%get3A_273, %get3A_274] {strides = array<i32>} : memref<64x128xf32, #tpu.memory_space<vmem>>, vector<16xf32>,
        %add3A_276 = arith.addf %while3A_260, %get3A_275 : vector<16xf32>
        scf.yield %add3A_264, %add3A_268, %add3A_272, %add3A_276 : vector<16xf32>, vector<16xf32>, vector<16xf32>, vector<16xf32>
      }
      %while3A_205 = arith.constant 1 : i32
      %while3A_206:4 = scf.for %while3A_256 = %while3A_202 to %while3A_198 step %while3A_205 iter_args(%while3A_257 = %while3A_204#0, %while3A_258 = %while3A_204#1, %while3A_259 = %while3A_204#2, %while3A_260 = %while3A_204#3) -> (vector<16xf32>, vector<16xf32>, vector<16xf32>, vector<16xf32>)  : i32 {
        %get3A_261 = arith.index_cast %while3A_256 : i32 to index
        %get3A_262 = arith.constant 0 : index
        %get3A_263 = tpu.vector_load %arg16[%get3A_261, %get3A_262] {strides = array<i32>} : memref<64x128xf32, #tpu.memory_space<vmem>>, vector<16xf32>,
        %add3A_264 = arith.addf %while3A_257, %get3A_263 : vector<16xf32>
        %get3A_265 = arith.index_cast %while3A_256 : i32 to index
        %get3A_266 = arith.constant 16 : index
        %get3A_267 = tpu.vector_load %arg16[%get3A_265, %get3A_266] {strides = array<i32>} : memref<64x128xf32, #tpu.memory_space<vmem>>, vector<16xf32>,
        %add3A_268 = arith.addf %while3A_258, %get3A_267 : vector<16xf32>
        %get3A_269 = arith.index_cast %while3A_256 : i32 to index
        %get3A_270 = arith.constant 32 : index
        %get3A_271 = tpu.vector_load %arg16[%get3A_269, %get3A_270] {strides = array<i32>} : memref<64x128xf32, #tpu.memory_space<vmem>>, vector<16xf32>,
        %add3A_272 = arith.addf %while3A_259, %get3A_271 : vector<16xf32>
        %get3A_273 = arith.index_cast %while3A_256 : i32 to index
        %get3A_274 = arith.constant 48 : index
        %get3A_275 = tpu.vector_load %arg16[%get3A_273, %get3A_274] {strides = array<i32>} : memref<64x128xf32, #tpu.memory_space<vmem>>, vector<16xf32>,
        %add3A_276 = arith.addf %while3A_260, %get3A_275 : vector<16xf32>
        scf.yield %add3A_264, %add3A_268, %add3A_272, %add3A_276 : vector<16xf32>, vector<16xf32>, vector<16xf32>, vector<16xf32>
      }
      %mul3A_207 = arith.mulf %while3A_206#0, %div3A : vector<16xf32>
      %add3A_208 = arith.constant 0 : i32
      %add3A_209 = arith.addi %mul3A_56, %add3A_208 : i32
      %swap3A_210 = arith.index_cast %add3A_209 : i32 to index
      %swap3A_211 = tpu.vector_load %arg18[%swap3A_210] {strides = array<i32>} : memref<2048xf32, #tpu.memory_space<vmem>>, vector<16xf32>,
      tpu.vector_store %arg18[%swap3A_210], %mul3A_207 {strides = array<i32>} : memref<2048xf32, #tpu.memory_space<vmem>>, vector<16xf32>,
      %mul3A_212 = arith.mulf %while3A_206#1, %div3A : vector<16xf32>
      %add3A_213 = arith.constant 16 : i32
      %add3A_214 = arith.addi %mul3A_56, %add3A_213 : i32
      %swap3A_215 = arith.index_cast %add3A_214 : i32 to index
      %swap3A_216 = tpu.vector_load %arg18[%swap3A_215] {strides = array<i32>} : memref<2048xf32, #tpu.memory_space<vmem>>, vector<16xf32>,
      tpu.vector_store %arg18[%swap3A_215], %mul3A_212 {strides = array<i32>} : memref<2048xf32, #tpu.memory_space<vmem>>, vector<16xf32>,
      %mul3A_217 = arith.mulf %while3A_206#2, %div3A : vector<16xf32>
      %add3A_218 = arith.constant 32 : i32
      %add3A_219 = arith.addi %mul3A_56, %add3A_218 : i32
      %swap3A_220 = arith.index_cast %add3A_219 : i32 to index
      %swap3A_221 = tpu.vector_load %arg18[%swap3A_220] {strides = array<i32>} : memref<2048xf32, #tpu.memory_space<vmem>>, vector<16xf32>,
      tpu.vector_store %arg18[%swap3A_220], %mul3A_217 {strides = array<i32>} : memref<2048xf32, #tpu.memory_space<vmem>>, vector<16xf32>,
      %mul3A_222 = arith.mulf %while3A_206#3, %div3A : vector<16xf32>
      %add3A_223 = arith.constant 48 : i32
      %add3A_224 = arith.addi %mul3A_56, %add3A_223 : i32
      %swap3A_225 = arith.index_cast %add3A_224 : i32 to index
      %swap3A_226 = tpu.vector_load %arg18[%swap3A_225] {strides = array<i32>} : memref<2048xf32, #tpu.memory_space<vmem>>, vector<16xf32>,
      tpu.vector_store %arg18[%swap3A_225], %mul3A_222 {strides = array<i32>} : memref<2048xf32, #tpu.memory_space<vmem>>, vector<16xf32>,
      %mul3A_227 = arith.constant 8 : i32
      %mul3A_228 = arith.muli %scan3A_53, %mul3A_227 : i32
      %add3A_229 = arith.constant 0 : i32
      %add3A_230 = arith.addi %mul3A_228, %add3A_229 : i32
      %broadcast_in_dim3A_231 = vector.broadcast %add3A_230 : i32 to vector<16xi32>
      %broadcast_in_dim3A_232 = vector.broadcast %mul3A_111 : f32 to vector<16xf32>
      %iota3A = tpu.iota {dimensions = array<i32: 0>} : vector<16xi32>
      %eq3A = arith.constant 0 : i32
      %eq3A_233 = vector.broadcast %eq3A : i32 to vector<16xi32>
      %eq3A_234 = arith.cmpi eq, %iota3A, %eq3A_233 : vector<16xi32>
      tpu.vector_store_idx %arg19[%broadcast_in_dim3A_231], %broadcast_in_dim3A_232 masked %eq3A_234 : memref<256xf32, #tpu.memory_space<vmem>>[vector<16xi32>], vector<16xf32>, vector<16xi1>
      %mul3A_235 = arith.constant 8 : i32
      %mul3A_236 = arith.muli %scan3A_53, %mul3A_235 : i32
      %add3A_237 = arith.constant 1 : i32
      %add3A_238 = arith.addi %mul3A_236, %add3A_237 : i32
      %broadcast_in_dim3A_239 = vector.broadcast %add3A_238 : i32 to vector<16xi32>
      %broadcast_in_dim3A_240 = vector.broadcast %mul3A_150 : f32 to vector<16xf32>
      %iota3A_241 = tpu.iota {dimensions = array<i32: 0>} : vector<16xi32>
      %eq3A_242 = arith.constant 0 : i32
      %eq3A_243 = vector.broadcast %eq3A_242 : i32 to vector<16xi32>
      %eq3A_244 = arith.cmpi eq, %iota3A_241, %eq3A_243 : vector<16xi32>
      tpu.vector_store_idx %arg19[%broadcast_in_dim3A_239], %broadcast_in_dim3A_240 masked %eq3A_244 : memref<256xf32, #tpu.memory_space<vmem>>[vector<16xi32>], vector<16xf32>, vector<16xi1>
      %mul3A_245 = arith.constant 8 : i32
      %mul3A_246 = arith.muli %scan3A_53, %mul3A_245 : i32
      %add3A_247 = arith.constant 2 : i32
      %add3A_248 = arith.addi %mul3A_246, %add3A_247 : i32
      %broadcast_in_dim3A_249 = vector.broadcast %add3A_248 : i32 to vector<16xi32>
      %broadcast_in_dim3A_250 = vector.broadcast %reduce_max3A_158 : f32 to vector<16xf32>
      %iota3A_251 = tpu.iota {dimensions = array<i32: 0>} : vector<16xi32>
      %eq3A_252 = arith.constant 0 : i32
      %eq3A_253 = vector.broadcast %eq3A_252 : i32 to vector<16xi32>
      %eq3A_254 = arith.cmpi eq, %iota3A_251, %eq3A_253 : vector<16xi32>
      tpu.vector_store_idx %arg19[%broadcast_in_dim3A_249], %broadcast_in_dim3A_250 masked %eq3A_254 : memref<256xf32, #tpu.memory_space<vmem>>[vector<16xi32>], vector<16xf32>, vector<16xi1>
      %scan3A_255 = arith.constant 0 : i32
      scf.yield %scan3A_255 : i32
    }
    %scan3A_46 = arith.constant 32 : i32
    %mul3A_47 = arith.constant 64 : i32
    %mul3A_48 = arith.muli %mul3A_2, %mul3A_47 : i32
    "tpu.region"() ({
      %run_scoped3A = tpu.sem_alloc : memref<!tpu.dma_semaphore, #tpu.memory_space<semaphore_mem>>
      %dma_start3A = tpu.memref_slice %arg8[%mul3A_48] : memref<65536xf32, #tpu.memory_space<hbm>> -> memref<2048xf32, #tpu.memory_space<hbm>>
      %dma_start3A_53 = tpu.memref_slice %arg8[%mul3A_48] : memref<65536xf32, #tpu.memory_space<hbm>> -> memref<2048xf32, #tpu.memory_space<hbm>>
      tpu.enqueue_dma source(%arg17 : memref<2048xf32, #tpu.memory_space<vmem>>) target(%dma_start3A_53 : memref<2048xf32, #tpu.memory_space<hbm>>) target_semaphore(%run_scoped3A : memref<!tpu.dma_semaphore, #tpu.memory_space<semaphore_mem>>)
      %dma_wait3A = tpu.memref_slice %arg8[%mul3A_48] : memref<65536xf32, #tpu.memory_space<hbm>> -> memref<2048xf32, #tpu.memory_space<hbm>>
      %dma_wait3A_54 = tpu.memref_slice %arg8[%mul3A_48] : memref<65536xf32, #tpu.memory_space<hbm>> -> memref<2048xf32, #tpu.memory_space<hbm>>
      tpu.wait_dma2 semaphore(%run_scoped3A : memref<!tpu.dma_semaphore, #tpu.memory_space<semaphore_mem>>) src(%arg17 : memref<2048xf32, #tpu.memory_space<vmem>>) dst(%dma_wait3A_54 : memref<2048xf32, #tpu.memory_space<hbm>>)
      tpu.yield
    }) : () -> ()
    %mul3A_49 = arith.constant 64 : i32
    %mul3A_50 = arith.muli %mul3A_2, %mul3A_49 : i32
    "tpu.region"() ({
      %run_scoped3A = tpu.sem_alloc : memref<!tpu.dma_semaphore, #tpu.memory_space<semaphore_mem>>
      %dma_start3A = tpu.memref_slice %arg9[%mul3A_50] : memref<65536xf32, #tpu.memory_space<hbm>> -> memref<2048xf32, #tpu.memory_space<hbm>>
      %dma_start3A_53 = tpu.memref_slice %arg9[%mul3A_50] : memref<65536xf32, #tpu.memory_space<hbm>> -> memref<2048xf32, #tpu.memory_space<hbm>>
      tpu.enqueue_dma source(%arg18 : memref<2048xf32, #tpu.memory_space<vmem>>) target(%dma_start3A_53 : memref<2048xf32, #tpu.memory_space<hbm>>) target_semaphore(%run_scoped3A : memref<!tpu.dma_semaphore, #tpu.memory_space<semaphore_mem>>)
      %dma_wait3A = tpu.memref_slice %arg9[%mul3A_50] : memref<65536xf32, #tpu.memory_space<hbm>> -> memref<2048xf32, #tpu.memory_space<hbm>>
      %dma_wait3A_54 = tpu.memref_slice %arg9[%mul3A_50] : memref<65536xf32, #tpu.memory_space<hbm>> -> memref<2048xf32, #tpu.memory_space<hbm>>
      tpu.wait_dma2 semaphore(%run_scoped3A : memref<!tpu.dma_semaphore, #tpu.memory_space<semaphore_mem>>) src(%arg18 : memref<2048xf32, #tpu.memory_space<vmem>>) dst(%dma_wait3A_54 : memref<2048xf32, #tpu.memory_space<hbm>>)
      tpu.yield
    }) : () -> ()
    %mul3A_51 = arith.constant 8 : i32
    %mul3A_52 = arith.muli %mul3A_2, %mul3A_51 : i32
    "tpu.region"() ({
      %run_scoped3A = tpu.sem_alloc : memref<!tpu.dma_semaphore, #tpu.memory_space<semaphore_mem>>
      %dma_start3A = tpu.memref_slice %arg10[%mul3A_52] : memref<8192xf32, #tpu.memory_space<hbm>> -> memref<256xf32, #tpu.memory_space<hbm>>
      %dma_start3A_53 = tpu.memref_slice %arg10[%mul3A_52] : memref<8192xf32, #tpu.memory_space<hbm>> -> memref<256xf32, #tpu.memory_space<hbm>>
      tpu.enqueue_dma source(%arg19 : memref<256xf32, #tpu.memory_space<vmem>>) target(%dma_start3A_53 : memref<256xf32, #tpu.memory_space<hbm>>) target_semaphore(%run_scoped3A : memref<!tpu.dma_semaphore, #tpu.memory_space<semaphore_mem>>)
      %dma_wait3A = tpu.memref_slice %arg10[%mul3A_52] : memref<8192xf32, #tpu.memory_space<hbm>> -> memref<256xf32, #tpu.memory_space<hbm>>
      %dma_wait3A_54 = tpu.memref_slice %arg10[%mul3A_52] : memref<8192xf32, #tpu.memory_space<hbm>> -> memref<256xf32, #tpu.memory_space<hbm>>
      tpu.wait_dma2 semaphore(%run_scoped3A : memref<!tpu.dma_semaphore, #tpu.memory_space<semaphore_mem>>) src(%arg19 : memref<256xf32, #tpu.memory_space<vmem>>) dst(%dma_wait3A_54 : memref<256xf32, #tpu.memory_space<hbm>>)
      tpu.yield
    }) : () -> ()
    return
  }
}

module attributes {stable_mosaic.version = 14 : i64} {
  func.func @_scores_body(%arg0: i32, %arg1: memref<1024x64xf32, #tpu.memory_space<vmem>>, %arg2: memref<1024x64xf32, #tpu.memory_space<vmem>>, %arg3: memref<1024x1xf32, #tpu.memory_space<vmem>>, %arg4: memref<1024x1xf32, #tpu.memory_space<vmem>>, %arg5: memref<1024x1xf32, #tpu.memory_space<vmem>>, %arg6: memref<3x64xf32, #tpu.memory_space<vmem>>, %arg7: memref<3x64xf32, #tpu.memory_space<vmem>>, %arg8: memref<512x64xf32, #tpu.memory_space<vmem>>, %arg9: memref<512x64xf32, #tpu.memory_space<vmem>>, %arg10: memref<1024x512xf32, #tpu.memory_space<vmem>>, %arg11: memref<1024x1xi32, #tpu.memory_space<vmem>>, %arg12: memref<1024x512xf32, #tpu.memory_space<vmem>>, %arg13: memref<1x1024x1xf32, #tpu.memory_space<vmem>>, %arg14: memref<1024x1xf32, #tpu.memory_space<vmem>>, %arg15: memref<1024x1xf32, #tpu.memory_space<vmem>>, %arg16: memref<1024x64xf32, #tpu.memory_space<vmem>>) attributes {dimension_semantics = [#tpu.dimension_semantics<arbitrary>], iteration_bounds = array<i64: 196>, scalar_prefetch = 0 : i64, scratch_operands = 0 : i64, tpu.core_type = #tpu.core_type<tc>, window_params = [{pipeline_mode = #tpu.pipeline_mode<synchronous>, transform_indices = @transform_0, window_bounds = array<i64: 1024, 64>}, {pipeline_mode = #tpu.pipeline_mode<synchronous>, transform_indices = @transform_1, window_bounds = array<i64: 1024, 64>}, {pipeline_mode = #tpu.pipeline_mode<synchronous>, transform_indices = @transform_2, window_bounds = array<i64: 1024, 1>}, {pipeline_mode = #tpu.pipeline_mode<synchronous>, transform_indices = @transform_3, window_bounds = array<i64: 1024, 1>}, {pipeline_mode = #tpu.pipeline_mode<synchronous>, transform_indices = @transform_4, window_bounds = array<i64: 1024, 1>}, {pipeline_mode = #tpu.pipeline_mode<synchronous>, transform_indices = @transform_5, window_bounds = array<i64: 3, 64>}, {pipeline_mode = #tpu.pipeline_mode<synchronous>, transform_indices = @transform_6, window_bounds = array<i64: 3, 64>}, {transform_indices = @transform_7, window_bounds = array<i64: 512, 64>}, {transform_indices = @transform_8, window_bounds = array<i64: 512, 64>}, {transform_indices = @transform_9, window_bounds = array<i64: 1024, 512>}, {pipeline_mode = #tpu.pipeline_mode<synchronous>, transform_indices = @transform_10, window_bounds = array<i64: 1024, 1>}, {transform_indices = @transform_11, window_bounds = array<i64: 1024, 512>}, {transform_indices = @transform_12, window_bounds = array<i64: 1, 1024, 1>}, {pipeline_mode = #tpu.pipeline_mode<synchronous>, transform_indices = @transform_13, window_bounds = array<i64: 1024, 1>}, {pipeline_mode = #tpu.pipeline_mode<synchronous>, transform_indices = @transform_14, window_bounds = array<i64: 1024, 1>}, {pipeline_mode = #tpu.pipeline_mode<synchronous>, transform_indices = @transform_15, window_bounds = array<i64: 1024, 64>}]} {
    %get3A = arith.constant 0 : index
    %get3A_0 = arith.constant 0 : index
    %get3A_1 = vector.load %arg1[%get3A, %get3A_0] : memref<1024x64xf32, #tpu.memory_space<vmem>>, vector<1024x64xf32>
    %get3A_2 = arith.constant 0 : index
    %get3A_3 = arith.constant 0 : index
    %get3A_4 = vector.load %arg3[%get3A_2, %get3A_3] : memref<1024x1xf32, #tpu.memory_space<vmem>>, vector<1024x1xf32>
    %get3A_5 = arith.constant 0 : index
    %get3A_6 = arith.constant 0 : index
    %get3A_7 = vector.load %arg6[%get3A_5, %get3A_6] : memref<3x64xf32, #tpu.memory_space<vmem>>, vector<1x64xf32>
    %mul3A = vector.broadcast %get3A_4 : vector<1024x1xf32> to vector<1024x64xf32>
    %mul3A_8 = vector.broadcast %get3A_7 : vector<1x64xf32> to vector<1024x64xf32>
    %mul3A_9 = arith.mulf %mul3A, %mul3A_8 : vector<1024x64xf32>
    %add3A = arith.addf %get3A_1, %mul3A_9 : vector<1024x64xf32>
    %get3A_10 = arith.constant 0 : index
    %get3A_11 = arith.constant 0 : index
    %get3A_12 = vector.load %arg4[%get3A_10, %get3A_11] : memref<1024x1xf32, #tpu.memory_space<vmem>>, vector<1024x1xf32>
    %get3A_13 = arith.constant 1 : index
    %get3A_14 = arith.constant 0 : index
    %get3A_15 = vector.load %arg6[%get3A_13, %get3A_14] : memref<3x64xf32, #tpu.memory_space<vmem>>, vector<1x64xf32>
    %mul3A_16 = vector.broadcast %get3A_12 : vector<1024x1xf32> to vector<1024x64xf32>
    %mul3A_17 = vector.broadcast %get3A_15 : vector<1x64xf32> to vector<1024x64xf32>
    %mul3A_18 = arith.mulf %mul3A_16, %mul3A_17 : vector<1024x64xf32>
    %add3A_19 = arith.addf %add3A, %mul3A_18 : vector<1024x64xf32>
    %get3A_20 = arith.constant 0 : index
    %get3A_21 = arith.constant 0 : index
    %get3A_22 = vector.load %arg5[%get3A_20, %get3A_21] : memref<1024x1xf32, #tpu.memory_space<vmem>>, vector<1024x1xf32>
    %get3A_23 = arith.constant 2 : index
    %get3A_24 = arith.constant 0 : index
    %get3A_25 = vector.load %arg6[%get3A_23, %get3A_24] : memref<3x64xf32, #tpu.memory_space<vmem>>, vector<1x64xf32>
    %mul3A_26 = vector.broadcast %get3A_22 : vector<1024x1xf32> to vector<1024x64xf32>
    %mul3A_27 = vector.broadcast %get3A_25 : vector<1x64xf32> to vector<1024x64xf32>
    %mul3A_28 = arith.mulf %mul3A_26, %mul3A_27 : vector<1024x64xf32>
    %add3A_29 = arith.addf %add3A_19, %mul3A_28 : vector<1024x64xf32>
    %get3A_30 = arith.constant 0 : index
    %get3A_31 = arith.constant 0 : index
    %get3A_32 = vector.load %arg2[%get3A_30, %get3A_31] : memref<1024x64xf32, #tpu.memory_space<vmem>>, vector<1024x64xf32>
    %get3A_33 = arith.constant 0 : index
    %get3A_34 = arith.constant 0 : index
    %get3A_35 = vector.load %arg3[%get3A_33, %get3A_34] : memref<1024x1xf32, #tpu.memory_space<vmem>>, vector<1024x1xf32>
    %get3A_36 = arith.constant 0 : index
    %get3A_37 = arith.constant 0 : index
    %get3A_38 = vector.load %arg7[%get3A_36, %get3A_37] : memref<3x64xf32, #tpu.memory_space<vmem>>, vector<1x64xf32>
    %mul3A_39 = vector.broadcast %get3A_35 : vector<1024x1xf32> to vector<1024x64xf32>
    %mul3A_40 = vector.broadcast %get3A_38 : vector<1x64xf32> to vector<1024x64xf32>
    %mul3A_41 = arith.mulf %mul3A_39, %mul3A_40 : vector<1024x64xf32>
    %add3A_42 = arith.addf %get3A_32, %mul3A_41 : vector<1024x64xf32>
    %get3A_43 = arith.constant 0 : index
    %get3A_44 = arith.constant 0 : index
    %get3A_45 = vector.load %arg4[%get3A_43, %get3A_44] : memref<1024x1xf32, #tpu.memory_space<vmem>>, vector<1024x1xf32>
    %get3A_46 = arith.constant 1 : index
    %get3A_47 = arith.constant 0 : index
    %get3A_48 = vector.load %arg7[%get3A_46, %get3A_47] : memref<3x64xf32, #tpu.memory_space<vmem>>, vector<1x64xf32>
    %mul3A_49 = vector.broadcast %get3A_45 : vector<1024x1xf32> to vector<1024x64xf32>
    %mul3A_50 = vector.broadcast %get3A_48 : vector<1x64xf32> to vector<1024x64xf32>
    %mul3A_51 = arith.mulf %mul3A_49, %mul3A_50 : vector<1024x64xf32>
    %add3A_52 = arith.addf %add3A_42, %mul3A_51 : vector<1024x64xf32>
    %get3A_53 = arith.constant 0 : index
    %get3A_54 = arith.constant 0 : index
    %get3A_55 = vector.load %arg5[%get3A_53, %get3A_54] : memref<1024x1xf32, #tpu.memory_space<vmem>>, vector<1024x1xf32>
    %get3A_56 = arith.constant 2 : index
    %get3A_57 = arith.constant 0 : index
    %get3A_58 = vector.load %arg7[%get3A_56, %get3A_57] : memref<3x64xf32, #tpu.memory_space<vmem>>, vector<1x64xf32>
    %mul3A_59 = vector.broadcast %get3A_55 : vector<1024x1xf32> to vector<1024x64xf32>
    %mul3A_60 = vector.broadcast %get3A_58 : vector<1x64xf32> to vector<1024x64xf32>
    %mul3A_61 = arith.mulf %mul3A_59, %mul3A_60 : vector<1024x64xf32>
    %add3A_62 = arith.addf %add3A_52, %mul3A_61 : vector<1024x64xf32>
    %get3A_63 = arith.constant 0 : index
    %get3A_64 = arith.constant 0 : index
    %get3A_65 = vector.load %arg8[%get3A_63, %get3A_64] : memref<512x64xf32, #tpu.memory_space<vmem>>, vector<512x64xf32>
    %dot_general3A = arith.constant dense<0.000000e+00> : vector<1024x512xf32>
    %dot_general3A_66 = tpu.matmul %add3A_29, %get3A_65, %dot_general3A {dimension_numbers = #tpu.dot_dimension_numbers<[1], [1], [0], [0], [0, 0, 1, 0], [], []>, transpose_lhs_hint = false} : vector<1024x64xf32>, vector<512x64xf32>, vector<1024x512xf32> -> vector<1024x512xf32>
    %get3A_67 = arith.constant 0 : index
    %get3A_68 = arith.constant 0 : index
    %get3A_69 = vector.load %arg9[%get3A_67, %get3A_68] : memref<512x64xf32, #tpu.memory_space<vmem>>, vector<512x64xf32>
    %dot_general3A_70 = arith.constant dense<0.000000e+00> : vector<1024x512xf32>
    %dot_general3A_71 = tpu.matmul %add3A_62, %get3A_69, %dot_general3A_70 {dimension_numbers = #tpu.dot_dimension_numbers<[1], [1], [0], [0], [0, 0, 1, 0], [], []>, transpose_lhs_hint = false} : vector<1024x64xf32>, vector<512x64xf32>, vector<1024x512xf32> -> vector<1024x512xf32>
    %mul3A_72 = arith.constant 512 : i32
    %mul3A_73 = arith.muli %arg0, %mul3A_72 : i32
    %iota3A = tpu.iota {dimensions = array<i32: 1>} : vector<1024x512xi32>
    %add3A_74 = vector.broadcast %mul3A_73 : i32 to vector<1024x512xi32>
    %add3A_75 = arith.addi %add3A_74, %iota3A : vector<1024x512xi32>
    %get3A_76 = arith.constant 0 : index
    %get3A_77 = arith.constant 0 : index
    %get3A_78 = vector.load %arg11[%get3A_76, %get3A_77] : memref<1024x1xi32, #tpu.memory_space<vmem>>, vector<1024x1xi32>
    %eq3A = vector.broadcast %get3A_78 : vector<1024x1xi32> to vector<1024x512xi32>
    %eq3A_79 = arith.cmpi eq, %add3A_75, %eq3A : vector<1024x512xi32>
    %lt3A = arith.constant 100000 : i32
    %lt3A_80 = vector.broadcast %lt3A : i32 to vector<1024x512xi32>
    %lt3A_81 = arith.cmpi slt, %add3A_75, %lt3A_80 : vector<1024x512xi32>
    %not3A = arith.constant dense<true> : vector<1024x512xi1>
    %not3A_82 = arith.xori %eq3A_79, %not3A : vector<1024x512xi1>
    %and3A = arith.andi %lt3A_81, %not3A_82 : vector<1024x512xi1>
    %get3A_83 = arith.constant 0 : index
    %get3A_84 = arith.constant 0 : index
    %get3A_85 = vector.load %arg10[%get3A_83, %get3A_84] : memref<1024x512xf32, #tpu.memory_space<vmem>>, vector<1024x512xf32>
    %add3A_86 = arith.addf %dot_general3A_66, %get3A_85 : vector<1024x512xf32>
    %jit3A = arith.constant -1.000000e+30 : f32
    %broadcast_in_dim3A = vector.broadcast %jit3A : f32 to vector<1024x512xf32>
    %select_n3A = arith.select %and3A, %add3A_86, %broadcast_in_dim3A : vector<1024x512xi1>, vector<1024x512xf32>
    %swap3A = arith.constant 0 : index
    %swap3A_87 = arith.constant 0 : index
    %swap3A_88 = vector.load %arg12[%swap3A, %swap3A_87] : memref<1024x512xf32, #tpu.memory_space<vmem>>, vector<1024x512xf32>
    tpu.vector_store %arg12[%swap3A, %swap3A_87], %select_n3A {strides = array<i32>} : memref<1024x512xf32, #tpu.memory_space<vmem>>, vector<1024x512xf32>,
    %reduce_max3A = arith.constant dense<0xFF800000> : vector<1024xf32>
    %reduce_max3A_89 = vector.multi_reduction <maximumf>, %select_n3A, %reduce_max3A [1] : vector<1024x512xf32> to vector<1024xf32>
    %broadcast_in_dim3A_90 = vector.shape_cast %reduce_max3A_89 : vector<1024xf32> to vector<1024x1xf32>
    %broadcast_in_dim3A_91 = vector.shape_cast %broadcast_in_dim3A_90 : vector<1024x1xf32> to vector<1x1024x1xf32>
    %swap3A_92 = arith.constant 0 : index
    %swap3A_93 = arith.constant 0 : index
    %swap3A_94 = arith.constant 0 : index
    %swap3A_95 = vector.load %arg13[%swap3A_92, %swap3A_93, %swap3A_94] : memref<1x1024x1xf32, #tpu.memory_space<vmem>>, vector<1x1024x1xf32>
    tpu.vector_store %arg13[%swap3A_92, %swap3A_93, %swap3A_94], %broadcast_in_dim3A_91 {strides = array<i32>} : memref<1x1024x1xf32, #tpu.memory_space<vmem>>, vector<1x1024x1xf32>,
    %jit3A_96 = arith.constant 0.000000e+00 : f32
    %broadcast_in_dim3A_97 = vector.broadcast %jit3A_96 : f32 to vector<1024x512xf32>
    %select_n3A_98 = arith.select %eq3A_79, %dot_general3A_66, %broadcast_in_dim3A_97 : vector<1024x512xi1>, vector<1024x512xf32>
    %reduce_sum3A = arith.constant dense<0.000000e+00> : vector<1024xf32>
    %reduce_sum3A_99 = vector.multi_reduction <add>, %select_n3A_98, %reduce_sum3A [1] : vector<1024x512xf32> to vector<1024xf32>
    %broadcast_in_dim3A_100 = vector.shape_cast %reduce_sum3A_99 : vector<1024xf32> to vector<1024x1xf32>
    %jit3A_101 = arith.constant 0.000000e+00 : f32
    %broadcast_in_dim3A_102 = vector.broadcast %jit3A_101 : f32 to vector<1024x512xf32>
    %select_n3A_103 = arith.select %eq3A_79, %dot_general3A_71, %broadcast_in_dim3A_102 : vector<1024x512xi1>, vector<1024x512xf32>
    %reduce_sum3A_104 = arith.constant dense<0.000000e+00> : vector<1024xf32>
    %reduce_sum3A_105 = vector.multi_reduction <add>, %select_n3A_103, %reduce_sum3A_104 [1] : vector<1024x512xf32> to vector<1024xf32>
    %broadcast_in_dim3A_106 = vector.shape_cast %reduce_sum3A_105 : vector<1024xf32> to vector<1024x1xf32>
    %eq3A_107 = arith.constant 0 : i32
    %eq3A_108 = arith.cmpi eq, %arg0, %eq3A_107 : i32
    %convert_element_type3A = arith.extui %eq3A_108 : i1 to i32
    %cond3A = arith.constant 0 : i32
    %cond3A_109 = arith.cmpi ne, %convert_element_type3A, %cond3A : i32
    scf.if %cond3A_109 {
      %swap3A_114 = arith.constant 0 : index
      %swap3A_115 = arith.constant 0 : index
      %swap3A_116 = vector.load %arg14[%swap3A_114, %swap3A_115] : memref<1024x1xf32, #tpu.memory_space<vmem>>, vector<1024x1xf32>
      tpu.vector_store %arg14[%swap3A_114, %swap3A_115], %broadcast_in_dim3A_100 {strides = array<i32>} : memref<1024x1xf32, #tpu.memory_space<vmem>>, vector<1024x1xf32>,
      %swap3A_117 = arith.constant 0 : index
      %swap3A_118 = arith.constant 0 : index
      %swap3A_119 = vector.load %arg15[%swap3A_117, %swap3A_118] : memref<1024x1xf32, #tpu.memory_space<vmem>>, vector<1024x1xf32>
      tpu.vector_store %arg15[%swap3A_117, %swap3A_118], %broadcast_in_dim3A_106 {strides = array<i32>} : memref<1024x1xf32, #tpu.memory_space<vmem>>, vector<1024x1xf32>,
      %swap3A_120 = arith.constant 0 : index
      %swap3A_121 = arith.constant 0 : index
      %swap3A_122 = vector.load %arg16[%swap3A_120, %swap3A_121] : memref<1024x64xf32, #tpu.memory_space<vmem>>, vector<1024x64xf32>
      tpu.vector_store %arg16[%swap3A_120, %swap3A_121], %add3A_62 {strides = array<i32>} : memref<1024x64xf32, #tpu.memory_space<vmem>>, vector<1024x64xf32>,
    } else {
    }
    %ne3A = arith.constant 0 : i32
    %ne3A_110 = arith.cmpi ne, %arg0, %ne3A : i32
    %convert_element_type3A_111 = arith.extui %ne3A_110 : i1 to i32
    %cond3A_112 = arith.constant 0 : i32
    %cond3A_113 = arith.cmpi ne, %convert_element_type3A_111, %cond3A_112 : i32
    scf.if %cond3A_113 {
      %get3A_114 = arith.constant 0 : index
      %get3A_115 = arith.constant 0 : index
      %get3A_116 = vector.load %arg14[%get3A_114, %get3A_115] : memref<1024x1xf32, #tpu.memory_space<vmem>>, vector<1024x1xf32>
      %add3A_117 = arith.addf %get3A_116, %broadcast_in_dim3A_100 : vector<1024x1xf32>
      %swap3A_118 = arith.constant 0 : index
      %swap3A_119 = arith.constant 0 : index
      %swap3A_120 = vector.load %arg14[%swap3A_118, %swap3A_119] : memref<1024x1xf32, #tpu.memory_space<vmem>>, vector<1024x1xf32>
      tpu.vector_store %arg14[%swap3A_118, %swap3A_119], %add3A_117 {strides = array<i32>} : memref<1024x1xf32, #tpu.memory_space<vmem>>, vector<1024x1xf32>,
      %get3A_121 = arith.constant 0 : index
      %get3A_122 = arith.constant 0 : index
      %get3A_123 = vector.load %arg15[%get3A_121, %get3A_122] : memref<1024x1xf32, #tpu.memory_space<vmem>>, vector<1024x1xf32>
      %add3A_124 = arith.addf %get3A_123, %broadcast_in_dim3A_106 : vector<1024x1xf32>
      %swap3A_125 = arith.constant 0 : index
      %swap3A_126 = arith.constant 0 : index
      %swap3A_127 = vector.load %arg15[%swap3A_125, %swap3A_126] : memref<1024x1xf32, #tpu.memory_space<vmem>>, vector<1024x1xf32>
      tpu.vector_store %arg15[%swap3A_125, %swap3A_126], %add3A_124 {strides = array<i32>} : memref<1024x1xf32, #tpu.memory_space<vmem>>, vector<1024x1xf32>,
    } else {
    }
    return
  }
  func.func @transform_0(%arg0: i32) -> (i32, i32) {
    %c0_i32 = arith.constant 0 : i32
    %c0_i32_0 = arith.constant 0 : i32
    %c0_i32_1 = arith.constant 0 : i32
    return %c0_i32, %c0_i32_0 : i32, i32
  }
  func.func @transform_1(%arg0: i32) -> (i32, i32) {
    %c0_i32 = arith.constant 0 : i32
    %c0_i32_0 = arith.constant 0 : i32
    %c0_i32_1 = arith.constant 0 : i32
    return %c0_i32, %c0_i32_0 : i32, i32
  }
  func.func @transform_2(%arg0: i32) -> (i32, i32) {
    %c0_i32 = arith.constant 0 : i32
    %c0_i32_0 = arith.constant 0 : i32
    %c0_i32_1 = arith.constant 0 : i32
    return %c0_i32, %c0_i32_0 : i32, i32
  }
  func.func @transform_3(%arg0: i32) -> (i32, i32) {
    %c0_i32 = arith.constant 0 : i32
    %c0_i32_0 = arith.constant 0 : i32
    %c0_i32_1 = arith.constant 0 : i32
    return %c0_i32, %c0_i32_0 : i32, i32
  }
  func.func @transform_4(%arg0: i32) -> (i32, i32) {
    %c0_i32 = arith.constant 0 : i32
    %c0_i32_0 = arith.constant 0 : i32
    %c0_i32_1 = arith.constant 0 : i32
    return %c0_i32, %c0_i32_0 : i32, i32
  }
  func.func @transform_5(%arg0: i32) -> (i32, i32) {
    %c0_i32 = arith.constant 0 : i32
    %c0_i32_0 = arith.constant 0 : i32
    %c0_i32_1 = arith.constant 0 : i32
    return %c0_i32, %c0_i32_0 : i32, i32
  }
  func.func @transform_6(%arg0: i32) -> (i32, i32) {
    %c0_i32 = arith.constant 0 : i32
    %c0_i32_0 = arith.constant 0 : i32
    %c0_i32_1 = arith.constant 0 : i32
    return %c0_i32, %c0_i32_0 : i32, i32
  }
  func.func @transform_7(%arg0: i32) -> (i32, i32) {
    %c0_i32 = arith.constant 0 : i32
    %c0_i32_0 = arith.constant 0 : i32
    return %arg0, %c0_i32 : i32, i32
  }
  func.func @transform_8(%arg0: i32) -> (i32, i32) {
    %c0_i32 = arith.constant 0 : i32
    %c0_i32_0 = arith.constant 0 : i32
    return %arg0, %c0_i32 : i32, i32
  }
  func.func @transform_9(%arg0: i32) -> (i32, i32) {
    %c0_i32 = arith.constant 0 : i32
    %c0_i32_0 = arith.constant 0 : i32
    return %c0_i32, %arg0 : i32, i32
  }
  func.func @transform_10(%arg0: i32) -> (i32, i32) {
    %c0_i32 = arith.constant 0 : i32
    %c0_i32_0 = arith.constant 0 : i32
    %c0_i32_1 = arith.constant 0 : i32
    return %c0_i32, %c0_i32_0 : i32, i32
  }
  func.func @transform_11(%arg0: i32) -> (i32, i32) {
    %c0_i32 = arith.constant 0 : i32
    %c0_i32_0 = arith.constant 0 : i32
    return %c0_i32, %arg0 : i32, i32
  }
  func.func @transform_12(%arg0: i32) -> (i32, i32, i32) {
    %c0_i32 = arith.constant 0 : i32
    %c0_i32_0 = arith.constant 0 : i32
    %c0_i32_1 = arith.constant 0 : i32
    return %arg0, %c0_i32, %c0_i32_0 : i32, i32, i32
  }
  func.func @transform_13(%arg0: i32) -> (i32, i32) {
    %c0_i32 = arith.constant 0 : i32
    %c0_i32_0 = arith.constant 0 : i32
    %c0_i32_1 = arith.constant 0 : i32
    return %c0_i32, %c0_i32_0 : i32, i32
  }
  func.func @transform_14(%arg0: i32) -> (i32, i32) {
    %c0_i32 = arith.constant 0 : i32
    %c0_i32_0 = arith.constant 0 : i32
    %c0_i32_1 = arith.constant 0 : i32
    return %c0_i32, %c0_i32_0 : i32, i32
  }
  func.func @transform_15(%arg0: i32) -> (i32, i32) {
    %c0_i32 = arith.constant 0 : i32
    %c0_i32_0 = arith.constant 0 : i32
    %c0_i32_1 = arith.constant 0 : i32
    return %c0_i32, %c0_i32_0 : i32, i32
  }
}

module attributes {stable_mosaic.version = 14 : i64} {
  func.func @_epi_body(%arg0: i32, %arg1: memref<256x101xf32, #tpu.memory_space<vmem>>, %arg2: memref<256x101xf32, #tpu.memory_space<vmem>>, %arg3: memref<256x64xf32, #tpu.memory_space<vmem>>, %arg4: memref<64x1xf32, #tpu.memory_space<vmem>>, %arg5: memref<256x1xf32, #tpu.memory_space<vmem>>, %arg6: memref<256x1xf32, #tpu.memory_space<vmem>>, %arg7: memref<1x1xf32, #tpu.memory_space<vmem>>, %arg8: memref<2xf32, #tpu.memory_space<smem>>) attributes {dimension_semantics = [#tpu.dimension_semantics<arbitrary>], iteration_bounds = array<i64: 4>, scalar_prefetch = 0 : i64, scratch_operands = 1 : i64, tpu.core_type = #tpu.core_type<tc>, window_params = [{transform_indices = @transform_0, window_bounds = array<i64: 256, 101>}, {transform_indices = @transform_1, window_bounds = array<i64: 256, 101>}, {transform_indices = @transform_2, window_bounds = array<i64: 256, 64>}, {pipeline_mode = #tpu.pipeline_mode<synchronous>, transform_indices = @transform_3, window_bounds = array<i64: 64, 1>}, {transform_indices = @transform_4, window_bounds = array<i64: 256, 1>}, {transform_indices = @transform_5, window_bounds = array<i64: 256, 1>}, {pipeline_mode = #tpu.pipeline_mode<synchronous>, transform_indices = @transform_6, window_bounds = array<i64: 1, 1>}]} {
    %eq3A = arith.constant 0 : i32
    %eq3A_0 = arith.cmpi eq, %arg0, %eq3A : i32
    %convert_element_type3A = arith.extui %eq3A_0 : i1 to i32
    %cond3A = arith.constant 0 : i32
    %cond3A_1 = arith.cmpi ne, %convert_element_type3A, %cond3A : i32
    scf.if %cond3A_1 {
      %swap3A_79 = arith.constant 0.000000e+00 : f32
      %swap3A_80 = arith.constant 0 : index
      %swap3A_81 = memref.load %arg8[%swap3A_80] : memref<2xf32, #tpu.memory_space<smem>>
      memref.store %swap3A_79, %arg8[%swap3A_80] : memref<2xf32, #tpu.memory_space<smem>>
      %swap3A_82 = arith.constant 0.000000e+00 : f32
      %swap3A_83 = arith.constant 1 : index
      %swap3A_84 = memref.load %arg8[%swap3A_83] : memref<2xf32, #tpu.memory_space<smem>>
      memref.store %swap3A_82, %arg8[%swap3A_83] : memref<2xf32, #tpu.memory_space<smem>>
    } else {
    }
    %get3A = arith.constant 0 : index
    %get3A_2 = arith.constant 0 : index
    %get3A_3 = vector.load %arg1[%get3A, %get3A_2] : memref<256x101xf32, #tpu.memory_space<vmem>>, vector<256x101xf32>
    %reduce_max3A = arith.constant dense<0xFF800000> : vector<256xf32>
    %reduce_max3A_4 = vector.multi_reduction <maximumf>, %get3A_3, %reduce_max3A [1] : vector<256x101xf32> to vector<256xf32>
    %broadcast_in_dim3A = vector.shape_cast %reduce_max3A_4 : vector<256xf32> to vector<256x1xf32>
    %sub3A = vector.broadcast %broadcast_in_dim3A : vector<256x1xf32> to vector<256x101xf32>
    %sub3A_5 = arith.subf %get3A_3, %sub3A : vector<256x101xf32>
    %exp3A = math.exp %sub3A_5 : vector<256x101xf32>
    %reduce_sum3A = arith.constant dense<0.000000e+00> : vector<256xf32>
    %reduce_sum3A_6 = vector.multi_reduction <add>, %exp3A, %reduce_sum3A [1] : vector<256x101xf32> to vector<256xf32>
    %broadcast_in_dim3A_7 = vector.shape_cast %reduce_sum3A_6 : vector<256xf32> to vector<256x1xf32>
    %div3A = vector.broadcast %broadcast_in_dim3A_7 : vector<256x1xf32> to vector<256x101xf32>
    %div3A_8 = arith.divf %exp3A, %div3A : vector<256x101xf32>
    %get3A_9 = arith.constant 0 : index
    %get3A_10 = arith.constant 0 : index
    %get3A_11 = vector.load %arg2[%get3A_9, %get3A_10] : memref<256x101xf32, #tpu.memory_space<vmem>>, vector<256x101xf32>
    %reduce_max3A_12 = arith.constant dense<0xFF800000> : vector<256xf32>
    %reduce_max3A_13 = vector.multi_reduction <maximumf>, %get3A_11, %reduce_max3A_12 [1] : vector<256x101xf32> to vector<256xf32>
    %broadcast_in_dim3A_14 = vector.shape_cast %reduce_max3A_13 : vector<256xf32> to vector<256x1xf32>
    %sub3A_15 = vector.broadcast %broadcast_in_dim3A_14 : vector<256x1xf32> to vector<256x101xf32>
    %sub3A_16 = arith.subf %get3A_11, %sub3A_15 : vector<256x101xf32>
    %exp3A_17 = math.exp %sub3A_16 : vector<256x101xf32>
    %reduce_sum3A_18 = arith.constant dense<0.000000e+00> : vector<256xf32>
    %reduce_sum3A_19 = vector.multi_reduction <add>, %exp3A_17, %reduce_sum3A_18 [1] : vector<256x101xf32> to vector<256xf32>
    %broadcast_in_dim3A_20 = vector.shape_cast %reduce_sum3A_19 : vector<256xf32> to vector<256x1xf32>
    %div3A_21 = vector.broadcast %broadcast_in_dim3A_20 : vector<256x1xf32> to vector<256x101xf32>
    %div3A_22 = arith.divf %exp3A_17, %div3A_21 : vector<256x101xf32>
    %mul3A = arith.constant 1.000000e+02 : f32
    %mul3A_23 = vector.broadcast %mul3A : f32 to vector<256x101xf32>
    %mul3A_24 = arith.mulf %mul3A_23, %div3A_8 : vector<256x101xf32>
    %add3A = arith.addf %mul3A_24, %div3A_22 : vector<256x101xf32>
    %add3A_25 = arith.constant 9.99999997E-7 : f32
    %add3A_26 = vector.broadcast %add3A_25 : f32 to vector<256x101xf32>
    %add3A_27 = arith.addf %add3A, %add3A_26 : vector<256x101xf32>
    %iota3A = tpu.iota {dimensions = array<i32: 1>} : vector<256x101xi32>
    %eq3A_28 = arith.constant 0 : i32
    %eq3A_29 = vector.broadcast %eq3A_28 : i32 to vector<256x101xi32>
    %eq3A_30 = arith.cmpi eq, %iota3A, %eq3A_29 : vector<256x101xi32>
    %div3A_31 = arith.divf %div3A_22, %add3A_27 : vector<256x101xf32>
    %div3A_32 = arith.divf %div3A_8, %add3A_27 : vector<256x101xf32>
    %select_n3A = arith.select %eq3A_30, %div3A_31, %div3A_32 : vector<256x101xi1>, vector<256x101xf32>
    %log3A = math.log %select_n3A : vector<256x101xf32>
    %reduce_sum3A_33 = vector.shape_cast %log3A : vector<256x101xf32> to vector<1x256x101xf32>
    %reduce_sum3A_34 = arith.constant dense<0.000000e+00> : vector<1xf32>
    %reduce_sum3A_35 = vector.multi_reduction <add>, %reduce_sum3A_33, %reduce_sum3A_34 [1, 2] : vector<1x256x101xf32> to vector<1xf32>
    %reduce_sum3A_36 = vector.shape_cast %reduce_sum3A_35 : vector<1xf32> to vector<1x1x1xf32>
    %reduce_sum3A_37 = vector.extract %reduce_sum3A_36[0, 0, 0] : f32 from vector<1x1x1xf32>
    %get3A_38 = arith.constant 0 : index
    %get3A_39 = arith.constant 0 : index
    %get3A_40 = vector.load %arg3[%get3A_38, %get3A_39] : memref<256x64xf32, #tpu.memory_space<vmem>>, vector<256x64xf32>
    %get3A_41 = arith.constant 0 : index
    %get3A_42 = arith.constant 0 : index
    %get3A_43 = vector.load %arg4[%get3A_41, %get3A_42] : memref<64x1xf32, #tpu.memory_space<vmem>>, vector<64x1xf32>
    %dot_general3A = arith.constant dense<0.000000e+00> : vector<256x1xf32>
    %dot_general3A_44 = tpu.matmul %get3A_40, %get3A_43, %dot_general3A {dimension_numbers = #tpu.dot_dimension_numbers<[1], [0], [0], [1], [0, 0, 1, 1], [], []>, transpose_lhs_hint = false} : vector<256x64xf32>, vector<64x1xf32>, vector<256x1xf32> -> vector<256x1xf32>
    %div3A_45 = arith.constant 4.320000e+03 : f32
    %div3A_46 = vector.broadcast %div3A_45 : f32 to vector<256x1xf32>
    %div3A_47 = arith.divf %dot_general3A_44, %div3A_46 : vector<256x1xf32>
    %get3A_48 = arith.constant 0 : index
    %get3A_49 = arith.constant 0 : index
    %get3A_50 = vector.load %arg6[%get3A_48, %get3A_49] : memref<256x1xf32, #tpu.memory_space<vmem>>, vector<256x1xf32>
    %get3A_51 = arith.constant 0 : index
    %get3A_52 = arith.constant 0 : index
    %get3A_53 = vector.load %arg5[%get3A_51, %get3A_52] : memref<256x1xf32, #tpu.memory_space<vmem>>, vector<256x1xf32>
    %sub3A_54 = arith.subf %get3A_50, %get3A_53 : vector<256x1xf32>
    %div3A_55 = arith.constant 4.320000e+03 : f32
    %div3A_56 = vector.broadcast %div3A_55 : f32 to vector<256x1xf32>
    %div3A_57 = arith.divf %sub3A_54, %div3A_56 : vector<256x1xf32>
    %sub3A_58 = arith.subf %div3A_47, %div3A_57 : vector<256x1xf32>
    %mul3A_59 = arith.mulf %sub3A_58, %sub3A_58 : vector<256x1xf32>
    %reduce_sum3A_60 = vector.shape_cast %mul3A_59 : vector<256x1xf32> to vector<1x256x1xf32>
    %reduce_sum3A_61 = arith.constant dense<0.000000e+00> : vector<1xf32>
    %reduce_sum3A_62 = vector.multi_reduction <add>, %reduce_sum3A_60, %reduce_sum3A_61 [1, 2] : vector<1x256x1xf32> to vector<1xf32>
    %reduce_sum3A_63 = vector.shape_cast %reduce_sum3A_62 : vector<1xf32> to vector<1x1x1xf32>
    %reduce_sum3A_64 = vector.extract %reduce_sum3A_63[0, 0, 0] : f32 from vector<1x1x1xf32>
    %get3A_65 = arith.constant 0 : index
    %get3A_66 = memref.load %arg8[%get3A_65] : memref<2xf32, #tpu.memory_space<smem>>
    %add3A_67 = arith.addf %get3A_66, %reduce_sum3A_37 : f32
    %swap3A = arith.constant 0 : index
    %swap3A_68 = memref.load %arg8[%swap3A] : memref<2xf32, #tpu.memory_space<smem>>
    memref.store %add3A_67, %arg8[%swap3A] : memref<2xf32, #tpu.memory_space<smem>>
    %get3A_69 = arith.constant 1 : index
    %get3A_70 = memref.load %arg8[%get3A_69] : memref<2xf32, #tpu.memory_space<smem>>
    %add3A_71 = arith.addf %get3A_70, %reduce_sum3A_64 : f32
    %swap3A_72 = arith.constant 1 : index
    %swap3A_73 = memref.load %arg8[%swap3A_72] : memref<2xf32, #tpu.memory_space<smem>>
    memref.store %add3A_71, %arg8[%swap3A_72] : memref<2xf32, #tpu.memory_space<smem>>
    %eq3A_74 = arith.constant 3 : i32
    %eq3A_75 = arith.cmpi eq, %arg0, %eq3A_74 : i32
    %convert_element_type3A_76 = arith.extui %eq3A_75 : i1 to i32
    %cond3A_77 = arith.constant 0 : i32
    %cond3A_78 = arith.cmpi ne, %convert_element_type3A_76, %cond3A_77 : i32
    scf.if %cond3A_78 {
      %get3A_79 = arith.constant 0 : index
      %get3A_80 = memref.load %arg8[%get3A_79] : memref<2xf32, #tpu.memory_space<smem>>
      %neg3A = arith.constant 0.000000e+00 : f32
      %neg3A_81 = arith.subf %neg3A, %get3A_80 : f32
      %div3A_82 = arith.constant 1.034240e+05 : f32
      %div3A_83 = arith.divf %neg3A_81, %div3A_82 : f32
      %get3A_84 = arith.constant 1 : index
      %get3A_85 = memref.load %arg8[%get3A_84] : memref<2xf32, #tpu.memory_space<smem>>
      %div3A_86 = arith.constant 5.120000e+03 : f32
      %div3A_87 = arith.divf %get3A_85, %div3A_86 : f32
      %add3A_88 = arith.addf %div3A_83, %div3A_87 : f32
      %reshape3A = vector.broadcast %add3A_88 : f32 to vector<1x1xf32>
      %swap3A_89 = arith.constant 0 : index
      %swap3A_90 = arith.constant 0 : index
      %swap3A_91 = vector.load %arg7[%swap3A_89, %swap3A_90] : memref<1x1xf32, #tpu.memory_space<vmem>>, vector<1x1xf32>
      tpu.vector_store %arg7[%swap3A_89, %swap3A_90], %reshape3A {strides = array<i32>} : memref<1x1xf32, #tpu.memory_space<vmem>>, vector<1x1xf32>,
    } else {
    }
    return
  }
  func.func @transform_0(%arg0: i32) -> (i32, i32) {
    %c0_i32 = arith.constant 0 : i32
    %c0_i32_0 = arith.constant 0 : i32
    return %arg0, %c0_i32 : i32, i32
  }
  func.func @transform_1(%arg0: i32) -> (i32, i32) {
    %c0_i32 = arith.constant 0 : i32
    %c0_i32_0 = arith.constant 0 : i32
    return %arg0, %c0_i32 : i32, i32
  }
  func.func @transform_2(%arg0: i32) -> (i32, i32) {
    %c0_i32 = arith.constant 0 : i32
    %c0_i32_0 = arith.constant 0 : i32
    return %arg0, %c0_i32 : i32, i32
  }
  func.func @transform_3(%arg0: i32) -> (i32, i32) {
    %c0_i32 = arith.constant 0 : i32
    %c0_i32_0 = arith.constant 0 : i32
    %c0_i32_1 = arith.constant 0 : i32
    return %c0_i32, %c0_i32_0 : i32, i32
  }
  func.func @transform_4(%arg0: i32) -> (i32, i32) {
    %c0_i32 = arith.constant 0 : i32
    %c0_i32_0 = arith.constant 0 : i32
    return %arg0, %c0_i32 : i32, i32
  }
  func.func @transform_5(%arg0: i32) -> (i32, i32) {
    %c0_i32 = arith.constant 0 : i32
    %c0_i32_0 = arith.constant 0 : i32
    return %arg0, %c0_i32 : i32, i32
  }
  func.func @transform_6(%arg0: i32) -> (i32, i32) {
    %c0_i32 = arith.constant 0 : i32
    %c0_i32_0 = arith.constant 0 : i32
    %c0_i32_1 = arith.constant 0 : i32
    return %c0_i32, %c0_i32_0 : i32, i32
  }
}

</mosaic_0001>

<sc_bundles>
// kernel: kernel.6.cloned.1.call-start
scs
__scs_entry_jumppad:
0x0: {  	(pc) =	sbr.rel $0x88, $3  }
0x1: {  	(tag) =	ssettag $0x0;
	lr =	simm.s32 $0x1  }
0x2: {  	[smem:$0x3F96] =	sst lr;
	_ =	strace $0xD0000000  }
0x3: {  	_ = 	snop  }
0x4: {  	_ = 	snop  }
0x5: {  	_ = 	snop  }
0x6: {  	_ = 	snop  }
0x7: {  	_ = 	snop  }
__scs_overlays_trampoline_lowered:
0x8: {  	[smem:$0x3FA5] =	sst s0  }
0x9: {  	[smem:$0x3FA6] =	sst s1  }
0xa: {  	[smem:$0x3FA7] =	sst s2  }
0xb: {  	[smem:$0x3FA8] =	sst s3  }
0xc: {  	[smem:$0x3FA9] =	sst s4  }
0xd: {  	[smem:$0x3FAA] =	sst s5  }
0xe: {  	[smem:$0x3FAB] =	sst s6  }
0xf: {  	[smem:$0x3FAC] =	sst s7  }
0x10: {  	[smem:$0x3FAD] =	sst s8  }
0x11: {  	[smem:$0x3FAE] =	sst s9;
	s0 =	simm.s32 @!p0 $0x0  }
0x12: {  	s1 =	sld [smem:$0x3F94];
	s0 =	simm.s32 @p0 $0x1  }
0x13: {  	[smem:$0x3FAF] =	sst s0;
	s0 =	simm.s32 @!p1 $0x0  }
0x14: {  	s2 =	sld [smem:$0x3F93];
	s0 =	simm.s32 @p1 $0x1  }
0x15: {  	[smem:$0x3FB0] =	sst s0;
	s0 =	simm.s32 @!p2 $0x0  }
0x16: {  	s3 =	sld [smem:$0x3FDB];
	s0 =	simm.s32 @p2 $0x1  }
0x17: {  	s4 =	simm.s32 $0x1BF5;
	[smem:$0x3FB2] =	sst s0  }
0x18: {  	s0 =	sld [smem:$0x3F95];
	_ =	swait.ge [sflag:s4], $0x0  }
0x19: {  	s7 =	sld [smem:$0x3F96]  }
0x1a: {  	s8 =	sadd.s32 $0xFFFFE003, lr  }
0x1b: {  	s9 =	sadd.s32 $0xFFFFFEF7, lr;
	s5 =	simm.s32 $0xFFFFFFFF;
	p2 =	slt.u32 s8, $0xFFFFF086  }
0x1c: {  	p1 =	slt.u32 s9, $0xF7A;
	s5 =	simm.s32 @!p2 $0x0  }
0x1d: {  	s5 =	simm.s32 @p1 $0x1;
	p0 =	seq.s32 s7, s2  }
0x1e: {  	s7 =	smul.u32 @!p0 $0xF7A, s2;
	p2 =	seq.s32 @!p0 s5, $0x0  }
0x1f: {  	s9 =	smul.u32 $0xF7A, s1;
	s8 =	simm.s32 @!p0 $0x1BF5;
	p2 =	por !p2, p0  }
0x20: {  	[sflag:s8] =	ssyncset.s32 @!p0 $0xFFFFF086;
	s6 =	sadd.s32 @!p0 s3, s7;
	s7 =	simm.s32 @!p0 $0x108  }
0x21: {  	s3 =	sadd.s32 s3, s9;
	s6 =	sadd.s32 @!p0 $0x88, s6;
	s7 =	simm.s32 @p2 $0x1082  }
0x22: {  	[simem:s7], [sflag:s8] =	dma.local @!p0 [hbm:s6], $0xF7A  }
0x23: {  	s9 =	sor.u32 $0xD0000000, s2;
	s6 =	simm.s32 $0x108;
	_ =	swait.ge @!p0 [sflag:s8], $0x0  }
0x24: {  	s3 =	sadd.s32 $0x88, s3;
	s6 =	simm.s32 @!p1 $0x1082;
	[sflag:s4] =	ssyncset.s32 $0xFFFFF086  }
0x25: {  	[simem:s6], [sflag:s4] =	dma.local [hbm:s3], $0xF7A  }
0x26: {  	[smem:$0x3F96] =	sst s1;
	(tag) =	ssettag s2;
	_ =	strace s9  }
0x27: {  	s1 =	sld [smem:$0x3FA6]  }
0x28: {  	s2 =	sld [smem:$0x3FA7]  }
0x29: {  	s4 =	sld [smem:$0x3FA9]  }
0x2a: {  	p0 =	seq.s32 s5, $0x0;
	s5 =	sld [smem:$0x3FAA]  }
0x2b: {  	s6 =	sld [smem:$0x3FAB]  }
0x2c: {  	s7 =	sld [smem:$0x3FAC]  }
0x2d: {  	s3 =	simm.s32 $0x108;
	s8 =	sld [smem:$0x3FAD]  }
0x2e: {  	s3 =	simm.s32 @!p0 $0x1082;
	s9 =	sld [smem:$0x3FAE]  }
0x2f: {  	lr =	sadd.s32 s0, s3;
	s0 =	sld [smem:$0x3FA5]  }
0x30: {  	s3 =	sld [smem:$0x3FA8]  }
0x31: {  	[smem:$0x3FB1] =	sst s10  }
0x32: {  	s10 =	sld [smem:$0x3FAF];
	_ =	sdelay $0x3  }
0x33: {  	p0 =	seq.s32 s10, $0x1;
	s10 =	sld [smem:$0x3FB1];
	_ =	sdelay $0x3  }
0x34: {  	[smem:$0x3FB1] =	sst s10  }
0x35: {  	s10 =	sld [smem:$0x3FB0];
	_ =	sdelay $0x3  }
0x36: {  	p1 =	seq.s32 s10, $0x1;
	s10 =	sld [smem:$0x3FB1];
	_ =	sdelay $0x3  }
0x37: {  	[smem:$0x3FB1] =	sst s10  }
0x38: {  	s10 =	sld [smem:$0x3FB2]  }
0x39: {  	_ = 	snop;
	(pc) =	sbr.ind lr, $3  }
0x3a: {  	_ = 	snop  }
0x3b: {  	_ = 	snop  }
0x3c: {  	p2 =	seq.s32 s10, $0x1;
	s10 =	sld [smem:$0x3FB1]  }
0x3d: {  	_ =	shalt  }
0x3e: {  	_ =	shalt  }
0x3f: {  	_ =	shalt  }
0x40: {  	_ =	shalt  }
0x41: {  	_ =	shalt  }
0x42: {  	_ =	shalt  }
0x43: {  	_ =	shalt  }
0x44: {  	_ =	shalt  }
0x45: {  	_ =	shalt  }
0x46: {  	_ =	shalt  }
0x47: {  	_ =	shalt  }
0x48: {  	_ =	shalt  }
0x49: {  	_ =	shalt  }
0x4a: {  	_ =	shalt  }
0x4b: {  	_ =	shalt  }
0x4c: {  	_ =	shalt  }
0x4d: {  	_ =	shalt  }
0x4e: {  	_ =	shalt  }
0x4f: {  	_ =	shalt  }
0x50: {  	_ =	shalt  }
0x51: {  	_ =	shalt  }
0x52: {  	_ =	shalt  }
0x53: {  	_ =	shalt  }
0x54: {  	_ =	shalt  }
0x55: {  	_ =	shalt  }
0x56: {  	_ =	shalt  }
0x57: {  	_ =	shalt  }
0x58: {  	_ =	shalt  }
0x59: {  	_ =	shalt  }
0x5a: {  	_ =	shalt  }
0x5b: {  	_ =	shalt  }
0x5c: {  	_ =	shalt  }
0x5d: {  	_ =	shalt  }
0x5e: {  	_ =	shalt  }
0x5f: {  	_ =	shalt  }
0x60: {  	_ =	shalt  }
0x61: {  	_ =	shalt  }
0x62: {  	_ =	shalt  }
0x63: {  	_ =	shalt  }
0x64: {  	_ =	shalt  }
0x65: {  	_ =	shalt  }
0x66: {  	_ =	shalt  }
0x67: {  	_ =	shalt  }
0x68: {  	_ =	shalt  }
0x69: {  	_ =	shalt  }
0x6a: {  	_ =	shalt  }
0x6b: {  	_ =	shalt  }
0x6c: {  	_ =	shalt  }
0x6d: {  	_ =	shalt  }
0x6e: {  	_ =	shalt  }
0x6f: {  	_ =	shalt  }
0x70: {  	_ =	shalt  }
0x71: {  	_ =	shalt  }
0x72: {  	_ =	shalt  }
0x73: {  	_ =	shalt  }
0x74: {  	_ =	shalt  }
0x75: {  	_ =	shalt  }
0x76: {  	_ =	shalt  }
0x77: {  	_ =	shalt  }
0x78: {  	_ =	shalt  }
0x79: {  	_ =	shalt  }
0x7a: {  	_ =	shalt  }
0x7b: {  	_ =	shalt  }
0x7c: {  	_ =	shalt  }
0x7d: {  	_ =	shalt  }
0x7e: {  	_ =	shalt  }
0x7f: {  	_ =	shalt  }
0x80: {  	_ =	shalt  }
0x81: {  	_ =	shalt  }
0x82: {  	_ =	shalt  }
0x83: {  	_ =	shalt  }
0x84: {  	_ =	shalt  }
0x85: {  	_ =	shalt  }
0x86: {  	_ =	shalt  }
0x87: {  	_ =	shalt  }
.Lfunc_end0:
.L_simem_size_0:
called_computation_lowered:
.L_overlay_start_0:
0x88: {  	s2 =	sld [smem:$0x3FD9]  }
0x89: {  	s3 =	sld [smem:$0x3FFE];
	_ =	sdelay $0x1  }
0x8a: {  	s1 =	srdreg.scid  }
0x8b: {  	s0 =	sand.u32 $0x1, s1  }
0x8c: {  	s17 =	sshll.u32 s0, $0xA;
	s2 =	sadd.s32 s3, s2  }
0x8d: {  	s2 =	sadd.s32 s2, s17  }
0x8e: {  	[smem:$0x3FBD] =	sst s2  }
0x8f: {  	_ = 	snop  }
0x90: {  	s2 =	sld [smem:$0x3FC8];
	(tm) =	ssettm $0x1  }
0x91: {  	s18 =	sld [smem:$0x3FFB];
	_ =	sdelay $0x3  }
0x92: {  	_ =	strace s18  }
0x93: {  	s3 =	sld [smem:$0x3FFC];
	_ =	sdelay $0x3  }
0x94: {  	_ =	strace s3  }
0x95: {  	s3 =	sld [smem:$0x3FFD];
	_ =	sdelay $0x3  }
0x96: {  	_ =	strace s3  }
0x97: {  	_ =	strace $0x8FFFFFFF  }
0x98: {  	s19 =	sld [smem:$0x3FDB];
	_ =	sdelay $0x1  }
0x99: {  	s4 =	simm.s32 $_scs_section_size  }
0x9a: {  	s5 =	simm.s32 $_size__tile_overlayer_lowered;
	s6 =	simm.s32 $_tile_overlayer_lowered  }
0x9b: {  	s22 =	simm.s32 $0x1BFF;
	s21 =	sshll.u32 s6, $0x1;
	s3 =	sadd.s32 s4, s19  }
0x9c: {  	s7 =	simm.s32 $0x0;
	s20 =	sshll.u32 s5, $0x1;
	s5 =	sadd.s32 s21, s3  }
0x9d: {  	[timem:s7], [sflag:s22] =	dma.local [hbm:s5], s20  }
0x9e: {  	_ =	swait.ge [sflag:s22], s20  }
0x9f: {  	s4 =	ssub.s32 $0x0, s20;
	[sflag:s22] =	ssyncset.done $0x0  }
0xa0: {  	[sflag:s22] =	ssyncadd.s32 s4;
	_ =	sdelay $0x1  }
0xa1: {  	s23 =	simm.s32 $0x1B8B  }
0xa2: {  	_ =	swait.ge [sflag:s23], $0x1  }
0xa3: {  	[sflag:s23] =	ssyncset.done $0x0  }
0xa4: {  	s25 =	simm.s32 $0x1B8E;
	s24 =	sld [smem:$0x3FFE];
	[sflag:s23] =	ssyncadd.s32 $0xFFFFFFFF  }
0xa5: {  	s26 =	simm.s32 $execute0_lowered;
	[smem:$0x3FD2] =	sst s25  }
0xa6: {  	s5 =	sshll.u32 s26, $0x1;
	_ =	strace $0x80000046;
	[dreg:$0x1] =	wrdreg $0xFFFFFFFF  }
0xa7: {  	s28 =	simm.s32 $_size_execute0_lowered;
	s3 =	sadd.s32 s3, s5;
	[dreg:$0x0] =	wrdreg $0x0  }
0xa8: {  	s5 =	sshll.u32 s28, $0x1;
	[dreg:$0x2] =	wrdreg s3  }
0xa9: {  	[dreg:$0x3] =	wrdreg s5  }
0xaa: {  	[dreg:$0x4] =	wrdreg $0xC0  }
0xab: {  	_ =	task [dreg:s7], $0x5FFFF  }
0xac: {  	[dreg:$0x1] =	wrdreg $0xFFFFFFFF  }
0xad: {  	[dreg:$0x0] =	wrdreg $0x60  }
0xae: {  	[dreg:$0x2] =	wrdreg s24  }
0xaf: {  	[dreg:$0x3] =	wrdreg s2  }
0xb0: {  	[dreg:$0x4] =	wrdreg $0x9  }
0xb1: {  	_ =	task.clear_ibuf [dreg:s7], $0x5FFFF;
	_ =	strace $0x90000046  }
0xb2: {  	s29 =	simm.s32 $0x9;
	_ =	strace $0x80000048  }
0xb3: {  	_ =	swait.ge [sflag:s29], $0x1  }
0xb4: {  	[sflag:s29] =	ssyncadd.s32 $0xFFFFFFFF  }
0xb5: {  	_ =	strace $0x90000048  }
0xb6: {  	_ =	sfence  }
0xb7: {  	s30 =	sld [smem:$0x0];
	_ =	sdelay $0x2  }
0xb8: {  	s31 =	sshll.u32 s1, $0xD;
	s1 =	sshrl.u32 s1, $0x2  }
0xb9: {  	s3 =	sand.u32 $0x4000, s31;
	s1 =	sadd.s32 s1, s30  }
0xba: {  	s0 =	sor.u32 s3, s0;
	s1 =	sshll.u32 s1, $0x11  }
0xbb: {  	s0 =	sor.u32 s1, s0  }
0xbc: {  	s0 =	sadd.s32 $0x8F2B, s0  }
0xbd: {  	[sflag:s0] =	ssyncadd.remote.s32 $0x1  }
0xbe: {  	_ =	sfence.sel $0xFFFF  }
0xbf: {  	[dreg:$0x0] =	wrdreg $0xFFFFFFFF;
	(pc) =	sbr.abs _section_cstart, $3  }
0xc0: {  	[dreg:$0x1] =	wrdreg $0xFFFFFFFF  }
0xc1: {  	_ =	task.clear_ibuf [dreg:s7], $0x2FFFF;
	_ =	strace $0x9FFFFFFF  }
0xc2: {  	(tm) =	ssettm $0x7FFFFFFF  }
0xc3: {  	_ =	shalt  }
tec
execute0_lowered:
.L_overlay_start_1:
0x0: {  	(tag) =	ssettag $0x1  }
0x1: {  	s0 =	rddreg [dreg:$0x0]  }
0x2: {  	s1 =	rddreg [dreg:$0x1]  }
0x3: {  	s2 =	simm.s32 $0x0;
	s3 =	srdreg.scid;
	s4 =	stileid.u32  }
0x4: {  	s13 =	simm.s32 $0x3;
	s14 =	simm.s32 $0x800;
	s16 =	simm.s32 $0x1800  }
0x5: {  	s17 =	simm.s32 $0x40;
	s18 =	simm.s32 $0x1880;
	s19 =	simm.s32 $0x3880  }
0x6: {  	s20 =	simm.s32 $0x1;
	s21 =	simm.s32 $0x2;
	s22 =	simm.s32 $0x6880  }
0x7: {  	s25 =	simm.s32 $0x0;
	[smem:$0x7FF] =	sst s2;
	s5 =	sand.u32 $0x1, s3  }
0x8: {  	s4 =	sshll.u32 s4, $0x1;
	s3 =	sadd.s32 $0x497000, s0;
	_ =	strace $0x80000047  }
0x9: {  	s6 =	sor.u32 s5, s4;
	s4 =	sadd.s32 $0x310600, s0;
	s5 =	ssub.s32 $0x2, s5  }
0xa: {  	s7 =	sshll.u32 s6, $0x8;
	s8 =	sshll.u32 s6, $0x5;
	s6 =	sshll.u32 s6, $0x2  }
0xb: {  	s9 =	sshrl.u32 s5, $0x1;
	s7 =	sadd.s32 s7, s0;
	s1 =	sadd.s32 s1, s6  }
.Ltmp0:
0xc: {  	s28 =	sadd.s32 $0x621A00, s7;
	[dreg:$0x6] =	wrdreg s1;
	(pc) =	sbr.rel .LBB2_1-.Ltmp0, $4  }
0xd: {  	s0 =	sadd.s32 s8, s0;
	s29 =	sadd.s32 $0x61DA00, s7;
	[dreg:$0x3] =	wrdreg s28  }
0xe: {  	s5 =	ssub.s32 s5, s9;
	s30 =	sadd.s32 $0x61FA00, s7;
	[dreg:$0x4] =	wrdreg s29  }
0xf: {  	s31 =	sadd.s32 $0x623E00, s7;
	s10 =	sadd.s32 $0x625E00, s7;
	[dreg:$0x5] =	wrdreg s30  }
0x10: {  	v0 =	vimm.f32 $0.0e+00;
	s11 =	sadd.s32 $0x623A00, s0;
	s12 =	smax.u32 s5, $0x1;
	[dreg:$0x7] =	wrdreg s31  }
.LBB2_12:
0x11: {  	s0 =	rddreg [dreg:$0x7];
	s1 =	simm.s32 $0x5880  }
0x12: {  	[hbm4b:s0+s2] =	stream.linear.scatter [tilespmem:s1], [sflag:$0x3], $0x800, $0x38;
	[tilespmem:$0x6980] =	vst v63  }
0x13: {  	_ =	swait.ge [sflag:s13], $0x800  }
0x14: {  	[sflag:s13] =	ssyncset.done $0x0  }
0x15: {  	s31 =	simm.s32 $0x6080;
	[sflag:s13] =	ssyncadd.s32 $0xFFFFF800  }
0x16: {  	[hbm4b:s10+s2] =	stream.linear.scatter [tilespmem:s31], [sflag:$0x3], $0x800, $0x38;
	[tilespmem:$0x6980] =	vst v63  }
0x17: {  	s25 =	sadd.s32 $0x1, s25;
	_ =	swait.ge [sflag:s13], $0x800  }
0x18: {  	p0 =	sne.s32 s25, s12;
	[sflag:s13] =	ssyncset.done $0x0  }
.Ltmp1:
0x19: {  	[sflag:s13] =	ssyncadd.s32 $0xFFFFF800;
	(pc) =	sbr.rel @!p0 .LBB2_13-.Ltmp1, $4  }
0x1a: {  	[hbm4b:s11+s2] =	stream.linear.scatter [tilespmem:s22], [sflag:$0x3], $0x100, $0x38;
	[tilespmem:$0x6980] =	vst v63  }
0x1b: {  	_ =	swait.ge [sflag:s13], $0x100  }
0x1c: {  	[sflag:s13] =	ssyncset.done $0x0  }
0x1d: {  	[sflag:s13] =	ssyncadd.s32 $0xFFFFFF00  }
.LBB2_1:
0x1e: {  	s0 =	rddreg [dreg:$0x3]  }
0x1f: {  	[tilespmem:s2], [sflag:$0x3] =	stream.linear.gather [hbm4b:s0+s2], $0x800, $0x38;
	[tilespmem:$0x6980] =	vst v63  }
0x20: {  	_ =	swait.ge [sflag:s13], $0x800  }
0x21: {  	[sflag:s13] =	ssyncset.done $0x0  }
0x22: {  	s29 =	rddreg [dreg:$0x4];
	[sflag:s13] =	ssyncadd.s32 $0xFFFFF800  }
0x23: {  	[tilespmem:s14], [sflag:$0x3] =	stream.linear.gather [hbm4b:s29+s2], $0x800, $0x38;
	[tilespmem:$0x6980] =	vst v63  }
0x24: {  	_ =	swait.ge [sflag:s13], $0x800  }
0x25: {  	[sflag:s13] =	ssyncset.done $0x0  }
0x26: {  	s1 =	simm.s32 $0x1000;
	s30 =	rddreg [dreg:$0x5];
	[sflag:s13] =	ssyncadd.s32 $0xFFFFF800  }
0x27: {  	[tilespmem:s1], [sflag:$0x3] =	stream.linear.gather [hbm4b:s30+s2], $0x800, $0x38;
	[tilespmem:$0x6980] =	vst v63  }
0x28: {  	_ =	swait.ge [sflag:s13], $0x800  }
0x29: {  	[sflag:s13] =	ssyncset.done $0x0  }
0x2a: {  	s31 =	rddreg [dreg:$0x6];
	[sflag:s13] =	ssyncadd.s32 $0xFFFFF800  }
0x2b: {  	[tilespmem:s16], [sflag:$0x3] =	stream.linear.gather [hbm4b:s31+s2], $0x20, $0x38;
	[tilespmem:$0x6980] =	vst v63  }
0x2c: {  	_ =	swait.ge [sflag:s13], $0x20  }
0x2d: {  	[sflag:s13] =	ssyncset.done $0x0  }
0x2e: {  	[sflag:s13] =	ssyncadd.s32 $0xFFFFFFE0  }
0x2f: {  	[tilespmem:$0x6880] =	vst v0  }
0x30: {  	[tilespmem:$0x6890] =	vst v0  }
0x31: {  	[tilespmem:$0x68A0] =	vst v0  }
0x32: {  	[tilespmem:$0x68B0] =	vst v0  }
0x33: {  	[tilespmem:$0x68C0] =	vst v0  }
0x34: {  	[tilespmem:$0x68D0] =	vst v0  }
0x35: {  	[tilespmem:$0x68E0] =	vst v0  }
0x36: {  	[tilespmem:$0x68F0] =	vst v0  }
0x37: {  	[tilespmem:$0x6900] =	vst v0  }
0x38: {  	[tilespmem:$0x6910] =	vst v0  }
0x39: {  	[tilespmem:$0x6920] =	vst v0  }
.Ltmp2:
0x3a: {  	[tilespmem:$0x6930] =	vst v0;
	(pc) =	sbr.rel .LBB2_2-.Ltmp2, $4  }
0x3b: {  	[tilespmem:$0x6940] =	vst v0  }
0x3c: {  	[tilespmem:$0x6950] =	vst v0  }
0x3d: {  	[tilespmem:$0x6960] =	vst v0  }
0x3e: {  	s26 =	simm.s32 $0x0;
	[tilespmem:$0x6970] =	vst v0  }
.LBB2_7:
0x3f: {  	v10 =	vimm.f32 $0.0e+00;
	v5 =	vimm.f32 $0.0e+00;
	v4 =	vimm.f32 $0.0e+00  }
.LBB2_11:
0x40: {  	s5 =	sadd.f32 $0.0e+00, s15  }
0x41: {  	s9 =	sadd.f32 $0.0e+00, s24  }
0x42: {  	s0 =	sadd.f32 s0, s5  }
0x43: {  	s15 =	sadd.f32 s23, s9  }
0x44: {  	s23 =	sshll.u32 s26, $0x3;
	s0 =	sadd.f32 s31, s0  }
0x45: {  	v6 =	vmov s23;
	s24 =	sor.u32 $0x1, s23;
	s1 =	sadd.f32 s1, s15  }
0x46: {  	v3 =	vmul.f32 v3, v2;
	v6 =	vbroadcast v6, $0x0;
	v7 =	vmov s24;
	s31 =	sor.u32 $0x2, s23;
	s0 =	sadd.f32 s29, s0  }
0x47: {  	v8 =	vmul.f32 v10, v2;
	v7 =	vbroadcast v7, $0x0;
	v9 =	vmov s31;
	s1 =	sadd.f32 s30, s1  }
0x48: {  	[tilespmem:s28+$0x6080] =	vst v3;
	v3 =	vmul.f32 v5, v2;
	s26 =	sadd.s32 $0x1, s26;
	v63 =	vbroadcast v9, $0x0;
	s0 =	smul.f32 $1.999999960e-02, s0  }
0x49: {  	v2 =	vmul.f32 v4, v2;
	[tilespmem:s7+$0x6080] =	vst v8;
	p0 =	sne.s32 s26, $0x20;
	s1 =	smul.f32 $1.999999960e-02, s1  }
.Ltmp3:
0x4a: {  	[tilespmem:s6+$0x6080] =	vst v3;
	(pc) =	sbr.rel @!p0 .LBB2_12-.Ltmp3, $4  }
0x4b: {  	[tilespmem:s8+$0x6080] =	vst v2;
	v2 =	vmov s0  }
0x4c: {  	v1 =	vbroadcast v1, $0xF;
	[tilespmem:v6+s22+$0x0] =	vst.idx.msk $0x1, v2;
	v2 =	vmov s1  }
0x4d: {  	[tilespmem:v7+s22+$0x0] =	vst.idx.msk $0x1, v2  }
0x4e: {  	[tilespmem:v63+s22+$0x0] =	vst.idx.msk $0x1, v1  }
.LBB2_2:
0x4f: {  	v1 =	vmov s26  }
0x50: {  	s28 =	sshll.u32 s26, $0x6  }
0x51: {  	[tilespmem:s18], [sflag:$0x1] =	stream.indirect.gather [hbm4b:s3+s17], $0x80, s28, s17, $0xb8;
	[tilespmem:$0x6980] =	vst v63  }
0x52: {  	_ = 	snop  }
0x53: {  	[tilespmem:s19], [sflag:$0x2] =	stream.indirect.gather [hbm4b:s4+s17], $0x80, s28, s17, $0xb8;
	[tilespmem:$0x6980] =	vst v63  }
0x54: {  	v1 =	vld.idx.msk [tilespmem:v1+s16+$0x0], $0xffff;
	_ =	sdelay $0x4  }
0x55: {  	v1 =	vxor.u32 $0x80000000, v1  }
0x56: {  	(xrf0) =	vmax.scan.msk.u32 $0xffff, v1;
	_ =	sdelay $0x3  }
0x57: {  	v1 =	vld [tilespmem:s28+$0x800]  }
0x58: {  	v2 =	vld [tilespmem:s28+$0x810]  }
0x59: {  	v4 =	vld [tilespmem:s28+$0x820];
	v3, _, _ =	vpop (xrf0)  }
0x5a: {  	(v2sf) =	vpush v3, $0xF;
	v3 =	vld [tilespmem:s28+$0x830]  }
0x5b: {  	v5 =	vld [tilespmem:s28+$0x1000]  }
0x5c: {  	(xrf2) =	vadd.scan.msk.f32 $0xffff, v1;
	v1 =	vld [tilespmem:s28+$0x1010]  }
0x5d: {  	(xrf2) =	vadd.scan.msk.f32 $0xffff, v2;
	v2 =	vld [tilespmem:s28+$0x1020]  }
0x5e: {  	(xrf2) =	vadd.scan.msk.f32 $0xffff, v4;
	v4 =	vld [tilespmem:s28+$0x1030]  }
0x5f: {  	(xrf2) =	vadd.scan.msk.f32 $0xffff, v3  }
0x60: {  	(xrf2) =	vadd.scan.msk.f32 $0xffff, v5  }
0x61: {  	(xrf2) =	vadd.scan.msk.f32 $0xffff, v1  }
0x62: {  	(xrf2) =	vadd.scan.msk.f32 $0xffff, v2  }
0x63: {  	(xrf2) =	vadd.scan.msk.f32 $0xffff, v4;
	_ =	sdelay $0x2  }
0x64: {  	v1, _, _ =	vpop (xrf2)  }
0x65: {  	v2, _, _ =	vpop (xrf2);
	(v2sf) =	vpush v1, $0xF  }
0x66: {  	v1, _, _ =	vpop (xrf2);
	(v2sf) =	vpush v2, $0xF  }
0x67: {  	v2, _, _ =	vpop (xrf2);
	s0 =	spop (v2sf);
	(v2sf) =	vpush v1, $0xF  }
0x68: {  	v1, _, _ =	vpop (xrf2);
	s5 =	sxor.u32 $0x80000000, s0;
	(v2sf) =	vpush v2, $0xF  }
0x69: {  	v2, _, _ =	vpop (xrf2);
	(v2sf) =	vpush v1, $0xF;
	s0 =	sadd.s32 s5, s28  }
0x6a: {  	v1, _, _ =	vpop (xrf2);
	(v2sf) =	vpush v2, $0xF;
	s0 =	sadd.s32 $0xFFFFFFFF, s0  }
0x6b: {  	(v2sf) =	vpush v1, $0xF;
	v1, _, _ =	vpop (xrf2);
	v2 =	vmov s0  }
0x6c: {  	v3 =	vmov s5;
	(v2sf) =	vpush v1, $0xF  }
0x6d: {  	v1 =	vcvt.s32.f32 v3;
	_ =	sdelay $0x1  }
0x6e: {  	v1 =	vbroadcast v1, $0x0  }
0x6f: {  	v2 =	vld.idx.msk [tilespmem:v2+s14+$0x0], $0xffff  }
0x70: {  	(erf) = vrcp.f32 v1;
	_ =	sdelay $0x2  }
0x71: {  	s15 =	spop (v2sf)  }
0x72: {  	s0 =	spop (v2sf);
	(xrf0) =	vmax.scan.msk.f32 $0xffff, v2  }
0x73: {  	s31 =	spop (v2sf)  }
0x74: {  	s29 =	spop (v2sf)  }
0x75: {  	s24 =	spop (v2sf)  }
0x76: {  	p0 =	slt.s32 s5, $0x1;
	s23 =	spop (v2sf)  }
.Ltmp4:
0x77: {  	v2 =	vpop (erf);
	s1 =	spop (v2sf);
	(pc) =	sbr.rel @p0 .LBB2_6-.Ltmp4, $4  }
0x78: {  	s30 =	spop (v2sf);
	v1, _, _ =	vpop (xrf0)  }
0x79: {  	_ =	swait.ge [sflag:s20], $0x2000  }
0x7a: {  	v6 =	vimm.f32 $0.0e+00;
	v8 =	vimm.f32 $0.0e+00;
	[sflag:s20] =	ssyncset.done $0x0  }
0x7b: {  	s7 =	simm.s32 $0x18A0;
	v5 =	vimm.f32 $0.0e+00;
	v4 =	vimm.f32 $0.0e+00;
	v3 =	vimm.f32 $0.0e+00;
	[sflag:s20] =	ssyncadd.s32 $0xFFFFE000  }
0x7c: {  	v4 =	vld [tilespmem:s7+$0x10];
	p1 =	sne.s32 s5, $0x1  }
.Ltmp5:
0x7d: {  	v5 =	vld [tilespmem:s7+$0xFFFFFFF0];
	(pc) =	sbr.rel @!p1 .LBB2_5-.Ltmp5, $4  }
0x7e: {  	v6 =	vld [tilespmem:s7+$0x0]  }
0x7f: {  	v7 =	vld [tilespmem:s7+$0xFFFFFFE0]  }
0x80: {  	v8 =	vimm.f32 $0.0e+00  }
0x81: {  	s6 =	sadd.s32 $0xFFFFFFFF, s5;
	s7 =	sadd.s32 $0x80, s7;
	v9 =	vimm.f32 $0.0e+00;
	v10 =	vimm.f32 $0.0e+00;
	v4 =	vadd.f32 v4, v3  }
.LBB2_4:
0x82: {  	v11 =	vld [tilespmem:s7+$0x10];
	p1 =	sne.s32 s6, $0x1;
	s6 =	sadd.s32 $0xFFFFFFFF, s6;
	v8 =	vadd.f32 v5, v8  }
.Ltmp6:
0x83: {  	v5 =	vld [tilespmem:s7+$0xFFFFFFF0];
	v9 =	vadd.f32 v6, v9;
	(pc) =	sbr.rel @p1 .LBB2_4-.Ltmp6, $3  }
0x84: {  	v6 =	vld [tilespmem:s7+$0x0];
	v10 =	vadd.f32 v7, v10  }
0x85: {  	v7 =	vld [tilespmem:s7+$0xFFFFFFE0];
	_ =	sdelay $0x1  }
0x86: {  	s7 =	sadd.s32 $0x80, s7;
	v4 =	vadd.f32 v11, v4  }
.LBB2_5:
0x87: {  	_ = 	snop  }
0x88: {  	v8 =	vadd.f32 v5, v8  }
0x89: {  	v5 =	vadd.f32 v6, v9;
	v6 =	vadd.f32 v7, v10  }
.LBB2_6:
0x8a: {  	_ = 	snop  }
0x8b: {  	v6 =	vmul.f32 v6, v2  }
0x8c: {  	v7 =	vmul.f32 v8, v2  }
0x8d: {  	s7 =	sor.u32 $0x10, s28;
	v5 =	vmul.f32 v5, v2;
	[tilespmem:s28+$0x5880] =	vst v6  }
0x8e: {  	s6 =	sor.u32 $0x20, s28;
	v4 =	vmul.f32 v4, v2;
	[tilespmem:s7+$0x5880] =	vst v7  }
.Ltmp7:
0x8f: {  	s8 =	sor.u32 $0x30, s28;
	[tilespmem:s6+$0x5880] =	vst v5;
	(pc) =	sbr.rel @p0 .LBB2_7-.Ltmp7, $4  }
0x90: {  	[tilespmem:s8+$0x5880] =	vst v4  }
0x91: {  	_ =	swait.ge [sflag:s21], $0x2000  }
0x92: {  	[sflag:s21] =	ssyncset.done $0x0  }
0x93: {  	s9 =	simm.s32 $0x38A0;
	[sflag:s21] =	ssyncadd.s32 $0xFFFFE000  }
0x94: {  	v4 =	vld [tilespmem:s9+$0x10];
	p0 =	sne.s32 s5, $0x1  }
.Ltmp8:
0x95: {  	v5 =	vld [tilespmem:s9+$0xFFFFFFF0];
	(pc) =	sbr.rel @!p0 .LBB2_10-.Ltmp8, $3  }
0x96: {  	v6 =	vld [tilespmem:s9+$0x0]  }
0x97: {  	v7 =	vld [tilespmem:s9+$0xFFFFFFE0];
	_ =	sdelay $0x1  }
0x98: {  	s5 =	sadd.s32 $0xFFFFFFFF, s5;
	s9 =	sadd.s32 $0x80, s9;
	v8 =	vimm.f32 $0.0e+00;
	v9 =	vimm.f32 $0.0e+00;
	v4 =	vadd.f32 v4, v3  }
.LBB2_9:
0x99: {  	v10 =	vld [tilespmem:s9+$0x10];
	p0 =	sne.s32 s5, $0x1;
	s5 =	sadd.s32 $0xFFFFFFFF, s5;
	v3 =	vadd.f32 v5, v3  }
.Ltmp9:
0x9a: {  	v5 =	vld [tilespmem:s9+$0xFFFFFFF0];
	v8 =	vadd.f32 v6, v8;
	(pc) =	sbr.rel @p0 .LBB2_9-.Ltmp9, $3  }
0x9b: {  	v6 =	vld [tilespmem:s9+$0x0];
	v9 =	vadd.f32 v7, v9  }
0x9c: {  	v7 =	vld [tilespmem:s9+$0xFFFFFFE0];
	_ =	sdelay $0x1  }
0x9d: {  	s9 =	sadd.s32 $0x80, s9;
	v4 =	vadd.f32 v10, v4  }
.LBB2_10:
.Ltmp10:
0x9e: {  	(pc) =	sbr.rel .LBB2_11-.Ltmp10, $3  }
0x9f: {  	_ =	sdelay $0x1  }
0xa0: {  	v10 =	vadd.f32 v5, v3  }
0xa1: {  	v5 =	vadd.f32 v6, v8;
	v3 =	vadd.f32 v7, v9  }
.LBB2_13:
0xa2: {  	_ =	sfence.sel $0x180000  }
0xa3: {  	[bflag:$0x0] =	sbarrier.arrive $0xFFFF  }
0xa4: {  	_ =	strace $0x90000047  }
0xa5: {  	s0 =	stileid.u32;
	[bflag:$0x2] =	sbarrier.arrive $0xFFFF  }
0xa6: {  	p0 =	sne.s32 s0, $0x0;
	s0 =	rddreg [dreg:$0x2]  }
0xa7: {  	s0 =	sadd.s32 @!p0 $0x100000, s0  }
0xa8: {  	[sflag:s0] =	ssyncadd.tile.s32 @!p0 $0x1;
	_ =	shalt  }
.Lfunc_end2:
_tile_overlayer_lowered:
.L_overlay_start_2:
0xa9: {  	(tag) =	ssettag $0x2  }
0xaa: {  	s0 =	rddreg [dreg:$0x0];
	s2 =	stileid.u32  }
0xab: {  	s1 =	rddreg [dreg:$0x1];
	p0 =	sne.s32 s2, $0x0  }
0xac: {  	s3 =	rddreg [dreg:$0x2];
	[bflag:$0x3] =	sbarrier.arrive $0xFFFF;
	s2 =	simm.s32 @!p0 $0x1C03  }
0xad: {  	[timem:s3], [sflag:s2] =	dma.local @!p0 [hbm:s0], s1  }
0xae: {  	s0 =	simm.s32 @!p0 $0x3  }
0xaf: {  	_ =	swait.ge @!p0 [sflag:s0], s1  }
0xb0: {  	s1 =	ssub.s32 @!p0 $0x0, s1;
	[sflag:s0] =	ssyncset.done @!p0 $0x0  }
0xb1: {  	[sflag:s0] =	ssyncadd.s32 @!p0 s1  }
0xb2: {  	[bflag:$0x3] =	sbarrier.arrive $0xFFFF  }
0xb3: {  	_ =	shalt  }

// kernel: kernel.9.cloned.1.call-start
scs
__scs_entry_jumppad:
0x0: {  	(pc) =	sbr.rel $0x88, $3  }
0x1: {  	(tag) =	ssettag $0x0;
	lr =	simm.s32 $0x1  }
0x2: {  	[smem:$0x3F96] =	sst lr;
	_ =	strace $0xD0000000  }
0x3: {  	_ = 	snop  }
0x4: {  	_ = 	snop  }
0x5: {  	_ = 	snop  }
0x6: {  	_ = 	snop  }
0x7: {  	_ = 	snop  }
__scs_overlays_trampoline_lowered:
0x8: {  	[smem:$0x3FA5] =	sst s0  }
0x9: {  	[smem:$0x3FA6] =	sst s1  }
0xa: {  	[smem:$0x3FA7] =	sst s2  }
0xb: {  	[smem:$0x3FA8] =	sst s3  }
0xc: {  	[smem:$0x3FA9] =	sst s4  }
0xd: {  	[smem:$0x3FAA] =	sst s5  }
0xe: {  	[smem:$0x3FAB] =	sst s6  }
0xf: {  	[smem:$0x3FAC] =	sst s7  }
0x10: {  	[smem:$0x3FAD] =	sst s8  }
0x11: {  	[smem:$0x3FAE] =	sst s9;
	s0 =	simm.s32 @!p0 $0x0  }
0x12: {  	s1 =	sld [smem:$0x3F94];
	s0 =	simm.s32 @p0 $0x1  }
0x13: {  	[smem:$0x3FAF] =	sst s0;
	s0 =	simm.s32 @!p1 $0x0  }
0x14: {  	s2 =	sld [smem:$0x3F93];
	s0 =	simm.s32 @p1 $0x1  }
0x15: {  	[smem:$0x3FB0] =	sst s0;
	s0 =	simm.s32 @!p2 $0x0  }
0x16: {  	s3 =	sld [smem:$0x3FDB];
	s0 =	simm.s32 @p2 $0x1  }
0x17: {  	s4 =	simm.s32 $0x1BF5;
	[smem:$0x3FB2] =	sst s0  }
0x18: {  	s0 =	sld [smem:$0x3F95];
	_ =	swait.ge [sflag:s4], $0x0  }
0x19: {  	s7 =	sld [smem:$0x3F96]  }
0x1a: {  	s8 =	sadd.s32 $0xFFFFE003, lr  }
0x1b: {  	s9 =	sadd.s32 $0xFFFFFEF7, lr;
	s5 =	simm.s32 $0xFFFFFFFF;
	p2 =	slt.u32 s8, $0xFFFFF086  }
0x1c: {  	p1 =	slt.u32 s9, $0xF7A;
	s5 =	simm.s32 @!p2 $0x0  }
0x1d: {  	s5 =	simm.s32 @p1 $0x1;
	p0 =	seq.s32 s7, s2  }
0x1e: {  	s7 =	smul.u32 @!p0 $0xF7A, s2;
	p2 =	seq.s32 @!p0 s5, $0x0  }
0x1f: {  	s9 =	smul.u32 $0xF7A, s1;
	s8 =	simm.s32 @!p0 $0x1BF5;
	p2 =	por !p2, p0  }
0x20: {  	[sflag:s8] =	ssyncset.s32 @!p0 $0xFFFFF086;
	s6 =	sadd.s32 @!p0 s3, s7;
	s7 =	simm.s32 @!p0 $0x108  }
0x21: {  	s3 =	sadd.s32 s3, s9;
	s6 =	sadd.s32 @!p0 $0x88, s6;
	s7 =	simm.s32 @p2 $0x1082  }
0x22: {  	[simem:s7], [sflag:s8] =	dma.local @!p0 [hbm:s6], $0xF7A  }
0x23: {  	s9 =	sor.u32 $0xD0000000, s2;
	s6 =	simm.s32 $0x108;
	_ =	swait.ge @!p0 [sflag:s8], $0x0  }
0x24: {  	s3 =	sadd.s32 $0x88, s3;
	s6 =	simm.s32 @!p1 $0x1082;
	[sflag:s4] =	ssyncset.s32 $0xFFFFF086  }
0x25: {  	[simem:s6], [sflag:s4] =	dma.local [hbm:s3], $0xF7A  }
0x26: {  	[smem:$0x3F96] =	sst s1;
	(tag) =	ssettag s2;
	_ =	strace s9  }
0x27: {  	s1 =	sld [smem:$0x3FA6]  }
0x28: {  	s2 =	sld [smem:$0x3FA7]  }
0x29: {  	s4 =	sld [smem:$0x3FA9]  }
0x2a: {  	p0 =	seq.s32 s5, $0x0;
	s5 =	sld [smem:$0x3FAA]  }
0x2b: {  	s6 =	sld [smem:$0x3FAB]  }
0x2c: {  	s7 =	sld [smem:$0x3FAC]  }
0x2d: {  	s3 =	simm.s32 $0x108;
	s8 =	sld [smem:$0x3FAD]  }
0x2e: {  	s3 =	simm.s32 @!p0 $0x1082;
	s9 =	sld [smem:$0x3FAE]  }
0x2f: {  	lr =	sadd.s32 s0, s3;
	s0 =	sld [smem:$0x3FA5]  }
0x30: {  	s3 =	sld [smem:$0x3FA8]  }
0x31: {  	[smem:$0x3FB1] =	sst s10  }
0x32: {  	s10 =	sld [smem:$0x3FAF];
	_ =	sdelay $0x3  }
0x33: {  	p0 =	seq.s32 s10, $0x1;
	s10 =	sld [smem:$0x3FB1];
	_ =	sdelay $0x3  }
0x34: {  	[smem:$0x3FB1] =	sst s10  }
0x35: {  	s10 =	sld [smem:$0x3FB0];
	_ =	sdelay $0x3  }
0x36: {  	p1 =	seq.s32 s10, $0x1;
	s10 =	sld [smem:$0x3FB1];
	_ =	sdelay $0x3  }
0x37: {  	[smem:$0x3FB1] =	sst s10  }
0x38: {  	s10 =	sld [smem:$0x3FB2]  }
0x39: {  	_ = 	snop;
	(pc) =	sbr.ind lr, $3  }
0x3a: {  	_ = 	snop  }
0x3b: {  	_ = 	snop  }
0x3c: {  	p2 =	seq.s32 s10, $0x1;
	s10 =	sld [smem:$0x3FB1]  }
0x3d: {  	_ =	shalt  }
0x3e: {  	_ =	shalt  }
0x3f: {  	_ =	shalt  }
0x40: {  	_ =	shalt  }
0x41: {  	_ =	shalt  }
0x42: {  	_ =	shalt  }
0x43: {  	_ =	shalt  }
0x44: {  	_ =	shalt  }
0x45: {  	_ =	shalt  }
0x46: {  	_ =	shalt  }
0x47: {  	_ =	shalt  }
0x48: {  	_ =	shalt  }
0x49: {  	_ =	shalt  }
0x4a: {  	_ =	shalt  }
0x4b: {  	_ =	shalt  }
0x4c: {  	_ =	shalt  }
0x4d: {  	_ =	shalt  }
0x4e: {  	_ =	shalt  }
0x4f: {  	_ =	shalt  }
0x50: {  	_ =	shalt  }
0x51: {  	_ =	shalt  }
0x52: {  	_ =	shalt  }
0x53: {  	_ =	shalt  }
0x54: {  	_ =	shalt  }
0x55: {  	_ =	shalt  }
0x56: {  	_ =	shalt  }
0x57: {  	_ =	shalt  }
0x58: {  	_ =	shalt  }
0x59: {  	_ =	shalt  }
0x5a: {  	_ =	shalt  }
0x5b: {  	_ =	shalt  }
0x5c: {  	_ =	shalt  }
0x5d: {  	_ =	shalt  }
0x5e: {  	_ =	shalt  }
0x5f: {  	_ =	shalt  }
0x60: {  	_ =	shalt  }
0x61: {  	_ =	shalt  }
0x62: {  	_ =	shalt  }
0x63: {  	_ =	shalt  }
0x64: {  	_ =	shalt  }
0x65: {  	_ =	shalt  }
0x66: {  	_ =	shalt  }
0x67: {  	_ =	shalt  }
0x68: {  	_ =	shalt  }
0x69: {  	_ =	shalt  }
0x6a: {  	_ =	shalt  }
0x6b: {  	_ =	shalt  }
0x6c: {  	_ =	shalt  }
0x6d: {  	_ =	shalt  }
0x6e: {  	_ =	shalt  }
0x6f: {  	_ =	shalt  }
0x70: {  	_ =	shalt  }
0x71: {  	_ =	shalt  }
0x72: {  	_ =	shalt  }
0x73: {  	_ =	shalt  }
0x74: {  	_ =	shalt  }
0x75: {  	_ =	shalt  }
0x76: {  	_ =	shalt  }
0x77: {  	_ =	shalt  }
0x78: {  	_ =	shalt  }
0x79: {  	_ =	shalt  }
0x7a: {  	_ =	shalt  }
0x7b: {  	_ =	shalt  }
0x7c: {  	_ =	shalt  }
0x7d: {  	_ =	shalt  }
0x7e: {  	_ =	shalt  }
0x7f: {  	_ =	shalt  }
0x80: {  	_ =	shalt  }
0x81: {  	_ =	shalt  }
0x82: {  	_ =	shalt  }
0x83: {  	_ =	shalt  }
0x84: {  	_ =	shalt  }
0x85: {  	_ =	shalt  }
0x86: {  	_ =	shalt  }
0x87: {  	_ =	shalt  }
.Lfunc_end0:
.L_simem_size_0:
called_computation.1_lowered:
.L_overlay_start_0:
0x88: {  	s2 =	sld [smem:$0x3FD9]  }
0x89: {  	s3 =	sld [smem:$0x3FFE];
	_ =	sdelay $0x1  }
0x8a: {  	s1 =	srdreg.scid  }
0x8b: {  	s0 =	sand.u32 $0x1, s1  }
0x8c: {  	s16 =	sshll.u32 s0, $0xA;
	s2 =	sadd.s32 s3, s2  }
0x8d: {  	s2 =	sadd.s32 s2, s16  }
0x8e: {  	[smem:$0x3FBD] =	sst s2  }
0x8f: {  	_ = 	snop  }
0x90: {  	(tm) =	ssettm $0x1  }
0x91: {  	s17 =	sld [smem:$0x3FFB];
	_ =	sdelay $0x3  }
0x92: {  	_ =	strace s17  }
0x93: {  	s2 =	sld [smem:$0x3FFC];
	_ =	sdelay $0x3  }
0x94: {  	_ =	strace s2  }
0x95: {  	s2 =	sld [smem:$0x3FFD];
	_ =	sdelay $0x3  }
0x96: {  	_ =	strace s2  }
0x97: {  	_ =	strace $0x8FFFFFFF  }
0x98: {  	s18 =	sld [smem:$0x3FDB];
	_ =	sdelay $0x1  }
0x99: {  	s19 =	simm.s32 $_scs_section_size  }
0x9a: {  	s4 =	simm.s32 $_size__tile_overlayer_lowered;
	s5 =	simm.s32 $_tile_overlayer_lowered  }
0x9b: {  	s22 =	simm.s32 $0x1BFF;
	s21 =	sshll.u32 s5, $0x1;
	s2 =	sadd.s32 s19, s18  }
0x9c: {  	s6 =	simm.s32 $0x0;
	s20 =	sshll.u32 s4, $0x1;
	s4 =	sadd.s32 s21, s2  }
0x9d: {  	[timem:s6], [sflag:s22] =	dma.local [hbm:s4], s20  }
0x9e: {  	_ =	swait.ge [sflag:s22], s20  }
0x9f: {  	s3 =	ssub.s32 $0x0, s20;
	[sflag:s22] =	ssyncset.done $0x0  }
0xa0: {  	[sflag:s22] =	ssyncadd.s32 s3;
	_ =	sdelay $0x1  }
0xa1: {  	s23 =	simm.s32 $0x1B8B  }
0xa2: {  	_ =	swait.ge [sflag:s23], $0x1  }
0xa3: {  	[sflag:s23] =	ssyncset.done $0x0  }
0xa4: {  	s25 =	simm.s32 $0x1B8E;
	s24 =	sld [smem:$0x3FFE];
	[sflag:s23] =	ssyncadd.s32 $0xFFFFFFFF  }
0xa5: {  	s26 =	simm.s32 $execute0_lowered;
	[smem:$0x3FD2] =	sst s25  }
0xa6: {  	s4 =	sshll.u32 s26, $0x1;
	_ =	strace $0x80000049;
	[dreg:$0x1] =	wrdreg $0xFFFFFFFF  }
0xa7: {  	s28 =	simm.s32 $_size_execute0_lowered;
	s2 =	sadd.s32 s2, s4;
	[dreg:$0x0] =	wrdreg $0x0  }
0xa8: {  	s4 =	sshll.u32 s28, $0x1;
	[dreg:$0x2] =	wrdreg s2  }
0xa9: {  	[dreg:$0x3] =	wrdreg s4  }
0xaa: {  	[dreg:$0x4] =	wrdreg $0xC0  }
0xab: {  	_ =	task [dreg:s6], $0x5FFFF  }
0xac: {  	[dreg:$0x1] =	wrdreg $0xFFFFFFFF  }
0xad: {  	[dreg:$0x0] =	wrdreg $0x60  }
0xae: {  	[dreg:$0x2] =	wrdreg s24  }
0xaf: {  	[dreg:$0x3] =	wrdreg $0x9  }
0xb0: {  	_ =	task.clear_ibuf [dreg:s6], $0x4FFFF;
	_ =	strace $0x90000049  }
0xb1: {  	s29 =	simm.s32 $0x9;
	_ =	strace $0x8000004B  }
0xb2: {  	_ =	swait.ge [sflag:s29], $0x1  }
0xb3: {  	[sflag:s29] =	ssyncadd.s32 $0xFFFFFFFF  }
0xb4: {  	_ =	strace $0x9000004B  }
0xb5: {  	_ =	sfence  }
0xb6: {  	s30 =	sld [smem:$0x0];
	_ =	sdelay $0x2  }
0xb7: {  	s31 =	sshll.u32 s1, $0xD;
	s1 =	sshrl.u32 s1, $0x2  }
0xb8: {  	s3 =	sand.u32 $0x4000, s31;
	s1 =	sadd.s32 s1, s30  }
0xb9: {  	s0 =	sor.u32 s3, s0;
	s1 =	sshll.u32 s1, $0x11  }
0xba: {  	s0 =	sor.u32 s1, s0  }
0xbb: {  	s0 =	sadd.s32 $0x8F2B, s0  }
0xbc: {  	[sflag:s0] =	ssyncadd.remote.s32 $0x1  }
0xbd: {  	_ =	sfence.sel $0xFFFF  }
0xbe: {  	[dreg:$0x0] =	wrdreg $0xFFFFFFFF;
	(pc) =	sbr.abs _section_cstart, $3  }
0xbf: {  	[dreg:$0x1] =	wrdreg $0xFFFFFFFF  }
0xc0: {  	_ =	task.clear_ibuf [dreg:s6], $0x2FFFF;
	_ =	strace $0x9FFFFFFF  }
0xc1: {  	(tm) =	ssettm $0x7FFFFFFF  }
tec
execute0_lowered:
.L_overlay_start_1:
0x0: {  	(tag) =	ssettag $0x1  }
0x1: {  	s0 =	rddreg [dreg:$0x0]  }
0x2: {  	s2 =	simm.s32 $0x0;
	s1 =	srdreg.scid;
	s3 =	stileid.u32  }
0x3: {  	s14 =	simm.s32 $0x3;
	s15 =	simm.s32 $0x100;
	s28 =	simm.s32 $0x10980  }
0x4: {  	s29 =	simm.s32 $0x10580;
	s30 =	simm.s32 $0x10A00;
	s31 =	simm.s32 $0x10180  }
0x5: {  	s13 =	simm.s32 $0x10B00;
	s12 =	simm.s32 $0x0;
	[smem:$0x7FF] =	sst s2  }
0x6: {  	s1 =	sand.u32 $0x1, s1;
	s5 =	sshll.u32 s3, $0x1;
	s3 =	sadd.s32 $0x15200, s0  }
0x7: {  	v0 =	vimm.f32 $-1.000000020e+30;
	s4 =	sadd.s32 $0x1887E00, s0;
	_ =	strace $0x8000004A;
	s7 =	sor.u32 s1, s5  }
0x8: {  	s5 =	sadd.s32 $0x2DEFE00, s0;
	s1 =	ssub.s32 $0x2, s1;
	s6 =	sshll.u32 s7, $0x8;
	(xrf0) =	vmax.scan.msk.f32 $0xffff, v0  }
0x9: {  	s9 =	sshll.u32 s7, $0x9;
	s10 =	sshrl.u32 s1, $0x1;
	s7 =	sshll.u32 s7, $0x5  }
0xa: {  	v1 =	vlaneseq.u32;
	s8 =	sadd.s32 s6, s0;
	s6 =	sadd.s32 $0x310600, s0;
	s11 =	sadd.s32 s9, s0  }
0xb: {  	vm0 =	vmmov $0xffff;
	v14 =	vimm.s32 $0x0;
	v3 =	vor.u32 $0x10, v1;
	s1 =	ssub.s32 s1, s10;
	s9 =	sadd.s32 $0x1887F00, s0;
	s8 =	sadd.s32 $0x13200, s8  }
0xc: {  	v4 =	vor.u32 $0x20, v1;
	v5 =	vor.u32 $0x30, v1;
	v6 =	vor.u32 $0x40, v1;
	s0 =	simm.s32 $0x80;
	s24 =	sadd.s32 $0x21200, s11;
	[dreg:$0x2] =	wrdreg s8  }
0xd: {  	v7 =	vor.u32 $0x50, v1;
	v8 =	vor.u32 $0x60, v1;
	v9 =	vor.u32 $0x70, v1;
	s10 =	simm.s32 $0x2;
	s25 =	sadd.s32 $0x1D200, s11;
	[dreg:$0x3] =	wrdreg s24  }
0xe: {  	v12 =	vshrl.u32 v1, $0x3;
	v10 =	vor.u32 $0x80000000, v1;
	v11 =	vand.u32 $0x7, v1;
	s26 =	smax.u32 s1, $0x1;
	s11 =	simm.s32 $0x16380;
	[dreg:$0x4] =	wrdreg s25;
	v2, _, _ =	vpop (xrf0)  }
0xf: {  	v13 =	vor.u32 $0x8, v1;
	v12 =	vmul.u32 $0x8, v12;
	[dreg:$0x5] =	wrdreg s26;
	s26 =	simm.s32 $0x1;
	s8 =	simm.s32 $0x10B80;
	v2 =	vbroadcast v2, $0xF  }
.LBB2_1:
0x10: {  	[dreg:$0x6] =	wrdreg s12  }
0x11: {  	s1 =	rddreg [dreg:$0x2];
	s25 =	simm.s32 $0x14B80  }
0x12: {  	[tilespmem:s25], [sflag:$0x3] =	stream.linear.gather [hbm4b:s1+s2], $0x800, $0x38;
	[tilespmem:$0x17380] =	vst v63  }
0x13: {  	_ =	swait.ge [sflag:s14], $0x800  }
0x14: {  	[sflag:s14] =	ssyncset.done $0x0  }
0x15: {  	s12 =	simm.s32 $0x0;
	s16 =	simm.s32 $0x0;
	[sflag:s14] =	ssyncadd.s32 $0xFFFFF800  }
.LBB2_2:
0x16: {  	s17 =	sadd.s32 s7, s16  }
0x17: {  	s18 =	sshll.u32 s17, $0x5  }
0x18: {  	s19 =	sadd.s32 s3, s18;
	s18 =	simm.s32 $0x0  }
0x19: {  	[tilespmem:s18], [sflag:$0x3] =	stream.linear.gather [hbm4b:s19+s18], $0x100, $0x38;
	[tilespmem:$0x17380] =	vst v63  }
0x1a: {  	s19 =	smul.u32 $0xC4, s17;
	_ =	swait.ge [sflag:s14], $0x100  }
0x1b: {  	[sflag:s14] =	ssyncset.done $0x0  }
0x1c: {  	v15 =	vadd.s32 s19, v1;
	[sflag:s14] =	ssyncadd.s32 $0xFFFFFF00  }
0x1d: {  	v16 =	vadd.s32 s19, v9;
	[tilespmem:$0x100] =	vst v15  }
0x1e: {  	v15 =	vadd.s32 s19, v3;
	[tilespmem:$0x170] =	vst v16  }
0x1f: {  	[tilespmem:$0x110] =	vst v15;
	v15 =	vadd.s32 s19, v4  }
0x20: {  	[tilespmem:$0x120] =	vst v15;
	v15 =	vadd.s32 s19, v5  }
0x21: {  	[tilespmem:$0x130] =	vst v15;
	v15 =	vadd.s32 s19, v6  }
0x22: {  	[tilespmem:$0x140] =	vst v15;
	v15 =	vadd.s32 s19, v7  }
0x23: {  	[tilespmem:$0x150] =	vst v15;
	v15 =	vadd.s32 s19, v8  }
0x24: {  	s20 =	simm.s32 $0x0;
	[tilespmem:$0x160] =	vst v15;
	v15 =	vmov s19  }
.LBB2_3:
0x25: {  	v16 =	vld [tilespmem:$0x0]  }
0x26: {  	v17 =	vld [tilespmem:$0x10]  }
0x27: {  	v18 =	vld [tilespmem:$0x20]  }
0x28: {  	v19 =	vld [tilespmem:$0x30]  }
0x29: {  	v20 =	vld [tilespmem:$0x40]  }
0x2a: {  	v21 =	vld [tilespmem:$0x50];
	v16 =	vmax.f32 v16, $-1.000000020e+30  }
0x2b: {  	v16 =	vmax.f32 v16, v17;
	v17 =	vld [tilespmem:$0x60]  }
0x2c: {  	v16 =	vmax.f32 v16, v18;
	v18 =	vld [tilespmem:$0x70]  }
0x2d: {  	v16 =	vmax.f32 v16, v19;
	v19 =	vld [tilespmem:$0x80]  }
0x2e: {  	v60 =	vld [tilespmem:$0x90];
	v16 =	vmax.f32 v16, v20  }
0x2f: {  	v61 =	vld [tilespmem:$0xA0];
	v16 =	vmax.f32 v16, v21  }
0x30: {  	v16 =	vmax.f32 v16, v17;
	v17 =	vld [tilespmem:$0xB0]  }
0x31: {  	v16 =	vmax.f32 v16, v18;
	v18 =	vld [tilespmem:$0xC0]  }
0x32: {  	v16 =	vmax.f32 v16, v19;
	v19 =	vld [tilespmem:$0xD0]  }
0x33: {  	v62 =	vld [tilespmem:$0xE0];
	v16 =	vmax.f32 v16, v60  }
0x34: {  	v63 =	vld [tilespmem:$0xF0];
	v16 =	vmax.f32 v16, v61  }
0x35: {  	v16 =	vmax.f32 v16, v17  }
0x36: {  	v16 =	vmax.f32 v16, v18  }
0x37: {  	v16 =	vmax.f32 v16, v19  }
0x38: {  	v16 =	vmax.f32 v16, v62  }
0x39: {  	v16 =	vmax.f32 v16, v63  }
0x3a: {  	(xrf0) =	vmax.scan.msk.f32 $0xffff, v16;
	_ =	sdelay $0x3  }
0x3b: {  	v17 =	vld [tilespmem:s18+$0x0];
	_ =	sdelay $0x1  }
0x3c: {  	v16, _, _ =	vpop (xrf0)  }
0x3d: {  	v16 =	vbroadcast v16, $0xF;
	_ =	sdelay $0x1  }
0x3e: {  	vm1 =	veq.f32 v17, v16;
	v17 =	vor.u32 s18, v10  }
0x3f: {  	v17 =	vnsel vm1, $0xC0000000, v17  }
0x40: {  	(xrf0) =	vmin.scan.msk.u32 $0xffff, v17;
	_ =	sdelay $0x4  }
0x41: {  	s21 =	simm.s32 $0x10  }
0x42: {  	s22 =	simm.s32 $0x20;
	v18 =	vld [tilespmem:s21+$0x0];
	v17, _, _ =	vpop (xrf0)  }
0x43: {  	(v2sf) =	vpush v17, $0xF;
	v17 =	vld [tilespmem:s22+$0x0];
	_ =	sdelay $0x3  }
0x44: {  	vm1 =	veq.f32 v18, v16;
	v18 =	vor.u32 s21, v10  }
0x45: {  	v18 =	vnsel vm1, $0xC0000000, v18;
	vm1 =	veq.f32 v17, v16;
	v17 =	vor.u32 s22, v10  }
0x46: {  	(xrf0) =	vmin.scan.msk.u32 $0xffff, v18;
	v17 =	vnsel vm1, $0xC0000000, v17  }
0x47: {  	(xrf0) =	vmin.scan.msk.u32 $0xffff, v17;
	_ =	sdelay $0x3  }
0x48: {  	s25 =	simm.s32 $0x30  }
0x49: {  	v18 =	vld [tilespmem:s25+$0x0];
	v19, _, _ =	vpop (xrf0)  }
0x4a: {  	(v2sf) =	vpush v19, $0xF;
	v19, _, _ =	vpop (xrf0)  }
0x4b: {  	(v2sf) =	vpush v19, $0xF;
	_ =	sdelay $0x1  }
0x4c: {  	s23 =	simm.s32 $0x40  }
0x4d: {  	vm1 =	veq.f32 v18, v16;
	v18 =	vor.u32 s25, v10;
	v17 =	vld [tilespmem:s23+$0x0]  }
0x4e: {  	v18 =	vnsel vm1, $0xC0000000, v18  }
0x4f: {  	(xrf0) =	vmin.scan.msk.u32 $0xffff, v18;
	_ =	sdelay $0x1  }
0x50: {  	s21 =	simm.s32 $0x40000000  }
0x51: {  	s22 =	simm.s32 $0x50;
	vm1 =	veq.f32 v17, v16;
	v17 =	vor.u32 s23, v10;
	s23 =	simm.s32 $0x50;
	s24 =	spop (v2sf)  }
.LBB2_4:
0x52: {  	s25 =	smov.u32 s21;
	p0 =	sne.s32 s22, $0xF0  }
0x53: {  	v19 =	vnsel vm1, $0xC0000000, v17;
	s21 =	sxor.u32 $0x80000000, s24;
	s24 =	smov.u32 s22;
	s22 =	sadd.s32 $0x10, s22;
	v18 =	vld [tilespmem:s23+$0x0]  }
.Ltmp0:
0x54: {  	p1 =	slt.s32 s25, s21;
	(xrf0) =	vmin.scan.msk.u32 $0xffff, v19;
	v17, _, _ =	vpop (xrf0);
	(pc) =	sbr.rel @p0 .LBB2_4-.Ltmp0, $2  }
0x55: {  	s21 =	smov.u32 @p1 s25;
	(v2sf) =	vpush v17, $0xF;
	_ =	sdelay $0x2  }
0x56: {  	s23 =	sadd.s32 $0x10, s23;
	v17 =	vor.u32 s24, v10;
	vm1 =	veq.f32 v18, v16;
	s24 =	spop (v2sf)  }
0x57: {  	v17 =	vnsel vm1, $0xC0000000, v17  }
0x58: {  	(xrf0) =	vmin.scan.msk.u32 $0xffff, v17;
	_ =	sdelay $0x3  }
0x59: {  	v17, _, _ =	vpop (xrf0)  }
0x5a: {  	(v2sf) =	vpush v17, $0xF  }
0x5b: {  	v17, _, _ =	vpop (xrf0)  }
0x5c: {  	(v2sf) =	vpush v17, $0xF;
	_ =	sdelay $0x7  }
0x5d: {  	s22 =	sxor.u32 $0x80000000, s24  }
0x5e: {  	s23 =	spop (v2sf);
	p0 =	slt.s32 s21, s22  }
0x5f: {  	s22 =	smov.u32 @p0 s21;
	s21 =	sxor.u32 $0x80000000, s23  }
0x60: {  	p0 =	slt.s32 s22, s21;
	s1 =	spop (v2sf)  }
0x61: {  	s21 =	smov.u32 @p0 s22;
	s22 =	sxor.u32 $0x80000000, s1  }
0x62: {  	p0 =	slt.s32 s21, s22;
	s24 =	spop (v2sf)  }
0x63: {  	s22 =	smov.u32 @p0 s21;
	s21 =	sxor.u32 $0x80000000, s24  }
0x64: {  	p0 =	slt.s32 s22, s21;
	s25 =	spop (v2sf)  }
0x65: {  	s21 =	smov.u32 @p0 s22;
	s22 =	sxor.u32 $0x80000000, s25  }
0x66: {  	p0 =	slt.s32 s21, s22  }
0x67: {  	v17 =	vmov s20;
	s20 =	sadd.s32 $0x1, s20;
	s22 =	smov.u32 @p0 s21  }
0x68: {  	p0 =	sne.s32 s20, $0x64;
	v18 =	vmov s22  }
.Ltmp1:
0x69: {  	_ = 	snop;
	(pc) =	sbr.rel @p0 .LBB2_3-.Ltmp1, $4  }
0x6a: {  	s21 =	sadd.s32 s19, s22  }
0x6b: {  	v19 =	vmov s21  }
0x6c: {  	[tilespmem:v17+s15+$0x0] =	vst.idx.msk $0x1, v19  }
0x6d: {  	[tilespmem:v18+s2+$0x0] =	vst.idx.msk $0x1, v0  }
0x6e: {  	v17 =	vld [tilespmem:$0x100];
	_ =	sdelay $0x4  }
0x6f: {  	v18 =	vshll.u32 v17, $0x2  }
0x70: {  	v17 =	vand.u32 $0x7, v17;
	v18 =	vand.u32 $0xFFFFFFE0, v18  }
0x71: {  	v17 =	vor.u32 v17, v18  }
0x72: {  	v18 =	vperm.xlane v17, v11;
	_ =	sdelay $0x1  }
0x73: {  	v18 =	vadd.s32 v12, v18;
	_ =	sdelay $0x1  }
0x74: {  	v17 =	vperm.xlane v17, v13;
	_ =	sdelay $0x1  }
0x75: {  	s18 =	simm.s32 $0x0;
	s1 =	simm.s32 $0x180;
	v17 =	vadd.s32 v12, v17  }
0x76: {  	[tilespmem:s1], [sflag:$0x1] =	stream.indirect_vreg.gather [hbm4b:s4+s18], $0x80, v18, vm0, $0xb8;
	[tilespmem:$0x17380] =	vst v63  }
0x77: {  	s23 =	simm.s32 $0x980  }
0x78: {  	[tilespmem:s23], [sflag:$0x1] =	stream.indirect_vreg.gather [hbm4b:s9+s18], $0x80, v18, vm0, $0xb8;
	[tilespmem:$0x17380] =	vst v63  }
0x79: {  	s24 =	simm.s32 $0x1180  }
0x7a: {  	[tilespmem:s24], [sflag:$0x1] =	stream.indirect_vreg.gather [hbm4b:s4+s18], $0x80, v17, vm0, $0xb8;
	[tilespmem:$0x17380] =	vst v63  }
0x7b: {  	s25 =	simm.s32 $0x1980  }
0x7c: {  	[tilespmem:s25], [sflag:$0x1] =	stream.indirect_vreg.gather [hbm4b:s9+s18], $0x80, v17, vm0, $0xb8;
	[tilespmem:$0x17380] =	vst v63  }
0x7d: {  	v17 =	vld [tilespmem:$0x110];
	_ =	sdelay $0x4  }
0x7e: {  	v18 =	vshll.u32 v17, $0x2  }
0x7f: {  	v17 =	vand.u32 $0x7, v17;
	v18 =	vand.u32 $0xFFFFFFE0, v18  }
0x80: {  	v17 =	vor.u32 v17, v18  }
0x81: {  	v18 =	vperm.xlane v17, v11;
	_ =	sdelay $0x1  }
0x82: {  	v18 =	vadd.s32 v12, v18;
	_ =	sdelay $0x1  }
0x83: {  	v17 =	vperm.xlane v17, v13;
	_ =	sdelay $0x1  }
0x84: {  	s19 =	simm.s32 $0x2180;
	v17 =	vadd.s32 v12, v17  }
0x85: {  	[tilespmem:s19], [sflag:$0x1] =	stream.indirect_vreg.gather [hbm4b:s4+s18], $0x80, v18, vm0, $0xb8;
	[tilespmem:$0x17380] =	vst v63  }
0x86: {  	s20 =	simm.s32 $0x2980  }
0x87: {  	[tilespmem:s20], [sflag:$0x1] =	stream.indirect_vreg.gather [hbm4b:s9+s18], $0x80, v18, vm0, $0xb8;
	[tilespmem:$0x17380] =	vst v63  }
0x88: {  	s21 =	simm.s32 $0x3180  }
0x89: {  	[tilespmem:s21], [sflag:$0x1] =	stream.indirect_vreg.gather [hbm4b:s4+s18], $0x80, v17, vm0, $0xb8;
	[tilespmem:$0x17380] =	vst v63  }
0x8a: {  	s22 =	simm.s32 $0x3980  }
0x8b: {  	[tilespmem:s22], [sflag:$0x1] =	stream.indirect_vreg.gather [hbm4b:s9+s18], $0x80, v17, vm0, $0xb8;
	[tilespmem:$0x17380] =	vst v63  }
0x8c: {  	v17 =	vld [tilespmem:$0x120];
	_ =	sdelay $0x4  }
0x8d: {  	v18 =	vshll.u32 v17, $0x2  }
0x8e: {  	v17 =	vand.u32 $0x7, v17;
	v18 =	vand.u32 $0xFFFFFFE0, v18  }
0x8f: {  	v17 =	vor.u32 v17, v18  }
0x90: {  	v18 =	vperm.xlane v17, v11;
	_ =	sdelay $0x1  }
0x91: {  	v18 =	vadd.s32 v12, v18;
	_ =	sdelay $0x1  }
0x92: {  	v17 =	vperm.xlane v17, v13;
	_ =	sdelay $0x1  }
0x93: {  	s23 =	simm.s32 $0x4180;
	v17 =	vadd.s32 v12, v17  }
0x94: {  	[tilespmem:s23], [sflag:$0x1] =	stream.indirect_vreg.gather [hbm4b:s4+s18], $0x80, v18, vm0, $0xb8;
	[tilespmem:$0x17380] =	vst v63  }
0x95: {  	s24 =	simm.s32 $0x4980  }
0x96: {  	[tilespmem:s24], [sflag:$0x1] =	stream.indirect_vreg.gather [hbm4b:s9+s18], $0x80, v18, vm0, $0xb8;
	[tilespmem:$0x17380] =	vst v63  }
0x97: {  	s25 =	simm.s32 $0x5180  }
0x98: {  	[tilespmem:s25], [sflag:$0x1] =	stream.indirect_vreg.gather [hbm4b:s4+s18], $0x80, v17, vm0, $0xb8;
	[tilespmem:$0x17380] =	vst v63  }
0x99: {  	s19 =	simm.s32 $0x5980  }
0x9a: {  	[tilespmem:s19], [sflag:$0x1] =	stream.indirect_vreg.gather [hbm4b:s9+s18], $0x80, v17, vm0, $0xb8;
	[tilespmem:$0x17380] =	vst v63  }
0x9b: {  	v17 =	vld [tilespmem:$0x130];
	_ =	sdelay $0x4  }
0x9c: {  	v18 =	vshll.u32 v17, $0x2  }
0x9d: {  	v17 =	vand.u32 $0x7, v17;
	v18 =	vand.u32 $0xFFFFFFE0, v18  }
0x9e: {  	v17 =	vor.u32 v17, v18  }
0x9f: {  	v18 =	vperm.xlane v17, v11;
	_ =	sdelay $0x1  }
0xa0: {  	v18 =	vadd.s32 v12, v18;
	_ =	sdelay $0x1  }
0xa1: {  	v17 =	vperm.xlane v17, v13;
	_ =	sdelay $0x1  }
0xa2: {  	s20 =	simm.s32 $0x6180;
	v17 =	vadd.s32 v12, v17  }
0xa3: {  	[tilespmem:s20], [sflag:$0x1] =	stream.indirect_vreg.gather [hbm4b:s4+s18], $0x80, v18, vm0, $0xb8;
	[tilespmem:$0x17380] =	vst v63  }
0xa4: {  	s21 =	simm.s32 $0x6980  }
0xa5: {  	[tilespmem:s21], [sflag:$0x1] =	stream.indirect_vreg.gather [hbm4b:s9+s18], $0x80, v18, vm0, $0xb8;
	[tilespmem:$0x17380] =	vst v63  }
0xa6: {  	s22 =	simm.s32 $0x7180  }
0xa7: {  	[tilespmem:s22], [sflag:$0x1] =	stream.indirect_vreg.gather [hbm4b:s4+s18], $0x80, v17, vm0, $0xb8;
	[tilespmem:$0x17380] =	vst v63  }
0xa8: {  	s23 =	simm.s32 $0x7980  }
0xa9: {  	[tilespmem:s23], [sflag:$0x1] =	stream.indirect_vreg.gather [hbm4b:s9+s18], $0x80, v17, vm0, $0xb8;
	[tilespmem:$0x17380] =	vst v63  }
0xaa: {  	v17 =	vld [tilespmem:$0x140];
	_ =	sdelay $0x4  }
0xab: {  	v18 =	vshll.u32 v17, $0x2  }
0xac: {  	v17 =	vand.u32 $0x7, v17;
	v18 =	vand.u32 $0xFFFFFFE0, v18  }
0xad: {  	v17 =	vor.u32 v17, v18  }
0xae: {  	v18 =	vperm.xlane v17, v11;
	_ =	sdelay $0x1  }
0xaf: {  	v18 =	vadd.s32 v12, v18;
	_ =	sdelay $0x1  }
0xb0: {  	v17 =	vperm.xlane v17, v13;
	_ =	sdelay $0x1  }
0xb1: {  	s24 =	simm.s32 $0x8180;
	v17 =	vadd.s32 v12, v17  }
0xb2: {  	[tilespmem:s24], [sflag:$0x1] =	stream.indirect_vreg.gather [hbm4b:s4+s18], $0x80, v18, vm0, $0xb8;
	[tilespmem:$0x17380] =	vst v63  }
0xb3: {  	s25 =	simm.s32 $0x8980  }
0xb4: {  	[tilespmem:s25], [sflag:$0x1] =	stream.indirect_vreg.gather [hbm4b:s9+s18], $0x80, v18, vm0, $0xb8;
	[tilespmem:$0x17380] =	vst v63  }
0xb5: {  	s19 =	simm.s32 $0x9180  }
0xb6: {  	[tilespmem:s19], [sflag:$0x1] =	stream.indirect_vreg.gather [hbm4b:s4+s18], $0x80, v17, vm0, $0xb8;
	[tilespmem:$0x17380] =	vst v63  }
0xb7: {  	s20 =	simm.s32 $0x9980  }
0xb8: {  	[tilespmem:s20], [sflag:$0x1] =	stream.indirect_vreg.gather [hbm4b:s9+s18], $0x80, v17, vm0, $0xb8;
	[tilespmem:$0x17380] =	vst v63  }
0xb9: {  	v17 =	vld [tilespmem:$0x150];
	_ =	sdelay $0x4  }
0xba: {  	v18 =	vshll.u32 v17, $0x2  }
0xbb: {  	v17 =	vand.u32 $0x7, v17;
	v18 =	vand.u32 $0xFFFFFFE0, v18  }
0xbc: {  	v17 =	vor.u32 v17, v18  }
0xbd: {  	v18 =	vperm.xlane v17, v11;
	_ =	sdelay $0x1  }
0xbe: {  	v18 =	vadd.s32 v12, v18;
	_ =	sdelay $0x1  }
0xbf: {  	v17 =	vperm.xlane v17, v13;
	_ =	sdelay $0x1  }
0xc0: {  	s21 =	simm.s32 $0xA180;
	v17 =	vadd.s32 v12, v17  }
0xc1: {  	[tilespmem:s21], [sflag:$0x1] =	stream.indirect_vreg.gather [hbm4b:s4+s18], $0x80, v18, vm0, $0xb8;
	[tilespmem:$0x17380] =	vst v63  }
0xc2: {  	s22 =	simm.s32 $0xA980  }
0xc3: {  	[tilespmem:s22], [sflag:$0x1] =	stream.indirect_vreg.gather [hbm4b:s9+s18], $0x80, v18, vm0, $0xb8;
	[tilespmem:$0x17380] =	vst v63  }
0xc4: {  	s23 =	simm.s32 $0xB180  }
0xc5: {  	[tilespmem:s23], [sflag:$0x1] =	stream.indirect_vreg.gather [hbm4b:s4+s18], $0x80, v17, vm0, $0xb8;
	[tilespmem:$0x17380] =	vst v63  }
0xc6: {  	s24 =	simm.s32 $0xB980  }
0xc7: {  	[tilespmem:s24], [sflag:$0x1] =	stream.indirect_vreg.gather [hbm4b:s9+s18], $0x80, v17, vm0, $0xb8;
	[tilespmem:$0x17380] =	vst v63  }
0xc8: {  	v17 =	vld [tilespmem:$0x160];
	_ =	sdelay $0x4  }
0xc9: {  	v18 =	vshll.u32 v17, $0x2  }
0xca: {  	v17 =	vand.u32 $0x7, v17;
	v18 =	vand.u32 $0xFFFFFFE0, v18  }
0xcb: {  	v17 =	vor.u32 v17, v18  }
0xcc: {  	v18 =	vperm.xlane v17, v11;
	_ =	sdelay $0x1  }
0xcd: {  	v18 =	vadd.s32 v12, v18;
	_ =	sdelay $0x1  }
0xce: {  	v17 =	vperm.xlane v17, v13;
	_ =	sdelay $0x1  }
0xcf: {  	s25 =	simm.s32 $0xC180;
	v17 =	vadd.s32 v12, v17  }
0xd0: {  	[tilespmem:s25], [sflag:$0x1] =	stream.indirect_vreg.gather [hbm4b:s4+s18], $0x80, v18, vm0, $0xb8;
	[tilespmem:$0x17380] =	vst v63  }
0xd1: {  	s19 =	simm.s32 $0xC980  }
0xd2: {  	[tilespmem:s19], [sflag:$0x1] =	stream.indirect_vreg.gather [hbm4b:s9+s18], $0x80, v18, vm0, $0xb8;
	[tilespmem:$0x17380] =	vst v63  }
0xd3: {  	s20 =	simm.s32 $0xD180  }
0xd4: {  	[tilespmem:s20], [sflag:$0x1] =	stream.indirect_vreg.gather [hbm4b:s4+s18], $0x80, v17, vm0, $0xb8;
	[tilespmem:$0x17380] =	vst v63  }
0xd5: {  	s21 =	simm.s32 $0xD980  }
0xd6: {  	[tilespmem:s21], [sflag:$0x1] =	stream.indirect_vreg.gather [hbm4b:s9+s18], $0x80, v17, vm0, $0xb8;
	[tilespmem:$0x17380] =	vst v63  }
0xd7: {  	v17 =	vld [tilespmem:$0x170];
	_ =	sdelay $0x4  }
0xd8: {  	v18 =	vshll.u32 v17, $0x2  }
0xd9: {  	v17 =	vand.u32 $0x7, v17;
	v18 =	vand.u32 $0xFFFFFFE0, v18  }
0xda: {  	v17 =	vor.u32 v17, v18  }
0xdb: {  	v18 =	vperm.xlane v17, v11;
	_ =	sdelay $0x1  }
0xdc: {  	v18 =	vadd.s32 v12, v18;
	_ =	sdelay $0x1  }
0xdd: {  	v17 =	vperm.xlane v17, v13;
	_ =	sdelay $0x1  }
0xde: {  	s22 =	simm.s32 $0xE180;
	v17 =	vadd.s32 v12, v17  }
0xdf: {  	[tilespmem:s22], [sflag:$0x1] =	stream.indirect_vreg.gather [hbm4b:s4+s18], $0x80, v18, vm0, $0xb8;
	[tilespmem:$0x17380] =	vst v63  }
0xe0: {  	s23 =	simm.s32 $0xE980  }
0xe1: {  	[tilespmem:s23], [sflag:$0x1] =	stream.indirect_vreg.gather [hbm4b:s9+s18], $0x80, v18, vm0, $0xb8;
	[tilespmem:$0x17380] =	vst v63  }
0xe2: {  	s24 =	simm.s32 $0xF180  }
0xe3: {  	[tilespmem:s24], [sflag:$0x1] =	stream.indirect_vreg.gather [hbm4b:s4+s18], $0x80, v17, vm0, $0xb8;
	[tilespmem:$0x17380] =	vst v63  }
0xe4: {  	s25 =	simm.s32 $0xF980  }
0xe5: {  	[tilespmem:s25], [sflag:$0x1] =	stream.indirect_vreg.gather [hbm4b:s9+s18], $0x80, v17, vm0, $0xb8;
	[tilespmem:$0x17380] =	vst v63  }
0xe6: {  	_ =	swait.ge [sflag:s26], $0x10000  }
0xe7: {  	[sflag:s26] =	ssyncset.done $0x0  }
0xe8: {  	[sflag:s26] =	ssyncadd.s32 $0xFFFF0000  }
0xe9: {  	[tilespmem:$0x10180] =	vst v0  }
0xea: {  	[tilespmem:$0x10580] =	vst v14  }
0xeb: {  	[tilespmem:$0x10190] =	vst v0  }
0xec: {  	[tilespmem:$0x10590] =	vst v14  }
0xed: {  	[tilespmem:$0x101A0] =	vst v0  }
0xee: {  	[tilespmem:$0x105A0] =	vst v14  }
0xef: {  	[tilespmem:$0x101B0] =	vst v0  }
0xf0: {  	[tilespmem:$0x105B0] =	vst v14  }
0xf1: {  	[tilespmem:$0x101C0] =	vst v0  }
0xf2: {  	[tilespmem:$0x105C0] =	vst v14  }
0xf3: {  	[tilespmem:$0x101D0] =	vst v0  }
0xf4: {  	[tilespmem:$0x105D0] =	vst v14  }
0xf5: {  	[tilespmem:$0x101E0] =	vst v0  }
0xf6: {  	[tilespmem:$0x105E0] =	vst v14  }
0xf7: {  	[tilespmem:$0x101F0] =	vst v0  }
0xf8: {  	[tilespmem:$0x105F0] =	vst v14  }
0xf9: {  	[tilespmem:$0x10200] =	vst v0  }
0xfa: {  	[tilespmem:$0x10600] =	vst v14  }
0xfb: {  	[tilespmem:$0x10210] =	vst v0  }
0xfc: {  	[tilespmem:$0x10610] =	vst v14  }
0xfd: {  	[tilespmem:$0x10220] =	vst v0  }
0xfe: {  	[tilespmem:$0x10620] =	vst v14  }
0xff: {  	[tilespmem:$0x10230] =	vst v0  }
0x100: {  	[tilespmem:$0x10630] =	vst v14  }
0x101: {  	[tilespmem:$0x10240] =	vst v0  }
0x102: {  	[tilespmem:$0x10640] =	vst v14  }
0x103: {  	[tilespmem:$0x10250] =	vst v0  }
0x104: {  	[tilespmem:$0x10650] =	vst v14  }
0x105: {  	[tilespmem:$0x10260] =	vst v0  }
0x106: {  	[tilespmem:$0x10660] =	vst v14  }
0x107: {  	[tilespmem:$0x10270] =	vst v0  }
0x108: {  	[tilespmem:$0x10670] =	vst v14  }
0x109: {  	[tilespmem:$0x10280] =	vst v0  }
0x10a: {  	[tilespmem:$0x10680] =	vst v14  }
0x10b: {  	[tilespmem:$0x10290] =	vst v0  }
0x10c: {  	[tilespmem:$0x10690] =	vst v14  }
0x10d: {  	[tilespmem:$0x102A0] =	vst v0  }
0x10e: {  	[tilespmem:$0x106A0] =	vst v14  }
0x10f: {  	[tilespmem:$0x102B0] =	vst v0  }
0x110: {  	[tilespmem:$0x106B0] =	vst v14  }
0x111: {  	[tilespmem:$0x102C0] =	vst v0  }
0x112: {  	[tilespmem:$0x106C0] =	vst v14  }
0x113: {  	[tilespmem:$0x102D0] =	vst v0  }
0x114: {  	[tilespmem:$0x106D0] =	vst v14  }
0x115: {  	[tilespmem:$0x102E0] =	vst v0  }
0x116: {  	[tilespmem:$0x106E0] =	vst v14  }
0x117: {  	[tilespmem:$0x102F0] =	vst v0  }
0x118: {  	[tilespmem:$0x106F0] =	vst v14  }
0x119: {  	[tilespmem:$0x10300] =	vst v0  }
0x11a: {  	[tilespmem:$0x10700] =	vst v14  }
0x11b: {  	[tilespmem:$0x10310] =	vst v0  }
0x11c: {  	[tilespmem:$0x10710] =	vst v14  }
0x11d: {  	[tilespmem:$0x10320] =	vst v0  }
0x11e: {  	[tilespmem:$0x10720] =	vst v14  }
0x11f: {  	[tilespmem:$0x10330] =	vst v0  }
0x120: {  	[tilespmem:$0x10730] =	vst v14  }
0x121: {  	[tilespmem:$0x10340] =	vst v0  }
0x122: {  	[tilespmem:$0x10740] =	vst v14  }
0x123: {  	[tilespmem:$0x10350] =	vst v0  }
0x124: {  	[tilespmem:$0x10750] =	vst v14  }
0x125: {  	[tilespmem:$0x10360] =	vst v0  }
0x126: {  	[tilespmem:$0x10760] =	vst v14  }
0x127: {  	[tilespmem:$0x10370] =	vst v0  }
0x128: {  	[tilespmem:$0x10770] =	vst v14  }
0x129: {  	[tilespmem:$0x10380] =	vst v0  }
0x12a: {  	[tilespmem:$0x10780] =	vst v14  }
0x12b: {  	[tilespmem:$0x10390] =	vst v0  }
0x12c: {  	[tilespmem:$0x10790] =	vst v14  }
0x12d: {  	[tilespmem:$0x103A0] =	vst v0  }
0x12e: {  	[tilespmem:$0x107A0] =	vst v14  }
0x12f: {  	[tilespmem:$0x103B0] =	vst v0  }
0x130: {  	[tilespmem:$0x107B0] =	vst v14  }
0x131: {  	[tilespmem:$0x103C0] =	vst v0  }
0x132: {  	[tilespmem:$0x107C0] =	vst v14  }
0x133: {  	[tilespmem:$0x103D0] =	vst v0  }
0x134: {  	[tilespmem:$0x107D0] =	vst v14  }
0x135: {  	[tilespmem:$0x103E0] =	vst v0  }
0x136: {  	[tilespmem:$0x107E0] =	vst v14  }
0x137: {  	[tilespmem:$0x103F0] =	vst v0  }
0x138: {  	[tilespmem:$0x107F0] =	vst v14  }
0x139: {  	[tilespmem:$0x10400] =	vst v0  }
0x13a: {  	[tilespmem:$0x10800] =	vst v14  }
0x13b: {  	[tilespmem:$0x10410] =	vst v0  }
0x13c: {  	[tilespmem:$0x10810] =	vst v14  }
0x13d: {  	[tilespmem:$0x10420] =	vst v0  }
0x13e: {  	[tilespmem:$0x10820] =	vst v14  }
0x13f: {  	[tilespmem:$0x10430] =	vst v0  }
0x140: {  	[tilespmem:$0x10830] =	vst v14  }
0x141: {  	[tilespmem:$0x10440] =	vst v0  }
0x142: {  	[tilespmem:$0x10840] =	vst v14  }
0x143: {  	[tilespmem:$0x10450] =	vst v0  }
0x144: {  	[tilespmem:$0x10850] =	vst v14  }
0x145: {  	[tilespmem:$0x10460] =	vst v0  }
0x146: {  	[tilespmem:$0x10860] =	vst v14  }
0x147: {  	[tilespmem:$0x10470] =	vst v0  }
0x148: {  	[tilespmem:$0x10870] =	vst v14  }
0x149: {  	[tilespmem:$0x10480] =	vst v0  }
0x14a: {  	[tilespmem:$0x10880] =	vst v14  }
0x14b: {  	[tilespmem:$0x10490] =	vst v0  }
0x14c: {  	[tilespmem:$0x10890] =	vst v14  }
0x14d: {  	[tilespmem:$0x104A0] =	vst v0  }
0x14e: {  	[tilespmem:$0x108A0] =	vst v14  }
0x14f: {  	[tilespmem:$0x104B0] =	vst v0  }
0x150: {  	[tilespmem:$0x108B0] =	vst v14  }
0x151: {  	[tilespmem:$0x104C0] =	vst v0  }
0x152: {  	[tilespmem:$0x108C0] =	vst v14  }
0x153: {  	[tilespmem:$0x104D0] =	vst v0  }
0x154: {  	[tilespmem:$0x108D0] =	vst v14  }
0x155: {  	[tilespmem:$0x104E0] =	vst v0  }
0x156: {  	[tilespmem:$0x108E0] =	vst v14  }
0x157: {  	[tilespmem:$0x104F0] =	vst v0  }
0x158: {  	[tilespmem:$0x108F0] =	vst v14  }
0x159: {  	[tilespmem:$0x10500] =	vst v0  }
0x15a: {  	[tilespmem:$0x10900] =	vst v14  }
0x15b: {  	[tilespmem:$0x10510] =	vst v0  }
0x15c: {  	[tilespmem:$0x10910] =	vst v14  }
0x15d: {  	[tilespmem:$0x10520] =	vst v0  }
0x15e: {  	[tilespmem:$0x10920] =	vst v14  }
0x15f: {  	[tilespmem:$0x10530] =	vst v0  }
0x160: {  	[tilespmem:$0x10930] =	vst v14  }
0x161: {  	[tilespmem:$0x10540] =	vst v0  }
0x162: {  	[tilespmem:$0x10940] =	vst v14  }
0x163: {  	[tilespmem:$0x10550] =	vst v0  }
0x164: {  	[tilespmem:$0x10950] =	vst v14  }
0x165: {  	[tilespmem:$0x10560] =	vst v0  }
0x166: {  	[tilespmem:$0x10960] =	vst v14  }
0x167: {  	[tilespmem:$0x10570] =	vst v0  }
0x168: {  	s19 =	simm.s32 $0x0;
	s20 =	simm.s32 $0x0;
	s22 =	simm.s32 $0x0;
	[tilespmem:$0x10970] =	vst v14  }
.LBB2_7:
0x169: {  	s21 =	sand.u32 $0xF000, s18;
	s23 =	sand.u32 $0x380, s19  }
0x16a: {  	s21 =	sor.u32 s23, s21  }
0x16b: {  	v18 =	vld [tilespmem:s21+$0x180];
	_ =	sdelay $0x4  }
0x16c: {  	vm1 =	vge.f32 v18, v16  }
0x16d: {  	v17 =	vmpcnt.ones.xlane vm1;
	_ =	sdelay $0x1  }
0x16e: {  	v17 =	vxor.u32 $0x80000000, v17  }
0x16f: {  	(xrf0) =	vmax.scan.msk.u32 $0xffff, v17;
	_ =	sdelay $0x5  }
0x170: {  	v17, _, _ =	vpop (xrf0)  }
0x171: {  	(v2sf) =	vpush v17, $0xF;
	_ =	sdelay $0x6  }
0x172: {  	v17 =	vmov s20;
	_ =	sdelay $0x4  }
0x173: {  	v17 =	vld.idx.msk [tilespmem:v17+s15+$0x0], $0xffff;
	_ =	sdelay $0x2  }
0x174: {  	s25 =	spop (v2sf)  }
0x175: {  	s23 =	sxor.u32 $0x80000000, s25  }
0x176: {  	v17 =	vsub.s32 v17, v15;
	p0 =	slt.s32 s23, $0x1  }
0x177: {  	v17 =	vshll.u32 v17, $0x9;
	vm1 =	vge.f32 @!p0 v18, v16;
	v19 =	vlaneseq.u32 @!p0  }
0x178: {  	[tilespmem:s22+$0x10180] =	vst.msk @!p0 vm1, v18;
	v18 =	vor.u32 @!p0 v19, v17  }
0x179: {  	s21 =	sadd.s32 $0x180, s21;
	[tilespmem:s22+$0x10580] =	vst.msk @!p0 vm1, v18  }
0x17a: {  	v18 =	vld [tilespmem:s21+$0x10];
	_ =	sdelay $0x4  }
0x17b: {  	vm1 =	vge.f32 v18, v16  }
0x17c: {  	v19 =	vmpcnt.ones.xlane vm1;
	_ =	sdelay $0x1  }
0x17d: {  	v19 =	vxor.u32 $0x80000000, v19  }
0x17e: {  	(xrf0) =	vmax.scan.msk.u32 $0xffff, v19;
	_ =	sdelay $0x5  }
0x17f: {  	v19, _, _ =	vpop (xrf0)  }
0x180: {  	(v2sf) =	vpush v19, $0xF;
	_ =	sdelay $0xe  }
0x181: {  	s24 =	spop (v2sf)  }
0x182: {  	s24 =	sxor.u32 $0x80000000, s24  }
0x183: {  	s22 =	sadd.s32 s22, s23;
	p0 =	slt.s32 s24, $0x1  }
0x184: {  	p1 =	slt.s32 s22, $0x3F0;
	v19 =	vlaneseq.u32 @!p0  }
0x185: {  	s22 =	simm.s32 @!p1 $0x3F0;
	vm1 =	vge.f32 @!p0 v18, v16;
	v19 =	vor.u32 @!p0 $0x10, v19  }
0x186: {  	[tilespmem:s22+$0x10180] =	vst.msk @!p0 vm1, v18;
	v18 =	vor.u32 @!p0 v19, v17  }
0x187: {  	[tilespmem:s22+$0x10580] =	vst.msk @!p0 vm1, v18  }
0x188: {  	v18 =	vld [tilespmem:s21+$0x20];
	_ =	sdelay $0x4  }
0x189: {  	vm1 =	vge.f32 v18, v16  }
0x18a: {  	v19 =	vmpcnt.ones.xlane vm1;
	_ =	sdelay $0x1  }
0x18b: {  	v19 =	vxor.u32 $0x80000000, v19  }
0x18c: {  	(xrf0) =	vmax.scan.msk.u32 $0xffff, v19;
	_ =	sdelay $0x5  }
0x18d: {  	v19, _, _ =	vpop (xrf0)  }
0x18e: {  	(v2sf) =	vpush v19, $0xF;
	_ =	sdelay $0xe  }
0x18f: {  	s1 =	spop (v2sf)  }
0x190: {  	s23 =	sxor.u32 $0x80000000, s1  }
0x191: {  	s22 =	sadd.s32 s22, s24;
	p0 =	slt.s32 s23, $0x1  }
0x192: {  	p1 =	slt.s32 s22, $0x3F0;
	v19 =	vlaneseq.u32 @!p0  }
0x193: {  	s22 =	simm.s32 @!p1 $0x3F0;
	vm1 =	vge.f32 @!p0 v18, v16;
	v19 =	vor.u32 @!p0 $0x20, v19  }
0x194: {  	[tilespmem:s22+$0x10180] =	vst.msk @!p0 vm1, v18;
	v18 =	vor.u32 @!p0 v19, v17  }
0x195: {  	[tilespmem:s22+$0x10580] =	vst.msk @!p0 vm1, v18  }
0x196: {  	v18 =	vld [tilespmem:s21+$0x30];
	_ =	sdelay $0x4  }
0x197: {  	vm1 =	vge.f32 v18, v16  }
0x198: {  	v19 =	vmpcnt.ones.xlane vm1;
	_ =	sdelay $0x1  }
0x199: {  	v19 =	vxor.u32 $0x80000000, v19  }
0x19a: {  	(xrf0) =	vmax.scan.msk.u32 $0xffff, v19;
	_ =	sdelay $0x5  }
0x19b: {  	v19, _, _ =	vpop (xrf0)  }
0x19c: {  	(v2sf) =	vpush v19, $0xF;
	_ =	sdelay $0xe  }
0x19d: {  	s25 =	spop (v2sf)  }
0x19e: {  	s24 =	sxor.u32 $0x80000000, s25  }
0x19f: {  	s22 =	sadd.s32 s22, s23;
	p0 =	slt.s32 s24, $0x1  }
0x1a0: {  	p1 =	slt.s32 s22, $0x3F0;
	v19 =	vlaneseq.u32 @!p0  }
0x1a1: {  	s22 =	simm.s32 @!p1 $0x3F0;
	vm1 =	vge.f32 @!p0 v18, v16;
	v19 =	vor.u32 @!p0 $0x30, v19  }
0x1a2: {  	[tilespmem:s22+$0x10180] =	vst.msk @!p0 vm1, v18;
	v18 =	vor.u32 @!p0 v19, v17  }
0x1a3: {  	[tilespmem:s22+$0x10580] =	vst.msk @!p0 vm1, v18  }
0x1a4: {  	v18 =	vld [tilespmem:s21+$0x40];
	_ =	sdelay $0x4  }
0x1a5: {  	vm1 =	vge.f32 v18, v16  }
0x1a6: {  	v19 =	vmpcnt.ones.xlane vm1;
	_ =	sdelay $0x1  }
0x1a7: {  	v19 =	vxor.u32 $0x80000000, v19  }
0x1a8: {  	(xrf0) =	vmax.scan.msk.u32 $0xffff, v19;
	_ =	sdelay $0x5  }
0x1a9: {  	v19, _, _ =	vpop (xrf0)  }
0x1aa: {  	(v2sf) =	vpush v19, $0xF;
	_ =	sdelay $0xe  }
0x1ab: {  	s1 =	spop (v2sf)  }
0x1ac: {  	s23 =	sxor.u32 $0x80000000, s1  }
0x1ad: {  	s22 =	sadd.s32 s22, s24;
	p0 =	slt.s32 s23, $0x1  }
0x1ae: {  	p1 =	slt.s32 s22, $0x3F0;
	v19 =	vlaneseq.u32 @!p0  }
0x1af: {  	s22 =	simm.s32 @!p1 $0x3F0;
	vm1 =	vge.f32 @!p0 v18, v16;
	v19 =	vor.u32 @!p0 $0x40, v19  }
0x1b0: {  	[tilespmem:s22+$0x10180] =	vst.msk @!p0 vm1, v18;
	v18 =	vor.u32 @!p0 v19, v17  }
0x1b1: {  	[tilespmem:s22+$0x10580] =	vst.msk @!p0 vm1, v18  }
0x1b2: {  	v18 =	vld [tilespmem:s21+$0x50];
	_ =	sdelay $0x4  }
0x1b3: {  	vm1 =	vge.f32 v18, v16  }
0x1b4: {  	v19 =	vmpcnt.ones.xlane vm1;
	_ =	sdelay $0x1  }
0x1b5: {  	v19 =	vxor.u32 $0x80000000, v19  }
0x1b6: {  	(xrf0) =	vmax.scan.msk.u32 $0xffff, v19;
	_ =	sdelay $0x5  }
0x1b7: {  	v19, _, _ =	vpop (xrf0)  }
0x1b8: {  	(v2sf) =	vpush v19, $0xF;
	_ =	sdelay $0xe  }
0x1b9: {  	s25 =	spop (v2sf)  }
0x1ba: {  	s24 =	sxor.u32 $0x80000000, s25  }
0x1bb: {  	s22 =	sadd.s32 s22, s23;
	p0 =	slt.s32 s24, $0x1  }
0x1bc: {  	p1 =	slt.s32 s22, $0x3F0;
	v19 =	vlaneseq.u32 @!p0  }
0x1bd: {  	s22 =	simm.s32 @!p1 $0x3F0;
	vm1 =	vge.f32 @!p0 v18, v16;
	v19 =	vor.u32 @!p0 $0x50, v19  }
0x1be: {  	[tilespmem:s22+$0x10180] =	vst.msk @!p0 vm1, v18;
	v18 =	vor.u32 @!p0 v19, v17  }
0x1bf: {  	[tilespmem:s22+$0x10580] =	vst.msk @!p0 vm1, v18  }
0x1c0: {  	v18 =	vld [tilespmem:s21+$0x60];
	_ =	sdelay $0x4  }
0x1c1: {  	vm1 =	vge.f32 v18, v16  }
0x1c2: {  	v19 =	vmpcnt.ones.xlane vm1;
	_ =	sdelay $0x1  }
0x1c3: {  	v19 =	vxor.u32 $0x80000000, v19  }
0x1c4: {  	(xrf0) =	vmax.scan.msk.u32 $0xffff, v19;
	_ =	sdelay $0x5  }
0x1c5: {  	v19, _, _ =	vpop (xrf0)  }
0x1c6: {  	(v2sf) =	vpush v19, $0xF;
	_ =	sdelay $0xe  }
0x1c7: {  	s1 =	spop (v2sf)  }
0x1c8: {  	s23 =	sxor.u32 $0x80000000, s1  }
0x1c9: {  	s22 =	sadd.s32 s22, s24;
	p0 =	slt.s32 s23, $0x1  }
0x1ca: {  	p1 =	slt.s32 s22, $0x3F0;
	v19 =	vlaneseq.u32 @!p0  }
0x1cb: {  	s22 =	simm.s32 @!p1 $0x3F0;
	vm1 =	vge.f32 @!p0 v18, v16;
	v19 =	vor.u32 @!p0 $0x60, v19  }
0x1cc: {  	[tilespmem:s22+$0x10180] =	vst.msk @!p0 vm1, v18;
	v18 =	vor.u32 @!p0 v19, v17  }
0x1cd: {  	[tilespmem:s22+$0x10580] =	vst.msk @!p0 vm1, v18  }
0x1ce: {  	v18 =	vld [tilespmem:s21+$0x70];
	_ =	sdelay $0x4  }
0x1cf: {  	vm1 =	vge.f32 v18, v16  }
0x1d0: {  	v19 =	vmpcnt.ones.xlane vm1;
	_ =	sdelay $0x1  }
0x1d1: {  	v19 =	vxor.u32 $0x80000000, v19  }
0x1d2: {  	(xrf0) =	vmax.scan.msk.u32 $0xffff, v19;
	_ =	sdelay $0x5  }
0x1d3: {  	v19, _, _ =	vpop (xrf0)  }
0x1d4: {  	(v2sf) =	vpush v19, $0xF;
	_ =	sdelay $0xe  }
0x1d5: {  	s25 =	spop (v2sf)  }
0x1d6: {  	s24 =	sxor.u32 $0x80000000, s25  }
0x1d7: {  	s22 =	sadd.s32 s22, s23;
	p0 =	slt.s32 s24, $0x1  }
0x1d8: {  	p1 =	slt.s32 s22, $0x3F0;
	v19 =	vlaneseq.u32 @!p0  }
0x1d9: {  	s22 =	simm.s32 @!p1 $0x3F0;
	vm1 =	vge.f32 @!p0 v18, v16;
	v19 =	vor.u32 @!p0 $0x70, v19  }
0x1da: {  	[tilespmem:s22+$0x10180] =	vst.msk @!p0 vm1, v18;
	v18 =	vor.u32 @!p0 v19, v17  }
0x1db: {  	[tilespmem:s22+$0x10580] =	vst.msk @!p0 vm1, v18  }
0x1dc: {  	v18 =	vld [tilespmem:s21+$0x400];
	_ =	sdelay $0x4  }
0x1dd: {  	vm1 =	vge.f32 v18, v16  }
0x1de: {  	v19 =	vmpcnt.ones.xlane vm1;
	_ =	sdelay $0x1  }
0x1df: {  	v19 =	vxor.u32 $0x80000000, v19  }
0x1e0: {  	(xrf0) =	vmax.scan.msk.u32 $0xffff, v19;
	_ =	sdelay $0x5  }
0x1e1: {  	v19, _, _ =	vpop (xrf0)  }
0x1e2: {  	(v2sf) =	vpush v19, $0xF;
	_ =	sdelay $0xe  }
0x1e3: {  	s1 =	spop (v2sf)  }
0x1e4: {  	s23 =	sxor.u32 $0x80000000, s1  }
0x1e5: {  	s22 =	sadd.s32 s22, s24;
	p0 =	slt.s32 s23, $0x1  }
0x1e6: {  	p1 =	slt.s32 s22, $0x3F0;
	v19 =	vlaneseq.u32 @!p0  }
0x1e7: {  	s22 =	simm.s32 @!p1 $0x3F0;
	vm1 =	vge.f32 @!p0 v18, v16;
	v19 =	vor.u32 @!p0 $0x80, v19  }
0x1e8: {  	[tilespmem:s22+$0x10180] =	vst.msk @!p0 vm1, v18;
	v18 =	vor.u32 @!p0 v19, v17  }
0x1e9: {  	[tilespmem:s22+$0x10580] =	vst.msk @!p0 vm1, v18  }
0x1ea: {  	v18 =	vld [tilespmem:s21+$0x410];
	_ =	sdelay $0x4  }
0x1eb: {  	vm1 =	vge.f32 v18, v16  }
0x1ec: {  	v19 =	vmpcnt.ones.xlane vm1;
	_ =	sdelay $0x1  }
0x1ed: {  	v19 =	vxor.u32 $0x80000000, v19  }
0x1ee: {  	(xrf0) =	vmax.scan.msk.u32 $0xffff, v19;
	_ =	sdelay $0x5  }
0x1ef: {  	v19, _, _ =	vpop (xrf0)  }
0x1f0: {  	(v2sf) =	vpush v19, $0xF;
	_ =	sdelay $0xe  }
0x1f1: {  	s25 =	spop (v2sf)  }
0x1f2: {  	s24 =	sxor.u32 $0x80000000, s25  }
0x1f3: {  	s22 =	sadd.s32 s22, s23;
	p0 =	slt.s32 s24, $0x1  }
0x1f4: {  	p1 =	slt.s32 s22, $0x3F0;
	v19 =	vlaneseq.u32 @!p0  }
0x1f5: {  	s22 =	simm.s32 @!p1 $0x3F0;
	vm1 =	vge.f32 @!p0 v18, v16;
	v19 =	vor.u32 @!p0 $0x90, v19  }
0x1f6: {  	[tilespmem:s22+$0x10180] =	vst.msk @!p0 vm1, v18;
	v18 =	vor.u32 @!p0 v19, v17  }
0x1f7: {  	[tilespmem:s22+$0x10580] =	vst.msk @!p0 vm1, v18  }
0x1f8: {  	v18 =	vld [tilespmem:s21+$0x420];
	_ =	sdelay $0x4  }
0x1f9: {  	vm1 =	vge.f32 v18, v16  }
0x1fa: {  	v19 =	vmpcnt.ones.xlane vm1;
	_ =	sdelay $0x1  }
0x1fb: {  	v19 =	vxor.u32 $0x80000000, v19  }
0x1fc: {  	(xrf0) =	vmax.scan.msk.u32 $0xffff, v19;
	_ =	sdelay $0x5  }
0x1fd: {  	v19, _, _ =	vpop (xrf0)  }
0x1fe: {  	(v2sf) =	vpush v19, $0xF;
	_ =	sdelay $0xe  }
0x1ff: {  	s1 =	spop (v2sf)  }
0x200: {  	s23 =	sxor.u32 $0x80000000, s1  }
0x201: {  	s22 =	sadd.s32 s22, s24;
	p0 =	slt.s32 s23, $0x1  }
0x202: {  	p1 =	slt.s32 s22, $0x3F0;
	v19 =	vlaneseq.u32 @!p0  }
0x203: {  	s22 =	simm.s32 @!p1 $0x3F0;
	vm1 =	vge.f32 @!p0 v18, v16;
	v19 =	vor.u32 @!p0 $0xA0, v19  }
0x204: {  	[tilespmem:s22+$0x10180] =	vst.msk @!p0 vm1, v18;
	v18 =	vor.u32 @!p0 v19, v17  }
0x205: {  	[tilespmem:s22+$0x10580] =	vst.msk @!p0 vm1, v18  }
0x206: {  	v18 =	vld [tilespmem:s21+$0x430];
	_ =	sdelay $0x4  }
0x207: {  	vm1 =	vge.f32 v18, v16  }
0x208: {  	v19 =	vmpcnt.ones.xlane vm1;
	_ =	sdelay $0x1  }
0x209: {  	v19 =	vxor.u32 $0x80000000, v19  }
0x20a: {  	(xrf0) =	vmax.scan.msk.u32 $0xffff, v19;
	_ =	sdelay $0x5  }
0x20b: {  	v19, _, _ =	vpop (xrf0)  }
0x20c: {  	(v2sf) =	vpush v19, $0xF;
	_ =	sdelay $0xe  }
0x20d: {  	s25 =	spop (v2sf)  }
0x20e: {  	s24 =	sxor.u32 $0x80000000, s25  }
0x20f: {  	s22 =	sadd.s32 s22, s23;
	p0 =	slt.s32 s24, $0x1  }
0x210: {  	p1 =	slt.s32 s22, $0x3F0;
	v19 =	vlaneseq.u32 @!p0  }
0x211: {  	s22 =	simm.s32 @!p1 $0x3F0;
	vm1 =	vge.f32 @!p0 v18, v16;
	v19 =	vor.u32 @!p0 $0xB0, v19  }
0x212: {  	[tilespmem:s22+$0x10180] =	vst.msk @!p0 vm1, v18;
	v18 =	vor.u32 @!p0 v19, v17  }
0x213: {  	[tilespmem:s22+$0x10580] =	vst.msk @!p0 vm1, v18  }
0x214: {  	v18 =	vld [tilespmem:s21+$0x440];
	_ =	sdelay $0x4  }
0x215: {  	vm1 =	vge.f32 v18, v16  }
0x216: {  	v19 =	vmpcnt.ones.xlane vm1;
	_ =	sdelay $0x1  }
0x217: {  	v19 =	vxor.u32 $0x80000000, v19  }
0x218: {  	(xrf0) =	vmax.scan.msk.u32 $0xffff, v19;
	_ =	sdelay $0x5  }
0x219: {  	v19, _, _ =	vpop (xrf0)  }
0x21a: {  	(v2sf) =	vpush v19, $0xF;
	_ =	sdelay $0xe  }
0x21b: {  	s1 =	spop (v2sf)  }
0x21c: {  	s23 =	sxor.u32 $0x80000000, s1  }
0x21d: {  	s22 =	sadd.s32 s22, s24;
	p0 =	slt.s32 s23, $0x1  }
0x21e: {  	p1 =	slt.s32 s22, $0x3F0;
	v19 =	vlaneseq.u32 @!p0  }
0x21f: {  	s22 =	simm.s32 @!p1 $0x3F0;
	vm1 =	vge.f32 @!p0 v18, v16;
	v19 =	vor.u32 @!p0 $0xC0, v19  }
0x220: {  	[tilespmem:s22+$0x10180] =	vst.msk @!p0 vm1, v18;
	v18 =	vor.u32 @!p0 v19, v17  }
0x221: {  	[tilespmem:s22+$0x10580] =	vst.msk @!p0 vm1, v18  }
0x222: {  	v18 =	vld [tilespmem:s21+$0x450];
	_ =	sdelay $0x4  }
0x223: {  	vm1 =	vge.f32 v18, v16  }
0x224: {  	v19 =	vmpcnt.ones.xlane vm1;
	_ =	sdelay $0x1  }
0x225: {  	v19 =	vxor.u32 $0x80000000, v19  }
0x226: {  	(xrf0) =	vmax.scan.msk.u32 $0xffff, v19;
	_ =	sdelay $0x5  }
0x227: {  	v19, _, _ =	vpop (xrf0)  }
0x228: {  	(v2sf) =	vpush v19, $0xF;
	_ =	sdelay $0xe  }
0x229: {  	s25 =	spop (v2sf)  }
0x22a: {  	s24 =	sxor.u32 $0x80000000, s25  }
0x22b: {  	s22 =	sadd.s32 s22, s23;
	p0 =	slt.s32 s24, $0x1  }
0x22c: {  	p1 =	slt.s32 s22, $0x3F0;
	v19 =	vlaneseq.u32 @!p0  }
0x22d: {  	s22 =	simm.s32 @!p1 $0x3F0;
	vm1 =	vge.f32 @!p0 v18, v16;
	v19 =	vor.u32 @!p0 $0xD0, v19  }
0x22e: {  	[tilespmem:s22+$0x10180] =	vst.msk @!p0 vm1, v18;
	v18 =	vor.u32 @!p0 v19, v17  }
0x22f: {  	[tilespmem:s22+$0x10580] =	vst.msk @!p0 vm1, v18  }
0x230: {  	v18 =	vld [tilespmem:s21+$0x460];
	_ =	sdelay $0x4  }
0x231: {  	vm1 =	vge.f32 v18, v16  }
0x232: {  	v19 =	vmpcnt.ones.xlane vm1;
	_ =	sdelay $0x1  }
0x233: {  	v19 =	vxor.u32 $0x80000000, v19  }
0x234: {  	(xrf0) =	vmax.scan.msk.u32 $0xffff, v19;
	_ =	sdelay $0x5  }
0x235: {  	v19, _, _ =	vpop (xrf0)  }
0x236: {  	(v2sf) =	vpush v19, $0xF;
	_ =	sdelay $0xe  }
0x237: {  	s1 =	spop (v2sf)  }
0x238: {  	s23 =	sxor.u32 $0x80000000, s1  }
0x239: {  	s22 =	sadd.s32 s22, s24;
	p0 =	slt.s32 s23, $0x1  }
0x23a: {  	p1 =	slt.s32 s22, $0x3F0;
	v19 =	vlaneseq.u32 @!p0  }
0x23b: {  	s22 =	simm.s32 @!p1 $0x3F0;
	vm1 =	vge.f32 @!p0 v18, v16;
	v19 =	vor.u32 @!p0 $0xE0, v19  }
0x23c: {  	[tilespmem:s22+$0x10180] =	vst.msk @!p0 vm1, v18;
	v18 =	vor.u32 @!p0 v19, v17  }
0x23d: {  	[tilespmem:s22+$0x10580] =	vst.msk @!p0 vm1, v18  }
0x23e: {  	v18 =	vld [tilespmem:s21+$0x470];
	_ =	sdelay $0x4  }
0x23f: {  	vm1 =	vge.f32 v18, v16  }
0x240: {  	v19 =	vmpcnt.ones.xlane vm1;
	_ =	sdelay $0x1  }
0x241: {  	v19 =	vxor.u32 $0x80000000, v19  }
0x242: {  	(xrf0) =	vmax.scan.msk.u32 $0xffff, v19;
	_ =	sdelay $0x5  }
0x243: {  	v19, _, _ =	vpop (xrf0)  }
0x244: {  	(v2sf) =	vpush v19, $0xF;
	_ =	sdelay $0xe  }
0x245: {  	s25 =	spop (v2sf)  }
0x246: {  	s24 =	sxor.u32 $0x80000000, s25  }
0x247: {  	s22 =	sadd.s32 s22, s23;
	p0 =	slt.s32 s24, $0x1  }
0x248: {  	p1 =	slt.s32 s22, $0x3F0;
	v19 =	vlaneseq.u32 @!p0  }
0x249: {  	s22 =	simm.s32 @!p1 $0x3F0;
	vm1 =	vge.f32 @!p0 v18, v16;
	v19 =	vor.u32 @!p0 $0xF0, v19  }
0x24a: {  	[tilespmem:s22+$0x10180] =	vst.msk @!p0 vm1, v18;
	v18 =	vor.u32 @!p0 v19, v17  }
0x24b: {  	[tilespmem:s22+$0x10580] =	vst.msk @!p0 vm1, v18  }
0x24c: {  	v18 =	vld [tilespmem:s21+$0x800];
	_ =	sdelay $0x4  }
0x24d: {  	vm1 =	vge.f32 v18, v16  }
0x24e: {  	v19 =	vmpcnt.ones.xlane vm1;
	_ =	sdelay $0x1  }
0x24f: {  	v19 =	vxor.u32 $0x80000000, v19  }
0x250: {  	(xrf0) =	vmax.scan.msk.u32 $0xffff, v19;
	_ =	sdelay $0x5  }
0x251: {  	v19, _, _ =	vpop (xrf0)  }
0x252: {  	(v2sf) =	vpush v19, $0xF;
	_ =	sdelay $0xe  }
0x253: {  	s1 =	spop (v2sf)  }
0x254: {  	s23 =	sxor.u32 $0x80000000, s1  }
0x255: {  	s22 =	sadd.s32 s22, s24;
	p0 =	slt.s32 s23, $0x1  }
0x256: {  	p1 =	slt.s32 s22, $0x3F0;
	v19 =	vlaneseq.u32 @!p0  }
0x257: {  	s22 =	simm.s32 @!p1 $0x3F0;
	vm1 =	vge.f32 @!p0 v18, v16;
	v19 =	vor.u32 @!p0 $0x100, v19  }
0x258: {  	[tilespmem:s22+$0x10180] =	vst.msk @!p0 vm1, v18;
	v18 =	vor.u32 @!p0 v19, v17  }
0x259: {  	[tilespmem:s22+$0x10580] =	vst.msk @!p0 vm1, v18  }
0x25a: {  	v18 =	vld [tilespmem:s21+$0x810];
	_ =	sdelay $0x4  }
0x25b: {  	vm1 =	vge.f32 v18, v16  }
0x25c: {  	v19 =	vmpcnt.ones.xlane vm1;
	_ =	sdelay $0x1  }
0x25d: {  	v19 =	vxor.u32 $0x80000000, v19  }
0x25e: {  	(xrf0) =	vmax.scan.msk.u32 $0xffff, v19;
	_ =	sdelay $0x5  }
0x25f: {  	v19, _, _ =	vpop (xrf0)  }
0x260: {  	(v2sf) =	vpush v19, $0xF;
	_ =	sdelay $0xe  }
0x261: {  	s25 =	spop (v2sf)  }
0x262: {  	s24 =	sxor.u32 $0x80000000, s25  }
0x263: {  	s22 =	sadd.s32 s22, s23;
	p0 =	slt.s32 s24, $0x1  }
0x264: {  	p1 =	slt.s32 s22, $0x3F0;
	v19 =	vlaneseq.u32 @!p0  }
0x265: {  	s22 =	simm.s32 @!p1 $0x3F0;
	vm1 =	vge.f32 @!p0 v18, v16;
	v19 =	vor.u32 @!p0 $0x110, v19  }
0x266: {  	[tilespmem:s22+$0x10180] =	vst.msk @!p0 vm1, v18;
	v18 =	vor.u32 @!p0 v19, v17  }
0x267: {  	[tilespmem:s22+$0x10580] =	vst.msk @!p0 vm1, v18  }
0x268: {  	v18 =	vld [tilespmem:s21+$0x820];
	_ =	sdelay $0x4  }
0x269: {  	vm1 =	vge.f32 v18, v16  }
0x26a: {  	v19 =	vmpcnt.ones.xlane vm1;
	_ =	sdelay $0x1  }
0x26b: {  	v19 =	vxor.u32 $0x80000000, v19  }
0x26c: {  	(xrf0) =	vmax.scan.msk.u32 $0xffff, v19;
	_ =	sdelay $0x5  }
0x26d: {  	v19, _, _ =	vpop (xrf0)  }
0x26e: {  	(v2sf) =	vpush v19, $0xF;
	_ =	sdelay $0xe  }
0x26f: {  	s1 =	spop (v2sf)  }
0x270: {  	s23 =	sxor.u32 $0x80000000, s1  }
0x271: {  	s22 =	sadd.s32 s22, s24;
	p0 =	slt.s32 s23, $0x1  }
0x272: {  	p1 =	slt.s32 s22, $0x3F0;
	v19 =	vlaneseq.u32 @!p0  }
0x273: {  	s22 =	simm.s32 @!p1 $0x3F0;
	vm1 =	vge.f32 @!p0 v18, v16;
	v19 =	vor.u32 @!p0 $0x120, v19  }
0x274: {  	[tilespmem:s22+$0x10180] =	vst.msk @!p0 vm1, v18;
	v18 =	vor.u32 @!p0 v19, v17  }
0x275: {  	[tilespmem:s22+$0x10580] =	vst.msk @!p0 vm1, v18  }
0x276: {  	v18 =	vld [tilespmem:s21+$0x830];
	_ =	sdelay $0x4  }
0x277: {  	vm1 =	vge.f32 v18, v16  }
0x278: {  	v19 =	vmpcnt.ones.xlane vm1;
	_ =	sdelay $0x1  }
0x279: {  	v19 =	vxor.u32 $0x80000000, v19  }
0x27a: {  	(xrf0) =	vmax.scan.msk.u32 $0xffff, v19;
	_ =	sdelay $0x5  }
0x27b: {  	v19, _, _ =	vpop (xrf0)  }
0x27c: {  	(v2sf) =	vpush v19, $0xF;
	_ =	sdelay $0xe  }
0x27d: {  	s25 =	spop (v2sf)  }
0x27e: {  	s24 =	sxor.u32 $0x80000000, s25  }
0x27f: {  	s22 =	sadd.s32 s22, s23;
	p0 =	slt.s32 s24, $0x1  }
0x280: {  	p1 =	slt.s32 s22, $0x3F0;
	v19 =	vlaneseq.u32 @!p0  }
0x281: {  	s22 =	simm.s32 @!p1 $0x3F0;
	vm1 =	vge.f32 @!p0 v18, v16;
	v19 =	vor.u32 @!p0 $0x130, v19  }
0x282: {  	[tilespmem:s22+$0x10180] =	vst.msk @!p0 vm1, v18;
	v18 =	vor.u32 @!p0 v19, v17  }
0x283: {  	[tilespmem:s22+$0x10580] =	vst.msk @!p0 vm1, v18  }
0x284: {  	v18 =	vld [tilespmem:s21+$0x840];
	_ =	sdelay $0x4  }
0x285: {  	vm1 =	vge.f32 v18, v16  }
0x286: {  	v19 =	vmpcnt.ones.xlane vm1;
	_ =	sdelay $0x1  }
0x287: {  	v19 =	vxor.u32 $0x80000000, v19  }
0x288: {  	(xrf0) =	vmax.scan.msk.u32 $0xffff, v19;
	_ =	sdelay $0x5  }
0x289: {  	v19, _, _ =	vpop (xrf0)  }
0x28a: {  	(v2sf) =	vpush v19, $0xF;
	_ =	sdelay $0xe  }
0x28b: {  	s1 =	spop (v2sf)  }
0x28c: {  	s23 =	sxor.u32 $0x80000000, s1  }
0x28d: {  	s22 =	sadd.s32 s22, s24;
	p0 =	slt.s32 s23, $0x1  }
0x28e: {  	p1 =	slt.s32 s22, $0x3F0;
	v19 =	vlaneseq.u32 @!p0  }
0x28f: {  	s22 =	simm.s32 @!p1 $0x3F0;
	vm1 =	vge.f32 @!p0 v18, v16;
	v19 =	vor.u32 @!p0 $0x140, v19  }
0x290: {  	[tilespmem:s22+$0x10180] =	vst.msk @!p0 vm1, v18;
	v18 =	vor.u32 @!p0 v19, v17  }
0x291: {  	[tilespmem:s22+$0x10580] =	vst.msk @!p0 vm1, v18  }
0x292: {  	v18 =	vld [tilespmem:s21+$0x850];
	_ =	sdelay $0x4  }
0x293: {  	vm1 =	vge.f32 v18, v16  }
0x294: {  	v19 =	vmpcnt.ones.xlane vm1;
	_ =	sdelay $0x1  }
0x295: {  	v19 =	vxor.u32 $0x80000000, v19  }
0x296: {  	(xrf0) =	vmax.scan.msk.u32 $0xffff, v19;
	_ =	sdelay $0x5  }
0x297: {  	v19, _, _ =	vpop (xrf0)  }
0x298: {  	(v2sf) =	vpush v19, $0xF;
	_ =	sdelay $0xe  }
0x299: {  	s25 =	spop (v2sf)  }
0x29a: {  	s24 =	sxor.u32 $0x80000000, s25  }
0x29b: {  	s22 =	sadd.s32 s22, s23;
	p0 =	slt.s32 s24, $0x1  }
0x29c: {  	p1 =	slt.s32 s22, $0x3F0;
	v19 =	vlaneseq.u32 @!p0  }
0x29d: {  	s22 =	simm.s32 @!p1 $0x3F0;
	vm1 =	vge.f32 @!p0 v18, v16;
	v19 =	vor.u32 @!p0 $0x150, v19  }
0x29e: {  	[tilespmem:s22+$0x10180] =	vst.msk @!p0 vm1, v18;
	v18 =	vor.u32 @!p0 v19, v17  }
0x29f: {  	[tilespmem:s22+$0x10580] =	vst.msk @!p0 vm1, v18  }
0x2a0: {  	v18 =	vld [tilespmem:s21+$0x860];
	_ =	sdelay $0x4  }
0x2a1: {  	vm1 =	vge.f32 v18, v16  }
0x2a2: {  	v19 =	vmpcnt.ones.xlane vm1;
	_ =	sdelay $0x1  }
0x2a3: {  	v19 =	vxor.u32 $0x80000000, v19  }
0x2a4: {  	(xrf0) =	vmax.scan.msk.u32 $0xffff, v19;
	_ =	sdelay $0x5  }
0x2a5: {  	v19, _, _ =	vpop (xrf0)  }
0x2a6: {  	(v2sf) =	vpush v19, $0xF;
	_ =	sdelay $0xe  }
0x2a7: {  	s1 =	spop (v2sf)  }
0x2a8: {  	s23 =	sxor.u32 $0x80000000, s1  }
0x2a9: {  	s22 =	sadd.s32 s22, s24;
	p0 =	slt.s32 s23, $0x1  }
0x2aa: {  	p1 =	slt.s32 s22, $0x3F0;
	v19 =	vlaneseq.u32 @!p0  }
0x2ab: {  	s22 =	simm.s32 @!p1 $0x3F0;
	vm1 =	vge.f32 @!p0 v18, v16;
	v19 =	vor.u32 @!p0 $0x160, v19  }
0x2ac: {  	[tilespmem:s22+$0x10180] =	vst.msk @!p0 vm1, v18;
	v18 =	vor.u32 @!p0 v19, v17  }
0x2ad: {  	[tilespmem:s22+$0x10580] =	vst.msk @!p0 vm1, v18  }
0x2ae: {  	v18 =	vld [tilespmem:s21+$0x870];
	_ =	sdelay $0x4  }
0x2af: {  	vm1 =	vge.f32 v18, v16  }
0x2b0: {  	v19 =	vmpcnt.ones.xlane vm1;
	_ =	sdelay $0x1  }
0x2b1: {  	v19 =	vxor.u32 $0x80000000, v19  }
0x2b2: {  	(xrf0) =	vmax.scan.msk.u32 $0xffff, v19;
	_ =	sdelay $0x5  }
0x2b3: {  	v19, _, _ =	vpop (xrf0)  }
0x2b4: {  	(v2sf) =	vpush v19, $0xF;
	_ =	sdelay $0xe  }
0x2b5: {  	s25 =	spop (v2sf)  }
0x2b6: {  	s24 =	sxor.u32 $0x80000000, s25  }
0x2b7: {  	s22 =	sadd.s32 s22, s23;
	p0 =	slt.s32 s24, $0x1  }
0x2b8: {  	p1 =	slt.s32 s22, $0x3F0;
	v19 =	vlaneseq.u32 @!p0  }
0x2b9: {  	s22 =	simm.s32 @!p1 $0x3F0;
	vm1 =	vge.f32 @!p0 v18, v16;
	v19 =	vor.u32 @!p0 $0x170, v19  }
0x2ba: {  	[tilespmem:s22+$0x10180] =	vst.msk @!p0 vm1, v18;
	v18 =	vor.u32 @!p0 v19, v17  }
0x2bb: {  	[tilespmem:s22+$0x10580] =	vst.msk @!p0 vm1, v18  }
0x2bc: {  	v18 =	vld [tilespmem:s21+$0xC00];
	_ =	sdelay $0x4  }
0x2bd: {  	vm1 =	vge.f32 v18, v16  }
0x2be: {  	v19 =	vmpcnt.ones.xlane vm1;
	_ =	sdelay $0x1  }
0x2bf: {  	v19 =	vxor.u32 $0x80000000, v19  }
0x2c0: {  	(xrf0) =	vmax.scan.msk.u32 $0xffff, v19;
	_ =	sdelay $0x5  }
0x2c1: {  	v19, _, _ =	vpop (xrf0)  }
0x2c2: {  	(v2sf) =	vpush v19, $0xF;
	_ =	sdelay $0xe  }
0x2c3: {  	s1 =	spop (v2sf)  }
0x2c4: {  	s23 =	sxor.u32 $0x80000000, s1  }
0x2c5: {  	s22 =	sadd.s32 s22, s24;
	p0 =	slt.s32 s23, $0x1  }
0x2c6: {  	p1 =	slt.s32 s22, $0x3F0;
	v19 =	vlaneseq.u32 @!p0  }
0x2c7: {  	s22 =	simm.s32 @!p1 $0x3F0;
	vm1 =	vge.f32 @!p0 v18, v16;
	v19 =	vor.u32 @!p0 $0x180, v19  }
0x2c8: {  	[tilespmem:s22+$0x10180] =	vst.msk @!p0 vm1, v18;
	v18 =	vor.u32 @!p0 v19, v17  }
0x2c9: {  	[tilespmem:s22+$0x10580] =	vst.msk @!p0 vm1, v18  }
0x2ca: {  	v18 =	vld [tilespmem:s21+$0xC10];
	_ =	sdelay $0x4  }
0x2cb: {  	vm1 =	vge.f32 v18, v16  }
0x2cc: {  	v19 =	vmpcnt.ones.xlane vm1;
	_ =	sdelay $0x1  }
0x2cd: {  	v19 =	vxor.u32 $0x80000000, v19  }
0x2ce: {  	(xrf0) =	vmax.scan.msk.u32 $0xffff, v19;
	_ =	sdelay $0x5  }
0x2cf: {  	v19, _, _ =	vpop (xrf0)  }
0x2d0: {  	(v2sf) =	vpush v19, $0xF;
	_ =	sdelay $0xe  }
0x2d1: {  	s25 =	spop (v2sf)  }
0x2d2: {  	s24 =	sxor.u32 $0x80000000, s25  }
0x2d3: {  	s22 =	sadd.s32 s22, s23;
	p0 =	slt.s32 s24, $0x1  }
0x2d4: {  	p1 =	slt.s32 s22, $0x3F0;
	v19 =	vlaneseq.u32 @!p0  }
0x2d5: {  	s22 =	simm.s32 @!p1 $0x3F0;
	vm1 =	vge.f32 @!p0 v18, v16;
	v19 =	vor.u32 @!p0 $0x190, v19  }
0x2d6: {  	[tilespmem:s22+$0x10180] =	vst.msk @!p0 vm1, v18;
	v18 =	vor.u32 @!p0 v19, v17  }
0x2d7: {  	[tilespmem:s22+$0x10580] =	vst.msk @!p0 vm1, v18  }
0x2d8: {  	v18 =	vld [tilespmem:s21+$0xC20];
	_ =	sdelay $0x4  }
0x2d9: {  	vm1 =	vge.f32 v18, v16  }
0x2da: {  	v19 =	vmpcnt.ones.xlane vm1;
	_ =	sdelay $0x1  }
0x2db: {  	v19 =	vxor.u32 $0x80000000, v19  }
0x2dc: {  	(xrf0) =	vmax.scan.msk.u32 $0xffff, v19;
	_ =	sdelay $0x5  }
0x2dd: {  	v19, _, _ =	vpop (xrf0)  }
0x2de: {  	(v2sf) =	vpush v19, $0xF;
	_ =	sdelay $0xe  }
0x2df: {  	s1 =	spop (v2sf)  }
0x2e0: {  	s23 =	sxor.u32 $0x80000000, s1  }
0x2e1: {  	s22 =	sadd.s32 s22, s24;
	p0 =	slt.s32 s23, $0x1  }
0x2e2: {  	p1 =	slt.s32 s22, $0x3F0;
	v19 =	vlaneseq.u32 @!p0  }
0x2e3: {  	s22 =	simm.s32 @!p1 $0x3F0;
	vm1 =	vge.f32 @!p0 v18, v16;
	v19 =	vor.u32 @!p0 $0x1A0, v19  }
0x2e4: {  	[tilespmem:s22+$0x10180] =	vst.msk @!p0 vm1, v18;
	v18 =	vor.u32 @!p0 v19, v17  }
0x2e5: {  	[tilespmem:s22+$0x10580] =	vst.msk @!p0 vm1, v18  }
0x2e6: {  	v18 =	vld [tilespmem:s21+$0xC30];
	_ =	sdelay $0x4  }
0x2e7: {  	vm1 =	vge.f32 v18, v16  }
0x2e8: {  	v19 =	vmpcnt.ones.xlane vm1;
	_ =	sdelay $0x1  }
0x2e9: {  	v19 =	vxor.u32 $0x80000000, v19  }
0x2ea: {  	(xrf0) =	vmax.scan.msk.u32 $0xffff, v19;
	_ =	sdelay $0x5  }
0x2eb: {  	v19, _, _ =	vpop (xrf0)  }
0x2ec: {  	(v2sf) =	vpush v19, $0xF;
	_ =	sdelay $0xe  }
0x2ed: {  	s25 =	spop (v2sf)  }
0x2ee: {  	s24 =	sxor.u32 $0x80000000, s25  }
0x2ef: {  	s22 =	sadd.s32 s22, s23;
	p0 =	slt.s32 s24, $0x1  }
0x2f0: {  	p1 =	slt.s32 s22, $0x3F0;
	v19 =	vlaneseq.u32 @!p0  }
0x2f1: {  	s22 =	simm.s32 @!p1 $0x3F0;
	vm1 =	vge.f32 @!p0 v18, v16;
	v19 =	vor.u32 @!p0 $0x1B0, v19  }
0x2f2: {  	[tilespmem:s22+$0x10180] =	vst.msk @!p0 vm1, v18;
	v18 =	vor.u32 @!p0 v19, v17  }
0x2f3: {  	[tilespmem:s22+$0x10580] =	vst.msk @!p0 vm1, v18  }
0x2f4: {  	v18 =	vld [tilespmem:s21+$0xC40];
	_ =	sdelay $0x4  }
0x2f5: {  	vm1 =	vge.f32 v18, v16  }
0x2f6: {  	v19 =	vmpcnt.ones.xlane vm1;
	_ =	sdelay $0x1  }
0x2f7: {  	v19 =	vxor.u32 $0x80000000, v19  }
0x2f8: {  	(xrf0) =	vmax.scan.msk.u32 $0xffff, v19;
	_ =	sdelay $0x5  }
0x2f9: {  	v19, _, _ =	vpop (xrf0)  }
0x2fa: {  	(v2sf) =	vpush v19, $0xF;
	_ =	sdelay $0xe  }
0x2fb: {  	s1 =	spop (v2sf)  }
0x2fc: {  	s23 =	sxor.u32 $0x80000000, s1  }
0x2fd: {  	s22 =	sadd.s32 s22, s24;
	p0 =	slt.s32 s23, $0x1  }
0x2fe: {  	p1 =	slt.s32 s22, $0x3F0;
	v19 =	vlaneseq.u32 @!p0  }
0x2ff: {  	s22 =	simm.s32 @!p1 $0x3F0;
	vm1 =	vge.f32 @!p0 v18, v16;
	v19 =	vor.u32 @!p0 $0x1C0, v19  }
0x300: {  	[tilespmem:s22+$0x10180] =	vst.msk @!p0 vm1, v18;
	v18 =	vor.u32 @!p0 v19, v17  }
0x301: {  	[tilespmem:s22+$0x10580] =	vst.msk @!p0 vm1, v18  }
0x302: {  	v18 =	vld [tilespmem:s21+$0xC50];
	_ =	sdelay $0x4  }
0x303: {  	vm1 =	vge.f32 v18, v16  }
0x304: {  	v19 =	vmpcnt.ones.xlane vm1;
	_ =	sdelay $0x1  }
0x305: {  	v19 =	vxor.u32 $0x80000000, v19  }
0x306: {  	(xrf0) =	vmax.scan.msk.u32 $0xffff, v19;
	_ =	sdelay $0x5  }
0x307: {  	v19, _, _ =	vpop (xrf0)  }
0x308: {  	(v2sf) =	vpush v19, $0xF;
	_ =	sdelay $0xe  }
0x309: {  	s25 =	spop (v2sf)  }
0x30a: {  	s24 =	sxor.u32 $0x80000000, s25  }
0x30b: {  	s22 =	sadd.s32 s22, s23;
	p0 =	slt.s32 s24, $0x1  }
0x30c: {  	p1 =	slt.s32 s22, $0x3F0;
	v19 =	vlaneseq.u32 @!p0  }
0x30d: {  	s22 =	simm.s32 @!p1 $0x3F0;
	vm1 =	vge.f32 @!p0 v18, v16;
	v19 =	vor.u32 @!p0 $0x1D0, v19  }
0x30e: {  	[tilespmem:s22+$0x10180] =	vst.msk @!p0 vm1, v18;
	v18 =	vor.u32 @!p0 v19, v17  }
0x30f: {  	[tilespmem:s22+$0x10580] =	vst.msk @!p0 vm1, v18  }
0x310: {  	v18 =	vld [tilespmem:s21+$0xC60];
	_ =	sdelay $0x4  }
0x311: {  	vm1 =	vge.f32 v18, v16  }
0x312: {  	v19 =	vmpcnt.ones.xlane vm1;
	_ =	sdelay $0x1  }
0x313: {  	v19 =	vxor.u32 $0x80000000, v19  }
0x314: {  	(xrf0) =	vmax.scan.msk.u32 $0xffff, v19;
	_ =	sdelay $0x5  }
0x315: {  	v19, _, _ =	vpop (xrf0)  }
0x316: {  	(v2sf) =	vpush v19, $0xF;
	_ =	sdelay $0xe  }
0x317: {  	s1 =	spop (v2sf)  }
0x318: {  	s23 =	sxor.u32 $0x80000000, s1  }
0x319: {  	s22 =	sadd.s32 s22, s24;
	p0 =	slt.s32 s23, $0x1  }
0x31a: {  	p1 =	slt.s32 s22, $0x3F0;
	v19 =	vlaneseq.u32 @!p0  }
0x31b: {  	s22 =	simm.s32 @!p1 $0x3F0;
	vm1 =	vge.f32 @!p0 v18, v16;
	v19 =	vor.u32 @!p0 $0x1E0, v19  }
0x31c: {  	[tilespmem:s22+$0x10180] =	vst.msk @!p0 vm1, v18;
	v18 =	vor.u32 @!p0 v19, v17  }
0x31d: {  	[tilespmem:s22+$0x10580] =	vst.msk @!p0 vm1, v18  }
0x31e: {  	v18 =	vld [tilespmem:s21+$0xC70];
	_ =	sdelay $0x4  }
0x31f: {  	vm1 =	vge.f32 v18, v16  }
0x320: {  	v19 =	vmpcnt.ones.xlane vm1;
	_ =	sdelay $0x1  }
0x321: {  	v19 =	vxor.u32 $0x80000000, v19  }
0x322: {  	(xrf0) =	vmax.scan.msk.u32 $0xffff, v19;
	_ =	sdelay $0x5  }
0x323: {  	v19, _, _ =	vpop (xrf0)  }
0x324: {  	(v2sf) =	vpush v19, $0xF;
	_ =	sdelay $0xe  }
0x325: {  	s20 =	sadd.s32 $0x1, s20;
	s25 =	spop (v2sf)  }
0x326: {  	p2 =	sne.s32 s20, $0x64;
	s23 =	sadd.s32 s22, s23;
	s21 =	sxor.u32 $0x80000000, s25  }
.Ltmp2:
0x327: {  	p0 =	slt.s32 s23, $0x3F0;
	p1 =	slt.s32 s21, $0x1;
	(pc) =	sbr.rel @p2 .LBB2_7-.Ltmp2, $4  }
0x328: {  	s23 =	simm.s32 @!p0 $0x3F0;
	v19 =	vlaneseq.u32 @!p1  }
0x329: {  	s22 =	sadd.s32 s23, s21;
	vm1 =	vge.f32 @!p1 v18, v16;
	v19 =	vor.u32 @!p1 $0x1F0, v19  }
0x32a: {  	p0 =	slt.s32 s22, $0x3F0;
	[tilespmem:s23+$0x10180] =	vst.msk @!p1 vm1, v18;
	v17 =	vor.u32 @!p1 v19, v17  }
0x32b: {  	s19 =	sadd.s32 $0x80, s19;
	s18 =	sadd.s32 $0x200, s18;
	s22 =	simm.s32 @!p0 $0x3F0;
	[tilespmem:s23+$0x10580] =	vst.msk @!p1 vm1, v17  }
0x32c: {  	[tilespmem:$0x10A00] =	vst v14  }
0x32d: {  	[tilespmem:$0x10980] =	vst v0  }
0x32e: {  	[tilespmem:$0x10A10] =	vst v14  }
0x32f: {  	[tilespmem:$0x10990] =	vst v0  }
0x330: {  	[tilespmem:$0x10A20] =	vst v14  }
0x331: {  	[tilespmem:$0x109A0] =	vst v0  }
0x332: {  	[tilespmem:$0x10A30] =	vst v14  }
0x333: {  	[tilespmem:$0x109B0] =	vst v0  }
0x334: {  	[tilespmem:$0x10A40] =	vst v14  }
0x335: {  	[tilespmem:$0x109C0] =	vst v0  }
0x336: {  	[tilespmem:$0x10A50] =	vst v14  }
.Ltmp3:
0x337: {  	[tilespmem:$0x109D0] =	vst v0;
	(pc) =	sbr.rel .LBB2_9-.Ltmp3, $4  }
0x338: {  	[tilespmem:$0x10A60] =	vst v14  }
0x339: {  	[tilespmem:$0x109E0] =	vst v0  }
0x33a: {  	s18 =	sadd.s32 $0xF, s22;
	[tilespmem:$0x10A70] =	vst v14  }
0x33b: {  	[tilespmem:$0x109F0] =	vst v0;
	s19 =	simm.s32 $0x0;
	s18 =	sshra.s32 s18, $0x4  }
.LBB2_10:
0x33c: {  	_ = 	snop  }
0x33d: {  	s21 =	simm.s32 $0x40000000;
	v15 =	vmov v2  }
.LBB2_26:
0x33e: {  	v16 =	vmov s19  }
0x33f: {  	v17 =	vmov s21;
	_ =	sdelay $0x3  }
0x340: {  	[tilespmem:v16+s28+$0x0] =	vst.idx.msk $0x1, v15  }
0x341: {  	v15 =	vld.idx.msk [tilespmem:v17+s29+$0x0], $0xffff;
	_ =	sdelay $0x4  }
0x342: {  	v15 =	vxor.u32 $0x80000000, v15  }
0x343: {  	(xrf0) =	vmax.scan.msk.u32 $0xffff, v15;
	_ =	sdelay $0x5  }
0x344: {  	v15, _, _ =	vpop (xrf0)  }
0x345: {  	(v2sf) =	vpush v15, $0xF;
	_ =	sdelay $0xc  }
0x346: {  	s19 =	sadd.s32 $0x1, s19  }
0x347: {  	p0 =	sne.s32 s19, $0x64  }
.Ltmp4:
0x348: {  	s1 =	spop (v2sf);
	(pc) =	sbr.rel @!p0 .LBB2_27-.Ltmp4, $4  }
0x349: {  	s1 =	sxor.u32 $0x80000000, s1  }
0x34a: {  	v15 =	vmov s1  }
0x34b: {  	[tilespmem:v16+s30+$0x0] =	vst.idx.msk $0x1, v15  }
0x34c: {  	[tilespmem:v17+s31+$0x0] =	vst.idx.msk $0x1, v0  }
.LBB2_9:
0x34d: {  	p0 =	slt.s32 s18, $0x1  }
.Ltmp5:
0x34e: {  	_ = 	snop;
	(pc) =	sbr.rel @p0 .LBB2_10-.Ltmp5, $1  }
0x34f: {  	_ =	sdelay $0x3  }
0x350: {  	p4 =	sne.s32 s18, $0x1  }
.Ltmp6:
0x351: {  	_ = 	snop;
	(pc) =	sbr.rel @!p4 .LBB2_13-.Ltmp6, $3  }
0x352: {  	_ =	sdelay $0x1  }
0x353: {  	s20 =	simm.s32 $0x10180  }
0x354: {  	v15 =	vimm.f32 $-1.000000020e+30;
	s21 =	sadd.s32 $0xFFFFFFFF, s18;
	s22 =	simm.s32 $0x10180;
	v16 =	vld [tilespmem:s20+$0x0]  }
.LBB2_12:
0x355: {  	p0 =	sne.s32 s21, $0x1  }
.Ltmp7:
0x356: {  	_ = 	snop;
	(pc) =	sbr.rel @p0 .LBB2_12-.Ltmp7, $3  }
0x357: {  	_ =	sdelay $0x1  }
0x358: {  	s21 =	sadd.s32 $0xFFFFFFFF, s21;
	s22 =	sadd.s32 $0x10, s22;
	v15 =	vmax.f32 v15, v16  }
0x359: {  	v16 =	vld [tilespmem:s22+$0x0]  }
.LBB2_13:
0x35a: {  	_ =	sdelay $0x3  }
0x35b: {  	v15 =	vmax.f32 v15, v16  }
0x35c: {  	(xrf0) =	vmax.scan.msk.f32 $0xffff, v15;
	_ =	sdelay $0x3  }
0x35d: {  	v16 =	vld [tilespmem:s20+$0x0]  }
.Ltmp8:
0x35e: {  	_ = 	snop;
	(pc) =	sbr.rel @!p4 .LBB2_14-.Ltmp8, $4  }
0x35f: {  	v15, _, _ =	vpop (xrf0)  }
0x360: {  	s23 =	simm.s32 $0x0;
	s21 =	sadd.s32 $0xFFFFFFFF, s18;
	v15 =	vbroadcast v15, $0xF  }
0x361: {  	s22 =	simm.s32 $0x10190;
	p0 =	por $0x0, $0x0;
	p1 =	por $0x0, $0x0  }
0x362: {  	p2 =	por $0x0, $0x0;
	p3 =	por $0x0, $0x0;
	s20 =	simm.s32 $0x40000000;
	vm1 =	veq.f32 v16, v15;
	v16 =	vxor.u32 s23, v10  }
0x363: {  	v17 =	vld [tilespmem:s22+$0x0];
	p4 =	sne.s32 s21, $0x1  }
.Ltmp9:
0x364: {  	_ = 	snop;
	(pc) =	sbr.rel @!p4 .LBB2_16-.Ltmp9, $3  }
0x365: {  	_ =	sdelay $0x1  }
0x366: {  	v16 =	vnsel vm1, $0xC0000000, v16;
	s25 =	simm.s32 $0x10  }
0x367: {  	s21 =	sadd.s32 $0xFFFFFFFF, s21;
	s22 =	simm.s32 $0x101A0;
	p0 =	por $0x1, $0x1;
	(xrf0) =	vmin.scan.msk.u32 $0xffff, v16;
	v16 =	vxor.u32 s25, v10;
	vm1 =	veq.f32 v17, v15  }
0x368: {  	_ = 	snop  }
0x369: {  	v17 =	vld [tilespmem:s22+$0x0];
	p4 =	sne.s32 s21, $0x1  }
.Ltmp10:
0x36a: {  	_ = 	snop;
	(pc) =	sbr.rel @!p4 .LBB2_18-.Ltmp10, $3  }
0x36b: {  	_ =	sdelay $0x1  }
0x36c: {  	v16 =	vnsel vm1, $0xC0000000, v16;
	s25 =	simm.s32 $0x20;
	v18, _, _ =	vpop (xrf0)  }
0x36d: {  	s21 =	sadd.s32 $0xFFFFFFFF, s21;
	s22 =	simm.s32 $0x101B0;
	p1 =	por $0x1, $0x1;
	(xrf0) =	vmin.scan.msk.u32 $0xffff, v16;
	vm1 =	veq.f32 v17, v15;
	v16 =	vxor.u32 s25, v10;
	(v2sf) =	vpush v18, $0xF  }
0x36e: {  	_ =	sdelay $0x4  }
0x36f: {  	v18, _, _ =	vpop (xrf0)  }
0x370: {  	(v2sf) =	vpush v18, $0xF;
	_ =	sdelay $0x2  }
0x371: {  	v17 =	vld [tilespmem:s22+$0x0];
	p4 =	sne.s32 s21, $0x1  }
.Ltmp11:
0x372: {  	_ = 	snop;
	(pc) =	sbr.rel @!p4 .LBB2_20-.Ltmp11, $3  }
0x373: {  	_ =	sdelay $0x1  }
0x374: {  	v16 =	vnsel vm1, $0xC0000000, v16;
	s25 =	simm.s32 $0x30  }
0x375: {  	s21 =	sadd.s32 $0xFFFFFFFF, s21;
	s22 =	simm.s32 $0x101C0;
	p2 =	por $0x1, $0x1;
	(xrf0) =	vmin.scan.msk.u32 $0xffff, v16;
	vm1 =	veq.f32 v17, v15;
	v16 =	vxor.u32 s25, v10  }
0x376: {  	_ =	sdelay $0x4  }
0x377: {  	v18, _, _ =	vpop (xrf0)  }
0x378: {  	(v2sf) =	vpush v18, $0xF;
	_ =	sdelay $0x2  }
0x379: {  	v17 =	vld [tilespmem:s22+$0x0];
	p4 =	sne.s32 s21, $0x1  }
.Ltmp12:
0x37a: {  	v16 =	vnsel vm1, $0xC0000000, v16;
	(pc) =	sbr.rel @!p4 .LBB2_22-.Ltmp12, $3  }
0x37b: {  	(xrf0) =	vmin.scan.msk.u32 $0xffff, v16;
	_ =	sdelay $0x1  }
0x37c: {  	s23 =	sadd.s32 $0xFFFFFFFF, s21;
	s24 =	simm.s32 $0x40;
	s25 =	simm.s32 $0x101D0  }
0x37d: {  	s22 =	spop (v2sf);
	p3 =	por $0x1, $0x1;
	s21 =	simm.s32 $0x40000000;
	vm1 =	veq.f32 v17, v15;
	v16 =	vxor.u32 s24, v10  }
.LBB2_23:
0x37e: {  	s1 =	smov.u32 s21  }
0x37f: {  	p4 =	sne.s32 s23, $0x1;
	s23 =	sadd.s32 $0xFFFFFFFF, s23;
	v18 =	vnsel vm1, $0xC0000000, v16;
	s21 =	sxor.u32 $0x80000000, s22;
	v17 =	vld [tilespmem:s25+$0x0]  }
.Ltmp13:
0x380: {  	p5 =	slt.s32 s1, s21;
	(xrf0) =	vmin.scan.msk.u32 $0xffff, v18;
	v16, _, _ =	vpop (xrf0);
	(pc) =	sbr.rel @p4 .LBB2_23-.Ltmp13, $3  }
0x381: {  	s21 =	smov.u32 @p5 s1;
	(v2sf) =	vpush v16, $0xF;
	_ =	sdelay $0x1  }
0x382: {  	s24 =	sadd.s32 $0x10, s24  }
0x383: {  	s25 =	sadd.s32 $0x10, s25;
	v16 =	vxor.u32 s24, v10;
	vm1 =	veq.f32 v17, v15;
	s22 =	spop (v2sf)  }
0x384: {  	_ = 	snop  }
.LBB2_25:
0x385: {  	v16 =	vnsel vm1, $0xC0000000, v16;
	_ =	sdelay $0x1  }
0x386: {  	(xrf0) =	vmin.scan.msk.u32 $0xffff, v16  }
0x387: {  	v16, _, _ =	vpop @p0 (xrf0)  }
0x388: {  	(v2sf) =	vpush @p0 v16, $0xF;
	_ =	sdelay $0x3  }
0x389: {  	v16, _, _ =	vpop (xrf0)  }
0x38a: {  	s1 =	sxor.u32 @p3 $0x80000000, s22;
	(v2sf) =	vpush v16, $0xF  }
0x38b: {  	p4 =	slt.s32 @p3 s21, s1  }
0x38c: {  	s22 =	spop @p2 (v2sf);
	p4 =	por !p4, !p3  }
0x38d: {  	s21 =	smov.u32 @p4 s1;
	s1 =	smov.u32 @p2 s22;
	s22 =	simm.s32 $0x40000000  }
0x38e: {  	s22 =	smov.u32 @p3 s21;
	s1 =	sxor.u32 @p2 $0x80000000, s1  }
0x38f: {  	p3 =	slt.s32 @p2 s22, s1  }
0x390: {  	p3 =	por !p3, !p2;
	s21 =	spop @p1 (v2sf)  }
0x391: {  	s22 =	smov.u32 @p3 s1;
	s1 =	smov.u32 @p1 s21;
	s21 =	simm.s32 $0x40000000  }
0x392: {  	s21 =	smov.u32 @p2 s22;
	s1 =	sxor.u32 @p1 $0x80000000, s1  }
0x393: {  	p2 =	slt.s32 @p1 s21, s1  }
0x394: {  	p2 =	por !p2, !p1;
	s22 =	spop @p0 (v2sf)  }
0x395: {  	s21 =	smov.u32 @p2 s1;
	s1 =	smov.u32 @p0 s22;
	s22 =	simm.s32 $0x40000000  }
0x396: {  	s22 =	smov.u32 @p1 s21;
	s1 =	sxor.u32 @p0 $0x80000000, s1  }
0x397: {  	p1 =	slt.s32 @p0 s22, s1  }
.Ltmp14:
0x398: {  	p1 =	por !p1, !p0;
	(pc) =	sbr.rel .LBB2_26-.Ltmp14, $4  }
0x399: {  	s25 =	spop (v2sf);
	s22 =	smov.u32 @p1 s1  }
0x39a: {  	s21 =	sxor.u32 $0x80000000, s25;
	s20 =	smov.u32 @p0 s22  }
0x39b: {  	p0 =	slt.s32 s20, s21  }
0x39c: {  	s21 =	smov.u32 @p0 s20  }
.LBB2_14:
.Ltmp15:
0x39d: {  	(pc) =	sbr.rel .LBB2_25-.Ltmp15, $2  }
0x39e: {  	_ =	sdelay $0x2  }
0x39f: {  	s21 =	simm.s32 $0x40000000  }
.LBB2_16:
.Ltmp16:
0x3a0: {  	(pc) =	sbr.rel .LBB2_25-.Ltmp16, $2  }
0x3a1: {  	_ =	sdelay $0x2  }
0x3a2: {  	s21 =	simm.s32 $0x40000000  }
.LBB2_18:
.Ltmp17:
0x3a3: {  	(pc) =	sbr.rel .LBB2_25-.Ltmp17, $2  }
0x3a4: {  	_ =	sdelay $0x2  }
0x3a5: {  	s21 =	simm.s32 $0x40000000  }
.LBB2_20:
.Ltmp18:
0x3a6: {  	(pc) =	sbr.rel .LBB2_25-.Ltmp18, $2  }
0x3a7: {  	_ =	sdelay $0x2  }
0x3a8: {  	s21 =	simm.s32 $0x40000000  }
.LBB2_22:
.Ltmp19:
0x3a9: {  	(pc) =	sbr.rel .LBB2_25-.Ltmp19, $2  }
0x3aa: {  	_ =	sdelay $0x2  }
0x3ab: {  	s21 =	simm.s32 $0x40000000  }
.LBB2_27:
0x3ac: {  	v15 =	vld [tilespmem:$0x10A00]  }
0x3ad: {  	v16 =	vld [tilespmem:$0x10A10]  }
0x3ae: {  	v17 =	vld [tilespmem:$0x10A20]  }
0x3af: {  	s1 =	smul.u32 $0x18800, s17;
	v18 =	vld [tilespmem:$0x10A30]  }
0x3b0: {  	v19 =	vld [tilespmem:$0x10A40]  }
0x3b1: {  	v20 =	vld [tilespmem:$0x10A50];
	v15 =	vadd.s32 s1, v15  }
0x3b2: {  	[tilespmem:$0x10A80] =	vst v15;
	v15 =	vadd.s32 s1, v16;
	v16 =	vld [tilespmem:$0x10A60]  }
0x3b3: {  	[tilespmem:$0x10A90] =	vst v15;
	v15 =	vadd.s32 s1, v17;
	v17 =	vld [tilespmem:$0x10A70]  }
0x3b4: {  	[tilespmem:$0x10AA0] =	vst v15;
	v15 =	vadd.s32 s1, v18  }
0x3b5: {  	[tilespmem:$0x10AB0] =	vst v15;
	v15 =	vadd.s32 s1, v19  }
0x3b6: {  	[tilespmem:$0x10AC0] =	vst v15;
	v15 =	vadd.s32 s1, v20  }
0x3b7: {  	[tilespmem:$0x10AD0] =	vst v15;
	v15 =	vadd.s32 s1, v16  }
0x3b8: {  	[tilespmem:$0x10AE0] =	vst v15;
	v15 =	vadd.s32 s1, v17  }
0x3b9: {  	s22 =	simm.s32 $0x10A80;
	[tilespmem:$0x10AF0] =	vst v15  }
0x3ba: {  	[tilespmem:s13], [sflag:$0x1] =	stream.indirect.gather [hbm4b:s5+s0], $0x1, s22, s0, $0xb8;
	[tilespmem:$0x17380] =	vst v63  }
0x3bb: {  	_ =	swait.ge [sflag:s26], $0x80  }
0x3bc: {  	[sflag:s26] =	ssyncset.done $0x0  }
0x3bd: {  	[sflag:s26] =	ssyncadd.s32 $0xFFFFFF80  }
0x3be: {  	v15 =	vld [tilespmem:$0x10980]  }
0x3bf: {  	v16 =	vld [tilespmem:$0x10B00];
	_ =	sdelay $0x4  }
0x3c0: {  	s23 =	sshll.u32 s16, $0x7;
	v15 =	vsub.f32 v15, v16  }
0x3c1: {  	s1 =	sand.u32 $0x3FFFFF80, s23  }
0x3c2: {  	[tilespmem:s1+$0x15380] =	vst v15  }
0x3c3: {  	v15 =	vld [tilespmem:$0x10990]  }
0x3c4: {  	v16 =	vld [tilespmem:$0x10B10];
	_ =	sdelay $0x4  }
0x3c5: {  	v15 =	vsub.f32 v15, v16;
	_ =	sdelay $0x1  }
0x3c6: {  	[tilespmem:s1+$0x15390] =	vst v15  }
0x3c7: {  	v15 =	vld [tilespmem:$0x109A0]  }
0x3c8: {  	v16 =	vld [tilespmem:$0x10B20];
	_ =	sdelay $0x4  }
0x3c9: {  	v15 =	vsub.f32 v15, v16;
	_ =	sdelay $0x1  }
0x3ca: {  	[tilespmem:s1+$0x153A0] =	vst v15  }
0x3cb: {  	v15 =	vld [tilespmem:$0x109B0]  }
0x3cc: {  	v16 =	vld [tilespmem:$0x10B30];
	_ =	sdelay $0x4  }
0x3cd: {  	v15 =	vsub.f32 v15, v16;
	_ =	sdelay $0x1  }
0x3ce: {  	[tilespmem:s1+$0x153B0] =	vst v15  }
0x3cf: {  	v15 =	vld [tilespmem:$0x109C0]  }
0x3d0: {  	v16 =	vld [tilespmem:$0x10B40];
	_ =	sdelay $0x4  }
0x3d1: {  	v15 =	vsub.f32 v15, v16;
	_ =	sdelay $0x1  }
0x3d2: {  	[tilespmem:s1+$0x153C0] =	vst v15  }
0x3d3: {  	v15 =	vld [tilespmem:$0x109D0]  }
0x3d4: {  	v16 =	vld [tilespmem:$0x10B50];
	_ =	sdelay $0x4  }
0x3d5: {  	v15 =	vsub.f32 v15, v16;
	_ =	sdelay $0x1  }
0x3d6: {  	[tilespmem:s1+$0x153D0] =	vst v15  }
0x3d7: {  	v15 =	vld [tilespmem:$0x109E0]  }
0x3d8: {  	v16 =	vld [tilespmem:$0x10B60];
	_ =	sdelay $0x4  }
0x3d9: {  	v15 =	vsub.f32 v15, v16;
	_ =	sdelay $0x1  }
0x3da: {  	[tilespmem:s1+$0x153E0] =	vst v15  }
0x3db: {  	v15 =	vld [tilespmem:$0x109F0]  }
0x3dc: {  	v16 =	vld [tilespmem:$0x10B70];
	_ =	sdelay $0x4  }
0x3dd: {  	v15 =	vsub.f32 v15, v16;
	_ =	sdelay $0x1  }
0x3de: {  	[tilespmem:s1+$0x153F0] =	vst v15  }
0x3df: {  	[tilespmem:s8], [sflag:$0x2] =	stream.indirect.gather [hbm4b:s6+s0], $0x80, s30, s0, $0xb8;
	[tilespmem:$0x17380] =	vst v63  }
0x3e0: {  	_ =	swait.ge [sflag:s10], $0x4000  }
0x3e1: {  	s24 =	sshll.u32 s16, $0x6;
	[sflag:s10] =	ssyncset.done $0x0  }
0x3e2: {  	s1 =	sand.u32 $0x3FFFFFC0, s24;
	[sflag:s10] =	ssyncadd.s32 $0xFFFFC000  }
0x3e3: {  	s17 =	simm.s32 $0x10BA0;
	v15 =	vld [tilespmem:s1+$0x14B80]  }
0x3e4: {  	v19 =	vld [tilespmem:s17+$0xFFFFFFE0]  }
0x3e5: {  	v16 =	vld [tilespmem:s1+$0x14B90]  }
0x3e6: {  	v20 =	vld [tilespmem:s17+$0xFFFFFFF0]  }
0x3e7: {  	v17 =	vld [tilespmem:s1+$0x14BA0]  }
0x3e8: {  	v21 =	vld [tilespmem:s17+$0x0]  }
0x3e9: {  	v18 =	vld [tilespmem:s1+$0x14BB0];
	v19 =	vmul.f32 v19, v15  }
0x3ea: {  	v22 =	vld [tilespmem:s17+$0x10]  }
0x3eb: {  	(xrf2) =	vadd.scan.msk.f32 $0xffff, v19;
	v19 =	vmul.f32 v20, v16;
	_ =	sdelay $0x1  }
0x3ec: {  	v20 =	vmul.f32 v21, v17;
	(xrf2) =	vadd.scan.msk.f32 $0xffff, v19;
	_ =	sdelay $0x1  }
0x3ed: {  	v19 =	vmul.f32 v22, v18;
	(xrf2) =	vadd.scan.msk.f32 $0xffff, v20;
	_ =	sdelay $0x1  }
0x3ee: {  	(xrf2) =	vadd.scan.msk.f32 $0xffff, v19;
	_ =	sdelay $0x3  }
0x3ef: {  	v19, _, _ =	vpop (xrf2)  }
0x3f0: {  	(v2sf) =	vpush v19, $0xF  }
0x3f1: {  	v19, _, _ =	vpop (xrf2)  }
0x3f2: {  	(v2sf) =	vpush v19, $0xF  }
0x3f3: {  	v19, _, _ =	vpop (xrf2)  }
0x3f4: {  	(v2sf) =	vpush v19, $0xF  }
0x3f5: {  	v19, _, _ =	vpop (xrf2)  }
0x3f6: {  	(v2sf) =	vpush v19, $0xF;
	_ =	sdelay $0x8  }
0x3f7: {  	s25 =	spop (v2sf)  }
0x3f8: {  	s1 =	sadd.f32 $0.0e+00, s25  }
0x3f9: {  	s18 =	spop (v2sf)  }
0x3fa: {  	s1 =	sadd.f32 s18, s1  }
0x3fb: {  	s20 =	sadd.s32 $0x0, s12;
	s19 =	spop (v2sf)  }
0x3fc: {  	v19 =	vmov s20;
	s19 =	sadd.f32 s19, s1  }
0x3fd: {  	s18 =	simm.s32 $0x1;
	s20 =	spop (v2sf)  }
.LBB2_28:
0x3fe: {  	p0 =	sne.s32 s18, $0x63;
	s1 =	sadd.f32 s20, s19;
	s17 =	sadd.s32 $0x80, s17  }
0x3ff: {  	s19 =	smov.u32 s18;
	s18 =	sadd.s32 $0x1, s18  }
0x400: {  	v20 =	vmov s1  }
0x401: {  	[tilespmem:v19+s11+$0x0] =	vst.idx.msk $0x1, v20  }
0x402: {  	v19 =	vld [tilespmem:s17+$0xFFFFFFE0];
	_ =	sdelay $0x1  }
0x403: {  	v20 =	vld [tilespmem:s17+$0xFFFFFFF0];
	_ =	sdelay $0x1  }
0x404: {  	v21 =	vld [tilespmem:s17+$0x0]  }
0x405: {  	v19 =	vmul.f32 v19, v15;
	_ =	sdelay $0x1  }
0x406: {  	v20 =	vmul.f32 v20, v16;
	(xrf2) =	vadd.scan.msk.f32 $0xffff, v19  }
0x407: {  	v19 =	vld [tilespmem:s17+$0x10]  }
0x408: {  	v21 =	vmul.f32 v21, v17  }
0x409: {  	(xrf2) =	vadd.scan.msk.f32 $0xffff, v20;
	_ =	sdelay $0x2  }
0x40a: {  	v19 =	vmul.f32 v19, v18;
	(xrf2) =	vadd.scan.msk.f32 $0xffff, v21;
	_ =	sdelay $0x2  }
0x40b: {  	(xrf2) =	vadd.scan.msk.f32 $0xffff, v19  }
0x40c: {  	v19, _, _ =	vpop (xrf2)  }
0x40d: {  	(v2sf) =	vpush v19, $0xF;
	_ =	sdelay $0x1  }
0x40e: {  	v19, _, _ =	vpop (xrf2)  }
0x40f: {  	(v2sf) =	vpush v19, $0xF;
	_ =	sdelay $0x1  }
0x410: {  	v19, _, _ =	vpop (xrf2);
	_ =	sdelay $0x1  }
0x411: {  	(v2sf) =	vpush v19, $0xF  }
0x412: {  	v19, _, _ =	vpop (xrf2)  }
0x413: {  	(v2sf) =	vpush v19, $0xF;
	_ =	sdelay $0x5  }
0x414: {  	s1 =	spop (v2sf);
	_ =	sdelay $0x2  }
0x415: {  	s20 =	spop (v2sf)  }
0x416: {  	s1 =	sadd.f32 $0.0e+00, s1  }
.Ltmp20:
0x417: {  	(pc) =	sbr.rel @p0 .LBB2_28-.Ltmp20, $4  }
0x418: {  	s1 =	sadd.f32 s20, s1  }
0x419: {  	s20 =	sadd.s32 s19, s12;
	s19 =	spop (v2sf)  }
0x41a: {  	v19 =	vmov s20;
	s19 =	sadd.f32 s19, s1  }
0x41b: {  	s20 =	spop (v2sf)  }
0x41c: {  	s16 =	sadd.s32 $0x1, s16  }
0x41d: {  	p0 =	sne.s32 s16, $0x20  }
.Ltmp21:
0x41e: {  	_ = 	snop;
	(pc) =	sbr.rel @p0 .LBB2_2-.Ltmp21, $3  }
0x41f: {  	s1 =	sadd.f32 s20, s19;
	_ =	sdelay $0x1  }
0x420: {  	v15 =	vmov s1  }
0x421: {  	s12 =	sadd.s32 $0x80, s12;
	[tilespmem:v19+s11+$0x0] =	vst.idx.msk $0x1, v15  }
0x422: {  	s1 =	rddreg [dreg:$0x3];
	s12 =	simm.s32 $0x15380  }
0x423: {  	[hbm4b:s1+s2] =	stream.linear.scatter [tilespmem:s12], [sflag:$0x3], $0x1000, $0x38;
	[tilespmem:$0x17380] =	vst v63  }
0x424: {  	_ =	swait.ge [sflag:s14], $0x1000  }
0x425: {  	[sflag:s14] =	ssyncset.done $0x0  }
0x426: {  	s23 =	rddreg [dreg:$0x4];
	[sflag:s14] =	ssyncadd.s32 $0xFFFFF000  }
0x427: {  	[hbm4b:s23+s2] =	stream.linear.scatter [tilespmem:s11], [sflag:$0x3], $0x1000, $0x38;
	[tilespmem:$0x17380] =	vst v63  }
0x428: {  	_ =	swait.ge [sflag:s14], $0x1000  }
0x429: {  	s24 =	rddreg [dreg:$0x6]  }
0x42a: {  	s25 =	rddreg [dreg:$0x5];
	s12 =	sadd.s32 $0x1, s24  }
0x42b: {  	p0 =	sne.s32 s12, s25  }
.Ltmp22:
0x42c: {  	_ = 	snop;
	(pc) =	sbr.rel @p0 .LBB2_1-.Ltmp22, $3  }
0x42d: {  	_ =	sdelay $0x1  }
0x42e: {  	[sflag:s14] =	ssyncset.done $0x0  }
0x42f: {  	[sflag:s14] =	ssyncadd.s32 $0xFFFFF000  }
0x430: {  	_ =	sfence.sel $0x180000  }
0x431: {  	[bflag:$0x0] =	sbarrier.arrive $0xFFFF  }
0x432: {  	_ =	strace $0x9000004A  }
0x433: {  	s0 =	stileid.u32;
	[bflag:$0x2] =	sbarrier.arrive $0xFFFF  }
0x434: {  	p0 =	sne.s32 s0, $0x0;
	s0 =	rddreg [dreg:$0x1]  }
0x435: {  	s0 =	sadd.s32 @!p0 $0x100000, s0  }
0x436: {  	[sflag:s0] =	ssyncadd.tile.s32 @!p0 $0x1;
	_ =	shalt  }
.Lfunc_end2:
_tile_overlayer_lowered:
.L_overlay_start_2:
0x437: {  	(tag) =	ssettag $0x2  }
0x438: {  	s0 =	rddreg [dreg:$0x0];
	s2 =	stileid.u32  }
0x439: {  	s1 =	rddreg [dreg:$0x1];
	p0 =	sne.s32 s2, $0x0  }
0x43a: {  	s3 =	rddreg [dreg:$0x2];
	[bflag:$0x3] =	sbarrier.arrive $0xFFFF;
	s2 =	simm.s32 @!p0 $0x1C03  }
0x43b: {  	[timem:s3], [sflag:s2] =	dma.local @!p0 [hbm:s0], s1  }
0x43c: {  	s0 =	simm.s32 @!p0 $0x3  }
0x43d: {  	_ =	swait.ge @!p0 [sflag:s0], s1  }
0x43e: {  	s1 =	ssub.s32 @!p0 $0x0, s1;
	[sflag:s0] =	ssyncset.done @!p0 $0x0  }
0x43f: {  	[sflag:s0] =	ssyncadd.s32 @!p0 s1  }
0x440: {  	[bflag:$0x3] =	sbarrier.arrive $0xFFFF  }
0x441: {  	_ =	shalt  }

</sc_bundles>
